<compile_context>
chip_gen: v7x
topology: tpu7x:2x2x1
jax: 0.10.2.dev20260603
libtpu: 0.0.44.dev20260713+nightly
codegen_flags: <defaults>
</compile_context>

<pallas_src>
import functools

import jax
import jax.numpy as jnp
from jax import lax
from jax.experimental import pallas as pl
from jax.experimental.pallas import tpu as pltpu
from jax.experimental.pallas import tpu_sc as plsc

B = 4096
L = 200
D = 128
NC = 2
NS = 16
NW = NC * NS
BPW = B // NW
CHUNKS = ((0, 104), (104, 96))
CH = CHUNKS[0][1]
NCH = D // 16
NBUF = 4


def _build():
  mesh = plsc.VectorSubcoreMesh(core_axis_name="c", subcore_axis_name="s")

  @functools.partial(
      pl.kernel,
      out_type=jax.ShapeDtypeStruct((B, D), jnp.float32),
      mesh=mesh,
      scratch_types=[
          pltpu.VMEM((BPW * L,), jnp.int32),
          pltpu.VMEM((NBUF, CH, D), jnp.float32),
          pltpu.VMEM((BPW, D), jnp.float32),
      ] + [pltpu.SemaphoreType.DMA] * NBUF,
  )
  def k(table_hbm, idx_hbm, out_hbm, idx_v, rows_v, out_v, *sems):
    wid = lax.axis_index("c") * NS + lax.axis_index("s")
    base = wid * BPW
    pltpu.sync_copy(idx_hbm.at[pl.ds(base * L, BPW * L)], idx_v)

    def zero(buf):
      zv = jnp.zeros((16,), jnp.float32)

      @pl.loop(0, CH)
      def _(r):
        for c in range(NCH):
          rows_v[buf, r, pl.ds(c * 16, 16)] = zv

    def start(bb, buf):
      off = pl.multiple_of(bb * L, 8)
      for g, n in CHUNKS:
        pltpu.async_copy(table_hbm.at[idx_v.at[pl.ds(off + g, n)]],
                         rows_v.at[buf].at[pl.ds(0, n)], sems[buf], add=True)

    def wait(bb, buf):
      off = pl.multiple_of(bb * L, 8)
      for g, n in CHUNKS:
        pltpu.make_async_copy(table_hbm.at[idx_v.at[pl.ds(off + g, n)]],
                              rows_v.at[buf].at[pl.ds(0, n)],
                              sems[buf]).wait()

    for buf in range(NBUF):
      zero(buf)
      start(buf, buf)

    @pl.loop(0, BPW, step=NBUF)
    def _pair(b):
      for ph in range(NBUF):
        bb = b + ph
        wait(bb, ph)
        r1 = rows_v.at[ph]

        def add1(r, accs):
          return tuple(accs[c] + r1[r, pl.ds(c * 16, 16)]
                       for c in range(NCH))

        accs = tuple(r1[0, pl.ds(c * 16, 16)] for c in range(NCH))
        accs = lax.fori_loop(1, CH, add1, accs, unroll=4)
        scale = jnp.float32(1.0 / L)
        for c in range(NCH):
          out_v[bb, pl.ds(c * 16, 16)] = accs[c] * scale

        zero(ph)

        @pl.when(bb + NBUF < BPW)
        def _():
          start(bb + NBUF, ph)

    pltpu.sync_copy(out_v, out_hbm.at[pl.ds(base, BPW)])

  return k


def kernel(sentences, offsets, weight):
  del offsets
  idx_flat = sentences.reshape(-1)
  return _build()(weight, idx_flat)

# --- scband reference (transcript-rebuilt; emitter-appended) ---
"""Pipeline reference for scband-average-embeddings-27960237097323 (READ-ONLY COPY).

The authoritative reference and input builder live on the scoring server;
editing this copy changes nothing except your own understanding.
"""

import jax, jax.numpy as jnp
import numpy as np

VOCAB = 100000
EMB_DIM = 128
BATCH = 4096
SEQ = 200

def setup_inputs(seed: int = 0) -> dict:
    key = jax.random.key(seed)
    k1, k2 = jax.random.split(key)
    sentences = jax.random.randint(k1, (BATCH, SEQ), 0, VOCAB, dtype=jnp.int32)
    offsets = jnp.zeros((BATCH,), dtype=jnp.int32)
    weight = jax.random.normal(k2, (VOCAB, EMB_DIM), dtype=jnp.float32)
    return {"sentences": sentences, "offsets": offsets, "weight": weight}

def reference(sentences, offsets, weight):
    # nn.EmbeddingBag(mode='mean') with offsets=None (module nulls the arg):
    # 2D input [B, L] -> gather rows then mean over bag (L) dimension.
    embedded = jnp.take(weight, sentences, axis=0)  # [B, L, D]
    return jnp.mean(embedded, axis=1)  # [B, D]

if __name__ == "__main__":
    import jax
    _d = setup_inputs()
    print(jax.jit(kernel)(*tuple(_d.values())))

</pallas_src>

<mosaic_0001>
#map = affine_map<(d0, d1) -> (0, 0)>
#map1 = affine_map<(d0, d1) -> (0)>
module attributes {stable_mosaic.version = 14 : i64} {
  func.func @k(%arg0: i32, %arg1: i32, %arg2: memref<100000x128xf32, #tpu.memory_space<hbm>>, %arg3: memref<819200xi32, #tpu.memory_space<hbm>>, %arg4: memref<4096x128xf32, #tpu.memory_space<hbm>>, %arg5: memref<25600xi32, #tpu.memory_space<vmem>>, %arg6: memref<4x104x128xf32, #tpu.memory_space<vmem>>, %arg7: memref<128x128xf32, #tpu.memory_space<vmem>>, %arg8: memref<!tpu.dma_semaphore, #tpu.memory_space<semaphore_mem>>, %arg9: memref<!tpu.dma_semaphore, #tpu.memory_space<semaphore_mem>>, %arg10: memref<!tpu.dma_semaphore, #tpu.memory_space<semaphore_mem>>, %arg11: memref<!tpu.dma_semaphore, #tpu.memory_space<semaphore_mem>>) attributes {dimension_semantics = [#tpu.dimension_semantics<core_parallel>, #tpu.dimension_semantics<subcore_parallel>], iteration_bounds = array<i64: 2, 16>, scalar_prefetch = 0 : i64, scratch_operands = 7 : i64, tpu.core_type = #tpu.core_type<sc_vector_subcore>, window_params = [{transform_indices = #map}, {transform_indices = #map1}, {transform_indices = #map}]} {
    %mul3A = arith.constant 16 : i32
    %mul3A_0 = arith.muli %arg0, %mul3A : i32
    %add3A = arith.addi %mul3A_0, %arg1 : i32
    %mul3A_1 = arith.constant 128 : i32
    %mul3A_2 = arith.muli %add3A, %mul3A_1 : i32
    %mul3A_3 = arith.constant 200 : i32
    %mul3A_4 = arith.muli %mul3A_2, %mul3A_3 : i32
    "tpu.region"() ({
      %run_scoped3A = tpu.sem_alloc : memref<!tpu.dma_semaphore, #tpu.memory_space<semaphore_mem>>
      %dma_start3A_154 = tpu.memref_slice %arg3[%mul3A_4] : memref<819200xi32, #tpu.memory_space<hbm>> -> memref<25600xi32, #tpu.memory_space<hbm>>
      %dma_start3A_155 = tpu.memref_slice %arg3[%mul3A_4] : memref<819200xi32, #tpu.memory_space<hbm>> -> memref<25600xi32, #tpu.memory_space<hbm>>
      tpu.enqueue_dma source(%dma_start3A_155 : memref<25600xi32, #tpu.memory_space<hbm>>) target(%arg5 : memref<25600xi32, #tpu.memory_space<vmem>>) target_semaphore(%run_scoped3A : memref<!tpu.dma_semaphore, #tpu.memory_space<semaphore_mem>>)
      %dma_wait3A = tpu.memref_slice %arg3[%mul3A_4] : memref<819200xi32, #tpu.memory_space<hbm>> -> memref<25600xi32, #tpu.memory_space<hbm>>
      %dma_wait3A_156 = tpu.memref_slice %arg3[%mul3A_4] : memref<819200xi32, #tpu.memory_space<hbm>> -> memref<25600xi32, #tpu.memory_space<hbm>>
      tpu.wait_dma2 semaphore(%run_scoped3A : memref<!tpu.dma_semaphore, #tpu.memory_space<semaphore_mem>>) src(%dma_wait3A_156 : memref<25600xi32, #tpu.memory_space<hbm>>) dst(%arg5 : memref<25600xi32, #tpu.memory_space<vmem>>)
      tpu.yield
    }) : () -> ()
    %broadcast_in_dim3A = arith.constant 0.000000e+00 : f32
    %broadcast_in_dim3A_5 = vector.broadcast %broadcast_in_dim3A : f32 to vector<16xf32>
    %scan3A = arith.constant 0 : i32
    %scan3A_6 = arith.constant 104 : i32
    %scan3A_7 = arith.addi %scan3A, %scan3A_6 : i32
    %scan3A_8 = arith.constant 1 : i32
    scf.for %scan3A_154 = %scan3A to %scan3A_7 step %scan3A_8  : i32 {
      %mul3A_155 = arith.constant 1 : i32
      %mul3A_156 = arith.muli %scan3A_154, %mul3A_155 : i32
      %add3A_157 = arith.constant 0 : i32
      %add3A_158 = arith.addi %add3A_157, %mul3A_156 : i32
      %swap3A = arith.constant 0 : i32
      %swap3A_159 = arith.index_cast %swap3A : i32 to index
      %swap3A_160 = arith.index_cast %add3A_158 : i32 to index
      %swap3A_161 = arith.constant 0 : index
      %swap3A_162 = tpu.vector_load %arg6[%swap3A_159, %swap3A_160, %swap3A_161] {strides = array<i32>} : memref<4x104x128xf32, #tpu.memory_space<vmem>>, vector<1x1x16xf32>,
      %swap3A_163 = vector.shape_cast %swap3A_162 : vector<1x1x16xf32> to vector<16xf32>
      %swap3A_164 = vector.shape_cast %broadcast_in_dim3A_5 : vector<16xf32> to vector<1x1x16xf32>
      tpu.vector_store %arg6[%swap3A_159, %swap3A_160, %swap3A_161], %swap3A_164 {strides = array<i32>} : memref<4x104x128xf32, #tpu.memory_space<vmem>>, vector<1x1x16xf32>,
      %swap3A_165 = arith.constant 0 : i32
      %swap3A_166 = arith.index_cast %swap3A_165 : i32 to index
      %swap3A_167 = arith.index_cast %add3A_158 : i32 to index
      %swap3A_168 = arith.constant 16 : index
      %swap3A_169 = tpu.vector_load %arg6[%swap3A_166, %swap3A_167, %swap3A_168] {strides = array<i32>} : memref<4x104x128xf32, #tpu.memory_space<vmem>>, vector<1x1x16xf32>,
      %swap3A_170 = vector.shape_cast %swap3A_169 : vector<1x1x16xf32> to vector<16xf32>
      %swap3A_171 = vector.shape_cast %broadcast_in_dim3A_5 : vector<16xf32> to vector<1x1x16xf32>
      tpu.vector_store %arg6[%swap3A_166, %swap3A_167, %swap3A_168], %swap3A_171 {strides = array<i32>} : memref<4x104x128xf32, #tpu.memory_space<vmem>>, vector<1x1x16xf32>,
      %swap3A_172 = arith.constant 0 : i32
      %swap3A_173 = arith.index_cast %swap3A_172 : i32 to index
      %swap3A_174 = arith.index_cast %add3A_158 : i32 to index
      %swap3A_175 = arith.constant 32 : index
      %swap3A_176 = tpu.vector_load %arg6[%swap3A_173, %swap3A_174, %swap3A_175] {strides = array<i32>} : memref<4x104x128xf32, #tpu.memory_space<vmem>>, vector<1x1x16xf32>,
      %swap3A_177 = vector.shape_cast %swap3A_176 : vector<1x1x16xf32> to vector<16xf32>
      %swap3A_178 = vector.shape_cast %broadcast_in_dim3A_5 : vector<16xf32> to vector<1x1x16xf32>
      tpu.vector_store %arg6[%swap3A_173, %swap3A_174, %swap3A_175], %swap3A_178 {strides = array<i32>} : memref<4x104x128xf32, #tpu.memory_space<vmem>>, vector<1x1x16xf32>,
      %swap3A_179 = arith.constant 0 : i32
      %swap3A_180 = arith.index_cast %swap3A_179 : i32 to index
      %swap3A_181 = arith.index_cast %add3A_158 : i32 to index
      %swap3A_182 = arith.constant 48 : index
      %swap3A_183 = tpu.vector_load %arg6[%swap3A_180, %swap3A_181, %swap3A_182] {strides = array<i32>} : memref<4x104x128xf32, #tpu.memory_space<vmem>>, vector<1x1x16xf32>,
      %swap3A_184 = vector.shape_cast %swap3A_183 : vector<1x1x16xf32> to vector<16xf32>
      %swap3A_185 = vector.shape_cast %broadcast_in_dim3A_5 : vector<16xf32> to vector<1x1x16xf32>
      tpu.vector_store %arg6[%swap3A_180, %swap3A_181, %swap3A_182], %swap3A_185 {strides = array<i32>} : memref<4x104x128xf32, #tpu.memory_space<vmem>>, vector<1x1x16xf32>,
      %swap3A_186 = arith.constant 0 : i32
      %swap3A_187 = arith.index_cast %swap3A_186 : i32 to index
      %swap3A_188 = arith.index_cast %add3A_158 : i32 to index
      %swap3A_189 = arith.constant 64 : index
      %swap3A_190 = tpu.vector_load %arg6[%swap3A_187, %swap3A_188, %swap3A_189] {strides = array<i32>} : memref<4x104x128xf32, #tpu.memory_space<vmem>>, vector<1x1x16xf32>,
      %swap3A_191 = vector.shape_cast %swap3A_190 : vector<1x1x16xf32> to vector<16xf32>
      %swap3A_192 = vector.shape_cast %broadcast_in_dim3A_5 : vector<16xf32> to vector<1x1x16xf32>
      tpu.vector_store %arg6[%swap3A_187, %swap3A_188, %swap3A_189], %swap3A_192 {strides = array<i32>} : memref<4x104x128xf32, #tpu.memory_space<vmem>>, vector<1x1x16xf32>,
      %swap3A_193 = arith.constant 0 : i32
      %swap3A_194 = arith.index_cast %swap3A_193 : i32 to index
      %swap3A_195 = arith.index_cast %add3A_158 : i32 to index
      %swap3A_196 = arith.constant 80 : index
      %swap3A_197 = tpu.vector_load %arg6[%swap3A_194, %swap3A_195, %swap3A_196] {strides = array<i32>} : memref<4x104x128xf32, #tpu.memory_space<vmem>>, vector<1x1x16xf32>,
      %swap3A_198 = vector.shape_cast %swap3A_197 : vector<1x1x16xf32> to vector<16xf32>
      %swap3A_199 = vector.shape_cast %broadcast_in_dim3A_5 : vector<16xf32> to vector<1x1x16xf32>
      tpu.vector_store %arg6[%swap3A_194, %swap3A_195, %swap3A_196], %swap3A_199 {strides = array<i32>} : memref<4x104x128xf32, #tpu.memory_space<vmem>>, vector<1x1x16xf32>,
      %swap3A_200 = arith.constant 0 : i32
      %swap3A_201 = arith.index_cast %swap3A_200 : i32 to index
      %swap3A_202 = arith.index_cast %add3A_158 : i32 to index
      %swap3A_203 = arith.constant 96 : index
      %swap3A_204 = tpu.vector_load %arg6[%swap3A_201, %swap3A_202, %swap3A_203] {strides = array<i32>} : memref<4x104x128xf32, #tpu.memory_space<vmem>>, vector<1x1x16xf32>,
      %swap3A_205 = vector.shape_cast %swap3A_204 : vector<1x1x16xf32> to vector<16xf32>
      %swap3A_206 = vector.shape_cast %broadcast_in_dim3A_5 : vector<16xf32> to vector<1x1x16xf32>
      tpu.vector_store %arg6[%swap3A_201, %swap3A_202, %swap3A_203], %swap3A_206 {strides = array<i32>} : memref<4x104x128xf32, #tpu.memory_space<vmem>>, vector<1x1x16xf32>,
      %swap3A_207 = arith.constant 0 : i32
      %swap3A_208 = arith.index_cast %swap3A_207 : i32 to index
      %swap3A_209 = arith.index_cast %add3A_158 : i32 to index
      %swap3A_210 = arith.constant 112 : index
      %swap3A_211 = tpu.vector_load %arg6[%swap3A_208, %swap3A_209, %swap3A_210] {strides = array<i32>} : memref<4x104x128xf32, #tpu.memory_space<vmem>>, vector<1x1x16xf32>,
      %swap3A_212 = vector.shape_cast %swap3A_211 : vector<1x1x16xf32> to vector<16xf32>
      %swap3A_213 = vector.shape_cast %broadcast_in_dim3A_5 : vector<16xf32> to vector<1x1x16xf32>
      tpu.vector_store %arg6[%swap3A_208, %swap3A_209, %swap3A_210], %swap3A_213 {strides = array<i32>} : memref<4x104x128xf32, #tpu.memory_space<vmem>>, vector<1x1x16xf32>,
    }
    %scan3A_9 = arith.constant 104 : i32
    %multiple_of3A = arith.constant 0 : i32
    %multiple_of3A_10 = tpu.assume_multiple %multiple_of3A, 8 : i32
    %add3A_11 = arith.constant 0 : i32
    %add3A_12 = arith.addi %multiple_of3A_10, %add3A_11 : i32
    %dma_start3A = arith.constant 0 : i32
    %dma_start3A_13 = arith.constant 0 : i32
    %dma_start3A_14 = arith.constant 0 : i32
    %dma_start3A_15 = tpu.memref_slice %arg6[%dma_start3A, %dma_start3A_13, %dma_start3A_14] : memref<4x104x128xf32, #tpu.memory_space<vmem>> -> memref<1x104x128xf32, #tpu.memory_space<vmem>>
    %dma_start3A_16 = tpu.memref_squeeze %dma_start3A_15 : memref<1x104x128xf32, #tpu.memory_space<vmem>> -> memref<104x128xf32, #tpu.memory_space<vmem>>
    %dma_start3A_17 = arith.constant 0 : i32
    %dma_start3A_18 = arith.constant 0 : i32
    %dma_start3A_19 = tpu.memref_slice %dma_start3A_16[%dma_start3A_17, %dma_start3A_18] : memref<104x128xf32, #tpu.memory_space<vmem>> -> memref<104x128xf32, #tpu.memory_space<vmem>>
    %dma_start3A_20 = tpu.memref_slice %arg5[%add3A_12] : memref<25600xi32, #tpu.memory_space<vmem>> -> memref<104xi32, #tpu.memory_space<vmem>>
    %dma_start3A_21 = arith.constant 0 : i32
    %dma_start3A_22 = arith.constant 0 : i32
    %dma_start3A_23 = tpu.memref_slice %arg2[%dma_start3A_21, %dma_start3A_22] : memref<100000x128xf32, #tpu.memory_space<hbm>> -> memref<100000x128xf32, #tpu.memory_space<hbm>>
    tpu.enqueue_indirect_dma source(%dma_start3A_23 : memref<100000x128xf32, #tpu.memory_space<hbm>>) target(%dma_start3A_19 : memref<104x128xf32, #tpu.memory_space<vmem>>) offsets(%dma_start3A_20 : memref<104xi32, #tpu.memory_space<vmem>>) semaphore(%arg8 : memref<!tpu.dma_semaphore, #tpu.memory_space<semaphore_mem>>) {add = true}
    %add3A_24 = arith.constant 104 : i32
    %add3A_25 = arith.addi %multiple_of3A_10, %add3A_24 : i32
    %dma_start3A_26 = arith.constant 0 : i32
    %dma_start3A_27 = arith.constant 0 : i32
    %dma_start3A_28 = arith.constant 0 : i32
    %dma_start3A_29 = tpu.memref_slice %arg6[%dma_start3A_26, %dma_start3A_27, %dma_start3A_28] : memref<4x104x128xf32, #tpu.memory_space<vmem>> -> memref<1x104x128xf32, #tpu.memory_space<vmem>>
    %dma_start3A_30 = tpu.memref_squeeze %dma_start3A_29 : memref<1x104x128xf32, #tpu.memory_space<vmem>> -> memref<104x128xf32, #tpu.memory_space<vmem>>
    %dma_start3A_31 = arith.constant 0 : i32
    %dma_start3A_32 = arith.constant 0 : i32
    %dma_start3A_33 = tpu.memref_slice %dma_start3A_30[%dma_start3A_31, %dma_start3A_32] : memref<104x128xf32, #tpu.memory_space<vmem>> -> memref<96x128xf32, #tpu.memory_space<vmem>>
    %dma_start3A_34 = tpu.memref_slice %arg5[%add3A_25] : memref<25600xi32, #tpu.memory_space<vmem>> -> memref<96xi32, #tpu.memory_space<vmem>>
    %dma_start3A_35 = arith.constant 0 : i32
    %dma_start3A_36 = arith.constant 0 : i32
    %dma_start3A_37 = tpu.memref_slice %arg2[%dma_start3A_35, %dma_start3A_36] : memref<100000x128xf32, #tpu.memory_space<hbm>> -> memref<100000x128xf32, #tpu.memory_space<hbm>>
    tpu.enqueue_indirect_dma source(%dma_start3A_37 : memref<100000x128xf32, #tpu.memory_space<hbm>>) target(%dma_start3A_33 : memref<96x128xf32, #tpu.memory_space<vmem>>) offsets(%dma_start3A_34 : memref<96xi32, #tpu.memory_space<vmem>>) semaphore(%arg8 : memref<!tpu.dma_semaphore, #tpu.memory_space<semaphore_mem>>) {add = true}
    %broadcast_in_dim3A_38 = arith.constant 0.000000e+00 : f32
    %broadcast_in_dim3A_39 = vector.broadcast %broadcast_in_dim3A_38 : f32 to vector<16xf32>
    %scan3A_40 = arith.constant 0 : i32
    %scan3A_41 = arith.constant 104 : i32
    %scan3A_42 = arith.addi %scan3A_40, %scan3A_41 : i32
    %scan3A_43 = arith.constant 1 : i32
    scf.for %scan3A_154 = %scan3A_40 to %scan3A_42 step %scan3A_43  : i32 {
      %mul3A_155 = arith.constant 1 : i32
      %mul3A_156 = arith.muli %scan3A_154, %mul3A_155 : i32
      %add3A_157 = arith.constant 0 : i32
      %add3A_158 = arith.addi %add3A_157, %mul3A_156 : i32
      %swap3A = arith.constant 1 : i32
      %swap3A_159 = arith.index_cast %swap3A : i32 to index
      %swap3A_160 = arith.index_cast %add3A_158 : i32 to index
      %swap3A_161 = arith.constant 0 : index
      %swap3A_162 = tpu.vector_load %arg6[%swap3A_159, %swap3A_160, %swap3A_161] {strides = array<i32>} : memref<4x104x128xf32, #tpu.memory_space<vmem>>, vector<1x1x16xf32>,
      %swap3A_163 = vector.shape_cast %swap3A_162 : vector<1x1x16xf32> to vector<16xf32>
      %swap3A_164 = vector.shape_cast %broadcast_in_dim3A_39 : vector<16xf32> to vector<1x1x16xf32>
      tpu.vector_store %arg6[%swap3A_159, %swap3A_160, %swap3A_161], %swap3A_164 {strides = array<i32>} : memref<4x104x128xf32, #tpu.memory_space<vmem>>, vector<1x1x16xf32>,
      %swap3A_165 = arith.constant 1 : i32
      %swap3A_166 = arith.index_cast %swap3A_165 : i32 to index
      %swap3A_167 = arith.index_cast %add3A_158 : i32 to index
      %swap3A_168 = arith.constant 16 : index
      %swap3A_169 = tpu.vector_load %arg6[%swap3A_166, %swap3A_167, %swap3A_168] {strides = array<i32>} : memref<4x104x128xf32, #tpu.memory_space<vmem>>, vector<1x1x16xf32>,
      %swap3A_170 = vector.shape_cast %swap3A_169 : vector<1x1x16xf32> to vector<16xf32>
      %swap3A_171 = vector.shape_cast %broadcast_in_dim3A_39 : vector<16xf32> to vector<1x1x16xf32>
      tpu.vector_store %arg6[%swap3A_166, %swap3A_167, %swap3A_168], %swap3A_171 {strides = array<i32>} : memref<4x104x128xf32, #tpu.memory_space<vmem>>, vector<1x1x16xf32>,
      %swap3A_172 = arith.constant 1 : i32
      %swap3A_173 = arith.index_cast %swap3A_172 : i32 to index
      %swap3A_174 = arith.index_cast %add3A_158 : i32 to index
      %swap3A_175 = arith.constant 32 : index
      %swap3A_176 = tpu.vector_load %arg6[%swap3A_173, %swap3A_174, %swap3A_175] {strides = array<i32>} : memref<4x104x128xf32, #tpu.memory_space<vmem>>, vector<1x1x16xf32>,
      %swap3A_177 = vector.shape_cast %swap3A_176 : vector<1x1x16xf32> to vector<16xf32>
      %swap3A_178 = vector.shape_cast %broadcast_in_dim3A_39 : vector<16xf32> to vector<1x1x16xf32>
      tpu.vector_store %arg6[%swap3A_173, %swap3A_174, %swap3A_175], %swap3A_178 {strides = array<i32>} : memref<4x104x128xf32, #tpu.memory_space<vmem>>, vector<1x1x16xf32>,
      %swap3A_179 = arith.constant 1 : i32
      %swap3A_180 = arith.index_cast %swap3A_179 : i32 to index
      %swap3A_181 = arith.index_cast %add3A_158 : i32 to index
      %swap3A_182 = arith.constant 48 : index
      %swap3A_183 = tpu.vector_load %arg6[%swap3A_180, %swap3A_181, %swap3A_182] {strides = array<i32>} : memref<4x104x128xf32, #tpu.memory_space<vmem>>, vector<1x1x16xf32>,
      %swap3A_184 = vector.shape_cast %swap3A_183 : vector<1x1x16xf32> to vector<16xf32>
      %swap3A_185 = vector.shape_cast %broadcast_in_dim3A_39 : vector<16xf32> to vector<1x1x16xf32>
      tpu.vector_store %arg6[%swap3A_180, %swap3A_181, %swap3A_182], %swap3A_185 {strides = array<i32>} : memref<4x104x128xf32, #tpu.memory_space<vmem>>, vector<1x1x16xf32>,
      %swap3A_186 = arith.constant 1 : i32
      %swap3A_187 = arith.index_cast %swap3A_186 : i32 to index
      %swap3A_188 = arith.index_cast %add3A_158 : i32 to index
      %swap3A_189 = arith.constant 64 : index
      %swap3A_190 = tpu.vector_load %arg6[%swap3A_187, %swap3A_188, %swap3A_189] {strides = array<i32>} : memref<4x104x128xf32, #tpu.memory_space<vmem>>, vector<1x1x16xf32>,
      %swap3A_191 = vector.shape_cast %swap3A_190 : vector<1x1x16xf32> to vector<16xf32>
      %swap3A_192 = vector.shape_cast %broadcast_in_dim3A_39 : vector<16xf32> to vector<1x1x16xf32>
      tpu.vector_store %arg6[%swap3A_187, %swap3A_188, %swap3A_189], %swap3A_192 {strides = array<i32>} : memref<4x104x128xf32, #tpu.memory_space<vmem>>, vector<1x1x16xf32>,
      %swap3A_193 = arith.constant 1 : i32
      %swap3A_194 = arith.index_cast %swap3A_193 : i32 to index
      %swap3A_195 = arith.index_cast %add3A_158 : i32 to index
      %swap3A_196 = arith.constant 80 : index
      %swap3A_197 = tpu.vector_load %arg6[%swap3A_194, %swap3A_195, %swap3A_196] {strides = array<i32>} : memref<4x104x128xf32, #tpu.memory_space<vmem>>, vector<1x1x16xf32>,
      %swap3A_198 = vector.shape_cast %swap3A_197 : vector<1x1x16xf32> to vector<16xf32>
      %swap3A_199 = vector.shape_cast %broadcast_in_dim3A_39 : vector<16xf32> to vector<1x1x16xf32>
      tpu.vector_store %arg6[%swap3A_194, %swap3A_195, %swap3A_196], %swap3A_199 {strides = array<i32>} : memref<4x104x128xf32, #tpu.memory_space<vmem>>, vector<1x1x16xf32>,
      %swap3A_200 = arith.constant 1 : i32
      %swap3A_201 = arith.index_cast %swap3A_200 : i32 to index
      %swap3A_202 = arith.index_cast %add3A_158 : i32 to index
      %swap3A_203 = arith.constant 96 : index
      %swap3A_204 = tpu.vector_load %arg6[%swap3A_201, %swap3A_202, %swap3A_203] {strides = array<i32>} : memref<4x104x128xf32, #tpu.memory_space<vmem>>, vector<1x1x16xf32>,
      %swap3A_205 = vector.shape_cast %swap3A_204 : vector<1x1x16xf32> to vector<16xf32>
      %swap3A_206 = vector.shape_cast %broadcast_in_dim3A_39 : vector<16xf32> to vector<1x1x16xf32>
      tpu.vector_store %arg6[%swap3A_201, %swap3A_202, %swap3A_203], %swap3A_206 {strides = array<i32>} : memref<4x104x128xf32, #tpu.memory_space<vmem>>, vector<1x1x16xf32>,
      %swap3A_207 = arith.constant 1 : i32
      %swap3A_208 = arith.index_cast %swap3A_207 : i32 to index
      %swap3A_209 = arith.index_cast %add3A_158 : i32 to index
      %swap3A_210 = arith.constant 112 : index
      %swap3A_211 = tpu.vector_load %arg6[%swap3A_208, %swap3A_209, %swap3A_210] {strides = array<i32>} : memref<4x104x128xf32, #tpu.memory_space<vmem>>, vector<1x1x16xf32>,
      %swap3A_212 = vector.shape_cast %swap3A_211 : vector<1x1x16xf32> to vector<16xf32>
      %swap3A_213 = vector.shape_cast %broadcast_in_dim3A_39 : vector<16xf32> to vector<1x1x16xf32>
      tpu.vector_store %arg6[%swap3A_208, %swap3A_209, %swap3A_210], %swap3A_213 {strides = array<i32>} : memref<4x104x128xf32, #tpu.memory_space<vmem>>, vector<1x1x16xf32>,
    }
    %scan3A_44 = arith.constant 104 : i32
    %multiple_of3A_45 = arith.constant 200 : i32
    %multiple_of3A_46 = tpu.assume_multiple %multiple_of3A_45, 8 : i32
    %add3A_47 = arith.constant 0 : i32
    %add3A_48 = arith.addi %multiple_of3A_46, %add3A_47 : i32
    %dma_start3A_49 = arith.constant 1 : i32
    %dma_start3A_50 = arith.constant 0 : i32
    %dma_start3A_51 = arith.constant 0 : i32
    %dma_start3A_52 = tpu.memref_slice %arg6[%dma_start3A_49, %dma_start3A_50, %dma_start3A_51] : memref<4x104x128xf32, #tpu.memory_space<vmem>> -> memref<1x104x128xf32, #tpu.memory_space<vmem>>
    %dma_start3A_53 = tpu.memref_squeeze %dma_start3A_52 : memref<1x104x128xf32, #tpu.memory_space<vmem>> -> memref<104x128xf32, #tpu.memory_space<vmem>>
    %dma_start3A_54 = arith.constant 0 : i32
    %dma_start3A_55 = arith.constant 0 : i32
    %dma_start3A_56 = tpu.memref_slice %dma_start3A_53[%dma_start3A_54, %dma_start3A_55] : memref<104x128xf32, #tpu.memory_space<vmem>> -> memref<104x128xf32, #tpu.memory_space<vmem>>
    %dma_start3A_57 = tpu.memref_slice %arg5[%add3A_48] : memref<25600xi32, #tpu.memory_space<vmem>> -> memref<104xi32, #tpu.memory_space<vmem>>
    %dma_start3A_58 = arith.constant 0 : i32
    %dma_start3A_59 = arith.constant 0 : i32
    %dma_start3A_60 = tpu.memref_slice %arg2[%dma_start3A_58, %dma_start3A_59] : memref<100000x128xf32, #tpu.memory_space<hbm>> -> memref<100000x128xf32, #tpu.memory_space<hbm>>
    tpu.enqueue_indirect_dma source(%dma_start3A_60 : memref<100000x128xf32, #tpu.memory_space<hbm>>) target(%dma_start3A_56 : memref<104x128xf32, #tpu.memory_space<vmem>>) offsets(%dma_start3A_57 : memref<104xi32, #tpu.memory_space<vmem>>) semaphore(%arg9 : memref<!tpu.dma_semaphore, #tpu.memory_space<semaphore_mem>>) {add = true}
    %add3A_61 = arith.constant 104 : i32
    %add3A_62 = arith.addi %multiple_of3A_46, %add3A_61 : i32
    %dma_start3A_63 = arith.constant 1 : i32
    %dma_start3A_64 = arith.constant 0 : i32
    %dma_start3A_65 = arith.constant 0 : i32
    %dma_start3A_66 = tpu.memref_slice %arg6[%dma_start3A_63, %dma_start3A_64, %dma_start3A_65] : memref<4x104x128xf32, #tpu.memory_space<vmem>> -> memref<1x104x128xf32, #tpu.memory_space<vmem>>
    %dma_start3A_67 = tpu.memref_squeeze %dma_start3A_66 : memref<1x104x128xf32, #tpu.memory_space<vmem>> -> memref<104x128xf32, #tpu.memory_space<vmem>>
    %dma_start3A_68 = arith.constant 0 : i32
    %dma_start3A_69 = arith.constant 0 : i32
    %dma_start3A_70 = tpu.memref_slice %dma_start3A_67[%dma_start3A_68, %dma_start3A_69] : memref<104x128xf32, #tpu.memory_space<vmem>> -> memref<96x128xf32, #tpu.memory_space<vmem>>
    %dma_start3A_71 = tpu.memref_slice %arg5[%add3A_62] : memref<25600xi32, #tpu.memory_space<vmem>> -> memref<96xi32, #tpu.memory_space<vmem>>
    %dma_start3A_72 = arith.constant 0 : i32
    %dma_start3A_73 = arith.constant 0 : i32
    %dma_start3A_74 = tpu.memref_slice %arg2[%dma_start3A_72, %dma_start3A_73] : memref<100000x128xf32, #tpu.memory_space<hbm>> -> memref<100000x128xf32, #tpu.memory_space<hbm>>
    tpu.enqueue_indirect_dma source(%dma_start3A_74 : memref<100000x128xf32, #tpu.memory_space<hbm>>) target(%dma_start3A_70 : memref<96x128xf32, #tpu.memory_space<vmem>>) offsets(%dma_start3A_71 : memref<96xi32, #tpu.memory_space<vmem>>) semaphore(%arg9 : memref<!tpu.dma_semaphore, #tpu.memory_space<semaphore_mem>>) {add = true}
    %broadcast_in_dim3A_75 = arith.constant 0.000000e+00 : f32
    %broadcast_in_dim3A_76 = vector.broadcast %broadcast_in_dim3A_75 : f32 to vector<16xf32>
    %scan3A_77 = arith.constant 0 : i32
    %scan3A_78 = arith.constant 104 : i32
    %scan3A_79 = arith.addi %scan3A_77, %scan3A_78 : i32
    %scan3A_80 = arith.constant 1 : i32
    scf.for %scan3A_154 = %scan3A_77 to %scan3A_79 step %scan3A_80  : i32 {
      %mul3A_155 = arith.constant 1 : i32
      %mul3A_156 = arith.muli %scan3A_154, %mul3A_155 : i32
      %add3A_157 = arith.constant 0 : i32
      %add3A_158 = arith.addi %add3A_157, %mul3A_156 : i32
      %swap3A = arith.constant 2 : i32
      %swap3A_159 = arith.index_cast %swap3A : i32 to index
      %swap3A_160 = arith.index_cast %add3A_158 : i32 to index
      %swap3A_161 = arith.constant 0 : index
      %swap3A_162 = tpu.vector_load %arg6[%swap3A_159, %swap3A_160, %swap3A_161] {strides = array<i32>} : memref<4x104x128xf32, #tpu.memory_space<vmem>>, vector<1x1x16xf32>,
      %swap3A_163 = vector.shape_cast %swap3A_162 : vector<1x1x16xf32> to vector<16xf32>
      %swap3A_164 = vector.shape_cast %broadcast_in_dim3A_76 : vector<16xf32> to vector<1x1x16xf32>
      tpu.vector_store %arg6[%swap3A_159, %swap3A_160, %swap3A_161], %swap3A_164 {strides = array<i32>} : memref<4x104x128xf32, #tpu.memory_space<vmem>>, vector<1x1x16xf32>,
      %swap3A_165 = arith.constant 2 : i32
      %swap3A_166 = arith.index_cast %swap3A_165 : i32 to index
      %swap3A_167 = arith.index_cast %add3A_158 : i32 to index
      %swap3A_168 = arith.constant 16 : index
      %swap3A_169 = tpu.vector_load %arg6[%swap3A_166, %swap3A_167, %swap3A_168] {strides = array<i32>} : memref<4x104x128xf32, #tpu.memory_space<vmem>>, vector<1x1x16xf32>,
      %swap3A_170 = vector.shape_cast %swap3A_169 : vector<1x1x16xf32> to vector<16xf32>
      %swap3A_171 = vector.shape_cast %broadcast_in_dim3A_76 : vector<16xf32> to vector<1x1x16xf32>
      tpu.vector_store %arg6[%swap3A_166, %swap3A_167, %swap3A_168], %swap3A_171 {strides = array<i32>} : memref<4x104x128xf32, #tpu.memory_space<vmem>>, vector<1x1x16xf32>,
      %swap3A_172 = arith.constant 2 : i32
      %swap3A_173 = arith.index_cast %swap3A_172 : i32 to index
      %swap3A_174 = arith.index_cast %add3A_158 : i32 to index
      %swap3A_175 = arith.constant 32 : index
      %swap3A_176 = tpu.vector_load %arg6[%swap3A_173, %swap3A_174, %swap3A_175] {strides = array<i32>} : memref<4x104x128xf32, #tpu.memory_space<vmem>>, vector<1x1x16xf32>,
      %swap3A_177 = vector.shape_cast %swap3A_176 : vector<1x1x16xf32> to vector<16xf32>
      %swap3A_178 = vector.shape_cast %broadcast_in_dim3A_76 : vector<16xf32> to vector<1x1x16xf32>
      tpu.vector_store %arg6[%swap3A_173, %swap3A_174, %swap3A_175], %swap3A_178 {strides = array<i32>} : memref<4x104x128xf32, #tpu.memory_space<vmem>>, vector<1x1x16xf32>,
      %swap3A_179 = arith.constant 2 : i32
      %swap3A_180 = arith.index_cast %swap3A_179 : i32 to index
      %swap3A_181 = arith.index_cast %add3A_158 : i32 to index
      %swap3A_182 = arith.constant 48 : index
      %swap3A_183 = tpu.vector_load %arg6[%swap3A_180, %swap3A_181, %swap3A_182] {strides = array<i32>} : memref<4x104x128xf32, #tpu.memory_space<vmem>>, vector<1x1x16xf32>,
      %swap3A_184 = vector.shape_cast %swap3A_183 : vector<1x1x16xf32> to vector<16xf32>
      %swap3A_185 = vector.shape_cast %broadcast_in_dim3A_76 : vector<16xf32> to vector<1x1x16xf32>
      tpu.vector_store %arg6[%swap3A_180, %swap3A_181, %swap3A_182], %swap3A_185 {strides = array<i32>} : memref<4x104x128xf32, #tpu.memory_space<vmem>>, vector<1x1x16xf32>,
      %swap3A_186 = arith.constant 2 : i32
      %swap3A_187 = arith.index_cast %swap3A_186 : i32 to index
      %swap3A_188 = arith.index_cast %add3A_158 : i32 to index
      %swap3A_189 = arith.constant 64 : index
      %swap3A_190 = tpu.vector_load %arg6[%swap3A_187, %swap3A_188, %swap3A_189] {strides = array<i32>} : memref<4x104x128xf32, #tpu.memory_space<vmem>>, vector<1x1x16xf32>,
      %swap3A_191 = vector.shape_cast %swap3A_190 : vector<1x1x16xf32> to vector<16xf32>
      %swap3A_192 = vector.shape_cast %broadcast_in_dim3A_76 : vector<16xf32> to vector<1x1x16xf32>
      tpu.vector_store %arg6[%swap3A_187, %swap3A_188, %swap3A_189], %swap3A_192 {strides = array<i32>} : memref<4x104x128xf32, #tpu.memory_space<vmem>>, vector<1x1x16xf32>,
      %swap3A_193 = arith.constant 2 : i32
      %swap3A_194 = arith.index_cast %swap3A_193 : i32 to index
      %swap3A_195 = arith.index_cast %add3A_158 : i32 to index
      %swap3A_196 = arith.constant 80 : index
      %swap3A_197 = tpu.vector_load %arg6[%swap3A_194, %swap3A_195, %swap3A_196] {strides = array<i32>} : memref<4x104x128xf32, #tpu.memory_space<vmem>>, vector<1x1x16xf32>,
      %swap3A_198 = vector.shape_cast %swap3A_197 : vector<1x1x16xf32> to vector<16xf32>
      %swap3A_199 = vector.shape_cast %broadcast_in_dim3A_76 : vector<16xf32> to vector<1x1x16xf32>
      tpu.vector_store %arg6[%swap3A_194, %swap3A_195, %swap3A_196], %swap3A_199 {strides = array<i32>} : memref<4x104x128xf32, #tpu.memory_space<vmem>>, vector<1x1x16xf32>,
      %swap3A_200 = arith.constant 2 : i32
      %swap3A_201 = arith.index_cast %swap3A_200 : i32 to index
      %swap3A_202 = arith.index_cast %add3A_158 : i32 to index
      %swap3A_203 = arith.constant 96 : index
      %swap3A_204 = tpu.vector_load %arg6[%swap3A_201, %swap3A_202, %swap3A_203] {strides = array<i32>} : memref<4x104x128xf32, #tpu.memory_space<vmem>>, vector<1x1x16xf32>,
      %swap3A_205 = vector.shape_cast %swap3A_204 : vector<1x1x16xf32> to vector<16xf32>
      %swap3A_206 = vector.shape_cast %broadcast_in_dim3A_76 : vector<16xf32> to vector<1x1x16xf32>
      tpu.vector_store %arg6[%swap3A_201, %swap3A_202, %swap3A_203], %swap3A_206 {strides = array<i32>} : memref<4x104x128xf32, #tpu.memory_space<vmem>>, vector<1x1x16xf32>,
      %swap3A_207 = arith.constant 2 : i32
      %swap3A_208 = arith.index_cast %swap3A_207 : i32 to index
      %swap3A_209 = arith.index_cast %add3A_158 : i32 to index
      %swap3A_210 = arith.constant 112 : index
      %swap3A_211 = tpu.vector_load %arg6[%swap3A_208, %swap3A_209, %swap3A_210] {strides = array<i32>} : memref<4x104x128xf32, #tpu.memory_space<vmem>>, vector<1x1x16xf32>,
      %swap3A_212 = vector.shape_cast %swap3A_211 : vector<1x1x16xf32> to vector<16xf32>
      %swap3A_213 = vector.shape_cast %broadcast_in_dim3A_76 : vector<16xf32> to vector<1x1x16xf32>
      tpu.vector_store %arg6[%swap3A_208, %swap3A_209, %swap3A_210], %swap3A_213 {strides = array<i32>} : memref<4x104x128xf32, #tpu.memory_space<vmem>>, vector<1x1x16xf32>,
    }
    %scan3A_81 = arith.constant 104 : i32
    %multiple_of3A_82 = arith.constant 400 : i32
    %multiple_of3A_83 = tpu.assume_multiple %multiple_of3A_82, 8 : i32
    %add3A_84 = arith.constant 0 : i32
    %add3A_85 = arith.addi %multiple_of3A_83, %add3A_84 : i32
    %dma_start3A_86 = arith.constant 2 : i32
    %dma_start3A_87 = arith.constant 0 : i32
    %dma_start3A_88 = arith.constant 0 : i32
    %dma_start3A_89 = tpu.memref_slice %arg6[%dma_start3A_86, %dma_start3A_87, %dma_start3A_88] : memref<4x104x128xf32, #tpu.memory_space<vmem>> -> memref<1x104x128xf32, #tpu.memory_space<vmem>>
    %dma_start3A_90 = tpu.memref_squeeze %dma_start3A_89 : memref<1x104x128xf32, #tpu.memory_space<vmem>> -> memref<104x128xf32, #tpu.memory_space<vmem>>
    %dma_start3A_91 = arith.constant 0 : i32
    %dma_start3A_92 = arith.constant 0 : i32
    %dma_start3A_93 = tpu.memref_slice %dma_start3A_90[%dma_start3A_91, %dma_start3A_92] : memref<104x128xf32, #tpu.memory_space<vmem>> -> memref<104x128xf32, #tpu.memory_space<vmem>>
    %dma_start3A_94 = tpu.memref_slice %arg5[%add3A_85] : memref<25600xi32, #tpu.memory_space<vmem>> -> memref<104xi32, #tpu.memory_space<vmem>>
    %dma_start3A_95 = arith.constant 0 : i32
    %dma_start3A_96 = arith.constant 0 : i32
    %dma_start3A_97 = tpu.memref_slice %arg2[%dma_start3A_95, %dma_start3A_96] : memref<100000x128xf32, #tpu.memory_space<hbm>> -> memref<100000x128xf32, #tpu.memory_space<hbm>>
    tpu.enqueue_indirect_dma source(%dma_start3A_97 : memref<100000x128xf32, #tpu.memory_space<hbm>>) target(%dma_start3A_93 : memref<104x128xf32, #tpu.memory_space<vmem>>) offsets(%dma_start3A_94 : memref<104xi32, #tpu.memory_space<vmem>>) semaphore(%arg10 : memref<!tpu.dma_semaphore, #tpu.memory_space<semaphore_mem>>) {add = true}
    %add3A_98 = arith.constant 104 : i32
    %add3A_99 = arith.addi %multiple_of3A_83, %add3A_98 : i32
    %dma_start3A_100 = arith.constant 2 : i32
    %dma_start3A_101 = arith.constant 0 : i32
    %dma_start3A_102 = arith.constant 0 : i32
    %dma_start3A_103 = tpu.memref_slice %arg6[%dma_start3A_100, %dma_start3A_101, %dma_start3A_102] : memref<4x104x128xf32, #tpu.memory_space<vmem>> -> memref<1x104x128xf32, #tpu.memory_space<vmem>>
    %dma_start3A_104 = tpu.memref_squeeze %dma_start3A_103 : memref<1x104x128xf32, #tpu.memory_space<vmem>> -> memref<104x128xf32, #tpu.memory_space<vmem>>
    %dma_start3A_105 = arith.constant 0 : i32
    %dma_start3A_106 = arith.constant 0 : i32
    %dma_start3A_107 = tpu.memref_slice %dma_start3A_104[%dma_start3A_105, %dma_start3A_106] : memref<104x128xf32, #tpu.memory_space<vmem>> -> memref<96x128xf32, #tpu.memory_space<vmem>>
    %dma_start3A_108 = tpu.memref_slice %arg5[%add3A_99] : memref<25600xi32, #tpu.memory_space<vmem>> -> memref<96xi32, #tpu.memory_space<vmem>>
    %dma_start3A_109 = arith.constant 0 : i32
    %dma_start3A_110 = arith.constant 0 : i32
    %dma_start3A_111 = tpu.memref_slice %arg2[%dma_start3A_109, %dma_start3A_110] : memref<100000x128xf32, #tpu.memory_space<hbm>> -> memref<100000x128xf32, #tpu.memory_space<hbm>>
    tpu.enqueue_indirect_dma source(%dma_start3A_111 : memref<100000x128xf32, #tpu.memory_space<hbm>>) target(%dma_start3A_107 : memref<96x128xf32, #tpu.memory_space<vmem>>) offsets(%dma_start3A_108 : memref<96xi32, #tpu.memory_space<vmem>>) semaphore(%arg10 : memref<!tpu.dma_semaphore, #tpu.memory_space<semaphore_mem>>) {add = true}
    %broadcast_in_dim3A_112 = arith.constant 0.000000e+00 : f32
    %broadcast_in_dim3A_113 = vector.broadcast %broadcast_in_dim3A_112 : f32 to vector<16xf32>
    %scan3A_114 = arith.constant 0 : i32
    %scan3A_115 = arith.constant 104 : i32
    %scan3A_116 = arith.addi %scan3A_114, %scan3A_115 : i32
    %scan3A_117 = arith.constant 1 : i32
    scf.for %scan3A_154 = %scan3A_114 to %scan3A_116 step %scan3A_117  : i32 {
      %mul3A_155 = arith.constant 1 : i32
      %mul3A_156 = arith.muli %scan3A_154, %mul3A_155 : i32
      %add3A_157 = arith.constant 0 : i32
      %add3A_158 = arith.addi %add3A_157, %mul3A_156 : i32
      %swap3A = arith.constant 3 : i32
      %swap3A_159 = arith.index_cast %swap3A : i32 to index
      %swap3A_160 = arith.index_cast %add3A_158 : i32 to index
      %swap3A_161 = arith.constant 0 : index
      %swap3A_162 = tpu.vector_load %arg6[%swap3A_159, %swap3A_160, %swap3A_161] {strides = array<i32>} : memref<4x104x128xf32, #tpu.memory_space<vmem>>, vector<1x1x16xf32>,
      %swap3A_163 = vector.shape_cast %swap3A_162 : vector<1x1x16xf32> to vector<16xf32>
      %swap3A_164 = vector.shape_cast %broadcast_in_dim3A_113 : vector<16xf32> to vector<1x1x16xf32>
      tpu.vector_store %arg6[%swap3A_159, %swap3A_160, %swap3A_161], %swap3A_164 {strides = array<i32>} : memref<4x104x128xf32, #tpu.memory_space<vmem>>, vector<1x1x16xf32>,
      %swap3A_165 = arith.constant 3 : i32
      %swap3A_166 = arith.index_cast %swap3A_165 : i32 to index
      %swap3A_167 = arith.index_cast %add3A_158 : i32 to index
      %swap3A_168 = arith.constant 16 : index
      %swap3A_169 = tpu.vector_load %arg6[%swap3A_166, %swap3A_167, %swap3A_168] {strides = array<i32>} : memref<4x104x128xf32, #tpu.memory_space<vmem>>, vector<1x1x16xf32>,
      %swap3A_170 = vector.shape_cast %swap3A_169 : vector<1x1x16xf32> to vector<16xf32>
      %swap3A_171 = vector.shape_cast %broadcast_in_dim3A_113 : vector<16xf32> to vector<1x1x16xf32>
      tpu.vector_store %arg6[%swap3A_166, %swap3A_167, %swap3A_168], %swap3A_171 {strides = array<i32>} : memref<4x104x128xf32, #tpu.memory_space<vmem>>, vector<1x1x16xf32>,
      %swap3A_172 = arith.constant 3 : i32
      %swap3A_173 = arith.index_cast %swap3A_172 : i32 to index
      %swap3A_174 = arith.index_cast %add3A_158 : i32 to index
      %swap3A_175 = arith.constant 32 : index
      %swap3A_176 = tpu.vector_load %arg6[%swap3A_173, %swap3A_174, %swap3A_175] {strides = array<i32>} : memref<4x104x128xf32, #tpu.memory_space<vmem>>, vector<1x1x16xf32>,
      %swap3A_177 = vector.shape_cast %swap3A_176 : vector<1x1x16xf32> to vector<16xf32>
      %swap3A_178 = vector.shape_cast %broadcast_in_dim3A_113 : vector<16xf32> to vector<1x1x16xf32>
      tpu.vector_store %arg6[%swap3A_173, %swap3A_174, %swap3A_175], %swap3A_178 {strides = array<i32>} : memref<4x104x128xf32, #tpu.memory_space<vmem>>, vector<1x1x16xf32>,
      %swap3A_179 = arith.constant 3 : i32
      %swap3A_180 = arith.index_cast %swap3A_179 : i32 to index
      %swap3A_181 = arith.index_cast %add3A_158 : i32 to index
      %swap3A_182 = arith.constant 48 : index
      %swap3A_183 = tpu.vector_load %arg6[%swap3A_180, %swap3A_181, %swap3A_182] {strides = array<i32>} : memref<4x104x128xf32, #tpu.memory_space<vmem>>, vector<1x1x16xf32>,
      %swap3A_184 = vector.shape_cast %swap3A_183 : vector<1x1x16xf32> to vector<16xf32>
      %swap3A_185 = vector.shape_cast %broadcast_in_dim3A_113 : vector<16xf32> to vector<1x1x16xf32>
      tpu.vector_store %arg6[%swap3A_180, %swap3A_181, %swap3A_182], %swap3A_185 {strides = array<i32>} : memref<4x104x128xf32, #tpu.memory_space<vmem>>, vector<1x1x16xf32>,
      %swap3A_186 = arith.constant 3 : i32
      %swap3A_187 = arith.index_cast %swap3A_186 : i32 to index
      %swap3A_188 = arith.index_cast %add3A_158 : i32 to index
      %swap3A_189 = arith.constant 64 : index
      %swap3A_190 = tpu.vector_load %arg6[%swap3A_187, %swap3A_188, %swap3A_189] {strides = array<i32>} : memref<4x104x128xf32, #tpu.memory_space<vmem>>, vector<1x1x16xf32>,
      %swap3A_191 = vector.shape_cast %swap3A_190 : vector<1x1x16xf32> to vector<16xf32>
      %swap3A_192 = vector.shape_cast %broadcast_in_dim3A_113 : vector<16xf32> to vector<1x1x16xf32>
      tpu.vector_store %arg6[%swap3A_187, %swap3A_188, %swap3A_189], %swap3A_192 {strides = array<i32>} : memref<4x104x128xf32, #tpu.memory_space<vmem>>, vector<1x1x16xf32>,
      %swap3A_193 = arith.constant 3 : i32
      %swap3A_194 = arith.index_cast %swap3A_193 : i32 to index
      %swap3A_195 = arith.index_cast %add3A_158 : i32 to index
      %swap3A_196 = arith.constant 80 : index
      %swap3A_197 = tpu.vector_load %arg6[%swap3A_194, %swap3A_195, %swap3A_196] {strides = array<i32>} : memref<4x104x128xf32, #tpu.memory_space<vmem>>, vector<1x1x16xf32>,
      %swap3A_198 = vector.shape_cast %swap3A_197 : vector<1x1x16xf32> to vector<16xf32>
      %swap3A_199 = vector.shape_cast %broadcast_in_dim3A_113 : vector<16xf32> to vector<1x1x16xf32>
      tpu.vector_store %arg6[%swap3A_194, %swap3A_195, %swap3A_196], %swap3A_199 {strides = array<i32>} : memref<4x104x128xf32, #tpu.memory_space<vmem>>, vector<1x1x16xf32>,
      %swap3A_200 = arith.constant 3 : i32
      %swap3A_201 = arith.index_cast %swap3A_200 : i32 to index
      %swap3A_202 = arith.index_cast %add3A_158 : i32 to index
      %swap3A_203 = arith.constant 96 : index
      %swap3A_204 = tpu.vector_load %arg6[%swap3A_201, %swap3A_202, %swap3A_203] {strides = array<i32>} : memref<4x104x128xf32, #tpu.memory_space<vmem>>, vector<1x1x16xf32>,
      %swap3A_205 = vector.shape_cast %swap3A_204 : vector<1x1x16xf32> to vector<16xf32>
      %swap3A_206 = vector.shape_cast %broadcast_in_dim3A_113 : vector<16xf32> to vector<1x1x16xf32>
      tpu.vector_store %arg6[%swap3A_201, %swap3A_202, %swap3A_203], %swap3A_206 {strides = array<i32>} : memref<4x104x128xf32, #tpu.memory_space<vmem>>, vector<1x1x16xf32>,
      %swap3A_207 = arith.constant 3 : i32
      %swap3A_208 = arith.index_cast %swap3A_207 : i32 to index
      %swap3A_209 = arith.index_cast %add3A_158 : i32 to index
      %swap3A_210 = arith.constant 112 : index
      %swap3A_211 = tpu.vector_load %arg6[%swap3A_208, %swap3A_209, %swap3A_210] {strides = array<i32>} : memref<4x104x128xf32, #tpu.memory_space<vmem>>, vector<1x1x16xf32>,
      %swap3A_212 = vector.shape_cast %swap3A_211 : vector<1x1x16xf32> to vector<16xf32>
      %swap3A_213 = vector.shape_cast %broadcast_in_dim3A_113 : vector<16xf32> to vector<1x1x16xf32>
      tpu.vector_store %arg6[%swap3A_208, %swap3A_209, %swap3A_210], %swap3A_213 {strides = array<i32>} : memref<4x104x128xf32, #tpu.memory_space<vmem>>, vector<1x1x16xf32>,
    }
    %scan3A_118 = arith.constant 104 : i32
    %multiple_of3A_119 = arith.constant 600 : i32
    %multiple_of3A_120 = tpu.assume_multiple %multiple_of3A_119, 8 : i32
    %add3A_121 = arith.constant 0 : i32
    %add3A_122 = arith.addi %multiple_of3A_120, %add3A_121 : i32
    %dma_start3A_123 = arith.constant 3 : i32
    %dma_start3A_124 = arith.constant 0 : i32
    %dma_start3A_125 = arith.constant 0 : i32
    %dma_start3A_126 = tpu.memref_slice %arg6[%dma_start3A_123, %dma_start3A_124, %dma_start3A_125] : memref<4x104x128xf32, #tpu.memory_space<vmem>> -> memref<1x104x128xf32, #tpu.memory_space<vmem>>
    %dma_start3A_127 = tpu.memref_squeeze %dma_start3A_126 : memref<1x104x128xf32, #tpu.memory_space<vmem>> -> memref<104x128xf32, #tpu.memory_space<vmem>>
    %dma_start3A_128 = arith.constant 0 : i32
    %dma_start3A_129 = arith.constant 0 : i32
    %dma_start3A_130 = tpu.memref_slice %dma_start3A_127[%dma_start3A_128, %dma_start3A_129] : memref<104x128xf32, #tpu.memory_space<vmem>> -> memref<104x128xf32, #tpu.memory_space<vmem>>
    %dma_start3A_131 = tpu.memref_slice %arg5[%add3A_122] : memref<25600xi32, #tpu.memory_space<vmem>> -> memref<104xi32, #tpu.memory_space<vmem>>
    %dma_start3A_132 = arith.constant 0 : i32
    %dma_start3A_133 = arith.constant 0 : i32
    %dma_start3A_134 = tpu.memref_slice %arg2[%dma_start3A_132, %dma_start3A_133] : memref<100000x128xf32, #tpu.memory_space<hbm>> -> memref<100000x128xf32, #tpu.memory_space<hbm>>
    tpu.enqueue_indirect_dma source(%dma_start3A_134 : memref<100000x128xf32, #tpu.memory_space<hbm>>) target(%dma_start3A_130 : memref<104x128xf32, #tpu.memory_space<vmem>>) offsets(%dma_start3A_131 : memref<104xi32, #tpu.memory_space<vmem>>) semaphore(%arg11 : memref<!tpu.dma_semaphore, #tpu.memory_space<semaphore_mem>>) {add = true}
    %add3A_135 = arith.constant 104 : i32
    %add3A_136 = arith.addi %multiple_of3A_120, %add3A_135 : i32
    %dma_start3A_137 = arith.constant 3 : i32
    %dma_start3A_138 = arith.constant 0 : i32
    %dma_start3A_139 = arith.constant 0 : i32
    %dma_start3A_140 = tpu.memref_slice %arg6[%dma_start3A_137, %dma_start3A_138, %dma_start3A_139] : memref<4x104x128xf32, #tpu.memory_space<vmem>> -> memref<1x104x128xf32, #tpu.memory_space<vmem>>
    %dma_start3A_141 = tpu.memref_squeeze %dma_start3A_140 : memref<1x104x128xf32, #tpu.memory_space<vmem>> -> memref<104x128xf32, #tpu.memory_space<vmem>>
    %dma_start3A_142 = arith.constant 0 : i32
    %dma_start3A_143 = arith.constant 0 : i32
    %dma_start3A_144 = tpu.memref_slice %dma_start3A_141[%dma_start3A_142, %dma_start3A_143] : memref<104x128xf32, #tpu.memory_space<vmem>> -> memref<96x128xf32, #tpu.memory_space<vmem>>
    %dma_start3A_145 = tpu.memref_slice %arg5[%add3A_136] : memref<25600xi32, #tpu.memory_space<vmem>> -> memref<96xi32, #tpu.memory_space<vmem>>
    %dma_start3A_146 = arith.constant 0 : i32
    %dma_start3A_147 = arith.constant 0 : i32
    %dma_start3A_148 = tpu.memref_slice %arg2[%dma_start3A_146, %dma_start3A_147] : memref<100000x128xf32, #tpu.memory_space<hbm>> -> memref<100000x128xf32, #tpu.memory_space<hbm>>
    tpu.enqueue_indirect_dma source(%dma_start3A_148 : memref<100000x128xf32, #tpu.memory_space<hbm>>) target(%dma_start3A_144 : memref<96x128xf32, #tpu.memory_space<vmem>>) offsets(%dma_start3A_145 : memref<96xi32, #tpu.memory_space<vmem>>) semaphore(%arg11 : memref<!tpu.dma_semaphore, #tpu.memory_space<semaphore_mem>>) {add = true}
    %scan3A_149 = arith.constant 0 : i32
    %scan3A_150 = arith.constant 32 : i32
    %scan3A_151 = arith.addi %scan3A_149, %scan3A_150 : i32
    %scan3A_152 = arith.constant 1 : i32
    scf.for %scan3A_154 = %scan3A_149 to %scan3A_151 step %scan3A_152  : i32 {
      %mul3A_155 = arith.constant 4 : i32
      %mul3A_156 = arith.muli %scan3A_154, %mul3A_155 : i32
      %add3A_157 = arith.constant 0 : i32
      %add3A_158 = arith.addi %add3A_157, %mul3A_156 : i32
      %add3A_159 = arith.constant 0 : i32
      %add3A_160 = arith.addi %add3A_158, %add3A_159 : i32
      %mul3A_161 = arith.constant 200 : i32
      %mul3A_162 = arith.muli %add3A_160, %mul3A_161 : i32
      %multiple_of3A_163 = tpu.assume_multiple %mul3A_162, 8 : i32
      %add3A_164 = arith.constant 0 : i32
      %add3A_165 = arith.addi %multiple_of3A_163, %add3A_164 : i32
      %dma_wait3A = arith.constant 0 : i32
      %dma_wait3A_166 = arith.constant 0 : i32
      %dma_wait3A_167 = arith.constant 0 : i32
      %dma_wait3A_168 = tpu.memref_slice %arg6[%dma_wait3A, %dma_wait3A_166, %dma_wait3A_167] : memref<4x104x128xf32, #tpu.memory_space<vmem>> -> memref<1x104x128xf32, #tpu.memory_space<vmem>>
      %dma_wait3A_169 = tpu.memref_squeeze %dma_wait3A_168 : memref<1x104x128xf32, #tpu.memory_space<vmem>> -> memref<104x128xf32, #tpu.memory_space<vmem>>
      %dma_wait3A_170 = arith.constant 0 : i32
      %dma_wait3A_171 = arith.constant 0 : i32
      %dma_wait3A_172 = tpu.memref_slice %dma_wait3A_169[%dma_wait3A_170, %dma_wait3A_171] : memref<104x128xf32, #tpu.memory_space<vmem>> -> memref<104x128xf32, #tpu.memory_space<vmem>>
      %dma_wait3A_173 = tpu.memref_slice %arg5[%add3A_165] : memref<25600xi32, #tpu.memory_space<vmem>> -> memref<104xi32, #tpu.memory_space<vmem>>
      %dma_wait3A_174 = arith.constant 0 : i32
      %dma_wait3A_175 = arith.constant 0 : i32
      %dma_wait3A_176 = tpu.memref_slice %arg2[%dma_wait3A_174, %dma_wait3A_175] : memref<100000x128xf32, #tpu.memory_space<hbm>> -> memref<100000x128xf32, #tpu.memory_space<hbm>>
      tpu.wait_indirect_dma semaphore(%arg8 : memref<!tpu.dma_semaphore, #tpu.memory_space<semaphore_mem>>) src(%dma_wait3A_176 : memref<100000x128xf32, #tpu.memory_space<hbm>>) dst(%dma_wait3A_172 : memref<104x128xf32, #tpu.memory_space<vmem>>)
      %add3A_177 = arith.constant 104 : i32
      %add3A_178 = arith.addi %multiple_of3A_163, %add3A_177 : i32
      %dma_wait3A_179 = arith.constant 0 : i32
      %dma_wait3A_180 = arith.constant 0 : i32
      %dma_wait3A_181 = arith.constant 0 : i32
      %dma_wait3A_182 = tpu.memref_slice %arg6[%dma_wait3A_179, %dma_wait3A_180, %dma_wait3A_181] : memref<4x104x128xf32, #tpu.memory_space<vmem>> -> memref<1x104x128xf32, #tpu.memory_space<vmem>>
      %dma_wait3A_183 = tpu.memref_squeeze %dma_wait3A_182 : memref<1x104x128xf32, #tpu.memory_space<vmem>> -> memref<104x128xf32, #tpu.memory_space<vmem>>
      %dma_wait3A_184 = arith.constant 0 : i32
      %dma_wait3A_185 = arith.constant 0 : i32
      %dma_wait3A_186 = tpu.memref_slice %dma_wait3A_183[%dma_wait3A_184, %dma_wait3A_185] : memref<104x128xf32, #tpu.memory_space<vmem>> -> memref<96x128xf32, #tpu.memory_space<vmem>>
      %dma_wait3A_187 = tpu.memref_slice %arg5[%add3A_178] : memref<25600xi32, #tpu.memory_space<vmem>> -> memref<96xi32, #tpu.memory_space<vmem>>
      %dma_wait3A_188 = arith.constant 0 : i32
      %dma_wait3A_189 = arith.constant 0 : i32
      %dma_wait3A_190 = tpu.memref_slice %arg2[%dma_wait3A_188, %dma_wait3A_189] : memref<100000x128xf32, #tpu.memory_space<hbm>> -> memref<100000x128xf32, #tpu.memory_space<hbm>>
      tpu.wait_indirect_dma semaphore(%arg8 : memref<!tpu.dma_semaphore, #tpu.memory_space<semaphore_mem>>) src(%dma_wait3A_190 : memref<100000x128xf32, #tpu.memory_space<hbm>>) dst(%dma_wait3A_186 : memref<96x128xf32, #tpu.memory_space<vmem>>)
      %get3A = arith.constant 0 : i32
      %get3A_191 = arith.constant 0 : i32
      %get3A_192 = arith.constant 0 : i32
      %get3A_193 = arith.constant 0 : i32
      %get3A_194 = tpu.memref_slice %arg6[%get3A, %get3A_192, %get3A_193] : memref<4x104x128xf32, #tpu.memory_space<vmem>> -> memref<1x104x128xf32, #tpu.memory_space<vmem>>
      %get3A_195 = tpu.memref_squeeze %get3A_194 : memref<1x104x128xf32, #tpu.memory_space<vmem>> -> memref<104x128xf32, #tpu.memory_space<vmem>>
      %get3A_196 = arith.index_cast %get3A_191 : i32 to index
      %get3A_197 = arith.constant 0 : index
      %get3A_198 = tpu.vector_load %get3A_195[%get3A_196, %get3A_197] {strides = array<i32>} : memref<104x128xf32, #tpu.memory_space<vmem>>, vector<1x16xf32>,
      %get3A_199 = vector.shape_cast %get3A_198 : vector<1x16xf32> to vector<16xf32>
      %get3A_200 = arith.constant 0 : i32
      %get3A_201 = arith.constant 0 : i32
      %get3A_202 = arith.constant 0 : i32
      %get3A_203 = arith.constant 0 : i32
      %get3A_204 = tpu.memref_slice %arg6[%get3A_200, %get3A_202, %get3A_203] : memref<4x104x128xf32, #tpu.memory_space<vmem>> -> memref<1x104x128xf32, #tpu.memory_space<vmem>>
      %get3A_205 = tpu.memref_squeeze %get3A_204 : memref<1x104x128xf32, #tpu.memory_space<vmem>> -> memref<104x128xf32, #tpu.memory_space<vmem>>
      %get3A_206 = arith.index_cast %get3A_201 : i32 to index
      %get3A_207 = arith.constant 16 : index
      %get3A_208 = tpu.vector_load %get3A_205[%get3A_206, %get3A_207] {strides = array<i32>} : memref<104x128xf32, #tpu.memory_space<vmem>>, vector<1x16xf32>,
      %get3A_209 = vector.shape_cast %get3A_208 : vector<1x16xf32> to vector<16xf32>
      %get3A_210 = arith.constant 0 : i32
      %get3A_211 = arith.constant 0 : i32
      %get3A_212 = arith.constant 0 : i32
      %get3A_213 = arith.constant 0 : i32
      %get3A_214 = tpu.memref_slice %arg6[%get3A_210, %get3A_212, %get3A_213] : memref<4x104x128xf32, #tpu.memory_space<vmem>> -> memref<1x104x128xf32, #tpu.memory_space<vmem>>
      %get3A_215 = tpu.memref_squeeze %get3A_214 : memref<1x104x128xf32, #tpu.memory_space<vmem>> -> memref<104x128xf32, #tpu.memory_space<vmem>>
      %get3A_216 = arith.index_cast %get3A_211 : i32 to index
      %get3A_217 = arith.constant 32 : index
      %get3A_218 = tpu.vector_load %get3A_215[%get3A_216, %get3A_217] {strides = array<i32>} : memref<104x128xf32, #tpu.memory_space<vmem>>, vector<1x16xf32>,
      %get3A_219 = vector.shape_cast %get3A_218 : vector<1x16xf32> to vector<16xf32>
      %get3A_220 = arith.constant 0 : i32
      %get3A_221 = arith.constant 0 : i32
      %get3A_222 = arith.constant 0 : i32
      %get3A_223 = arith.constant 0 : i32
      %get3A_224 = tpu.memref_slice %arg6[%get3A_220, %get3A_222, %get3A_223] : memref<4x104x128xf32, #tpu.memory_space<vmem>> -> memref<1x104x128xf32, #tpu.memory_space<vmem>>
      %get3A_225 = tpu.memref_squeeze %get3A_224 : memref<1x104x128xf32, #tpu.memory_space<vmem>> -> memref<104x128xf32, #tpu.memory_space<vmem>>
      %get3A_226 = arith.index_cast %get3A_221 : i32 to index
      %get3A_227 = arith.constant 48 : index
      %get3A_228 = tpu.vector_load %get3A_225[%get3A_226, %get3A_227] {strides = array<i32>} : memref<104x128xf32, #tpu.memory_space<vmem>>, vector<1x16xf32>,
      %get3A_229 = vector.shape_cast %get3A_228 : vector<1x16xf32> to vector<16xf32>
      %get3A_230 = arith.constant 0 : i32
      %get3A_231 = arith.constant 0 : i32
      %get3A_232 = arith.constant 0 : i32
      %get3A_233 = arith.constant 0 : i32
      %get3A_234 = tpu.memref_slice %arg6[%get3A_230, %get3A_232, %get3A_233] : memref<4x104x128xf32, #tpu.memory_space<vmem>> -> memref<1x104x128xf32, #tpu.memory_space<vmem>>
      %get3A_235 = tpu.memref_squeeze %get3A_234 : memref<1x104x128xf32, #tpu.memory_space<vmem>> -> memref<104x128xf32, #tpu.memory_space<vmem>>
      %get3A_236 = arith.index_cast %get3A_231 : i32 to index
      %get3A_237 = arith.constant 64 : index
      %get3A_238 = tpu.vector_load %get3A_235[%get3A_236, %get3A_237] {strides = array<i32>} : memref<104x128xf32, #tpu.memory_space<vmem>>, vector<1x16xf32>,
      %get3A_239 = vector.shape_cast %get3A_238 : vector<1x16xf32> to vector<16xf32>
      %get3A_240 = arith.constant 0 : i32
      %get3A_241 = arith.constant 0 : i32
      %get3A_242 = arith.constant 0 : i32
      %get3A_243 = arith.constant 0 : i32
      %get3A_244 = tpu.memref_slice %arg6[%get3A_240, %get3A_242, %get3A_243] : memref<4x104x128xf32, #tpu.memory_space<vmem>> -> memref<1x104x128xf32, #tpu.memory_space<vmem>>
      %get3A_245 = tpu.memref_squeeze %get3A_244 : memref<1x104x128xf32, #tpu.memory_space<vmem>> -> memref<104x128xf32, #tpu.memory_space<vmem>>
      %get3A_246 = arith.index_cast %get3A_241 : i32 to index
      %get3A_247 = arith.constant 80 : index
      %get3A_248 = tpu.vector_load %get3A_245[%get3A_246, %get3A_247] {strides = array<i32>} : memref<104x128xf32, #tpu.memory_space<vmem>>, vector<1x16xf32>,
      %get3A_249 = vector.shape_cast %get3A_248 : vector<1x16xf32> to vector<16xf32>
      %get3A_250 = arith.constant 0 : i32
      %get3A_251 = arith.constant 0 : i32
      %get3A_252 = arith.constant 0 : i32
      %get3A_253 = arith.constant 0 : i32
      %get3A_254 = tpu.memref_slice %arg6[%get3A_250, %get3A_252, %get3A_253] : memref<4x104x128xf32, #tpu.memory_space<vmem>> -> memref<1x104x128xf32, #tpu.memory_space<vmem>>
      %get3A_255 = tpu.memref_squeeze %get3A_254 : memref<1x104x128xf32, #tpu.memory_space<vmem>> -> memref<104x128xf32, #tpu.memory_space<vmem>>
      %get3A_256 = arith.index_cast %get3A_251 : i32 to index
      %get3A_257 = arith.constant 96 : index
      %get3A_258 = tpu.vector_load %get3A_255[%get3A_256, %get3A_257] {strides = array<i32>} : memref<104x128xf32, #tpu.memory_space<vmem>>, vector<1x16xf32>,
      %get3A_259 = vector.shape_cast %get3A_258 : vector<1x16xf32> to vector<16xf32>
      %get3A_260 = arith.constant 0 : i32
      %get3A_261 = arith.constant 0 : i32
      %get3A_262 = arith.constant 0 : i32
      %get3A_263 = arith.constant 0 : i32
      %get3A_264 = tpu.memref_slice %arg6[%get3A_260, %get3A_262, %get3A_263] : memref<4x104x128xf32, #tpu.memory_space<vmem>> -> memref<1x104x128xf32, #tpu.memory_space<vmem>>
      %get3A_265 = tpu.memref_squeeze %get3A_264 : memref<1x104x128xf32, #tpu.memory_space<vmem>> -> memref<104x128xf32, #tpu.memory_space<vmem>>
      %get3A_266 = arith.index_cast %get3A_261 : i32 to index
      %get3A_267 = arith.constant 112 : index
      %get3A_268 = tpu.vector_load %get3A_265[%get3A_266, %get3A_267] {strides = array<i32>} : memref<104x128xf32, #tpu.memory_space<vmem>>, vector<1x16xf32>,
      %get3A_269 = vector.shape_cast %get3A_268 : vector<1x16xf32> to vector<16xf32>
      %scan3A_270 = arith.constant 0 : i32
      %scan3A_271 = arith.constant 1 : i32
      %scan3A_272 = arith.constant 100 : i32
      %scan3A_273 = arith.addi %scan3A_271, %scan3A_272 : i32
      %scan3A_274 = arith.constant 4 : i32
      %scan3A_275:8 = scf.for %scan3A_1833 = %scan3A_271 to %scan3A_273 step %scan3A_274 iter_args(%scan3A_1834 = %get3A_199, %scan3A_1835 = %get3A_209, %scan3A_1836 = %get3A_219, %scan3A_1837 = %get3A_229, %scan3A_1838 = %get3A_239, %scan3A_1839 = %get3A_249, %scan3A_1840 = %get3A_259, %scan3A_1841 = %get3A_269) -> (vector<16xf32>, vector<16xf32>, vector<16xf32>, vector<16xf32>, vector<16xf32>, vector<16xf32>, vector<16xf32>, vector<16xf32>)  : i32 {
        %get3A_1842 = arith.constant 0 : i32
        %get3A_1843 = arith.constant 0 : i32
        %get3A_1844 = tpu.memref_slice %arg6[%scan3A_270, %get3A_1842, %get3A_1843] : memref<4x104x128xf32, #tpu.memory_space<vmem>> -> memref<1x104x128xf32, #tpu.memory_space<vmem>>
        %get3A_1845 = tpu.memref_squeeze %get3A_1844 : memref<1x104x128xf32, #tpu.memory_space<vmem>> -> memref<104x128xf32, #tpu.memory_space<vmem>>
        %get3A_1846 = arith.index_cast %scan3A_1833 : i32 to index
        %get3A_1847 = arith.constant 0 : index
        %get3A_1848 = tpu.vector_load %get3A_1845[%get3A_1846, %get3A_1847] {strides = array<i32>} : memref<104x128xf32, #tpu.memory_space<vmem>>, vector<1x16xf32>,
        %get3A_1849 = vector.shape_cast %get3A_1848 : vector<1x16xf32> to vector<16xf32>
        %add3A_1850 = arith.addf %scan3A_1834, %get3A_1849 : vector<16xf32>
        %get3A_1851 = arith.constant 0 : i32
        %get3A_1852 = arith.constant 0 : i32
        %get3A_1853 = tpu.memref_slice %arg6[%scan3A_270, %get3A_1851, %get3A_1852] : memref<4x104x128xf32, #tpu.memory_space<vmem>> -> memref<1x104x128xf32, #tpu.memory_space<vmem>>
        %get3A_1854 = tpu.memref_squeeze %get3A_1853 : memref<1x104x128xf32, #tpu.memory_space<vmem>> -> memref<104x128xf32, #tpu.memory_space<vmem>>
        %get3A_1855 = arith.index_cast %scan3A_1833 : i32 to index
        %get3A_1856 = arith.constant 16 : index
        %get3A_1857 = tpu.vector_load %get3A_1854[%get3A_1855, %get3A_1856] {strides = array<i32>} : memref<104x128xf32, #tpu.memory_space<vmem>>, vector<1x16xf32>,
        %get3A_1858 = vector.shape_cast %get3A_1857 : vector<1x16xf32> to vector<16xf32>
        %add3A_1859 = arith.addf %scan3A_1835, %get3A_1858 : vector<16xf32>
        %get3A_1860 = arith.constant 0 : i32
        %get3A_1861 = arith.constant 0 : i32
        %get3A_1862 = tpu.memref_slice %arg6[%scan3A_270, %get3A_1860, %get3A_1861] : memref<4x104x128xf32, #tpu.memory_space<vmem>> -> memref<1x104x128xf32, #tpu.memory_space<vmem>>
        %get3A_1863 = tpu.memref_squeeze %get3A_1862 : memref<1x104x128xf32, #tpu.memory_space<vmem>> -> memref<104x128xf32, #tpu.memory_space<vmem>>
        %get3A_1864 = arith.index_cast %scan3A_1833 : i32 to index
        %get3A_1865 = arith.constant 32 : index
        %get3A_1866 = tpu.vector_load %get3A_1863[%get3A_1864, %get3A_1865] {strides = array<i32>} : memref<104x128xf32, #tpu.memory_space<vmem>>, vector<1x16xf32>,
        %get3A_1867 = vector.shape_cast %get3A_1866 : vector<1x16xf32> to vector<16xf32>
        %add3A_1868 = arith.addf %scan3A_1836, %get3A_1867 : vector<16xf32>
        %get3A_1869 = arith.constant 0 : i32
        %get3A_1870 = arith.constant 0 : i32
        %get3A_1871 = tpu.memref_slice %arg6[%scan3A_270, %get3A_1869, %get3A_1870] : memref<4x104x128xf32, #tpu.memory_space<vmem>> -> memref<1x104x128xf32, #tpu.memory_space<vmem>>
        %get3A_1872 = tpu.memref_squeeze %get3A_1871 : memref<1x104x128xf32, #tpu.memory_space<vmem>> -> memref<104x128xf32, #tpu.memory_space<vmem>>
        %get3A_1873 = arith.index_cast %scan3A_1833 : i32 to index
        %get3A_1874 = arith.constant 48 : index
        %get3A_1875 = tpu.vector_load %get3A_1872[%get3A_1873, %get3A_1874] {strides = array<i32>} : memref<104x128xf32, #tpu.memory_space<vmem>>, vector<1x16xf32>,
        %get3A_1876 = vector.shape_cast %get3A_1875 : vector<1x16xf32> to vector<16xf32>
        %add3A_1877 = arith.addf %scan3A_1837, %get3A_1876 : vector<16xf32>
        %get3A_1878 = arith.constant 0 : i32
        %get3A_1879 = arith.constant 0 : i32
        %get3A_1880 = tpu.memref_slice %arg6[%scan3A_270, %get3A_1878, %get3A_1879] : memref<4x104x128xf32, #tpu.memory_space<vmem>> -> memref<1x104x128xf32, #tpu.memory_space<vmem>>
        %get3A_1881 = tpu.memref_squeeze %get3A_1880 : memref<1x104x128xf32, #tpu.memory_space<vmem>> -> memref<104x128xf32, #tpu.memory_space<vmem>>
        %get3A_1882 = arith.index_cast %scan3A_1833 : i32 to index
        %get3A_1883 = arith.constant 64 : index
        %get3A_1884 = tpu.vector_load %get3A_1881[%get3A_1882, %get3A_1883] {strides = array<i32>} : memref<104x128xf32, #tpu.memory_space<vmem>>, vector<1x16xf32>,
        %get3A_1885 = vector.shape_cast %get3A_1884 : vector<1x16xf32> to vector<16xf32>
        %add3A_1886 = arith.addf %scan3A_1838, %get3A_1885 : vector<16xf32>
        %get3A_1887 = arith.constant 0 : i32
        %get3A_1888 = arith.constant 0 : i32
        %get3A_1889 = tpu.memref_slice %arg6[%scan3A_270, %get3A_1887, %get3A_1888] : memref<4x104x128xf32, #tpu.memory_space<vmem>> -> memref<1x104x128xf32, #tpu.memory_space<vmem>>
        %get3A_1890 = tpu.memref_squeeze %get3A_1889 : memref<1x104x128xf32, #tpu.memory_space<vmem>> -> memref<104x128xf32, #tpu.memory_space<vmem>>
        %get3A_1891 = arith.index_cast %scan3A_1833 : i32 to index
        %get3A_1892 = arith.constant 80 : index
        %get3A_1893 = tpu.vector_load %get3A_1890[%get3A_1891, %get3A_1892] {strides = array<i32>} : memref<104x128xf32, #tpu.memory_space<vmem>>, vector<1x16xf32>,
        %get3A_1894 = vector.shape_cast %get3A_1893 : vector<1x16xf32> to vector<16xf32>
        %add3A_1895 = arith.addf %scan3A_1839, %get3A_1894 : vector<16xf32>
        %get3A_1896 = arith.constant 0 : i32
        %get3A_1897 = arith.constant 0 : i32
        %get3A_1898 = tpu.memref_slice %arg6[%scan3A_270, %get3A_1896, %get3A_1897] : memref<4x104x128xf32, #tpu.memory_space<vmem>> -> memref<1x104x128xf32, #tpu.memory_space<vmem>>
        %get3A_1899 = tpu.memref_squeeze %get3A_1898 : memref<1x104x128xf32, #tpu.memory_space<vmem>> -> memref<104x128xf32, #tpu.memory_space<vmem>>
        %get3A_1900 = arith.index_cast %scan3A_1833 : i32 to index
        %get3A_1901 = arith.constant 96 : index
        %get3A_1902 = tpu.vector_load %get3A_1899[%get3A_1900, %get3A_1901] {strides = array<i32>} : memref<104x128xf32, #tpu.memory_space<vmem>>, vector<1x16xf32>,
        %get3A_1903 = vector.shape_cast %get3A_1902 : vector<1x16xf32> to vector<16xf32>
        %add3A_1904 = arith.addf %scan3A_1840, %get3A_1903 : vector<16xf32>
        %get3A_1905 = arith.constant 0 : i32
        %get3A_1906 = arith.constant 0 : i32
        %get3A_1907 = tpu.memref_slice %arg6[%scan3A_270, %get3A_1905, %get3A_1906] : memref<4x104x128xf32, #tpu.memory_space<vmem>> -> memref<1x104x128xf32, #tpu.memory_space<vmem>>
        %get3A_1908 = tpu.memref_squeeze %get3A_1907 : memref<1x104x128xf32, #tpu.memory_space<vmem>> -> memref<104x128xf32, #tpu.memory_space<vmem>>
        %get3A_1909 = arith.index_cast %scan3A_1833 : i32 to index
        %get3A_1910 = arith.constant 112 : index
        %get3A_1911 = tpu.vector_load %get3A_1908[%get3A_1909, %get3A_1910] {strides = array<i32>} : memref<104x128xf32, #tpu.memory_space<vmem>>, vector<1x16xf32>,
        %get3A_1912 = vector.shape_cast %get3A_1911 : vector<1x16xf32> to vector<16xf32>
        %add3A_1913 = arith.addf %scan3A_1841, %get3A_1912 : vector<16xf32>
        %scan3A_1914 = arith.constant 1 : i32
        %scan3A_1915 = arith.addi %scan3A_1833, %scan3A_1914 : i32
        %get3A_1916 = arith.constant 0 : i32
        %get3A_1917 = arith.constant 0 : i32
        %get3A_1918 = tpu.memref_slice %arg6[%scan3A_270, %get3A_1916, %get3A_1917] : memref<4x104x128xf32, #tpu.memory_space<vmem>> -> memref<1x104x128xf32, #tpu.memory_space<vmem>>
        %get3A_1919 = tpu.memref_squeeze %get3A_1918 : memref<1x104x128xf32, #tpu.memory_space<vmem>> -> memref<104x128xf32, #tpu.memory_space<vmem>>
        %get3A_1920 = arith.index_cast %scan3A_1915 : i32 to index
        %get3A_1921 = arith.constant 0 : index
        %get3A_1922 = tpu.vector_load %get3A_1919[%get3A_1920, %get3A_1921] {strides = array<i32>} : memref<104x128xf32, #tpu.memory_space<vmem>>, vector<1x16xf32>,
        %get3A_1923 = vector.shape_cast %get3A_1922 : vector<1x16xf32> to vector<16xf32>
        %add3A_1924 = arith.addf %add3A_1850, %get3A_1923 : vector<16xf32>
        %get3A_1925 = arith.constant 0 : i32
        %get3A_1926 = arith.constant 0 : i32
        %get3A_1927 = tpu.memref_slice %arg6[%scan3A_270, %get3A_1925, %get3A_1926] : memref<4x104x128xf32, #tpu.memory_space<vmem>> -> memref<1x104x128xf32, #tpu.memory_space<vmem>>
        %get3A_1928 = tpu.memref_squeeze %get3A_1927 : memref<1x104x128xf32, #tpu.memory_space<vmem>> -> memref<104x128xf32, #tpu.memory_space<vmem>>
        %get3A_1929 = arith.index_cast %scan3A_1915 : i32 to index
        %get3A_1930 = arith.constant 16 : index
        %get3A_1931 = tpu.vector_load %get3A_1928[%get3A_1929, %get3A_1930] {strides = array<i32>} : memref<104x128xf32, #tpu.memory_space<vmem>>, vector<1x16xf32>,
        %get3A_1932 = vector.shape_cast %get3A_1931 : vector<1x16xf32> to vector<16xf32>
        %add3A_1933 = arith.addf %add3A_1859, %get3A_1932 : vector<16xf32>
        %get3A_1934 = arith.constant 0 : i32
        %get3A_1935 = arith.constant 0 : i32
        %get3A_1936 = tpu.memref_slice %arg6[%scan3A_270, %get3A_1934, %get3A_1935] : memref<4x104x128xf32, #tpu.memory_space<vmem>> -> memref<1x104x128xf32, #tpu.memory_space<vmem>>
        %get3A_1937 = tpu.memref_squeeze %get3A_1936 : memref<1x104x128xf32, #tpu.memory_space<vmem>> -> memref<104x128xf32, #tpu.memory_space<vmem>>
        %get3A_1938 = arith.index_cast %scan3A_1915 : i32 to index
        %get3A_1939 = arith.constant 32 : index
        %get3A_1940 = tpu.vector_load %get3A_1937[%get3A_1938, %get3A_1939] {strides = array<i32>} : memref<104x128xf32, #tpu.memory_space<vmem>>, vector<1x16xf32>,
        %get3A_1941 = vector.shape_cast %get3A_1940 : vector<1x16xf32> to vector<16xf32>
        %add3A_1942 = arith.addf %add3A_1868, %get3A_1941 : vector<16xf32>
        %get3A_1943 = arith.constant 0 : i32
        %get3A_1944 = arith.constant 0 : i32
        %get3A_1945 = tpu.memref_slice %arg6[%scan3A_270, %get3A_1943, %get3A_1944] : memref<4x104x128xf32, #tpu.memory_space<vmem>> -> memref<1x104x128xf32, #tpu.memory_space<vmem>>
        %get3A_1946 = tpu.memref_squeeze %get3A_1945 : memref<1x104x128xf32, #tpu.memory_space<vmem>> -> memref<104x128xf32, #tpu.memory_space<vmem>>
        %get3A_1947 = arith.index_cast %scan3A_1915 : i32 to index
        %get3A_1948 = arith.constant 48 : index
        %get3A_1949 = tpu.vector_load %get3A_1946[%get3A_1947, %get3A_1948] {strides = array<i32>} : memref<104x128xf32, #tpu.memory_space<vmem>>, vector<1x16xf32>,
        %get3A_1950 = vector.shape_cast %get3A_1949 : vector<1x16xf32> to vector<16xf32>
        %add3A_1951 = arith.addf %add3A_1877, %get3A_1950 : vector<16xf32>
        %get3A_1952 = arith.constant 0 : i32
        %get3A_1953 = arith.constant 0 : i32
        %get3A_1954 = tpu.memref_slice %arg6[%scan3A_270, %get3A_1952, %get3A_1953] : memref<4x104x128xf32, #tpu.memory_space<vmem>> -> memref<1x104x128xf32, #tpu.memory_space<vmem>>
        %get3A_1955 = tpu.memref_squeeze %get3A_1954 : memref<1x104x128xf32, #tpu.memory_space<vmem>> -> memref<104x128xf32, #tpu.memory_space<vmem>>
        %get3A_1956 = arith.index_cast %scan3A_1915 : i32 to index
        %get3A_1957 = arith.constant 64 : index
        %get3A_1958 = tpu.vector_load %get3A_1955[%get3A_1956, %get3A_1957] {strides = array<i32>} : memref<104x128xf32, #tpu.memory_space<vmem>>, vector<1x16xf32>,
        %get3A_1959 = vector.shape_cast %get3A_1958 : vector<1x16xf32> to vector<16xf32>
        %add3A_1960 = arith.addf %add3A_1886, %get3A_1959 : vector<16xf32>
        %get3A_1961 = arith.constant 0 : i32
        %get3A_1962 = arith.constant 0 : i32
        %get3A_1963 = tpu.memref_slice %arg6[%scan3A_270, %get3A_1961, %get3A_1962] : memref<4x104x128xf32, #tpu.memory_space<vmem>> -> memref<1x104x128xf32, #tpu.memory_space<vmem>>
        %get3A_1964 = tpu.memref_squeeze %get3A_1963 : memref<1x104x128xf32, #tpu.memory_space<vmem>> -> memref<104x128xf32, #tpu.memory_space<vmem>>
        %get3A_1965 = arith.index_cast %scan3A_1915 : i32 to index
        %get3A_1966 = arith.constant 80 : index
        %get3A_1967 = tpu.vector_load %get3A_1964[%get3A_1965, %get3A_1966] {strides = array<i32>} : memref<104x128xf32, #tpu.memory_space<vmem>>, vector<1x16xf32>,
        %get3A_1968 = vector.shape_cast %get3A_1967 : vector<1x16xf32> to vector<16xf32>
        %add3A_1969 = arith.addf %add3A_1895, %get3A_1968 : vector<16xf32>
        %get3A_1970 = arith.constant 0 : i32
        %get3A_1971 = arith.constant 0 : i32
        %get3A_1972 = tpu.memref_slice %arg6[%scan3A_270, %get3A_1970, %get3A_1971] : memref<4x104x128xf32, #tpu.memory_space<vmem>> -> memref<1x104x128xf32, #tpu.memory_space<vmem>>
        %get3A_1973 = tpu.memref_squeeze %get3A_1972 : memref<1x104x128xf32, #tpu.memory_space<vmem>> -> memref<104x128xf32, #tpu.memory_space<vmem>>
        %get3A_1974 = arith.index_cast %scan3A_1915 : i32 to index
        %get3A_1975 = arith.constant 96 : index
        %get3A_1976 = tpu.vector_load %get3A_1973[%get3A_1974, %get3A_1975] {strides = array<i32>} : memref<104x128xf32, #tpu.memory_space<vmem>>, vector<1x16xf32>,
        %get3A_1977 = vector.shape_cast %get3A_1976 : vector<1x16xf32> to vector<16xf32>
        %add3A_1978 = arith.addf %add3A_1904, %get3A_1977 : vector<16xf32>
        %get3A_1979 = arith.constant 0 : i32
        %get3A_1980 = arith.constant 0 : i32
        %get3A_1981 = tpu.memref_slice %arg6[%scan3A_270, %get3A_1979, %get3A_1980] : memref<4x104x128xf32, #tpu.memory_space<vmem>> -> memref<1x104x128xf32, #tpu.memory_space<vmem>>
        %get3A_1982 = tpu.memref_squeeze %get3A_1981 : memref<1x104x128xf32, #tpu.memory_space<vmem>> -> memref<104x128xf32, #tpu.memory_space<vmem>>
        %get3A_1983 = arith.index_cast %scan3A_1915 : i32 to index
        %get3A_1984 = arith.constant 112 : index
        %get3A_1985 = tpu.vector_load %get3A_1982[%get3A_1983, %get3A_1984] {strides = array<i32>} : memref<104x128xf32, #tpu.memory_space<vmem>>, vector<1x16xf32>,
        %get3A_1986 = vector.shape_cast %get3A_1985 : vector<1x16xf32> to vector<16xf32>
        %add3A_1987 = arith.addf %add3A_1913, %get3A_1986 : vector<16xf32>
        %scan3A_1988 = arith.constant 2 : i32
        %scan3A_1989 = arith.addi %scan3A_1833, %scan3A_1988 : i32
        %get3A_1990 = arith.constant 0 : i32
        %get3A_1991 = arith.constant 0 : i32
        %get3A_1992 = tpu.memref_slice %arg6[%scan3A_270, %get3A_1990, %get3A_1991] : memref<4x104x128xf32, #tpu.memory_space<vmem>> -> memref<1x104x128xf32, #tpu.memory_space<vmem>>
        %get3A_1993 = tpu.memref_squeeze %get3A_1992 : memref<1x104x128xf32, #tpu.memory_space<vmem>> -> memref<104x128xf32, #tpu.memory_space<vmem>>
        %get3A_1994 = arith.index_cast %scan3A_1989 : i32 to index
        %get3A_1995 = arith.constant 0 : index
        %get3A_1996 = tpu.vector_load %get3A_1993[%get3A_1994, %get3A_1995] {strides = array<i32>} : memref<104x128xf32, #tpu.memory_space<vmem>>, vector<1x16xf32>,
        %get3A_1997 = vector.shape_cast %get3A_1996 : vector<1x16xf32> to vector<16xf32>
        %add3A_1998 = arith.addf %add3A_1924, %get3A_1997 : vector<16xf32>
        %get3A_1999 = arith.constant 0 : i32
        %get3A_2000 = arith.constant 0 : i32
        %get3A_2001 = tpu.memref_slice %arg6[%scan3A_270, %get3A_1999, %get3A_2000] : memref<4x104x128xf32, #tpu.memory_space<vmem>> -> memref<1x104x128xf32, #tpu.memory_space<vmem>>
        %get3A_2002 = tpu.memref_squeeze %get3A_2001 : memref<1x104x128xf32, #tpu.memory_space<vmem>> -> memref<104x128xf32, #tpu.memory_space<vmem>>
        %get3A_2003 = arith.index_cast %scan3A_1989 : i32 to index
        %get3A_2004 = arith.constant 16 : index
        %get3A_2005 = tpu.vector_load %get3A_2002[%get3A_2003, %get3A_2004] {strides = array<i32>} : memref<104x128xf32, #tpu.memory_space<vmem>>, vector<1x16xf32>,
        %get3A_2006 = vector.shape_cast %get3A_2005 : vector<1x16xf32> to vector<16xf32>
        %add3A_2007 = arith.addf %add3A_1933, %get3A_2006 : vector<16xf32>
        %get3A_2008 = arith.constant 0 : i32
        %get3A_2009 = arith.constant 0 : i32
        %get3A_2010 = tpu.memref_slice %arg6[%scan3A_270, %get3A_2008, %get3A_2009] : memref<4x104x128xf32, #tpu.memory_space<vmem>> -> memref<1x104x128xf32, #tpu.memory_space<vmem>>
        %get3A_2011 = tpu.memref_squeeze %get3A_2010 : memref<1x104x128xf32, #tpu.memory_space<vmem>> -> memref<104x128xf32, #tpu.memory_space<vmem>>
        %get3A_2012 = arith.index_cast %scan3A_1989 : i32 to index
        %get3A_2013 = arith.constant 32 : index
        %get3A_2014 = tpu.vector_load %get3A_2011[%get3A_2012, %get3A_2013] {strides = array<i32>} : memref<104x128xf32, #tpu.memory_space<vmem>>, vector<1x16xf32>,
        %get3A_2015 = vector.shape_cast %get3A_2014 : vector<1x16xf32> to vector<16xf32>
        %add3A_2016 = arith.addf %add3A_1942, %get3A_2015 : vector<16xf32>
        %get3A_2017 = arith.constant 0 : i32
        %get3A_2018 = arith.constant 0 : i32
        %get3A_2019 = tpu.memref_slice %arg6[%scan3A_270, %get3A_2017, %get3A_2018] : memref<4x104x128xf32, #tpu.memory_space<vmem>> -> memref<1x104x128xf32, #tpu.memory_space<vmem>>
        %get3A_2020 = tpu.memref_squeeze %get3A_2019 : memref<1x104x128xf32, #tpu.memory_space<vmem>> -> memref<104x128xf32, #tpu.memory_space<vmem>>
        %get3A_2021 = arith.index_cast %scan3A_1989 : i32 to index
        %get3A_2022 = arith.constant 48 : index
        %get3A_2023 = tpu.vector_load %get3A_2020[%get3A_2021, %get3A_2022] {strides = array<i32>} : memref<104x128xf32, #tpu.memory_space<vmem>>, vector<1x16xf32>,
        %get3A_2024 = vector.shape_cast %get3A_2023 : vector<1x16xf32> to vector<16xf32>
        %add3A_2025 = arith.addf %add3A_1951, %get3A_2024 : vector<16xf32>
        %get3A_2026 = arith.constant 0 : i32
        %get3A_2027 = arith.constant 0 : i32
        %get3A_2028 = tpu.memref_slice %arg6[%scan3A_270, %get3A_2026, %get3A_2027] : memref<4x104x128xf32, #tpu.memory_space<vmem>> -> memref<1x104x128xf32, #tpu.memory_space<vmem>>
        %get3A_2029 = tpu.memref_squeeze %get3A_2028 : memref<1x104x128xf32, #tpu.memory_space<vmem>> -> memref<104x128xf32, #tpu.memory_space<vmem>>
        %get3A_2030 = arith.index_cast %scan3A_1989 : i32 to index
        %get3A_2031 = arith.constant 64 : index
        %get3A_2032 = tpu.vector_load %get3A_2029[%get3A_2030, %get3A_2031] {strides = array<i32>} : memref<104x128xf32, #tpu.memory_space<vmem>>, vector<1x16xf32>,
        %get3A_2033 = vector.shape_cast %get3A_2032 : vector<1x16xf32> to vector<16xf32>
        %add3A_2034 = arith.addf %add3A_1960, %get3A_2033 : vector<16xf32>
        %get3A_2035 = arith.constant 0 : i32
        %get3A_2036 = arith.constant 0 : i32
        %get3A_2037 = tpu.memref_slice %arg6[%scan3A_270, %get3A_2035, %get3A_2036] : memref<4x104x128xf32, #tpu.memory_space<vmem>> -> memref<1x104x128xf32, #tpu.memory_space<vmem>>
        %get3A_2038 = tpu.memref_squeeze %get3A_2037 : memref<1x104x128xf32, #tpu.memory_space<vmem>> -> memref<104x128xf32, #tpu.memory_space<vmem>>
        %get3A_2039 = arith.index_cast %scan3A_1989 : i32 to index
        %get3A_2040 = arith.constant 80 : index
        %get3A_2041 = tpu.vector_load %get3A_2038[%get3A_2039, %get3A_2040] {strides = array<i32>} : memref<104x128xf32, #tpu.memory_space<vmem>>, vector<1x16xf32>,
        %get3A_2042 = vector.shape_cast %get3A_2041 : vector<1x16xf32> to vector<16xf32>
        %add3A_2043 = arith.addf %add3A_1969, %get3A_2042 : vector<16xf32>
        %get3A_2044 = arith.constant 0 : i32
        %get3A_2045 = arith.constant 0 : i32
        %get3A_2046 = tpu.memref_slice %arg6[%scan3A_270, %get3A_2044, %get3A_2045] : memref<4x104x128xf32, #tpu.memory_space<vmem>> -> memref<1x104x128xf32, #tpu.memory_space<vmem>>
        %get3A_2047 = tpu.memref_squeeze %get3A_2046 : memref<1x104x128xf32, #tpu.memory_space<vmem>> -> memref<104x128xf32, #tpu.memory_space<vmem>>
        %get3A_2048 = arith.index_cast %scan3A_1989 : i32 to index
        %get3A_2049 = arith.constant 96 : index
        %get3A_2050 = tpu.vector_load %get3A_2047[%get3A_2048, %get3A_2049] {strides = array<i32>} : memref<104x128xf32, #tpu.memory_space<vmem>>, vector<1x16xf32>,
        %get3A_2051 = vector.shape_cast %get3A_2050 : vector<1x16xf32> to vector<16xf32>
        %add3A_2052 = arith.addf %add3A_1978, %get3A_2051 : vector<16xf32>
        %get3A_2053 = arith.constant 0 : i32
        %get3A_2054 = arith.constant 0 : i32
        %get3A_2055 = tpu.memref_slice %arg6[%scan3A_270, %get3A_2053, %get3A_2054] : memref<4x104x128xf32, #tpu.memory_space<vmem>> -> memref<1x104x128xf32, #tpu.memory_space<vmem>>
        %get3A_2056 = tpu.memref_squeeze %get3A_2055 : memref<1x104x128xf32, #tpu.memory_space<vmem>> -> memref<104x128xf32, #tpu.memory_space<vmem>>
        %get3A_2057 = arith.index_cast %scan3A_1989 : i32 to index
        %get3A_2058 = arith.constant 112 : index
        %get3A_2059 = tpu.vector_load %get3A_2056[%get3A_2057, %get3A_2058] {strides = array<i32>} : memref<104x128xf32, #tpu.memory_space<vmem>>, vector<1x16xf32>,
        %get3A_2060 = vector.shape_cast %get3A_2059 : vector<1x16xf32> to vector<16xf32>
        %add3A_2061 = arith.addf %add3A_1987, %get3A_2060 : vector<16xf32>
        %scan3A_2062 = arith.constant 3 : i32
        %scan3A_2063 = arith.addi %scan3A_1833, %scan3A_2062 : i32
        %get3A_2064 = arith.constant 0 : i32
        %get3A_2065 = arith.constant 0 : i32
        %get3A_2066 = tpu.memref_slice %arg6[%scan3A_270, %get3A_2064, %get3A_2065] : memref<4x104x128xf32, #tpu.memory_space<vmem>> -> memref<1x104x128xf32, #tpu.memory_space<vmem>>
        %get3A_2067 = tpu.memref_squeeze %get3A_2066 : memref<1x104x128xf32, #tpu.memory_space<vmem>> -> memref<104x128xf32, #tpu.memory_space<vmem>>
        %get3A_2068 = arith.index_cast %scan3A_2063 : i32 to index
        %get3A_2069 = arith.constant 0 : index
        %get3A_2070 = tpu.vector_load %get3A_2067[%get3A_2068, %get3A_2069] {strides = array<i32>} : memref<104x128xf32, #tpu.memory_space<vmem>>, vector<1x16xf32>,
        %get3A_2071 = vector.shape_cast %get3A_2070 : vector<1x16xf32> to vector<16xf32>
        %add3A_2072 = arith.addf %add3A_1998, %get3A_2071 : vector<16xf32>
        %get3A_2073 = arith.constant 0 : i32
        %get3A_2074 = arith.constant 0 : i32
        %get3A_2075 = tpu.memref_slice %arg6[%scan3A_270, %get3A_2073, %get3A_2074] : memref<4x104x128xf32, #tpu.memory_space<vmem>> -> memref<1x104x128xf32, #tpu.memory_space<vmem>>
        %get3A_2076 = tpu.memref_squeeze %get3A_2075 : memref<1x104x128xf32, #tpu.memory_space<vmem>> -> memref<104x128xf32, #tpu.memory_space<vmem>>
        %get3A_2077 = arith.index_cast %scan3A_2063 : i32 to index
        %get3A_2078 = arith.constant 16 : index
        %get3A_2079 = tpu.vector_load %get3A_2076[%get3A_2077, %get3A_2078] {strides = array<i32>} : memref<104x128xf32, #tpu.memory_space<vmem>>, vector<1x16xf32>,
        %get3A_2080 = vector.shape_cast %get3A_2079 : vector<1x16xf32> to vector<16xf32>
        %add3A_2081 = arith.addf %add3A_2007, %get3A_2080 : vector<16xf32>
        %get3A_2082 = arith.constant 0 : i32
        %get3A_2083 = arith.constant 0 : i32
        %get3A_2084 = tpu.memref_slice %arg6[%scan3A_270, %get3A_2082, %get3A_2083] : memref<4x104x128xf32, #tpu.memory_space<vmem>> -> memref<1x104x128xf32, #tpu.memory_space<vmem>>
        %get3A_2085 = tpu.memref_squeeze %get3A_2084 : memref<1x104x128xf32, #tpu.memory_space<vmem>> -> memref<104x128xf32, #tpu.memory_space<vmem>>
        %get3A_2086 = arith.index_cast %scan3A_2063 : i32 to index
        %get3A_2087 = arith.constant 32 : index
        %get3A_2088 = tpu.vector_load %get3A_2085[%get3A_2086, %get3A_2087] {strides = array<i32>} : memref<104x128xf32, #tpu.memory_space<vmem>>, vector<1x16xf32>,
        %get3A_2089 = vector.shape_cast %get3A_2088 : vector<1x16xf32> to vector<16xf32>
        %add3A_2090 = arith.addf %add3A_2016, %get3A_2089 : vector<16xf32>
        %get3A_2091 = arith.constant 0 : i32
        %get3A_2092 = arith.constant 0 : i32
        %get3A_2093 = tpu.memref_slice %arg6[%scan3A_270, %get3A_2091, %get3A_2092] : memref<4x104x128xf32, #tpu.memory_space<vmem>> -> memref<1x104x128xf32, #tpu.memory_space<vmem>>
        %get3A_2094 = tpu.memref_squeeze %get3A_2093 : memref<1x104x128xf32, #tpu.memory_space<vmem>> -> memref<104x128xf32, #tpu.memory_space<vmem>>
        %get3A_2095 = arith.index_cast %scan3A_2063 : i32 to index
        %get3A_2096 = arith.constant 48 : index
        %get3A_2097 = tpu.vector_load %get3A_2094[%get3A_2095, %get3A_2096] {strides = array<i32>} : memref<104x128xf32, #tpu.memory_space<vmem>>, vector<1x16xf32>,
        %get3A_2098 = vector.shape_cast %get3A_2097 : vector<1x16xf32> to vector<16xf32>
        %add3A_2099 = arith.addf %add3A_2025, %get3A_2098 : vector<16xf32>
        %get3A_2100 = arith.constant 0 : i32
        %get3A_2101 = arith.constant 0 : i32
        %get3A_2102 = tpu.memref_slice %arg6[%scan3A_270, %get3A_2100, %get3A_2101] : memref<4x104x128xf32, #tpu.memory_space<vmem>> -> memref<1x104x128xf32, #tpu.memory_space<vmem>>
        %get3A_2103 = tpu.memref_squeeze %get3A_2102 : memref<1x104x128xf32, #tpu.memory_space<vmem>> -> memref<104x128xf32, #tpu.memory_space<vmem>>
        %get3A_2104 = arith.index_cast %scan3A_2063 : i32 to index
        %get3A_2105 = arith.constant 64 : index
        %get3A_2106 = tpu.vector_load %get3A_2103[%get3A_2104, %get3A_2105] {strides = array<i32>} : memref<104x128xf32, #tpu.memory_space<vmem>>, vector<1x16xf32>,
        %get3A_2107 = vector.shape_cast %get3A_2106 : vector<1x16xf32> to vector<16xf32>
        %add3A_2108 = arith.addf %add3A_2034, %get3A_2107 : vector<16xf32>
        %get3A_2109 = arith.constant 0 : i32
        %get3A_2110 = arith.constant 0 : i32
        %get3A_2111 = tpu.memref_slice %arg6[%scan3A_270, %get3A_2109, %get3A_2110] : memref<4x104x128xf32, #tpu.memory_space<vmem>> -> memref<1x104x128xf32, #tpu.memory_space<vmem>>
        %get3A_2112 = tpu.memref_squeeze %get3A_2111 : memref<1x104x128xf32, #tpu.memory_space<vmem>> -> memref<104x128xf32, #tpu.memory_space<vmem>>
        %get3A_2113 = arith.index_cast %scan3A_2063 : i32 to index
        %get3A_2114 = arith.constant 80 : index
        %get3A_2115 = tpu.vector_load %get3A_2112[%get3A_2113, %get3A_2114] {strides = array<i32>} : memref<104x128xf32, #tpu.memory_space<vmem>>, vector<1x16xf32>,
        %get3A_2116 = vector.shape_cast %get3A_2115 : vector<1x16xf32> to vector<16xf32>
        %add3A_2117 = arith.addf %add3A_2043, %get3A_2116 : vector<16xf32>
        %get3A_2118 = arith.constant 0 : i32
        %get3A_2119 = arith.constant 0 : i32
        %get3A_2120 = tpu.memref_slice %arg6[%scan3A_270, %get3A_2118, %get3A_2119] : memref<4x104x128xf32, #tpu.memory_space<vmem>> -> memref<1x104x128xf32, #tpu.memory_space<vmem>>
        %get3A_2121 = tpu.memref_squeeze %get3A_2120 : memref<1x104x128xf32, #tpu.memory_space<vmem>> -> memref<104x128xf32, #tpu.memory_space<vmem>>
        %get3A_2122 = arith.index_cast %scan3A_2063 : i32 to index
        %get3A_2123 = arith.constant 96 : index
        %get3A_2124 = tpu.vector_load %get3A_2121[%get3A_2122, %get3A_2123] {strides = array<i32>} : memref<104x128xf32, #tpu.memory_space<vmem>>, vector<1x16xf32>,
        %get3A_2125 = vector.shape_cast %get3A_2124 : vector<1x16xf32> to vector<16xf32>
        %add3A_2126 = arith.addf %add3A_2052, %get3A_2125 : vector<16xf32>
        %get3A_2127 = arith.constant 0 : i32
        %get3A_2128 = arith.constant 0 : i32
        %get3A_2129 = tpu.memref_slice %arg6[%scan3A_270, %get3A_2127, %get3A_2128] : memref<4x104x128xf32, #tpu.memory_space<vmem>> -> memref<1x104x128xf32, #tpu.memory_space<vmem>>
        %get3A_2130 = tpu.memref_squeeze %get3A_2129 : memref<1x104x128xf32, #tpu.memory_space<vmem>> -> memref<104x128xf32, #tpu.memory_space<vmem>>
        %get3A_2131 = arith.index_cast %scan3A_2063 : i32 to index
        %get3A_2132 = arith.constant 112 : index
        %get3A_2133 = tpu.vector_load %get3A_2130[%get3A_2131, %get3A_2132] {strides = array<i32>} : memref<104x128xf32, #tpu.memory_space<vmem>>, vector<1x16xf32>,
        %get3A_2134 = vector.shape_cast %get3A_2133 : vector<1x16xf32> to vector<16xf32>
        %add3A_2135 = arith.addf %add3A_2061, %get3A_2134 : vector<16xf32>
        scf.yield %add3A_2072, %add3A_2081, %add3A_2090, %add3A_2099, %add3A_2108, %add3A_2117, %add3A_2126, %add3A_2135 : vector<16xf32>, vector<16xf32>, vector<16xf32>, vector<16xf32>, vector<16xf32>, vector<16xf32>, vector<16xf32>, vector<16xf32>
      }
      %scan3A_276 = arith.constant 100 : i32
      %scan3A_277 = arith.addi %scan3A_271, %scan3A_276 : i32
      %get3A_278 = arith.constant 0 : i32
      %get3A_279 = arith.constant 0 : i32
      %get3A_280 = tpu.memref_slice %arg6[%scan3A_270, %get3A_278, %get3A_279] : memref<4x104x128xf32, #tpu.memory_space<vmem>> -> memref<1x104x128xf32, #tpu.memory_space<vmem>>
      %get3A_281 = tpu.memref_squeeze %get3A_280 : memref<1x104x128xf32, #tpu.memory_space<vmem>> -> memref<104x128xf32, #tpu.memory_space<vmem>>
      %get3A_282 = arith.index_cast %scan3A_277 : i32 to index
      %get3A_283 = arith.constant 0 : index
      %get3A_284 = tpu.vector_load %get3A_281[%get3A_282, %get3A_283] {strides = array<i32>} : memref<104x128xf32, #tpu.memory_space<vmem>>, vector<1x16xf32>,
      %get3A_285 = vector.shape_cast %get3A_284 : vector<1x16xf32> to vector<16xf32>
      %add3A_286 = arith.addf %scan3A_275#0, %get3A_285 : vector<16xf32>
      %get3A_287 = arith.constant 0 : i32
      %get3A_288 = arith.constant 0 : i32
      %get3A_289 = tpu.memref_slice %arg6[%scan3A_270, %get3A_287, %get3A_288] : memref<4x104x128xf32, #tpu.memory_space<vmem>> -> memref<1x104x128xf32, #tpu.memory_space<vmem>>
      %get3A_290 = tpu.memref_squeeze %get3A_289 : memref<1x104x128xf32, #tpu.memory_space<vmem>> -> memref<104x128xf32, #tpu.memory_space<vmem>>
      %get3A_291 = arith.index_cast %scan3A_277 : i32 to index
      %get3A_292 = arith.constant 16 : index
      %get3A_293 = tpu.vector_load %get3A_290[%get3A_291, %get3A_292] {strides = array<i32>} : memref<104x128xf32, #tpu.memory_space<vmem>>, vector<1x16xf32>,
      %get3A_294 = vector.shape_cast %get3A_293 : vector<1x16xf32> to vector<16xf32>
      %add3A_295 = arith.addf %scan3A_275#1, %get3A_294 : vector<16xf32>
      %get3A_296 = arith.constant 0 : i32
      %get3A_297 = arith.constant 0 : i32
      %get3A_298 = tpu.memref_slice %arg6[%scan3A_270, %get3A_296, %get3A_297] : memref<4x104x128xf32, #tpu.memory_space<vmem>> -> memref<1x104x128xf32, #tpu.memory_space<vmem>>
      %get3A_299 = tpu.memref_squeeze %get3A_298 : memref<1x104x128xf32, #tpu.memory_space<vmem>> -> memref<104x128xf32, #tpu.memory_space<vmem>>
      %get3A_300 = arith.index_cast %scan3A_277 : i32 to index
      %get3A_301 = arith.constant 32 : index
      %get3A_302 = tpu.vector_load %get3A_299[%get3A_300, %get3A_301] {strides = array<i32>} : memref<104x128xf32, #tpu.memory_space<vmem>>, vector<1x16xf32>,
      %get3A_303 = vector.shape_cast %get3A_302 : vector<1x16xf32> to vector<16xf32>
      %add3A_304 = arith.addf %scan3A_275#2, %get3A_303 : vector<16xf32>
      %get3A_305 = arith.constant 0 : i32
      %get3A_306 = arith.constant 0 : i32
      %get3A_307 = tpu.memref_slice %arg6[%scan3A_270, %get3A_305, %get3A_306] : memref<4x104x128xf32, #tpu.memory_space<vmem>> -> memref<1x104x128xf32, #tpu.memory_space<vmem>>
      %get3A_308 = tpu.memref_squeeze %get3A_307 : memref<1x104x128xf32, #tpu.memory_space<vmem>> -> memref<104x128xf32, #tpu.memory_space<vmem>>
      %get3A_309 = arith.index_cast %scan3A_277 : i32 to index
      %get3A_310 = arith.constant 48 : index
      %get3A_311 = tpu.vector_load %get3A_308[%get3A_309, %get3A_310] {strides = array<i32>} : memref<104x128xf32, #tpu.memory_space<vmem>>, vector<1x16xf32>,
      %get3A_312 = vector.shape_cast %get3A_311 : vector<1x16xf32> to vector<16xf32>
      %add3A_313 = arith.addf %scan3A_275#3, %get3A_312 : vector<16xf32>
      %get3A_314 = arith.constant 0 : i32
      %get3A_315 = arith.constant 0 : i32
      %get3A_316 = tpu.memref_slice %arg6[%scan3A_270, %get3A_314, %get3A_315] : memref<4x104x128xf32, #tpu.memory_space<vmem>> -> memref<1x104x128xf32, #tpu.memory_space<vmem>>
      %get3A_317 = tpu.memref_squeeze %get3A_316 : memref<1x104x128xf32, #tpu.memory_space<vmem>> -> memref<104x128xf32, #tpu.memory_space<vmem>>
      %get3A_318 = arith.index_cast %scan3A_277 : i32 to index
      %get3A_319 = arith.constant 64 : index
      %get3A_320 = tpu.vector_load %get3A_317[%get3A_318, %get3A_319] {strides = array<i32>} : memref<104x128xf32, #tpu.memory_space<vmem>>, vector<1x16xf32>,
      %get3A_321 = vector.shape_cast %get3A_320 : vector<1x16xf32> to vector<16xf32>
      %add3A_322 = arith.addf %scan3A_275#4, %get3A_321 : vector<16xf32>
      %get3A_323 = arith.constant 0 : i32
      %get3A_324 = arith.constant 0 : i32
      %get3A_325 = tpu.memref_slice %arg6[%scan3A_270, %get3A_323, %get3A_324] : memref<4x104x128xf32, #tpu.memory_space<vmem>> -> memref<1x104x128xf32, #tpu.memory_space<vmem>>
      %get3A_326 = tpu.memref_squeeze %get3A_325 : memref<1x104x128xf32, #tpu.memory_space<vmem>> -> memref<104x128xf32, #tpu.memory_space<vmem>>
      %get3A_327 = arith.index_cast %scan3A_277 : i32 to index
      %get3A_328 = arith.constant 80 : index
      %get3A_329 = tpu.vector_load %get3A_326[%get3A_327, %get3A_328] {strides = array<i32>} : memref<104x128xf32, #tpu.memory_space<vmem>>, vector<1x16xf32>,
      %get3A_330 = vector.shape_cast %get3A_329 : vector<1x16xf32> to vector<16xf32>
      %add3A_331 = arith.addf %scan3A_275#5, %get3A_330 : vector<16xf32>
      %get3A_332 = arith.constant 0 : i32
      %get3A_333 = arith.constant 0 : i32
      %get3A_334 = tpu.memref_slice %arg6[%scan3A_270, %get3A_332, %get3A_333] : memref<4x104x128xf32, #tpu.memory_space<vmem>> -> memref<1x104x128xf32, #tpu.memory_space<vmem>>
      %get3A_335 = tpu.memref_squeeze %get3A_334 : memref<1x104x128xf32, #tpu.memory_space<vmem>> -> memref<104x128xf32, #tpu.memory_space<vmem>>
      %get3A_336 = arith.index_cast %scan3A_277 : i32 to index
      %get3A_337 = arith.constant 96 : index
      %get3A_338 = tpu.vector_load %get3A_335[%get3A_336, %get3A_337] {strides = array<i32>} : memref<104x128xf32, #tpu.memory_space<vmem>>, vector<1x16xf32>,
      %get3A_339 = vector.shape_cast %get3A_338 : vector<1x16xf32> to vector<16xf32>
      %add3A_340 = arith.addf %scan3A_275#6, %get3A_339 : vector<16xf32>
      %get3A_341 = arith.constant 0 : i32
      %get3A_342 = arith.constant 0 : i32
      %get3A_343 = tpu.memref_slice %arg6[%scan3A_270, %get3A_341, %get3A_342] : memref<4x104x128xf32, #tpu.memory_space<vmem>> -> memref<1x104x128xf32, #tpu.memory_space<vmem>>
      %get3A_344 = tpu.memref_squeeze %get3A_343 : memref<1x104x128xf32, #tpu.memory_space<vmem>> -> memref<104x128xf32, #tpu.memory_space<vmem>>
      %get3A_345 = arith.index_cast %scan3A_277 : i32 to index
      %get3A_346 = arith.constant 112 : index
      %get3A_347 = tpu.vector_load %get3A_344[%get3A_345, %get3A_346] {strides = array<i32>} : memref<104x128xf32, #tpu.memory_space<vmem>>, vector<1x16xf32>,
      %get3A_348 = vector.shape_cast %get3A_347 : vector<1x16xf32> to vector<16xf32>
      %add3A_349 = arith.addf %scan3A_275#7, %get3A_348 : vector<16xf32>
      %scan3A_350 = arith.constant 101 : i32
      %scan3A_351 = arith.addi %scan3A_271, %scan3A_350 : i32
      %get3A_352 = arith.constant 0 : i32
      %get3A_353 = arith.constant 0 : i32
      %get3A_354 = tpu.memref_slice %arg6[%scan3A_270, %get3A_352, %get3A_353] : memref<4x104x128xf32, #tpu.memory_space<vmem>> -> memref<1x104x128xf32, #tpu.memory_space<vmem>>
      %get3A_355 = tpu.memref_squeeze %get3A_354 : memref<1x104x128xf32, #tpu.memory_space<vmem>> -> memref<104x128xf32, #tpu.memory_space<vmem>>
      %get3A_356 = arith.index_cast %scan3A_351 : i32 to index
      %get3A_357 = arith.constant 0 : index
      %get3A_358 = tpu.vector_load %get3A_355[%get3A_356, %get3A_357] {strides = array<i32>} : memref<104x128xf32, #tpu.memory_space<vmem>>, vector<1x16xf32>,
      %get3A_359 = vector.shape_cast %get3A_358 : vector<1x16xf32> to vector<16xf32>
      %add3A_360 = arith.addf %add3A_286, %get3A_359 : vector<16xf32>
      %get3A_361 = arith.constant 0 : i32
      %get3A_362 = arith.constant 0 : i32
      %get3A_363 = tpu.memref_slice %arg6[%scan3A_270, %get3A_361, %get3A_362] : memref<4x104x128xf32, #tpu.memory_space<vmem>> -> memref<1x104x128xf32, #tpu.memory_space<vmem>>
      %get3A_364 = tpu.memref_squeeze %get3A_363 : memref<1x104x128xf32, #tpu.memory_space<vmem>> -> memref<104x128xf32, #tpu.memory_space<vmem>>
      %get3A_365 = arith.index_cast %scan3A_351 : i32 to index
      %get3A_366 = arith.constant 16 : index
      %get3A_367 = tpu.vector_load %get3A_364[%get3A_365, %get3A_366] {strides = array<i32>} : memref<104x128xf32, #tpu.memory_space<vmem>>, vector<1x16xf32>,
      %get3A_368 = vector.shape_cast %get3A_367 : vector<1x16xf32> to vector<16xf32>
      %add3A_369 = arith.addf %add3A_295, %get3A_368 : vector<16xf32>
      %get3A_370 = arith.constant 0 : i32
      %get3A_371 = arith.constant 0 : i32
      %get3A_372 = tpu.memref_slice %arg6[%scan3A_270, %get3A_370, %get3A_371] : memref<4x104x128xf32, #tpu.memory_space<vmem>> -> memref<1x104x128xf32, #tpu.memory_space<vmem>>
      %get3A_373 = tpu.memref_squeeze %get3A_372 : memref<1x104x128xf32, #tpu.memory_space<vmem>> -> memref<104x128xf32, #tpu.memory_space<vmem>>
      %get3A_374 = arith.index_cast %scan3A_351 : i32 to index
      %get3A_375 = arith.constant 32 : index
      %get3A_376 = tpu.vector_load %get3A_373[%get3A_374, %get3A_375] {strides = array<i32>} : memref<104x128xf32, #tpu.memory_space<vmem>>, vector<1x16xf32>,
      %get3A_377 = vector.shape_cast %get3A_376 : vector<1x16xf32> to vector<16xf32>
      %add3A_378 = arith.addf %add3A_304, %get3A_377 : vector<16xf32>
      %get3A_379 = arith.constant 0 : i32
      %get3A_380 = arith.constant 0 : i32
      %get3A_381 = tpu.memref_slice %arg6[%scan3A_270, %get3A_379, %get3A_380] : memref<4x104x128xf32, #tpu.memory_space<vmem>> -> memref<1x104x128xf32, #tpu.memory_space<vmem>>
      %get3A_382 = tpu.memref_squeeze %get3A_381 : memref<1x104x128xf32, #tpu.memory_space<vmem>> -> memref<104x128xf32, #tpu.memory_space<vmem>>
      %get3A_383 = arith.index_cast %scan3A_351 : i32 to index
      %get3A_384 = arith.constant 48 : index
      %get3A_385 = tpu.vector_load %get3A_382[%get3A_383, %get3A_384] {strides = array<i32>} : memref<104x128xf32, #tpu.memory_space<vmem>>, vector<1x16xf32>,
      %get3A_386 = vector.shape_cast %get3A_385 : vector<1x16xf32> to vector<16xf32>
      %add3A_387 = arith.addf %add3A_313, %get3A_386 : vector<16xf32>
      %get3A_388 = arith.constant 0 : i32
      %get3A_389 = arith.constant 0 : i32
      %get3A_390 = tpu.memref_slice %arg6[%scan3A_270, %get3A_388, %get3A_389] : memref<4x104x128xf32, #tpu.memory_space<vmem>> -> memref<1x104x128xf32, #tpu.memory_space<vmem>>
      %get3A_391 = tpu.memref_squeeze %get3A_390 : memref<1x104x128xf32, #tpu.memory_space<vmem>> -> memref<104x128xf32, #tpu.memory_space<vmem>>
      %get3A_392 = arith.index_cast %scan3A_351 : i32 to index
      %get3A_393 = arith.constant 64 : index
      %get3A_394 = tpu.vector_load %get3A_391[%get3A_392, %get3A_393] {strides = array<i32>} : memref<104x128xf32, #tpu.memory_space<vmem>>, vector<1x16xf32>,
      %get3A_395 = vector.shape_cast %get3A_394 : vector<1x16xf32> to vector<16xf32>
      %add3A_396 = arith.addf %add3A_322, %get3A_395 : vector<16xf32>
      %get3A_397 = arith.constant 0 : i32
      %get3A_398 = arith.constant 0 : i32
      %get3A_399 = tpu.memref_slice %arg6[%scan3A_270, %get3A_397, %get3A_398] : memref<4x104x128xf32, #tpu.memory_space<vmem>> -> memref<1x104x128xf32, #tpu.memory_space<vmem>>
      %get3A_400 = tpu.memref_squeeze %get3A_399 : memref<1x104x128xf32, #tpu.memory_space<vmem>> -> memref<104x128xf32, #tpu.memory_space<vmem>>
      %get3A_401 = arith.index_cast %scan3A_351 : i32 to index
      %get3A_402 = arith.constant 80 : index
      %get3A_403 = tpu.vector_load %get3A_400[%get3A_401, %get3A_402] {strides = array<i32>} : memref<104x128xf32, #tpu.memory_space<vmem>>, vector<1x16xf32>,
      %get3A_404 = vector.shape_cast %get3A_403 : vector<1x16xf32> to vector<16xf32>
      %add3A_405 = arith.addf %add3A_331, %get3A_404 : vector<16xf32>
      %get3A_406 = arith.constant 0 : i32
      %get3A_407 = arith.constant 0 : i32
      %get3A_408 = tpu.memref_slice %arg6[%scan3A_270, %get3A_406, %get3A_407] : memref<4x104x128xf32, #tpu.memory_space<vmem>> -> memref<1x104x128xf32, #tpu.memory_space<vmem>>
      %get3A_409 = tpu.memref_squeeze %get3A_408 : memref<1x104x128xf32, #tpu.memory_space<vmem>> -> memref<104x128xf32, #tpu.memory_space<vmem>>
      %get3A_410 = arith.index_cast %scan3A_351 : i32 to index
      %get3A_411 = arith.constant 96 : index
      %get3A_412 = tpu.vector_load %get3A_409[%get3A_410, %get3A_411] {strides = array<i32>} : memref<104x128xf32, #tpu.memory_space<vmem>>, vector<1x16xf32>,
      %get3A_413 = vector.shape_cast %get3A_412 : vector<1x16xf32> to vector<16xf32>
      %add3A_414 = arith.addf %add3A_340, %get3A_413 : vector<16xf32>
      %get3A_415 = arith.constant 0 : i32
      %get3A_416 = arith.constant 0 : i32
      %get3A_417 = tpu.memref_slice %arg6[%scan3A_270, %get3A_415, %get3A_416] : memref<4x104x128xf32, #tpu.memory_space<vmem>> -> memref<1x104x128xf32, #tpu.memory_space<vmem>>
      %get3A_418 = tpu.memref_squeeze %get3A_417 : memref<1x104x128xf32, #tpu.memory_space<vmem>> -> memref<104x128xf32, #tpu.memory_space<vmem>>
      %get3A_419 = arith.index_cast %scan3A_351 : i32 to index
      %get3A_420 = arith.constant 112 : index
      %get3A_421 = tpu.vector_load %get3A_418[%get3A_419, %get3A_420] {strides = array<i32>} : memref<104x128xf32, #tpu.memory_space<vmem>>, vector<1x16xf32>,
      %get3A_422 = vector.shape_cast %get3A_421 : vector<1x16xf32> to vector<16xf32>
      %add3A_423 = arith.addf %add3A_349, %get3A_422 : vector<16xf32>
      %scan3A_424 = arith.constant 102 : i32
      %scan3A_425 = arith.addi %scan3A_271, %scan3A_424 : i32
      %get3A_426 = arith.constant 0 : i32
      %get3A_427 = arith.constant 0 : i32
      %get3A_428 = tpu.memref_slice %arg6[%scan3A_270, %get3A_426, %get3A_427] : memref<4x104x128xf32, #tpu.memory_space<vmem>> -> memref<1x104x128xf32, #tpu.memory_space<vmem>>
      %get3A_429 = tpu.memref_squeeze %get3A_428 : memref<1x104x128xf32, #tpu.memory_space<vmem>> -> memref<104x128xf32, #tpu.memory_space<vmem>>
      %get3A_430 = arith.index_cast %scan3A_425 : i32 to index
      %get3A_431 = arith.constant 0 : index
      %get3A_432 = tpu.vector_load %get3A_429[%get3A_430, %get3A_431] {strides = array<i32>} : memref<104x128xf32, #tpu.memory_space<vmem>>, vector<1x16xf32>,
      %get3A_433 = vector.shape_cast %get3A_432 : vector<1x16xf32> to vector<16xf32>
      %add3A_434 = arith.addf %add3A_360, %get3A_433 : vector<16xf32>
      %get3A_435 = arith.constant 0 : i32
      %get3A_436 = arith.constant 0 : i32
      %get3A_437 = tpu.memref_slice %arg6[%scan3A_270, %get3A_435, %get3A_436] : memref<4x104x128xf32, #tpu.memory_space<vmem>> -> memref<1x104x128xf32, #tpu.memory_space<vmem>>
      %get3A_438 = tpu.memref_squeeze %get3A_437 : memref<1x104x128xf32, #tpu.memory_space<vmem>> -> memref<104x128xf32, #tpu.memory_space<vmem>>
      %get3A_439 = arith.index_cast %scan3A_425 : i32 to index
      %get3A_440 = arith.constant 16 : index
      %get3A_441 = tpu.vector_load %get3A_438[%get3A_439, %get3A_440] {strides = array<i32>} : memref<104x128xf32, #tpu.memory_space<vmem>>, vector<1x16xf32>,
      %get3A_442 = vector.shape_cast %get3A_441 : vector<1x16xf32> to vector<16xf32>
      %add3A_443 = arith.addf %add3A_369, %get3A_442 : vector<16xf32>
      %get3A_444 = arith.constant 0 : i32
      %get3A_445 = arith.constant 0 : i32
      %get3A_446 = tpu.memref_slice %arg6[%scan3A_270, %get3A_444, %get3A_445] : memref<4x104x128xf32, #tpu.memory_space<vmem>> -> memref<1x104x128xf32, #tpu.memory_space<vmem>>
      %get3A_447 = tpu.memref_squeeze %get3A_446 : memref<1x104x128xf32, #tpu.memory_space<vmem>> -> memref<104x128xf32, #tpu.memory_space<vmem>>
      %get3A_448 = arith.index_cast %scan3A_425 : i32 to index
      %get3A_449 = arith.constant 32 : index
      %get3A_450 = tpu.vector_load %get3A_447[%get3A_448, %get3A_449] {strides = array<i32>} : memref<104x128xf32, #tpu.memory_space<vmem>>, vector<1x16xf32>,
      %get3A_451 = vector.shape_cast %get3A_450 : vector<1x16xf32> to vector<16xf32>
      %add3A_452 = arith.addf %add3A_378, %get3A_451 : vector<16xf32>
      %get3A_453 = arith.constant 0 : i32
      %get3A_454 = arith.constant 0 : i32
      %get3A_455 = tpu.memref_slice %arg6[%scan3A_270, %get3A_453, %get3A_454] : memref<4x104x128xf32, #tpu.memory_space<vmem>> -> memref<1x104x128xf32, #tpu.memory_space<vmem>>
      %get3A_456 = tpu.memref_squeeze %get3A_455 : memref<1x104x128xf32, #tpu.memory_space<vmem>> -> memref<104x128xf32, #tpu.memory_space<vmem>>
      %get3A_457 = arith.index_cast %scan3A_425 : i32 to index
      %get3A_458 = arith.constant 48 : index
      %get3A_459 = tpu.vector_load %get3A_456[%get3A_457, %get3A_458] {strides = array<i32>} : memref<104x128xf32, #tpu.memory_space<vmem>>, vector<1x16xf32>,
      %get3A_460 = vector.shape_cast %get3A_459 : vector<1x16xf32> to vector<16xf32>
      %add3A_461 = arith.addf %add3A_387, %get3A_460 : vector<16xf32>
      %get3A_462 = arith.constant 0 : i32
      %get3A_463 = arith.constant 0 : i32
      %get3A_464 = tpu.memref_slice %arg6[%scan3A_270, %get3A_462, %get3A_463] : memref<4x104x128xf32, #tpu.memory_space<vmem>> -> memref<1x104x128xf32, #tpu.memory_space<vmem>>
      %get3A_465 = tpu.memref_squeeze %get3A_464 : memref<1x104x128xf32, #tpu.memory_space<vmem>> -> memref<104x128xf32, #tpu.memory_space<vmem>>
      %get3A_466 = arith.index_cast %scan3A_425 : i32 to index
      %get3A_467 = arith.constant 64 : index
      %get3A_468 = tpu.vector_load %get3A_465[%get3A_466, %get3A_467] {strides = array<i32>} : memref<104x128xf32, #tpu.memory_space<vmem>>, vector<1x16xf32>,
      %get3A_469 = vector.shape_cast %get3A_468 : vector<1x16xf32> to vector<16xf32>
      %add3A_470 = arith.addf %add3A_396, %get3A_469 : vector<16xf32>
      %get3A_471 = arith.constant 0 : i32
      %get3A_472 = arith.constant 0 : i32
      %get3A_473 = tpu.memref_slice %arg6[%scan3A_270, %get3A_471, %get3A_472] : memref<4x104x128xf32, #tpu.memory_space<vmem>> -> memref<1x104x128xf32, #tpu.memory_space<vmem>>
      %get3A_474 = tpu.memref_squeeze %get3A_473 : memref<1x104x128xf32, #tpu.memory_space<vmem>> -> memref<104x128xf32, #tpu.memory_space<vmem>>
      %get3A_475 = arith.index_cast %scan3A_425 : i32 to index
      %get3A_476 = arith.constant 80 : index
      %get3A_477 = tpu.vector_load %get3A_474[%get3A_475, %get3A_476] {strides = array<i32>} : memref<104x128xf32, #tpu.memory_space<vmem>>, vector<1x16xf32>,
      %get3A_478 = vector.shape_cast %get3A_477 : vector<1x16xf32> to vector<16xf32>
      %add3A_479 = arith.addf %add3A_405, %get3A_478 : vector<16xf32>
      %get3A_480 = arith.constant 0 : i32
      %get3A_481 = arith.constant 0 : i32
      %get3A_482 = tpu.memref_slice %arg6[%scan3A_270, %get3A_480, %get3A_481] : memref<4x104x128xf32, #tpu.memory_space<vmem>> -> memref<1x104x128xf32, #tpu.memory_space<vmem>>
      %get3A_483 = tpu.memref_squeeze %get3A_482 : memref<1x104x128xf32, #tpu.memory_space<vmem>> -> memref<104x128xf32, #tpu.memory_space<vmem>>
      %get3A_484 = arith.index_cast %scan3A_425 : i32 to index
      %get3A_485 = arith.constant 96 : index
      %get3A_486 = tpu.vector_load %get3A_483[%get3A_484, %get3A_485] {strides = array<i32>} : memref<104x128xf32, #tpu.memory_space<vmem>>, vector<1x16xf32>,
      %get3A_487 = vector.shape_cast %get3A_486 : vector<1x16xf32> to vector<16xf32>
      %add3A_488 = arith.addf %add3A_414, %get3A_487 : vector<16xf32>
      %get3A_489 = arith.constant 0 : i32
      %get3A_490 = arith.constant 0 : i32
      %get3A_491 = tpu.memref_slice %arg6[%scan3A_270, %get3A_489, %get3A_490] : memref<4x104x128xf32, #tpu.memory_space<vmem>> -> memref<1x104x128xf32, #tpu.memory_space<vmem>>
      %get3A_492 = tpu.memref_squeeze %get3A_491 : memref<1x104x128xf32, #tpu.memory_space<vmem>> -> memref<104x128xf32, #tpu.memory_space<vmem>>
      %get3A_493 = arith.index_cast %scan3A_425 : i32 to index
      %get3A_494 = arith.constant 112 : index
      %get3A_495 = tpu.vector_load %get3A_492[%get3A_493, %get3A_494] {strides = array<i32>} : memref<104x128xf32, #tpu.memory_space<vmem>>, vector<1x16xf32>,
      %get3A_496 = vector.shape_cast %get3A_495 : vector<1x16xf32> to vector<16xf32>
      %add3A_497 = arith.addf %add3A_423, %get3A_496 : vector<16xf32>
      %scan3A_498 = arith.constant 103 : i32
      %mul3A_499 = arith.constant 5.000000e-03 : f32
      %mul3A_500 = vector.broadcast %mul3A_499 : f32 to vector<16xf32>
      %mul3A_501 = arith.mulf %add3A_434, %mul3A_500 : vector<16xf32>
      %swap3A = arith.index_cast %add3A_160 : i32 to index
      %swap3A_502 = arith.constant 0 : index
      %swap3A_503 = tpu.vector_load %arg7[%swap3A, %swap3A_502] {strides = array<i32>} : memref<128x128xf32, #tpu.memory_space<vmem>>, vector<1x16xf32>,
      %swap3A_504 = vector.shape_cast %swap3A_503 : vector<1x16xf32> to vector<16xf32>
      %swap3A_505 = vector.shape_cast %mul3A_501 : vector<16xf32> to vector<1x16xf32>
      tpu.vector_store %arg7[%swap3A, %swap3A_502], %swap3A_505 {strides = array<i32>} : memref<128x128xf32, #tpu.memory_space<vmem>>, vector<1x16xf32>,
      %mul3A_506 = arith.constant 5.000000e-03 : f32
      %mul3A_507 = vector.broadcast %mul3A_506 : f32 to vector<16xf32>
      %mul3A_508 = arith.mulf %add3A_443, %mul3A_507 : vector<16xf32>
      %swap3A_509 = arith.index_cast %add3A_160 : i32 to index
      %swap3A_510 = arith.constant 16 : index
      %swap3A_511 = tpu.vector_load %arg7[%swap3A_509, %swap3A_510] {strides = array<i32>} : memref<128x128xf32, #tpu.memory_space<vmem>>, vector<1x16xf32>,
      %swap3A_512 = vector.shape_cast %swap3A_511 : vector<1x16xf32> to vector<16xf32>
      %swap3A_513 = vector.shape_cast %mul3A_508 : vector<16xf32> to vector<1x16xf32>
      tpu.vector_store %arg7[%swap3A_509, %swap3A_510], %swap3A_513 {strides = array<i32>} : memref<128x128xf32, #tpu.memory_space<vmem>>, vector<1x16xf32>,
      %mul3A_514 = arith.constant 5.000000e-03 : f32
      %mul3A_515 = vector.broadcast %mul3A_514 : f32 to vector<16xf32>
      %mul3A_516 = arith.mulf %add3A_452, %mul3A_515 : vector<16xf32>
      %swap3A_517 = arith.index_cast %add3A_160 : i32 to index
      %swap3A_518 = arith.constant 32 : index
      %swap3A_519 = tpu.vector_load %arg7[%swap3A_517, %swap3A_518] {strides = array<i32>} : memref<128x128xf32, #tpu.memory_space<vmem>>, vector<1x16xf32>,
      %swap3A_520 = vector.shape_cast %swap3A_519 : vector<1x16xf32> to vector<16xf32>
      %swap3A_521 = vector.shape_cast %mul3A_516 : vector<16xf32> to vector<1x16xf32>
      tpu.vector_store %arg7[%swap3A_517, %swap3A_518], %swap3A_521 {strides = array<i32>} : memref<128x128xf32, #tpu.memory_space<vmem>>, vector<1x16xf32>,
      %mul3A_522 = arith.constant 5.000000e-03 : f32
      %mul3A_523 = vector.broadcast %mul3A_522 : f32 to vector<16xf32>
      %mul3A_524 = arith.mulf %add3A_461, %mul3A_523 : vector<16xf32>
      %swap3A_525 = arith.index_cast %add3A_160 : i32 to index
      %swap3A_526 = arith.constant 48 : index
      %swap3A_527 = tpu.vector_load %arg7[%swap3A_525, %swap3A_526] {strides = array<i32>} : memref<128x128xf32, #tpu.memory_space<vmem>>, vector<1x16xf32>,
      %swap3A_528 = vector.shape_cast %swap3A_527 : vector<1x16xf32> to vector<16xf32>
      %swap3A_529 = vector.shape_cast %mul3A_524 : vector<16xf32> to vector<1x16xf32>
      tpu.vector_store %arg7[%swap3A_525, %swap3A_526], %swap3A_529 {strides = array<i32>} : memref<128x128xf32, #tpu.memory_space<vmem>>, vector<1x16xf32>,
      %mul3A_530 = arith.constant 5.000000e-03 : f32
      %mul3A_531 = vector.broadcast %mul3A_530 : f32 to vector<16xf32>
      %mul3A_532 = arith.mulf %add3A_470, %mul3A_531 : vector<16xf32>
      %swap3A_533 = arith.index_cast %add3A_160 : i32 to index
      %swap3A_534 = arith.constant 64 : index
      %swap3A_535 = tpu.vector_load %arg7[%swap3A_533, %swap3A_534] {strides = array<i32>} : memref<128x128xf32, #tpu.memory_space<vmem>>, vector<1x16xf32>,
      %swap3A_536 = vector.shape_cast %swap3A_535 : vector<1x16xf32> to vector<16xf32>
      %swap3A_537 = vector.shape_cast %mul3A_532 : vector<16xf32> to vector<1x16xf32>
      tpu.vector_store %arg7[%swap3A_533, %swap3A_534], %swap3A_537 {strides = array<i32>} : memref<128x128xf32, #tpu.memory_space<vmem>>, vector<1x16xf32>,
      %mul3A_538 = arith.constant 5.000000e-03 : f32
      %mul3A_539 = vector.broadcast %mul3A_538 : f32 to vector<16xf32>
      %mul3A_540 = arith.mulf %add3A_479, %mul3A_539 : vector<16xf32>
      %swap3A_541 = arith.index_cast %add3A_160 : i32 to index
      %swap3A_542 = arith.constant 80 : index
      %swap3A_543 = tpu.vector_load %arg7[%swap3A_541, %swap3A_542] {strides = array<i32>} : memref<128x128xf32, #tpu.memory_space<vmem>>, vector<1x16xf32>,
      %swap3A_544 = vector.shape_cast %swap3A_543 : vector<1x16xf32> to vector<16xf32>
      %swap3A_545 = vector.shape_cast %mul3A_540 : vector<16xf32> to vector<1x16xf32>
      tpu.vector_store %arg7[%swap3A_541, %swap3A_542], %swap3A_545 {strides = array<i32>} : memref<128x128xf32, #tpu.memory_space<vmem>>, vector<1x16xf32>,
      %mul3A_546 = arith.constant 5.000000e-03 : f32
      %mul3A_547 = vector.broadcast %mul3A_546 : f32 to vector<16xf32>
      %mul3A_548 = arith.mulf %add3A_488, %mul3A_547 : vector<16xf32>
      %swap3A_549 = arith.index_cast %add3A_160 : i32 to index
      %swap3A_550 = arith.constant 96 : index
      %swap3A_551 = tpu.vector_load %arg7[%swap3A_549, %swap3A_550] {strides = array<i32>} : memref<128x128xf32, #tpu.memory_space<vmem>>, vector<1x16xf32>,
      %swap3A_552 = vector.shape_cast %swap3A_551 : vector<1x16xf32> to vector<16xf32>
      %swap3A_553 = vector.shape_cast %mul3A_548 : vector<16xf32> to vector<1x16xf32>
      tpu.vector_store %arg7[%swap3A_549, %swap3A_550], %swap3A_553 {strides = array<i32>} : memref<128x128xf32, #tpu.memory_space<vmem>>, vector<1x16xf32>,
      %mul3A_554 = arith.constant 5.000000e-03 : f32
      %mul3A_555 = vector.broadcast %mul3A_554 : f32 to vector<16xf32>
      %mul3A_556 = arith.mulf %add3A_497, %mul3A_555 : vector<16xf32>
      %swap3A_557 = arith.index_cast %add3A_160 : i32 to index
      %swap3A_558 = arith.constant 112 : index
      %swap3A_559 = tpu.vector_load %arg7[%swap3A_557, %swap3A_558] {strides = array<i32>} : memref<128x128xf32, #tpu.memory_space<vmem>>, vector<1x16xf32>,
      %swap3A_560 = vector.shape_cast %swap3A_559 : vector<1x16xf32> to vector<16xf32>
      %swap3A_561 = vector.shape_cast %mul3A_556 : vector<16xf32> to vector<1x16xf32>
      tpu.vector_store %arg7[%swap3A_557, %swap3A_558], %swap3A_561 {strides = array<i32>} : memref<128x128xf32, #tpu.memory_space<vmem>>, vector<1x16xf32>,
      %broadcast_in_dim3A_562 = arith.constant 0.000000e+00 : f32
      %broadcast_in_dim3A_563 = vector.broadcast %broadcast_in_dim3A_562 : f32 to vector<16xf32>
      %scan3A_564 = arith.constant 0 : i32
      %scan3A_565 = arith.constant 104 : i32
      %scan3A_566 = arith.addi %scan3A_564, %scan3A_565 : i32
      %scan3A_567 = arith.constant 1 : i32
      scf.for %scan3A_1833 = %scan3A_564 to %scan3A_566 step %scan3A_567  : i32 {
        %mul3A_1834 = arith.constant 1 : i32
        %mul3A_1835 = arith.muli %scan3A_1833, %mul3A_1834 : i32
        %add3A_1836 = arith.constant 0 : i32
        %add3A_1837 = arith.addi %add3A_1836, %mul3A_1835 : i32
        %swap3A_1838 = arith.constant 0 : i32
        %swap3A_1839 = arith.index_cast %swap3A_1838 : i32 to index
        %swap3A_1840 = arith.index_cast %add3A_1837 : i32 to index
        %swap3A_1841 = arith.constant 0 : index
        %swap3A_1842 = tpu.vector_load %arg6[%swap3A_1839, %swap3A_1840, %swap3A_1841] {strides = array<i32>} : memref<4x104x128xf32, #tpu.memory_space<vmem>>, vector<1x1x16xf32>,
        %swap3A_1843 = vector.shape_cast %swap3A_1842 : vector<1x1x16xf32> to vector<16xf32>
        %swap3A_1844 = vector.shape_cast %broadcast_in_dim3A_563 : vector<16xf32> to vector<1x1x16xf32>
        tpu.vector_store %arg6[%swap3A_1839, %swap3A_1840, %swap3A_1841], %swap3A_1844 {strides = array<i32>} : memref<4x104x128xf32, #tpu.memory_space<vmem>>, vector<1x1x16xf32>,
        %swap3A_1845 = arith.constant 0 : i32
        %swap3A_1846 = arith.index_cast %swap3A_1845 : i32 to index
        %swap3A_1847 = arith.index_cast %add3A_1837 : i32 to index
        %swap3A_1848 = arith.constant 16 : index
        %swap3A_1849 = tpu.vector_load %arg6[%swap3A_1846, %swap3A_1847, %swap3A_1848] {strides = array<i32>} : memref<4x104x128xf32, #tpu.memory_space<vmem>>, vector<1x1x16xf32>,
        %swap3A_1850 = vector.shape_cast %swap3A_1849 : vector<1x1x16xf32> to vector<16xf32>
        %swap3A_1851 = vector.shape_cast %broadcast_in_dim3A_563 : vector<16xf32> to vector<1x1x16xf32>
        tpu.vector_store %arg6[%swap3A_1846, %swap3A_1847, %swap3A_1848], %swap3A_1851 {strides = array<i32>} : memref<4x104x128xf32, #tpu.memory_space<vmem>>, vector<1x1x16xf32>,
        %swap3A_1852 = arith.constant 0 : i32
        %swap3A_1853 = arith.index_cast %swap3A_1852 : i32 to index
        %swap3A_1854 = arith.index_cast %add3A_1837 : i32 to index
        %swap3A_1855 = arith.constant 32 : index
        %swap3A_1856 = tpu.vector_load %arg6[%swap3A_1853, %swap3A_1854, %swap3A_1855] {strides = array<i32>} : memref<4x104x128xf32, #tpu.memory_space<vmem>>, vector<1x1x16xf32>,
        %swap3A_1857 = vector.shape_cast %swap3A_1856 : vector<1x1x16xf32> to vector<16xf32>
        %swap3A_1858 = vector.shape_cast %broadcast_in_dim3A_563 : vector<16xf32> to vector<1x1x16xf32>
        tpu.vector_store %arg6[%swap3A_1853, %swap3A_1854, %swap3A_1855], %swap3A_1858 {strides = array<i32>} : memref<4x104x128xf32, #tpu.memory_space<vmem>>, vector<1x1x16xf32>,
        %swap3A_1859 = arith.constant 0 : i32
        %swap3A_1860 = arith.index_cast %swap3A_1859 : i32 to index
        %swap3A_1861 = arith.index_cast %add3A_1837 : i32 to index
        %swap3A_1862 = arith.constant 48 : index
        %swap3A_1863 = tpu.vector_load %arg6[%swap3A_1860, %swap3A_1861, %swap3A_1862] {strides = array<i32>} : memref<4x104x128xf32, #tpu.memory_space<vmem>>, vector<1x1x16xf32>,
        %swap3A_1864 = vector.shape_cast %swap3A_1863 : vector<1x1x16xf32> to vector<16xf32>
        %swap3A_1865 = vector.shape_cast %broadcast_in_dim3A_563 : vector<16xf32> to vector<1x1x16xf32>
        tpu.vector_store %arg6[%swap3A_1860, %swap3A_1861, %swap3A_1862], %swap3A_1865 {strides = array<i32>} : memref<4x104x128xf32, #tpu.memory_space<vmem>>, vector<1x1x16xf32>,
        %swap3A_1866 = arith.constant 0 : i32
        %swap3A_1867 = arith.index_cast %swap3A_1866 : i32 to index
        %swap3A_1868 = arith.index_cast %add3A_1837 : i32 to index
        %swap3A_1869 = arith.constant 64 : index
        %swap3A_1870 = tpu.vector_load %arg6[%swap3A_1867, %swap3A_1868, %swap3A_1869] {strides = array<i32>} : memref<4x104x128xf32, #tpu.memory_space<vmem>>, vector<1x1x16xf32>,
        %swap3A_1871 = vector.shape_cast %swap3A_1870 : vector<1x1x16xf32> to vector<16xf32>
        %swap3A_1872 = vector.shape_cast %broadcast_in_dim3A_563 : vector<16xf32> to vector<1x1x16xf32>
        tpu.vector_store %arg6[%swap3A_1867, %swap3A_1868, %swap3A_1869], %swap3A_1872 {strides = array<i32>} : memref<4x104x128xf32, #tpu.memory_space<vmem>>, vector<1x1x16xf32>,
        %swap3A_1873 = arith.constant 0 : i32
        %swap3A_1874 = arith.index_cast %swap3A_1873 : i32 to index
        %swap3A_1875 = arith.index_cast %add3A_1837 : i32 to index
        %swap3A_1876 = arith.constant 80 : index
        %swap3A_1877 = tpu.vector_load %arg6[%swap3A_1874, %swap3A_1875, %swap3A_1876] {strides = array<i32>} : memref<4x104x128xf32, #tpu.memory_space<vmem>>, vector<1x1x16xf32>,
        %swap3A_1878 = vector.shape_cast %swap3A_1877 : vector<1x1x16xf32> to vector<16xf32>
        %swap3A_1879 = vector.shape_cast %broadcast_in_dim3A_563 : vector<16xf32> to vector<1x1x16xf32>
        tpu.vector_store %arg6[%swap3A_1874, %swap3A_1875, %swap3A_1876], %swap3A_1879 {strides = array<i32>} : memref<4x104x128xf32, #tpu.memory_space<vmem>>, vector<1x1x16xf32>,
        %swap3A_1880 = arith.constant 0 : i32
        %swap3A_1881 = arith.index_cast %swap3A_1880 : i32 to index
        %swap3A_1882 = arith.index_cast %add3A_1837 : i32 to index
        %swap3A_1883 = arith.constant 96 : index
        %swap3A_1884 = tpu.vector_load %arg6[%swap3A_1881, %swap3A_1882, %swap3A_1883] {strides = array<i32>} : memref<4x104x128xf32, #tpu.memory_space<vmem>>, vector<1x1x16xf32>,
        %swap3A_1885 = vector.shape_cast %swap3A_1884 : vector<1x1x16xf32> to vector<16xf32>
        %swap3A_1886 = vector.shape_cast %broadcast_in_dim3A_563 : vector<16xf32> to vector<1x1x16xf32>
        tpu.vector_store %arg6[%swap3A_1881, %swap3A_1882, %swap3A_1883], %swap3A_1886 {strides = array<i32>} : memref<4x104x128xf32, #tpu.memory_space<vmem>>, vector<1x1x16xf32>,
        %swap3A_1887 = arith.constant 0 : i32
        %swap3A_1888 = arith.index_cast %swap3A_1887 : i32 to index
        %swap3A_1889 = arith.index_cast %add3A_1837 : i32 to index
        %swap3A_1890 = arith.constant 112 : index
        %swap3A_1891 = tpu.vector_load %arg6[%swap3A_1888, %swap3A_1889, %swap3A_1890] {strides = array<i32>} : memref<4x104x128xf32, #tpu.memory_space<vmem>>, vector<1x1x16xf32>,
        %swap3A_1892 = vector.shape_cast %swap3A_1891 : vector<1x1x16xf32> to vector<16xf32>
        %swap3A_1893 = vector.shape_cast %broadcast_in_dim3A_563 : vector<16xf32> to vector<1x1x16xf32>
        tpu.vector_store %arg6[%swap3A_1888, %swap3A_1889, %swap3A_1890], %swap3A_1893 {strides = array<i32>} : memref<4x104x128xf32, #tpu.memory_space<vmem>>, vector<1x1x16xf32>,
      }
      %scan3A_568 = arith.constant 104 : i32
      %add3A_569 = arith.constant 4 : i32
      %add3A_570 = arith.addi %add3A_160, %add3A_569 : i32
      %lt3A = arith.constant 128 : i32
      %lt3A_571 = arith.cmpi slt, %add3A_570, %lt3A : i32
      %convert_element_type3A = arith.extui %lt3A_571 : i1 to i32
      %cond3A = arith.constant 0 : i32
      %cond3A_572 = arith.cmpi ne, %convert_element_type3A, %cond3A : i32
      scf.if %cond3A_572 {
        %add3A_1833 = arith.constant 4 : i32
        %add3A_1834 = arith.addi %add3A_160, %add3A_1833 : i32
        %mul3A_1835 = arith.constant 200 : i32
        %mul3A_1836 = arith.muli %add3A_1834, %mul3A_1835 : i32
        %multiple_of3A_1837 = tpu.assume_multiple %mul3A_1836, 8 : i32
        %add3A_1838 = arith.constant 0 : i32
        %add3A_1839 = arith.addi %multiple_of3A_1837, %add3A_1838 : i32
        %dma_start3A_1840 = arith.constant 0 : i32
        %dma_start3A_1841 = arith.constant 0 : i32
        %dma_start3A_1842 = arith.constant 0 : i32
        %dma_start3A_1843 = tpu.memref_slice %arg6[%dma_start3A_1840, %dma_start3A_1841, %dma_start3A_1842] : memref<4x104x128xf32, #tpu.memory_space<vmem>> -> memref<1x104x128xf32, #tpu.memory_space<vmem>>
        %dma_start3A_1844 = tpu.memref_squeeze %dma_start3A_1843 : memref<1x104x128xf32, #tpu.memory_space<vmem>> -> memref<104x128xf32, #tpu.memory_space<vmem>>
        %dma_start3A_1845 = arith.constant 0 : i32
        %dma_start3A_1846 = arith.constant 0 : i32
        %dma_start3A_1847 = tpu.memref_slice %dma_start3A_1844[%dma_start3A_1845, %dma_start3A_1846] : memref<104x128xf32, #tpu.memory_space<vmem>> -> memref<104x128xf32, #tpu.memory_space<vmem>>
        %dma_start3A_1848 = tpu.memref_slice %arg5[%add3A_1839] : memref<25600xi32, #tpu.memory_space<vmem>> -> memref<104xi32, #tpu.memory_space<vmem>>
        %dma_start3A_1849 = arith.constant 0 : i32
        %dma_start3A_1850 = arith.constant 0 : i32
        %dma_start3A_1851 = tpu.memref_slice %arg2[%dma_start3A_1849, %dma_start3A_1850] : memref<100000x128xf32, #tpu.memory_space<hbm>> -> memref<100000x128xf32, #tpu.memory_space<hbm>>
        tpu.enqueue_indirect_dma source(%dma_start3A_1851 : memref<100000x128xf32, #tpu.memory_space<hbm>>) target(%dma_start3A_1847 : memref<104x128xf32, #tpu.memory_space<vmem>>) offsets(%dma_start3A_1848 : memref<104xi32, #tpu.memory_space<vmem>>) semaphore(%arg8 : memref<!tpu.dma_semaphore, #tpu.memory_space<semaphore_mem>>) {add = true}
        %add3A_1852 = arith.constant 104 : i32
        %add3A_1853 = arith.addi %multiple_of3A_1837, %add3A_1852 : i32
        %dma_start3A_1854 = arith.constant 0 : i32
        %dma_start3A_1855 = arith.constant 0 : i32
        %dma_start3A_1856 = arith.constant 0 : i32
        %dma_start3A_1857 = tpu.memref_slice %arg6[%dma_start3A_1854, %dma_start3A_1855, %dma_start3A_1856] : memref<4x104x128xf32, #tpu.memory_space<vmem>> -> memref<1x104x128xf32, #tpu.memory_space<vmem>>
        %dma_start3A_1858 = tpu.memref_squeeze %dma_start3A_1857 : memref<1x104x128xf32, #tpu.memory_space<vmem>> -> memref<104x128xf32, #tpu.memory_space<vmem>>
        %dma_start3A_1859 = arith.constant 0 : i32
        %dma_start3A_1860 = arith.constant 0 : i32
        %dma_start3A_1861 = tpu.memref_slice %dma_start3A_1858[%dma_start3A_1859, %dma_start3A_1860] : memref<104x128xf32, #tpu.memory_space<vmem>> -> memref<96x128xf32, #tpu.memory_space<vmem>>
        %dma_start3A_1862 = tpu.memref_slice %arg5[%add3A_1853] : memref<25600xi32, #tpu.memory_space<vmem>> -> memref<96xi32, #tpu.memory_space<vmem>>
        %dma_start3A_1863 = arith.constant 0 : i32
        %dma_start3A_1864 = arith.constant 0 : i32
        %dma_start3A_1865 = tpu.memref_slice %arg2[%dma_start3A_1863, %dma_start3A_1864] : memref<100000x128xf32, #tpu.memory_space<hbm>> -> memref<100000x128xf32, #tpu.memory_space<hbm>>
        tpu.enqueue_indirect_dma source(%dma_start3A_1865 : memref<100000x128xf32, #tpu.memory_space<hbm>>) target(%dma_start3A_1861 : memref<96x128xf32, #tpu.memory_space<vmem>>) offsets(%dma_start3A_1862 : memref<96xi32, #tpu.memory_space<vmem>>) semaphore(%arg8 : memref<!tpu.dma_semaphore, #tpu.memory_space<semaphore_mem>>) {add = true}
      } else {
      }
      %add3A_573 = arith.constant 1 : i32
      %add3A_574 = arith.addi %add3A_158, %add3A_573 : i32
      %mul3A_575 = arith.constant 200 : i32
      %mul3A_576 = arith.muli %add3A_574, %mul3A_575 : i32
      %multiple_of3A_577 = tpu.assume_multiple %mul3A_576, 8 : i32
      %add3A_578 = arith.constant 0 : i32
      %add3A_579 = arith.addi %multiple_of3A_577, %add3A_578 : i32
      %dma_wait3A_580 = arith.constant 1 : i32
      %dma_wait3A_581 = arith.constant 0 : i32
      %dma_wait3A_582 = arith.constant 0 : i32
      %dma_wait3A_583 = tpu.memref_slice %arg6[%dma_wait3A_580, %dma_wait3A_581, %dma_wait3A_582] : memref<4x104x128xf32, #tpu.memory_space<vmem>> -> memref<1x104x128xf32, #tpu.memory_space<vmem>>
      %dma_wait3A_584 = tpu.memref_squeeze %dma_wait3A_583 : memref<1x104x128xf32, #tpu.memory_space<vmem>> -> memref<104x128xf32, #tpu.memory_space<vmem>>
      %dma_wait3A_585 = arith.constant 0 : i32
      %dma_wait3A_586 = arith.constant 0 : i32
      %dma_wait3A_587 = tpu.memref_slice %dma_wait3A_584[%dma_wait3A_585, %dma_wait3A_586] : memref<104x128xf32, #tpu.memory_space<vmem>> -> memref<104x128xf32, #tpu.memory_space<vmem>>
      %dma_wait3A_588 = tpu.memref_slice %arg5[%add3A_579] : memref<25600xi32, #tpu.memory_space<vmem>> -> memref<104xi32, #tpu.memory_space<vmem>>
      %dma_wait3A_589 = arith.constant 0 : i32
      %dma_wait3A_590 = arith.constant 0 : i32
      %dma_wait3A_591 = tpu.memref_slice %arg2[%dma_wait3A_589, %dma_wait3A_590] : memref<100000x128xf32, #tpu.memory_space<hbm>> -> memref<100000x128xf32, #tpu.memory_space<hbm>>
      tpu.wait_indirect_dma semaphore(%arg9 : memref<!tpu.dma_semaphore, #tpu.memory_space<semaphore_mem>>) src(%dma_wait3A_591 : memref<100000x128xf32, #tpu.memory_space<hbm>>) dst(%dma_wait3A_587 : memref<104x128xf32, #tpu.memory_space<vmem>>)
      %add3A_592 = arith.constant 104 : i32
      %add3A_593 = arith.addi %multiple_of3A_577, %add3A_592 : i32
      %dma_wait3A_594 = arith.constant 1 : i32
      %dma_wait3A_595 = arith.constant 0 : i32
      %dma_wait3A_596 = arith.constant 0 : i32
      %dma_wait3A_597 = tpu.memref_slice %arg6[%dma_wait3A_594, %dma_wait3A_595, %dma_wait3A_596] : memref<4x104x128xf32, #tpu.memory_space<vmem>> -> memref<1x104x128xf32, #tpu.memory_space<vmem>>
      %dma_wait3A_598 = tpu.memref_squeeze %dma_wait3A_597 : memref<1x104x128xf32, #tpu.memory_space<vmem>> -> memref<104x128xf32, #tpu.memory_space<vmem>>
      %dma_wait3A_599 = arith.constant 0 : i32
      %dma_wait3A_600 = arith.constant 0 : i32
      %dma_wait3A_601 = tpu.memref_slice %dma_wait3A_598[%dma_wait3A_599, %dma_wait3A_600] : memref<104x128xf32, #tpu.memory_space<vmem>> -> memref<96x128xf32, #tpu.memory_space<vmem>>
      %dma_wait3A_602 = tpu.memref_slice %arg5[%add3A_593] : memref<25600xi32, #tpu.memory_space<vmem>> -> memref<96xi32, #tpu.memory_space<vmem>>
      %dma_wait3A_603 = arith.constant 0 : i32
      %dma_wait3A_604 = arith.constant 0 : i32
      %dma_wait3A_605 = tpu.memref_slice %arg2[%dma_wait3A_603, %dma_wait3A_604] : memref<100000x128xf32, #tpu.memory_space<hbm>> -> memref<100000x128xf32, #tpu.memory_space<hbm>>
      tpu.wait_indirect_dma semaphore(%arg9 : memref<!tpu.dma_semaphore, #tpu.memory_space<semaphore_mem>>) src(%dma_wait3A_605 : memref<100000x128xf32, #tpu.memory_space<hbm>>) dst(%dma_wait3A_601 : memref<96x128xf32, #tpu.memory_space<vmem>>)
      %get3A_606 = arith.constant 1 : i32
      %get3A_607 = arith.constant 0 : i32
      %get3A_608 = arith.constant 0 : i32
      %get3A_609 = arith.constant 0 : i32
      %get3A_610 = tpu.memref_slice %arg6[%get3A_606, %get3A_608, %get3A_609] : memref<4x104x128xf32, #tpu.memory_space<vmem>> -> memref<1x104x128xf32, #tpu.memory_space<vmem>>
      %get3A_611 = tpu.memref_squeeze %get3A_610 : memref<1x104x128xf32, #tpu.memory_space<vmem>> -> memref<104x128xf32, #tpu.memory_space<vmem>>
      %get3A_612 = arith.index_cast %get3A_607 : i32 to index
      %get3A_613 = arith.constant 0 : index
      %get3A_614 = tpu.vector_load %get3A_611[%get3A_612, %get3A_613] {strides = array<i32>} : memref<104x128xf32, #tpu.memory_space<vmem>>, vector<1x16xf32>,
      %get3A_615 = vector.shape_cast %get3A_614 : vector<1x16xf32> to vector<16xf32>
      %get3A_616 = arith.constant 1 : i32
      %get3A_617 = arith.constant 0 : i32
      %get3A_618 = arith.constant 0 : i32
      %get3A_619 = arith.constant 0 : i32
      %get3A_620 = tpu.memref_slice %arg6[%get3A_616, %get3A_618, %get3A_619] : memref<4x104x128xf32, #tpu.memory_space<vmem>> -> memref<1x104x128xf32, #tpu.memory_space<vmem>>
      %get3A_621 = tpu.memref_squeeze %get3A_620 : memref<1x104x128xf32, #tpu.memory_space<vmem>> -> memref<104x128xf32, #tpu.memory_space<vmem>>
      %get3A_622 = arith.index_cast %get3A_617 : i32 to index
      %get3A_623 = arith.constant 16 : index
      %get3A_624 = tpu.vector_load %get3A_621[%get3A_622, %get3A_623] {strides = array<i32>} : memref<104x128xf32, #tpu.memory_space<vmem>>, vector<1x16xf32>,
      %get3A_625 = vector.shape_cast %get3A_624 : vector<1x16xf32> to vector<16xf32>
      %get3A_626 = arith.constant 1 : i32
      %get3A_627 = arith.constant 0 : i32
      %get3A_628 = arith.constant 0 : i32
      %get3A_629 = arith.constant 0 : i32
      %get3A_630 = tpu.memref_slice %arg6[%get3A_626, %get3A_628, %get3A_629] : memref<4x104x128xf32, #tpu.memory_space<vmem>> -> memref<1x104x128xf32, #tpu.memory_space<vmem>>
      %get3A_631 = tpu.memref_squeeze %get3A_630 : memref<1x104x128xf32, #tpu.memory_space<vmem>> -> memref<104x128xf32, #tpu.memory_space<vmem>>
      %get3A_632 = arith.index_cast %get3A_627 : i32 to index
      %get3A_633 = arith.constant 32 : index
      %get3A_634 = tpu.vector_load %get3A_631[%get3A_632, %get3A_633] {strides = array<i32>} : memref<104x128xf32, #tpu.memory_space<vmem>>, vector<1x16xf32>,
      %get3A_635 = vector.shape_cast %get3A_634 : vector<1x16xf32> to vector<16xf32>
      %get3A_636 = arith.constant 1 : i32
      %get3A_637 = arith.constant 0 : i32
      %get3A_638 = arith.constant 0 : i32
      %get3A_639 = arith.constant 0 : i32
      %get3A_640 = tpu.memref_slice %arg6[%get3A_636, %get3A_638, %get3A_639] : memref<4x104x128xf32, #tpu.memory_space<vmem>> -> memref<1x104x128xf32, #tpu.memory_space<vmem>>
      %get3A_641 = tpu.memref_squeeze %get3A_640 : memref<1x104x128xf32, #tpu.memory_space<vmem>> -> memref<104x128xf32, #tpu.memory_space<vmem>>
      %get3A_642 = arith.index_cast %get3A_637 : i32 to index
      %get3A_643 = arith.constant 48 : index
      %get3A_644 = tpu.vector_load %get3A_641[%get3A_642, %get3A_643] {strides = array<i32>} : memref<104x128xf32, #tpu.memory_space<vmem>>, vector<1x16xf32>,
      %get3A_645 = vector.shape_cast %get3A_644 : vector<1x16xf32> to vector<16xf32>
      %get3A_646 = arith.constant 1 : i32
      %get3A_647 = arith.constant 0 : i32
      %get3A_648 = arith.constant 0 : i32
      %get3A_649 = arith.constant 0 : i32
      %get3A_650 = tpu.memref_slice %arg6[%get3A_646, %get3A_648, %get3A_649] : memref<4x104x128xf32, #tpu.memory_space<vmem>> -> memref<1x104x128xf32, #tpu.memory_space<vmem>>
      %get3A_651 = tpu.memref_squeeze %get3A_650 : memref<1x104x128xf32, #tpu.memory_space<vmem>> -> memref<104x128xf32, #tpu.memory_space<vmem>>
      %get3A_652 = arith.index_cast %get3A_647 : i32 to index
      %get3A_653 = arith.constant 64 : index
      %get3A_654 = tpu.vector_load %get3A_651[%get3A_652, %get3A_653] {strides = array<i32>} : memref<104x128xf32, #tpu.memory_space<vmem>>, vector<1x16xf32>,
      %get3A_655 = vector.shape_cast %get3A_654 : vector<1x16xf32> to vector<16xf32>
      %get3A_656 = arith.constant 1 : i32
      %get3A_657 = arith.constant 0 : i32
      %get3A_658 = arith.constant 0 : i32
      %get3A_659 = arith.constant 0 : i32
      %get3A_660 = tpu.memref_slice %arg6[%get3A_656, %get3A_658, %get3A_659] : memref<4x104x128xf32, #tpu.memory_space<vmem>> -> memref<1x104x128xf32, #tpu.memory_space<vmem>>
      %get3A_661 = tpu.memref_squeeze %get3A_660 : memref<1x104x128xf32, #tpu.memory_space<vmem>> -> memref<104x128xf32, #tpu.memory_space<vmem>>
      %get3A_662 = arith.index_cast %get3A_657 : i32 to index
      %get3A_663 = arith.constant 80 : index
      %get3A_664 = tpu.vector_load %get3A_661[%get3A_662, %get3A_663] {strides = array<i32>} : memref<104x128xf32, #tpu.memory_space<vmem>>, vector<1x16xf32>,
      %get3A_665 = vector.shape_cast %get3A_664 : vector<1x16xf32> to vector<16xf32>
      %get3A_666 = arith.constant 1 : i32
      %get3A_667 = arith.constant 0 : i32
      %get3A_668 = arith.constant 0 : i32
      %get3A_669 = arith.constant 0 : i32
      %get3A_670 = tpu.memref_slice %arg6[%get3A_666, %get3A_668, %get3A_669] : memref<4x104x128xf32, #tpu.memory_space<vmem>> -> memref<1x104x128xf32, #tpu.memory_space<vmem>>
      %get3A_671 = tpu.memref_squeeze %get3A_670 : memref<1x104x128xf32, #tpu.memory_space<vmem>> -> memref<104x128xf32, #tpu.memory_space<vmem>>
      %get3A_672 = arith.index_cast %get3A_667 : i32 to index
      %get3A_673 = arith.constant 96 : index
      %get3A_674 = tpu.vector_load %get3A_671[%get3A_672, %get3A_673] {strides = array<i32>} : memref<104x128xf32, #tpu.memory_space<vmem>>, vector<1x16xf32>,
      %get3A_675 = vector.shape_cast %get3A_674 : vector<1x16xf32> to vector<16xf32>
      %get3A_676 = arith.constant 1 : i32
      %get3A_677 = arith.constant 0 : i32
      %get3A_678 = arith.constant 0 : i32
      %get3A_679 = arith.constant 0 : i32
      %get3A_680 = tpu.memref_slice %arg6[%get3A_676, %get3A_678, %get3A_679] : memref<4x104x128xf32, #tpu.memory_space<vmem>> -> memref<1x104x128xf32, #tpu.memory_space<vmem>>
      %get3A_681 = tpu.memref_squeeze %get3A_680 : memref<1x104x128xf32, #tpu.memory_space<vmem>> -> memref<104x128xf32, #tpu.memory_space<vmem>>
      %get3A_682 = arith.index_cast %get3A_677 : i32 to index
      %get3A_683 = arith.constant 112 : index
      %get3A_684 = tpu.vector_load %get3A_681[%get3A_682, %get3A_683] {strides = array<i32>} : memref<104x128xf32, #tpu.memory_space<vmem>>, vector<1x16xf32>,
      %get3A_685 = vector.shape_cast %get3A_684 : vector<1x16xf32> to vector<16xf32>
      %scan3A_686 = arith.constant 1 : i32
      %scan3A_687 = arith.constant 1 : i32
      %scan3A_688 = arith.constant 100 : i32
      %scan3A_689 = arith.addi %scan3A_687, %scan3A_688 : i32
      %scan3A_690 = arith.constant 4 : i32
      %scan3A_691:8 = scf.for %scan3A_1833 = %scan3A_687 to %scan3A_689 step %scan3A_690 iter_args(%scan3A_1834 = %get3A_615, %scan3A_1835 = %get3A_625, %scan3A_1836 = %get3A_635, %scan3A_1837 = %get3A_645, %scan3A_1838 = %get3A_655, %scan3A_1839 = %get3A_665, %scan3A_1840 = %get3A_675, %scan3A_1841 = %get3A_685) -> (vector<16xf32>, vector<16xf32>, vector<16xf32>, vector<16xf32>, vector<16xf32>, vector<16xf32>, vector<16xf32>, vector<16xf32>)  : i32 {
        %get3A_1842 = arith.constant 0 : i32
        %get3A_1843 = arith.constant 0 : i32
        %get3A_1844 = tpu.memref_slice %arg6[%scan3A_686, %get3A_1842, %get3A_1843] : memref<4x104x128xf32, #tpu.memory_space<vmem>> -> memref<1x104x128xf32, #tpu.memory_space<vmem>>
        %get3A_1845 = tpu.memref_squeeze %get3A_1844 : memref<1x104x128xf32, #tpu.memory_space<vmem>> -> memref<104x128xf32, #tpu.memory_space<vmem>>
        %get3A_1846 = arith.index_cast %scan3A_1833 : i32 to index
        %get3A_1847 = arith.constant 0 : index
        %get3A_1848 = tpu.vector_load %get3A_1845[%get3A_1846, %get3A_1847] {strides = array<i32>} : memref<104x128xf32, #tpu.memory_space<vmem>>, vector<1x16xf32>,
        %get3A_1849 = vector.shape_cast %get3A_1848 : vector<1x16xf32> to vector<16xf32>
        %add3A_1850 = arith.addf %scan3A_1834, %get3A_1849 : vector<16xf32>
        %get3A_1851 = arith.constant 0 : i32
        %get3A_1852 = arith.constant 0 : i32
        %get3A_1853 = tpu.memref_slice %arg6[%scan3A_686, %get3A_1851, %get3A_1852] : memref<4x104x128xf32, #tpu.memory_space<vmem>> -> memref<1x104x128xf32, #tpu.memory_space<vmem>>
        %get3A_1854 = tpu.memref_squeeze %get3A_1853 : memref<1x104x128xf32, #tpu.memory_space<vmem>> -> memref<104x128xf32, #tpu.memory_space<vmem>>
        %get3A_1855 = arith.index_cast %scan3A_1833 : i32 to index
        %get3A_1856 = arith.constant 16 : index
        %get3A_1857 = tpu.vector_load %get3A_1854[%get3A_1855, %get3A_1856] {strides = array<i32>} : memref<104x128xf32, #tpu.memory_space<vmem>>, vector<1x16xf32>,
        %get3A_1858 = vector.shape_cast %get3A_1857 : vector<1x16xf32> to vector<16xf32>
        %add3A_1859 = arith.addf %scan3A_1835, %get3A_1858 : vector<16xf32>
        %get3A_1860 = arith.constant 0 : i32
        %get3A_1861 = arith.constant 0 : i32
        %get3A_1862 = tpu.memref_slice %arg6[%scan3A_686, %get3A_1860, %get3A_1861] : memref<4x104x128xf32, #tpu.memory_space<vmem>> -> memref<1x104x128xf32, #tpu.memory_space<vmem>>
        %get3A_1863 = tpu.memref_squeeze %get3A_1862 : memref<1x104x128xf32, #tpu.memory_space<vmem>> -> memref<104x128xf32, #tpu.memory_space<vmem>>
        %get3A_1864 = arith.index_cast %scan3A_1833 : i32 to index
        %get3A_1865 = arith.constant 32 : index
        %get3A_1866 = tpu.vector_load %get3A_1863[%get3A_1864, %get3A_1865] {strides = array<i32>} : memref<104x128xf32, #tpu.memory_space<vmem>>, vector<1x16xf32>,
        %get3A_1867 = vector.shape_cast %get3A_1866 : vector<1x16xf32> to vector<16xf32>
        %add3A_1868 = arith.addf %scan3A_1836, %get3A_1867 : vector<16xf32>
        %get3A_1869 = arith.constant 0 : i32
        %get3A_1870 = arith.constant 0 : i32
        %get3A_1871 = tpu.memref_slice %arg6[%scan3A_686, %get3A_1869, %get3A_1870] : memref<4x104x128xf32, #tpu.memory_space<vmem>> -> memref<1x104x128xf32, #tpu.memory_space<vmem>>
        %get3A_1872 = tpu.memref_squeeze %get3A_1871 : memref<1x104x128xf32, #tpu.memory_space<vmem>> -> memref<104x128xf32, #tpu.memory_space<vmem>>
        %get3A_1873 = arith.index_cast %scan3A_1833 : i32 to index
        %get3A_1874 = arith.constant 48 : index
        %get3A_1875 = tpu.vector_load %get3A_1872[%get3A_1873, %get3A_1874] {strides = array<i32>} : memref<104x128xf32, #tpu.memory_space<vmem>>, vector<1x16xf32>,
        %get3A_1876 = vector.shape_cast %get3A_1875 : vector<1x16xf32> to vector<16xf32>
        %add3A_1877 = arith.addf %scan3A_1837, %get3A_1876 : vector<16xf32>
        %get3A_1878 = arith.constant 0 : i32
        %get3A_1879 = arith.constant 0 : i32
        %get3A_1880 = tpu.memref_slice %arg6[%scan3A_686, %get3A_1878, %get3A_1879] : memref<4x104x128xf32, #tpu.memory_space<vmem>> -> memref<1x104x128xf32, #tpu.memory_space<vmem>>
        %get3A_1881 = tpu.memref_squeeze %get3A_1880 : memref<1x104x128xf32, #tpu.memory_space<vmem>> -> memref<104x128xf32, #tpu.memory_space<vmem>>
        %get3A_1882 = arith.index_cast %scan3A_1833 : i32 to index
        %get3A_1883 = arith.constant 64 : index
        %get3A_1884 = tpu.vector_load %get3A_1881[%get3A_1882, %get3A_1883] {strides = array<i32>} : memref<104x128xf32, #tpu.memory_space<vmem>>, vector<1x16xf32>,
        %get3A_1885 = vector.shape_cast %get3A_1884 : vector<1x16xf32> to vector<16xf32>
        %add3A_1886 = arith.addf %scan3A_1838, %get3A_1885 : vector<16xf32>
        %get3A_1887 = arith.constant 0 : i32
        %get3A_1888 = arith.constant 0 : i32
        %get3A_1889 = tpu.memref_slice %arg6[%scan3A_686, %get3A_1887, %get3A_1888] : memref<4x104x128xf32, #tpu.memory_space<vmem>> -> memref<1x104x128xf32, #tpu.memory_space<vmem>>
        %get3A_1890 = tpu.memref_squeeze %get3A_1889 : memref<1x104x128xf32, #tpu.memory_space<vmem>> -> memref<104x128xf32, #tpu.memory_space<vmem>>
        %get3A_1891 = arith.index_cast %scan3A_1833 : i32 to index
        %get3A_1892 = arith.constant 80 : index
        %get3A_1893 = tpu.vector_load %get3A_1890[%get3A_1891, %get3A_1892] {strides = array<i32>} : memref<104x128xf32, #tpu.memory_space<vmem>>, vector<1x16xf32>,
        %get3A_1894 = vector.shape_cast %get3A_1893 : vector<1x16xf32> to vector<16xf32>
        %add3A_1895 = arith.addf %scan3A_1839, %get3A_1894 : vector<16xf32>
        %get3A_1896 = arith.constant 0 : i32
        %get3A_1897 = arith.constant 0 : i32
        %get3A_1898 = tpu.memref_slice %arg6[%scan3A_686, %get3A_1896, %get3A_1897] : memref<4x104x128xf32, #tpu.memory_space<vmem>> -> memref<1x104x128xf32, #tpu.memory_space<vmem>>
        %get3A_1899 = tpu.memref_squeeze %get3A_1898 : memref<1x104x128xf32, #tpu.memory_space<vmem>> -> memref<104x128xf32, #tpu.memory_space<vmem>>
        %get3A_1900 = arith.index_cast %scan3A_1833 : i32 to index
        %get3A_1901 = arith.constant 96 : index
        %get3A_1902 = tpu.vector_load %get3A_1899[%get3A_1900, %get3A_1901] {strides = array<i32>} : memref<104x128xf32, #tpu.memory_space<vmem>>, vector<1x16xf32>,
        %get3A_1903 = vector.shape_cast %get3A_1902 : vector<1x16xf32> to vector<16xf32>
        %add3A_1904 = arith.addf %scan3A_1840, %get3A_1903 : vector<16xf32>
        %get3A_1905 = arith.constant 0 : i32
        %get3A_1906 = arith.constant 0 : i32
        %get3A_1907 = tpu.memref_slice %arg6[%scan3A_686, %get3A_1905, %get3A_1906] : memref<4x104x128xf32, #tpu.memory_space<vmem>> -> memref<1x104x128xf32, #tpu.memory_space<vmem>>
        %get3A_1908 = tpu.memref_squeeze %get3A_1907 : memref<1x104x128xf32, #tpu.memory_space<vmem>> -> memref<104x128xf32, #tpu.memory_space<vmem>>
        %get3A_1909 = arith.index_cast %scan3A_1833 : i32 to index
        %get3A_1910 = arith.constant 112 : index
        %get3A_1911 = tpu.vector_load %get3A_1908[%get3A_1909, %get3A_1910] {strides = array<i32>} : memref<104x128xf32, #tpu.memory_space<vmem>>, vector<1x16xf32>,
        %get3A_1912 = vector.shape_cast %get3A_1911 : vector<1x16xf32> to vector<16xf32>
        %add3A_1913 = arith.addf %scan3A_1841, %get3A_1912 : vector<16xf32>
        %scan3A_1914 = arith.constant 1 : i32
        %scan3A_1915 = arith.addi %scan3A_1833, %scan3A_1914 : i32
        %get3A_1916 = arith.constant 0 : i32
        %get3A_1917 = arith.constant 0 : i32
        %get3A_1918 = tpu.memref_slice %arg6[%scan3A_686, %get3A_1916, %get3A_1917] : memref<4x104x128xf32, #tpu.memory_space<vmem>> -> memref<1x104x128xf32, #tpu.memory_space<vmem>>
        %get3A_1919 = tpu.memref_squeeze %get3A_1918 : memref<1x104x128xf32, #tpu.memory_space<vmem>> -> memref<104x128xf32, #tpu.memory_space<vmem>>
        %get3A_1920 = arith.index_cast %scan3A_1915 : i32 to index
        %get3A_1921 = arith.constant 0 : index
        %get3A_1922 = tpu.vector_load %get3A_1919[%get3A_1920, %get3A_1921] {strides = array<i32>} : memref<104x128xf32, #tpu.memory_space<vmem>>, vector<1x16xf32>,
        %get3A_1923 = vector.shape_cast %get3A_1922 : vector<1x16xf32> to vector<16xf32>
        %add3A_1924 = arith.addf %add3A_1850, %get3A_1923 : vector<16xf32>
        %get3A_1925 = arith.constant 0 : i32
        %get3A_1926 = arith.constant 0 : i32
        %get3A_1927 = tpu.memref_slice %arg6[%scan3A_686, %get3A_1925, %get3A_1926] : memref<4x104x128xf32, #tpu.memory_space<vmem>> -> memref<1x104x128xf32, #tpu.memory_space<vmem>>
        %get3A_1928 = tpu.memref_squeeze %get3A_1927 : memref<1x104x128xf32, #tpu.memory_space<vmem>> -> memref<104x128xf32, #tpu.memory_space<vmem>>
        %get3A_1929 = arith.index_cast %scan3A_1915 : i32 to index
        %get3A_1930 = arith.constant 16 : index
        %get3A_1931 = tpu.vector_load %get3A_1928[%get3A_1929, %get3A_1930] {strides = array<i32>} : memref<104x128xf32, #tpu.memory_space<vmem>>, vector<1x16xf32>,
        %get3A_1932 = vector.shape_cast %get3A_1931 : vector<1x16xf32> to vector<16xf32>
        %add3A_1933 = arith.addf %add3A_1859, %get3A_1932 : vector<16xf32>
        %get3A_1934 = arith.constant 0 : i32
        %get3A_1935 = arith.constant 0 : i32
        %get3A_1936 = tpu.memref_slice %arg6[%scan3A_686, %get3A_1934, %get3A_1935] : memref<4x104x128xf32, #tpu.memory_space<vmem>> -> memref<1x104x128xf32, #tpu.memory_space<vmem>>
        %get3A_1937 = tpu.memref_squeeze %get3A_1936 : memref<1x104x128xf32, #tpu.memory_space<vmem>> -> memref<104x128xf32, #tpu.memory_space<vmem>>
        %get3A_1938 = arith.index_cast %scan3A_1915 : i32 to index
        %get3A_1939 = arith.constant 32 : index
        %get3A_1940 = tpu.vector_load %get3A_1937[%get3A_1938, %get3A_1939] {strides = array<i32>} : memref<104x128xf32, #tpu.memory_space<vmem>>, vector<1x16xf32>,
        %get3A_1941 = vector.shape_cast %get3A_1940 : vector<1x16xf32> to vector<16xf32>
        %add3A_1942 = arith.addf %add3A_1868, %get3A_1941 : vector<16xf32>
        %get3A_1943 = arith.constant 0 : i32
        %get3A_1944 = arith.constant 0 : i32
        %get3A_1945 = tpu.memref_slice %arg6[%scan3A_686, %get3A_1943, %get3A_1944] : memref<4x104x128xf32, #tpu.memory_space<vmem>> -> memref<1x104x128xf32, #tpu.memory_space<vmem>>
        %get3A_1946 = tpu.memref_squeeze %get3A_1945 : memref<1x104x128xf32, #tpu.memory_space<vmem>> -> memref<104x128xf32, #tpu.memory_space<vmem>>
        %get3A_1947 = arith.index_cast %scan3A_1915 : i32 to index
        %get3A_1948 = arith.constant 48 : index
        %get3A_1949 = tpu.vector_load %get3A_1946[%get3A_1947, %get3A_1948] {strides = array<i32>} : memref<104x128xf32, #tpu.memory_space<vmem>>, vector<1x16xf32>,
        %get3A_1950 = vector.shape_cast %get3A_1949 : vector<1x16xf32> to vector<16xf32>
        %add3A_1951 = arith.addf %add3A_1877, %get3A_1950 : vector<16xf32>
        %get3A_1952 = arith.constant 0 : i32
        %get3A_1953 = arith.constant 0 : i32
        %get3A_1954 = tpu.memref_slice %arg6[%scan3A_686, %get3A_1952, %get3A_1953] : memref<4x104x128xf32, #tpu.memory_space<vmem>> -> memref<1x104x128xf32, #tpu.memory_space<vmem>>
        %get3A_1955 = tpu.memref_squeeze %get3A_1954 : memref<1x104x128xf32, #tpu.memory_space<vmem>> -> memref<104x128xf32, #tpu.memory_space<vmem>>
        %get3A_1956 = arith.index_cast %scan3A_1915 : i32 to index
        %get3A_1957 = arith.constant 64 : index
        %get3A_1958 = tpu.vector_load %get3A_1955[%get3A_1956, %get3A_1957] {strides = array<i32>} : memref<104x128xf32, #tpu.memory_space<vmem>>, vector<1x16xf32>,
        %get3A_1959 = vector.shape_cast %get3A_1958 : vector<1x16xf32> to vector<16xf32>
        %add3A_1960 = arith.addf %add3A_1886, %get3A_1959 : vector<16xf32>
        %get3A_1961 = arith.constant 0 : i32
        %get3A_1962 = arith.constant 0 : i32
        %get3A_1963 = tpu.memref_slice %arg6[%scan3A_686, %get3A_1961, %get3A_1962] : memref<4x104x128xf32, #tpu.memory_space<vmem>> -> memref<1x104x128xf32, #tpu.memory_space<vmem>>
        %get3A_1964 = tpu.memref_squeeze %get3A_1963 : memref<1x104x128xf32, #tpu.memory_space<vmem>> -> memref<104x128xf32, #tpu.memory_space<vmem>>
        %get3A_1965 = arith.index_cast %scan3A_1915 : i32 to index
        %get3A_1966 = arith.constant 80 : index
        %get3A_1967 = tpu.vector_load %get3A_1964[%get3A_1965, %get3A_1966] {strides = array<i32>} : memref<104x128xf32, #tpu.memory_space<vmem>>, vector<1x16xf32>,
        %get3A_1968 = vector.shape_cast %get3A_1967 : vector<1x16xf32> to vector<16xf32>
        %add3A_1969 = arith.addf %add3A_1895, %get3A_1968 : vector<16xf32>
        %get3A_1970 = arith.constant 0 : i32
        %get3A_1971 = arith.constant 0 : i32
        %get3A_1972 = tpu.memref_slice %arg6[%scan3A_686, %get3A_1970, %get3A_1971] : memref<4x104x128xf32, #tpu.memory_space<vmem>> -> memref<1x104x128xf32, #tpu.memory_space<vmem>>
        %get3A_1973 = tpu.memref_squeeze %get3A_1972 : memref<1x104x128xf32, #tpu.memory_space<vmem>> -> memref<104x128xf32, #tpu.memory_space<vmem>>
        %get3A_1974 = arith.index_cast %scan3A_1915 : i32 to index
        %get3A_1975 = arith.constant 96 : index
        %get3A_1976 = tpu.vector_load %get3A_1973[%get3A_1974, %get3A_1975] {strides = array<i32>} : memref<104x128xf32, #tpu.memory_space<vmem>>, vector<1x16xf32>,
        %get3A_1977 = vector.shape_cast %get3A_1976 : vector<1x16xf32> to vector<16xf32>
        %add3A_1978 = arith.addf %add3A_1904, %get3A_1977 : vector<16xf32>
        %get3A_1979 = arith.constant 0 : i32
        %get3A_1980 = arith.constant 0 : i32
        %get3A_1981 = tpu.memref_slice %arg6[%scan3A_686, %get3A_1979, %get3A_1980] : memref<4x104x128xf32, #tpu.memory_space<vmem>> -> memref<1x104x128xf32, #tpu.memory_space<vmem>>
        %get3A_1982 = tpu.memref_squeeze %get3A_1981 : memref<1x104x128xf32, #tpu.memory_space<vmem>> -> memref<104x128xf32, #tpu.memory_space<vmem>>
        %get3A_1983 = arith.index_cast %scan3A_1915 : i32 to index
        %get3A_1984 = arith.constant 112 : index
        %get3A_1985 = tpu.vector_load %get3A_1982[%get3A_1983, %get3A_1984] {strides = array<i32>} : memref<104x128xf32, #tpu.memory_space<vmem>>, vector<1x16xf32>,
        %get3A_1986 = vector.shape_cast %get3A_1985 : vector<1x16xf32> to vector<16xf32>
        %add3A_1987 = arith.addf %add3A_1913, %get3A_1986 : vector<16xf32>
        %scan3A_1988 = arith.constant 2 : i32
        %scan3A_1989 = arith.addi %scan3A_1833, %scan3A_1988 : i32
        %get3A_1990 = arith.constant 0 : i32
        %get3A_1991 = arith.constant 0 : i32
        %get3A_1992 = tpu.memref_slice %arg6[%scan3A_686, %get3A_1990, %get3A_1991] : memref<4x104x128xf32, #tpu.memory_space<vmem>> -> memref<1x104x128xf32, #tpu.memory_space<vmem>>
        %get3A_1993 = tpu.memref_squeeze %get3A_1992 : memref<1x104x128xf32, #tpu.memory_space<vmem>> -> memref<104x128xf32, #tpu.memory_space<vmem>>
        %get3A_1994 = arith.index_cast %scan3A_1989 : i32 to index
        %get3A_1995 = arith.constant 0 : index
        %get3A_1996 = tpu.vector_load %get3A_1993[%get3A_1994, %get3A_1995] {strides = array<i32>} : memref<104x128xf32, #tpu.memory_space<vmem>>, vector<1x16xf32>,
        %get3A_1997 = vector.shape_cast %get3A_1996 : vector<1x16xf32> to vector<16xf32>
        %add3A_1998 = arith.addf %add3A_1924, %get3A_1997 : vector<16xf32>
        %get3A_1999 = arith.constant 0 : i32
        %get3A_2000 = arith.constant 0 : i32
        %get3A_2001 = tpu.memref_slice %arg6[%scan3A_686, %get3A_1999, %get3A_2000] : memref<4x104x128xf32, #tpu.memory_space<vmem>> -> memref<1x104x128xf32, #tpu.memory_space<vmem>>
        %get3A_2002 = tpu.memref_squeeze %get3A_2001 : memref<1x104x128xf32, #tpu.memory_space<vmem>> -> memref<104x128xf32, #tpu.memory_space<vmem>>
        %get3A_2003 = arith.index_cast %scan3A_1989 : i32 to index
        %get3A_2004 = arith.constant 16 : index
        %get3A_2005 = tpu.vector_load %get3A_2002[%get3A_2003, %get3A_2004] {strides = array<i32>} : memref<104x128xf32, #tpu.memory_space<vmem>>, vector<1x16xf32>,
        %get3A_2006 = vector.shape_cast %get3A_2005 : vector<1x16xf32> to vector<16xf32>
        %add3A_2007 = arith.addf %add3A_1933, %get3A_2006 : vector<16xf32>
        %get3A_2008 = arith.constant 0 : i32
        %get3A_2009 = arith.constant 0 : i32
        %get3A_2010 = tpu.memref_slice %arg6[%scan3A_686, %get3A_2008, %get3A_2009] : memref<4x104x128xf32, #tpu.memory_space<vmem>> -> memref<1x104x128xf32, #tpu.memory_space<vmem>>
        %get3A_2011 = tpu.memref_squeeze %get3A_2010 : memref<1x104x128xf32, #tpu.memory_space<vmem>> -> memref<104x128xf32, #tpu.memory_space<vmem>>
        %get3A_2012 = arith.index_cast %scan3A_1989 : i32 to index
        %get3A_2013 = arith.constant 32 : index
        %get3A_2014 = tpu.vector_load %get3A_2011[%get3A_2012, %get3A_2013] {strides = array<i32>} : memref<104x128xf32, #tpu.memory_space<vmem>>, vector<1x16xf32>,
        %get3A_2015 = vector.shape_cast %get3A_2014 : vector<1x16xf32> to vector<16xf32>
        %add3A_2016 = arith.addf %add3A_1942, %get3A_2015 : vector<16xf32>
        %get3A_2017 = arith.constant 0 : i32
        %get3A_2018 = arith.constant 0 : i32
        %get3A_2019 = tpu.memref_slice %arg6[%scan3A_686, %get3A_2017, %get3A_2018] : memref<4x104x128xf32, #tpu.memory_space<vmem>> -> memref<1x104x128xf32, #tpu.memory_space<vmem>>
        %get3A_2020 = tpu.memref_squeeze %get3A_2019 : memref<1x104x128xf32, #tpu.memory_space<vmem>> -> memref<104x128xf32, #tpu.memory_space<vmem>>
        %get3A_2021 = arith.index_cast %scan3A_1989 : i32 to index
        %get3A_2022 = arith.constant 48 : index
        %get3A_2023 = tpu.vector_load %get3A_2020[%get3A_2021, %get3A_2022] {strides = array<i32>} : memref<104x128xf32, #tpu.memory_space<vmem>>, vector<1x16xf32>,
        %get3A_2024 = vector.shape_cast %get3A_2023 : vector<1x16xf32> to vector<16xf32>
        %add3A_2025 = arith.addf %add3A_1951, %get3A_2024 : vector<16xf32>
        %get3A_2026 = arith.constant 0 : i32
        %get3A_2027 = arith.constant 0 : i32
        %get3A_2028 = tpu.memref_slice %arg6[%scan3A_686, %get3A_2026, %get3A_2027] : memref<4x104x128xf32, #tpu.memory_space<vmem>> -> memref<1x104x128xf32, #tpu.memory_space<vmem>>
        %get3A_2029 = tpu.memref_squeeze %get3A_2028 : memref<1x104x128xf32, #tpu.memory_space<vmem>> -> memref<104x128xf32, #tpu.memory_space<vmem>>
        %get3A_2030 = arith.index_cast %scan3A_1989 : i32 to index
        %get3A_2031 = arith.constant 64 : index
        %get3A_2032 = tpu.vector_load %get3A_2029[%get3A_2030, %get3A_2031] {strides = array<i32>} : memref<104x128xf32, #tpu.memory_space<vmem>>, vector<1x16xf32>,
        %get3A_2033 = vector.shape_cast %get3A_2032 : vector<1x16xf32> to vector<16xf32>
        %add3A_2034 = arith.addf %add3A_1960, %get3A_2033 : vector<16xf32>
        %get3A_2035 = arith.constant 0 : i32
        %get3A_2036 = arith.constant 0 : i32
        %get3A_2037 = tpu.memref_slice %arg6[%scan3A_686, %get3A_2035, %get3A_2036] : memref<4x104x128xf32, #tpu.memory_space<vmem>> -> memref<1x104x128xf32, #tpu.memory_space<vmem>>
        %get3A_2038 = tpu.memref_squeeze %get3A_2037 : memref<1x104x128xf32, #tpu.memory_space<vmem>> -> memref<104x128xf32, #tpu.memory_space<vmem>>
        %get3A_2039 = arith.index_cast %scan3A_1989 : i32 to index
        %get3A_2040 = arith.constant 80 : index
        %get3A_2041 = tpu.vector_load %get3A_2038[%get3A_2039, %get3A_2040] {strides = array<i32>} : memref<104x128xf32, #tpu.memory_space<vmem>>, vector<1x16xf32>,
        %get3A_2042 = vector.shape_cast %get3A_2041 : vector<1x16xf32> to vector<16xf32>
        %add3A_2043 = arith.addf %add3A_1969, %get3A_2042 : vector<16xf32>
        %get3A_2044 = arith.constant 0 : i32
        %get3A_2045 = arith.constant 0 : i32
        %get3A_2046 = tpu.memref_slice %arg6[%scan3A_686, %get3A_2044, %get3A_2045] : memref<4x104x128xf32, #tpu.memory_space<vmem>> -> memref<1x104x128xf32, #tpu.memory_space<vmem>>
        %get3A_2047 = tpu.memref_squeeze %get3A_2046 : memref<1x104x128xf32, #tpu.memory_space<vmem>> -> memref<104x128xf32, #tpu.memory_space<vmem>>
        %get3A_2048 = arith.index_cast %scan3A_1989 : i32 to index
        %get3A_2049 = arith.constant 96 : index
        %get3A_2050 = tpu.vector_load %get3A_2047[%get3A_2048, %get3A_2049] {strides = array<i32>} : memref<104x128xf32, #tpu.memory_space<vmem>>, vector<1x16xf32>,
        %get3A_2051 = vector.shape_cast %get3A_2050 : vector<1x16xf32> to vector<16xf32>
        %add3A_2052 = arith.addf %add3A_1978, %get3A_2051 : vector<16xf32>
        %get3A_2053 = arith.constant 0 : i32
        %get3A_2054 = arith.constant 0 : i32
        %get3A_2055 = tpu.memref_slice %arg6[%scan3A_686, %get3A_2053, %get3A_2054] : memref<4x104x128xf32, #tpu.memory_space<vmem>> -> memref<1x104x128xf32, #tpu.memory_space<vmem>>
        %get3A_2056 = tpu.memref_squeeze %get3A_2055 : memref<1x104x128xf32, #tpu.memory_space<vmem>> -> memref<104x128xf32, #tpu.memory_space<vmem>>
        %get3A_2057 = arith.index_cast %scan3A_1989 : i32 to index
        %get3A_2058 = arith.constant 112 : index
        %get3A_2059 = tpu.vector_load %get3A_2056[%get3A_2057, %get3A_2058] {strides = array<i32>} : memref<104x128xf32, #tpu.memory_space<vmem>>, vector<1x16xf32>,
        %get3A_2060 = vector.shape_cast %get3A_2059 : vector<1x16xf32> to vector<16xf32>
        %add3A_2061 = arith.addf %add3A_1987, %get3A_2060 : vector<16xf32>
        %scan3A_2062 = arith.constant 3 : i32
        %scan3A_2063 = arith.addi %scan3A_1833, %scan3A_2062 : i32
        %get3A_2064 = arith.constant 0 : i32
        %get3A_2065 = arith.constant 0 : i32
        %get3A_2066 = tpu.memref_slice %arg6[%scan3A_686, %get3A_2064, %get3A_2065] : memref<4x104x128xf32, #tpu.memory_space<vmem>> -> memref<1x104x128xf32, #tpu.memory_space<vmem>>
        %get3A_2067 = tpu.memref_squeeze %get3A_2066 : memref<1x104x128xf32, #tpu.memory_space<vmem>> -> memref<104x128xf32, #tpu.memory_space<vmem>>
        %get3A_2068 = arith.index_cast %scan3A_2063 : i32 to index
        %get3A_2069 = arith.constant 0 : index
        %get3A_2070 = tpu.vector_load %get3A_2067[%get3A_2068, %get3A_2069] {strides = array<i32>} : memref<104x128xf32, #tpu.memory_space<vmem>>, vector<1x16xf32>,
        %get3A_2071 = vector.shape_cast %get3A_2070 : vector<1x16xf32> to vector<16xf32>
        %add3A_2072 = arith.addf %add3A_1998, %get3A_2071 : vector<16xf32>
        %get3A_2073 = arith.constant 0 : i32
        %get3A_2074 = arith.constant 0 : i32
        %get3A_2075 = tpu.memref_slice %arg6[%scan3A_686, %get3A_2073, %get3A_2074] : memref<4x104x128xf32, #tpu.memory_space<vmem>> -> memref<1x104x128xf32, #tpu.memory_space<vmem>>
        %get3A_2076 = tpu.memref_squeeze %get3A_2075 : memref<1x104x128xf32, #tpu.memory_space<vmem>> -> memref<104x128xf32, #tpu.memory_space<vmem>>
        %get3A_2077 = arith.index_cast %scan3A_2063 : i32 to index
        %get3A_2078 = arith.constant 16 : index
        %get3A_2079 = tpu.vector_load %get3A_2076[%get3A_2077, %get3A_2078] {strides = array<i32>} : memref<104x128xf32, #tpu.memory_space<vmem>>, vector<1x16xf32>,
        %get3A_2080 = vector.shape_cast %get3A_2079 : vector<1x16xf32> to vector<16xf32>
        %add3A_2081 = arith.addf %add3A_2007, %get3A_2080 : vector<16xf32>
        %get3A_2082 = arith.constant 0 : i32
        %get3A_2083 = arith.constant 0 : i32
        %get3A_2084 = tpu.memref_slice %arg6[%scan3A_686, %get3A_2082, %get3A_2083] : memref<4x104x128xf32, #tpu.memory_space<vmem>> -> memref<1x104x128xf32, #tpu.memory_space<vmem>>
        %get3A_2085 = tpu.memref_squeeze %get3A_2084 : memref<1x104x128xf32, #tpu.memory_space<vmem>> -> memref<104x128xf32, #tpu.memory_space<vmem>>
        %get3A_2086 = arith.index_cast %scan3A_2063 : i32 to index
        %get3A_2087 = arith.constant 32 : index
        %get3A_2088 = tpu.vector_load %get3A_2085[%get3A_2086, %get3A_2087] {strides = array<i32>} : memref<104x128xf32, #tpu.memory_space<vmem>>, vector<1x16xf32>,
        %get3A_2089 = vector.shape_cast %get3A_2088 : vector<1x16xf32> to vector<16xf32>
        %add3A_2090 = arith.addf %add3A_2016, %get3A_2089 : vector<16xf32>
        %get3A_2091 = arith.constant 0 : i32
        %get3A_2092 = arith.constant 0 : i32
        %get3A_2093 = tpu.memref_slice %arg6[%scan3A_686, %get3A_2091, %get3A_2092] : memref<4x104x128xf32, #tpu.memory_space<vmem>> -> memref<1x104x128xf32, #tpu.memory_space<vmem>>
        %get3A_2094 = tpu.memref_squeeze %get3A_2093 : memref<1x104x128xf32, #tpu.memory_space<vmem>> -> memref<104x128xf32, #tpu.memory_space<vmem>>
        %get3A_2095 = arith.index_cast %scan3A_2063 : i32 to index
        %get3A_2096 = arith.constant 48 : index
        %get3A_2097 = tpu.vector_load %get3A_2094[%get3A_2095, %get3A_2096] {strides = array<i32>} : memref<104x128xf32, #tpu.memory_space<vmem>>, vector<1x16xf32>,
        %get3A_2098 = vector.shape_cast %get3A_2097 : vector<1x16xf32> to vector<16xf32>
        %add3A_2099 = arith.addf %add3A_2025, %get3A_2098 : vector<16xf32>
        %get3A_2100 = arith.constant 0 : i32
        %get3A_2101 = arith.constant 0 : i32
        %get3A_2102 = tpu.memref_slice %arg6[%scan3A_686, %get3A_2100, %get3A_2101] : memref<4x104x128xf32, #tpu.memory_space<vmem>> -> memref<1x104x128xf32, #tpu.memory_space<vmem>>
        %get3A_2103 = tpu.memref_squeeze %get3A_2102 : memref<1x104x128xf32, #tpu.memory_space<vmem>> -> memref<104x128xf32, #tpu.memory_space<vmem>>
        %get3A_2104 = arith.index_cast %scan3A_2063 : i32 to index
        %get3A_2105 = arith.constant 64 : index
        %get3A_2106 = tpu.vector_load %get3A_2103[%get3A_2104, %get3A_2105] {strides = array<i32>} : memref<104x128xf32, #tpu.memory_space<vmem>>, vector<1x16xf32>,
        %get3A_2107 = vector.shape_cast %get3A_2106 : vector<1x16xf32> to vector<16xf32>
        %add3A_2108 = arith.addf %add3A_2034, %get3A_2107 : vector<16xf32>
        %get3A_2109 = arith.constant 0 : i32
        %get3A_2110 = arith.constant 0 : i32
        %get3A_2111 = tpu.memref_slice %arg6[%scan3A_686, %get3A_2109, %get3A_2110] : memref<4x104x128xf32, #tpu.memory_space<vmem>> -> memref<1x104x128xf32, #tpu.memory_space<vmem>>
        %get3A_2112 = tpu.memref_squeeze %get3A_2111 : memref<1x104x128xf32, #tpu.memory_space<vmem>> -> memref<104x128xf32, #tpu.memory_space<vmem>>
        %get3A_2113 = arith.index_cast %scan3A_2063 : i32 to index
        %get3A_2114 = arith.constant 80 : index
        %get3A_2115 = tpu.vector_load %get3A_2112[%get3A_2113, %get3A_2114] {strides = array<i32>} : memref<104x128xf32, #tpu.memory_space<vmem>>, vector<1x16xf32>,
        %get3A_2116 = vector.shape_cast %get3A_2115 : vector<1x16xf32> to vector<16xf32>
        %add3A_2117 = arith.addf %add3A_2043, %get3A_2116 : vector<16xf32>
        %get3A_2118 = arith.constant 0 : i32
        %get3A_2119 = arith.constant 0 : i32
        %get3A_2120 = tpu.memref_slice %arg6[%scan3A_686, %get3A_2118, %get3A_2119] : memref<4x104x128xf32, #tpu.memory_space<vmem>> -> memref<1x104x128xf32, #tpu.memory_space<vmem>>
        %get3A_2121 = tpu.memref_squeeze %get3A_2120 : memref<1x104x128xf32, #tpu.memory_space<vmem>> -> memref<104x128xf32, #tpu.memory_space<vmem>>
        %get3A_2122 = arith.index_cast %scan3A_2063 : i32 to index
        %get3A_2123 = arith.constant 96 : index
        %get3A_2124 = tpu.vector_load %get3A_2121[%get3A_2122, %get3A_2123] {strides = array<i32>} : memref<104x128xf32, #tpu.memory_space<vmem>>, vector<1x16xf32>,
        %get3A_2125 = vector.shape_cast %get3A_2124 : vector<1x16xf32> to vector<16xf32>
        %add3A_2126 = arith.addf %add3A_2052, %get3A_2125 : vector<16xf32>
        %get3A_2127 = arith.constant 0 : i32
        %get3A_2128 = arith.constant 0 : i32
        %get3A_2129 = tpu.memref_slice %arg6[%scan3A_686, %get3A_2127, %get3A_2128] : memref<4x104x128xf32, #tpu.memory_space<vmem>> -> memref<1x104x128xf32, #tpu.memory_space<vmem>>
        %get3A_2130 = tpu.memref_squeeze %get3A_2129 : memref<1x104x128xf32, #tpu.memory_space<vmem>> -> memref<104x128xf32, #tpu.memory_space<vmem>>
        %get3A_2131 = arith.index_cast %scan3A_2063 : i32 to index
        %get3A_2132 = arith.constant 112 : index
        %get3A_2133 = tpu.vector_load %get3A_2130[%get3A_2131, %get3A_2132] {strides = array<i32>} : memref<104x128xf32, #tpu.memory_space<vmem>>, vector<1x16xf32>,
        %get3A_2134 = vector.shape_cast %get3A_2133 : vector<1x16xf32> to vector<16xf32>
        %add3A_2135 = arith.addf %add3A_2061, %get3A_2134 : vector<16xf32>
        scf.yield %add3A_2072, %add3A_2081, %add3A_2090, %add3A_2099, %add3A_2108, %add3A_2117, %add3A_2126, %add3A_2135 : vector<16xf32>, vector<16xf32>, vector<16xf32>, vector<16xf32>, vector<16xf32>, vector<16xf32>, vector<16xf32>, vector<16xf32>
      }
      %scan3A_692 = arith.constant 100 : i32
      %scan3A_693 = arith.addi %scan3A_687, %scan3A_692 : i32
      %get3A_694 = arith.constant 0 : i32
      %get3A_695 = arith.constant 0 : i32
      %get3A_696 = tpu.memref_slice %arg6[%scan3A_686, %get3A_694, %get3A_695] : memref<4x104x128xf32, #tpu.memory_space<vmem>> -> memref<1x104x128xf32, #tpu.memory_space<vmem>>
      %get3A_697 = tpu.memref_squeeze %get3A_696 : memref<1x104x128xf32, #tpu.memory_space<vmem>> -> memref<104x128xf32, #tpu.memory_space<vmem>>
      %get3A_698 = arith.index_cast %scan3A_693 : i32 to index
      %get3A_699 = arith.constant 0 : index
      %get3A_700 = tpu.vector_load %get3A_697[%get3A_698, %get3A_699] {strides = array<i32>} : memref<104x128xf32, #tpu.memory_space<vmem>>, vector<1x16xf32>,
      %get3A_701 = vector.shape_cast %get3A_700 : vector<1x16xf32> to vector<16xf32>
      %add3A_702 = arith.addf %scan3A_691#0, %get3A_701 : vector<16xf32>
      %get3A_703 = arith.constant 0 : i32
      %get3A_704 = arith.constant 0 : i32
      %get3A_705 = tpu.memref_slice %arg6[%scan3A_686, %get3A_703, %get3A_704] : memref<4x104x128xf32, #tpu.memory_space<vmem>> -> memref<1x104x128xf32, #tpu.memory_space<vmem>>
      %get3A_706 = tpu.memref_squeeze %get3A_705 : memref<1x104x128xf32, #tpu.memory_space<vmem>> -> memref<104x128xf32, #tpu.memory_space<vmem>>
      %get3A_707 = arith.index_cast %scan3A_693 : i32 to index
      %get3A_708 = arith.constant 16 : index
      %get3A_709 = tpu.vector_load %get3A_706[%get3A_707, %get3A_708] {strides = array<i32>} : memref<104x128xf32, #tpu.memory_space<vmem>>, vector<1x16xf32>,
      %get3A_710 = vector.shape_cast %get3A_709 : vector<1x16xf32> to vector<16xf32>
      %add3A_711 = arith.addf %scan3A_691#1, %get3A_710 : vector<16xf32>
      %get3A_712 = arith.constant 0 : i32
      %get3A_713 = arith.constant 0 : i32
      %get3A_714 = tpu.memref_slice %arg6[%scan3A_686, %get3A_712, %get3A_713] : memref<4x104x128xf32, #tpu.memory_space<vmem>> -> memref<1x104x128xf32, #tpu.memory_space<vmem>>
      %get3A_715 = tpu.memref_squeeze %get3A_714 : memref<1x104x128xf32, #tpu.memory_space<vmem>> -> memref<104x128xf32, #tpu.memory_space<vmem>>
      %get3A_716 = arith.index_cast %scan3A_693 : i32 to index
      %get3A_717 = arith.constant 32 : index
      %get3A_718 = tpu.vector_load %get3A_715[%get3A_716, %get3A_717] {strides = array<i32>} : memref<104x128xf32, #tpu.memory_space<vmem>>, vector<1x16xf32>,
      %get3A_719 = vector.shape_cast %get3A_718 : vector<1x16xf32> to vector<16xf32>
      %add3A_720 = arith.addf %scan3A_691#2, %get3A_719 : vector<16xf32>
      %get3A_721 = arith.constant 0 : i32
      %get3A_722 = arith.constant 0 : i32
      %get3A_723 = tpu.memref_slice %arg6[%scan3A_686, %get3A_721, %get3A_722] : memref<4x104x128xf32, #tpu.memory_space<vmem>> -> memref<1x104x128xf32, #tpu.memory_space<vmem>>
      %get3A_724 = tpu.memref_squeeze %get3A_723 : memref<1x104x128xf32, #tpu.memory_space<vmem>> -> memref<104x128xf32, #tpu.memory_space<vmem>>
      %get3A_725 = arith.index_cast %scan3A_693 : i32 to index
      %get3A_726 = arith.constant 48 : index
      %get3A_727 = tpu.vector_load %get3A_724[%get3A_725, %get3A_726] {strides = array<i32>} : memref<104x128xf32, #tpu.memory_space<vmem>>, vector<1x16xf32>,
      %get3A_728 = vector.shape_cast %get3A_727 : vector<1x16xf32> to vector<16xf32>
      %add3A_729 = arith.addf %scan3A_691#3, %get3A_728 : vector<16xf32>
      %get3A_730 = arith.constant 0 : i32
      %get3A_731 = arith.constant 0 : i32
      %get3A_732 = tpu.memref_slice %arg6[%scan3A_686, %get3A_730, %get3A_731] : memref<4x104x128xf32, #tpu.memory_space<vmem>> -> memref<1x104x128xf32, #tpu.memory_space<vmem>>
      %get3A_733 = tpu.memref_squeeze %get3A_732 : memref<1x104x128xf32, #tpu.memory_space<vmem>> -> memref<104x128xf32, #tpu.memory_space<vmem>>
      %get3A_734 = arith.index_cast %scan3A_693 : i32 to index
      %get3A_735 = arith.constant 64 : index
      %get3A_736 = tpu.vector_load %get3A_733[%get3A_734, %get3A_735] {strides = array<i32>} : memref<104x128xf32, #tpu.memory_space<vmem>>, vector<1x16xf32>,
      %get3A_737 = vector.shape_cast %get3A_736 : vector<1x16xf32> to vector<16xf32>
      %add3A_738 = arith.addf %scan3A_691#4, %get3A_737 : vector<16xf32>
      %get3A_739 = arith.constant 0 : i32
      %get3A_740 = arith.constant 0 : i32
      %get3A_741 = tpu.memref_slice %arg6[%scan3A_686, %get3A_739, %get3A_740] : memref<4x104x128xf32, #tpu.memory_space<vmem>> -> memref<1x104x128xf32, #tpu.memory_space<vmem>>
      %get3A_742 = tpu.memref_squeeze %get3A_741 : memref<1x104x128xf32, #tpu.memory_space<vmem>> -> memref<104x128xf32, #tpu.memory_space<vmem>>
      %get3A_743 = arith.index_cast %scan3A_693 : i32 to index
      %get3A_744 = arith.constant 80 : index
      %get3A_745 = tpu.vector_load %get3A_742[%get3A_743, %get3A_744] {strides = array<i32>} : memref<104x128xf32, #tpu.memory_space<vmem>>, vector<1x16xf32>,
      %get3A_746 = vector.shape_cast %get3A_745 : vector<1x16xf32> to vector<16xf32>
      %add3A_747 = arith.addf %scan3A_691#5, %get3A_746 : vector<16xf32>
      %get3A_748 = arith.constant 0 : i32
      %get3A_749 = arith.constant 0 : i32
      %get3A_750 = tpu.memref_slice %arg6[%scan3A_686, %get3A_748, %get3A_749] : memref<4x104x128xf32, #tpu.memory_space<vmem>> -> memref<1x104x128xf32, #tpu.memory_space<vmem>>
      %get3A_751 = tpu.memref_squeeze %get3A_750 : memref<1x104x128xf32, #tpu.memory_space<vmem>> -> memref<104x128xf32, #tpu.memory_space<vmem>>
      %get3A_752 = arith.index_cast %scan3A_693 : i32 to index
      %get3A_753 = arith.constant 96 : index
      %get3A_754 = tpu.vector_load %get3A_751[%get3A_752, %get3A_753] {strides = array<i32>} : memref<104x128xf32, #tpu.memory_space<vmem>>, vector<1x16xf32>,
      %get3A_755 = vector.shape_cast %get3A_754 : vector<1x16xf32> to vector<16xf32>
      %add3A_756 = arith.addf %scan3A_691#6, %get3A_755 : vector<16xf32>
      %get3A_757 = arith.constant 0 : i32
      %get3A_758 = arith.constant 0 : i32
      %get3A_759 = tpu.memref_slice %arg6[%scan3A_686, %get3A_757, %get3A_758] : memref<4x104x128xf32, #tpu.memory_space<vmem>> -> memref<1x104x128xf32, #tpu.memory_space<vmem>>
      %get3A_760 = tpu.memref_squeeze %get3A_759 : memref<1x104x128xf32, #tpu.memory_space<vmem>> -> memref<104x128xf32, #tpu.memory_space<vmem>>
      %get3A_761 = arith.index_cast %scan3A_693 : i32 to index
      %get3A_762 = arith.constant 112 : index
      %get3A_763 = tpu.vector_load %get3A_760[%get3A_761, %get3A_762] {strides = array<i32>} : memref<104x128xf32, #tpu.memory_space<vmem>>, vector<1x16xf32>,
      %get3A_764 = vector.shape_cast %get3A_763 : vector<1x16xf32> to vector<16xf32>
      %add3A_765 = arith.addf %scan3A_691#7, %get3A_764 : vector<16xf32>
      %scan3A_766 = arith.constant 101 : i32
      %scan3A_767 = arith.addi %scan3A_687, %scan3A_766 : i32
      %get3A_768 = arith.constant 0 : i32
      %get3A_769 = arith.constant 0 : i32
      %get3A_770 = tpu.memref_slice %arg6[%scan3A_686, %get3A_768, %get3A_769] : memref<4x104x128xf32, #tpu.memory_space<vmem>> -> memref<1x104x128xf32, #tpu.memory_space<vmem>>
      %get3A_771 = tpu.memref_squeeze %get3A_770 : memref<1x104x128xf32, #tpu.memory_space<vmem>> -> memref<104x128xf32, #tpu.memory_space<vmem>>
      %get3A_772 = arith.index_cast %scan3A_767 : i32 to index
      %get3A_773 = arith.constant 0 : index
      %get3A_774 = tpu.vector_load %get3A_771[%get3A_772, %get3A_773] {strides = array<i32>} : memref<104x128xf32, #tpu.memory_space<vmem>>, vector<1x16xf32>,
      %get3A_775 = vector.shape_cast %get3A_774 : vector<1x16xf32> to vector<16xf32>
      %add3A_776 = arith.addf %add3A_702, %get3A_775 : vector<16xf32>
      %get3A_777 = arith.constant 0 : i32
      %get3A_778 = arith.constant 0 : i32
      %get3A_779 = tpu.memref_slice %arg6[%scan3A_686, %get3A_777, %get3A_778] : memref<4x104x128xf32, #tpu.memory_space<vmem>> -> memref<1x104x128xf32, #tpu.memory_space<vmem>>
      %get3A_780 = tpu.memref_squeeze %get3A_779 : memref<1x104x128xf32, #tpu.memory_space<vmem>> -> memref<104x128xf32, #tpu.memory_space<vmem>>
      %get3A_781 = arith.index_cast %scan3A_767 : i32 to index
      %get3A_782 = arith.constant 16 : index
      %get3A_783 = tpu.vector_load %get3A_780[%get3A_781, %get3A_782] {strides = array<i32>} : memref<104x128xf32, #tpu.memory_space<vmem>>, vector<1x16xf32>,
      %get3A_784 = vector.shape_cast %get3A_783 : vector<1x16xf32> to vector<16xf32>
      %add3A_785 = arith.addf %add3A_711, %get3A_784 : vector<16xf32>
      %get3A_786 = arith.constant 0 : i32
      %get3A_787 = arith.constant 0 : i32
      %get3A_788 = tpu.memref_slice %arg6[%scan3A_686, %get3A_786, %get3A_787] : memref<4x104x128xf32, #tpu.memory_space<vmem>> -> memref<1x104x128xf32, #tpu.memory_space<vmem>>
      %get3A_789 = tpu.memref_squeeze %get3A_788 : memref<1x104x128xf32, #tpu.memory_space<vmem>> -> memref<104x128xf32, #tpu.memory_space<vmem>>
      %get3A_790 = arith.index_cast %scan3A_767 : i32 to index
      %get3A_791 = arith.constant 32 : index
      %get3A_792 = tpu.vector_load %get3A_789[%get3A_790, %get3A_791] {strides = array<i32>} : memref<104x128xf32, #tpu.memory_space<vmem>>, vector<1x16xf32>,
      %get3A_793 = vector.shape_cast %get3A_792 : vector<1x16xf32> to vector<16xf32>
      %add3A_794 = arith.addf %add3A_720, %get3A_793 : vector<16xf32>
      %get3A_795 = arith.constant 0 : i32
      %get3A_796 = arith.constant 0 : i32
      %get3A_797 = tpu.memref_slice %arg6[%scan3A_686, %get3A_795, %get3A_796] : memref<4x104x128xf32, #tpu.memory_space<vmem>> -> memref<1x104x128xf32, #tpu.memory_space<vmem>>
      %get3A_798 = tpu.memref_squeeze %get3A_797 : memref<1x104x128xf32, #tpu.memory_space<vmem>> -> memref<104x128xf32, #tpu.memory_space<vmem>>
      %get3A_799 = arith.index_cast %scan3A_767 : i32 to index
      %get3A_800 = arith.constant 48 : index
      %get3A_801 = tpu.vector_load %get3A_798[%get3A_799, %get3A_800] {strides = array<i32>} : memref<104x128xf32, #tpu.memory_space<vmem>>, vector<1x16xf32>,
      %get3A_802 = vector.shape_cast %get3A_801 : vector<1x16xf32> to vector<16xf32>
      %add3A_803 = arith.addf %add3A_729, %get3A_802 : vector<16xf32>
      %get3A_804 = arith.constant 0 : i32
      %get3A_805 = arith.constant 0 : i32
      %get3A_806 = tpu.memref_slice %arg6[%scan3A_686, %get3A_804, %get3A_805] : memref<4x104x128xf32, #tpu.memory_space<vmem>> -> memref<1x104x128xf32, #tpu.memory_space<vmem>>
      %get3A_807 = tpu.memref_squeeze %get3A_806 : memref<1x104x128xf32, #tpu.memory_space<vmem>> -> memref<104x128xf32, #tpu.memory_space<vmem>>
      %get3A_808 = arith.index_cast %scan3A_767 : i32 to index
      %get3A_809 = arith.constant 64 : index
      %get3A_810 = tpu.vector_load %get3A_807[%get3A_808, %get3A_809] {strides = array<i32>} : memref<104x128xf32, #tpu.memory_space<vmem>>, vector<1x16xf32>,
      %get3A_811 = vector.shape_cast %get3A_810 : vector<1x16xf32> to vector<16xf32>
      %add3A_812 = arith.addf %add3A_738, %get3A_811 : vector<16xf32>
      %get3A_813 = arith.constant 0 : i32
      %get3A_814 = arith.constant 0 : i32
      %get3A_815 = tpu.memref_slice %arg6[%scan3A_686, %get3A_813, %get3A_814] : memref<4x104x128xf32, #tpu.memory_space<vmem>> -> memref<1x104x128xf32, #tpu.memory_space<vmem>>
      %get3A_816 = tpu.memref_squeeze %get3A_815 : memref<1x104x128xf32, #tpu.memory_space<vmem>> -> memref<104x128xf32, #tpu.memory_space<vmem>>
      %get3A_817 = arith.index_cast %scan3A_767 : i32 to index
      %get3A_818 = arith.constant 80 : index
      %get3A_819 = tpu.vector_load %get3A_816[%get3A_817, %get3A_818] {strides = array<i32>} : memref<104x128xf32, #tpu.memory_space<vmem>>, vector<1x16xf32>,
      %get3A_820 = vector.shape_cast %get3A_819 : vector<1x16xf32> to vector<16xf32>
      %add3A_821 = arith.addf %add3A_747, %get3A_820 : vector<16xf32>
      %get3A_822 = arith.constant 0 : i32
      %get3A_823 = arith.constant 0 : i32
      %get3A_824 = tpu.memref_slice %arg6[%scan3A_686, %get3A_822, %get3A_823] : memref<4x104x128xf32, #tpu.memory_space<vmem>> -> memref<1x104x128xf32, #tpu.memory_space<vmem>>
      %get3A_825 = tpu.memref_squeeze %get3A_824 : memref<1x104x128xf32, #tpu.memory_space<vmem>> -> memref<104x128xf32, #tpu.memory_space<vmem>>
      %get3A_826 = arith.index_cast %scan3A_767 : i32 to index
      %get3A_827 = arith.constant 96 : index
      %get3A_828 = tpu.vector_load %get3A_825[%get3A_826, %get3A_827] {strides = array<i32>} : memref<104x128xf32, #tpu.memory_space<vmem>>, vector<1x16xf32>,
      %get3A_829 = vector.shape_cast %get3A_828 : vector<1x16xf32> to vector<16xf32>
      %add3A_830 = arith.addf %add3A_756, %get3A_829 : vector<16xf32>
      %get3A_831 = arith.constant 0 : i32
      %get3A_832 = arith.constant 0 : i32
      %get3A_833 = tpu.memref_slice %arg6[%scan3A_686, %get3A_831, %get3A_832] : memref<4x104x128xf32, #tpu.memory_space<vmem>> -> memref<1x104x128xf32, #tpu.memory_space<vmem>>
      %get3A_834 = tpu.memref_squeeze %get3A_833 : memref<1x104x128xf32, #tpu.memory_space<vmem>> -> memref<104x128xf32, #tpu.memory_space<vmem>>
      %get3A_835 = arith.index_cast %scan3A_767 : i32 to index
      %get3A_836 = arith.constant 112 : index
      %get3A_837 = tpu.vector_load %get3A_834[%get3A_835, %get3A_836] {strides = array<i32>} : memref<104x128xf32, #tpu.memory_space<vmem>>, vector<1x16xf32>,
      %get3A_838 = vector.shape_cast %get3A_837 : vector<1x16xf32> to vector<16xf32>
      %add3A_839 = arith.addf %add3A_765, %get3A_838 : vector<16xf32>
      %scan3A_840 = arith.constant 102 : i32
      %scan3A_841 = arith.addi %scan3A_687, %scan3A_840 : i32
      %get3A_842 = arith.constant 0 : i32
      %get3A_843 = arith.constant 0 : i32
      %get3A_844 = tpu.memref_slice %arg6[%scan3A_686, %get3A_842, %get3A_843] : memref<4x104x128xf32, #tpu.memory_space<vmem>> -> memref<1x104x128xf32, #tpu.memory_space<vmem>>
      %get3A_845 = tpu.memref_squeeze %get3A_844 : memref<1x104x128xf32, #tpu.memory_space<vmem>> -> memref<104x128xf32, #tpu.memory_space<vmem>>
      %get3A_846 = arith.index_cast %scan3A_841 : i32 to index
      %get3A_847 = arith.constant 0 : index
      %get3A_848 = tpu.vector_load %get3A_845[%get3A_846, %get3A_847] {strides = array<i32>} : memref<104x128xf32, #tpu.memory_space<vmem>>, vector<1x16xf32>,
      %get3A_849 = vector.shape_cast %get3A_848 : vector<1x16xf32> to vector<16xf32>
      %add3A_850 = arith.addf %add3A_776, %get3A_849 : vector<16xf32>
      %get3A_851 = arith.constant 0 : i32
      %get3A_852 = arith.constant 0 : i32
      %get3A_853 = tpu.memref_slice %arg6[%scan3A_686, %get3A_851, %get3A_852] : memref<4x104x128xf32, #tpu.memory_space<vmem>> -> memref<1x104x128xf32, #tpu.memory_space<vmem>>
      %get3A_854 = tpu.memref_squeeze %get3A_853 : memref<1x104x128xf32, #tpu.memory_space<vmem>> -> memref<104x128xf32, #tpu.memory_space<vmem>>
      %get3A_855 = arith.index_cast %scan3A_841 : i32 to index
      %get3A_856 = arith.constant 16 : index
      %get3A_857 = tpu.vector_load %get3A_854[%get3A_855, %get3A_856] {strides = array<i32>} : memref<104x128xf32, #tpu.memory_space<vmem>>, vector<1x16xf32>,
      %get3A_858 = vector.shape_cast %get3A_857 : vector<1x16xf32> to vector<16xf32>
      %add3A_859 = arith.addf %add3A_785, %get3A_858 : vector<16xf32>
      %get3A_860 = arith.constant 0 : i32
      %get3A_861 = arith.constant 0 : i32
      %get3A_862 = tpu.memref_slice %arg6[%scan3A_686, %get3A_860, %get3A_861] : memref<4x104x128xf32, #tpu.memory_space<vmem>> -> memref<1x104x128xf32, #tpu.memory_space<vmem>>
      %get3A_863 = tpu.memref_squeeze %get3A_862 : memref<1x104x128xf32, #tpu.memory_space<vmem>> -> memref<104x128xf32, #tpu.memory_space<vmem>>
      %get3A_864 = arith.index_cast %scan3A_841 : i32 to index
      %get3A_865 = arith.constant 32 : index
      %get3A_866 = tpu.vector_load %get3A_863[%get3A_864, %get3A_865] {strides = array<i32>} : memref<104x128xf32, #tpu.memory_space<vmem>>, vector<1x16xf32>,
      %get3A_867 = vector.shape_cast %get3A_866 : vector<1x16xf32> to vector<16xf32>
      %add3A_868 = arith.addf %add3A_794, %get3A_867 : vector<16xf32>
      %get3A_869 = arith.constant 0 : i32
      %get3A_870 = arith.constant 0 : i32
      %get3A_871 = tpu.memref_slice %arg6[%scan3A_686, %get3A_869, %get3A_870] : memref<4x104x128xf32, #tpu.memory_space<vmem>> -> memref<1x104x128xf32, #tpu.memory_space<vmem>>
      %get3A_872 = tpu.memref_squeeze %get3A_871 : memref<1x104x128xf32, #tpu.memory_space<vmem>> -> memref<104x128xf32, #tpu.memory_space<vmem>>
      %get3A_873 = arith.index_cast %scan3A_841 : i32 to index
      %get3A_874 = arith.constant 48 : index
      %get3A_875 = tpu.vector_load %get3A_872[%get3A_873, %get3A_874] {strides = array<i32>} : memref<104x128xf32, #tpu.memory_space<vmem>>, vector<1x16xf32>,
      %get3A_876 = vector.shape_cast %get3A_875 : vector<1x16xf32> to vector<16xf32>
      %add3A_877 = arith.addf %add3A_803, %get3A_876 : vector<16xf32>
      %get3A_878 = arith.constant 0 : i32
      %get3A_879 = arith.constant 0 : i32
      %get3A_880 = tpu.memref_slice %arg6[%scan3A_686, %get3A_878, %get3A_879] : memref<4x104x128xf32, #tpu.memory_space<vmem>> -> memref<1x104x128xf32, #tpu.memory_space<vmem>>
      %get3A_881 = tpu.memref_squeeze %get3A_880 : memref<1x104x128xf32, #tpu.memory_space<vmem>> -> memref<104x128xf32, #tpu.memory_space<vmem>>
      %get3A_882 = arith.index_cast %scan3A_841 : i32 to index
      %get3A_883 = arith.constant 64 : index
      %get3A_884 = tpu.vector_load %get3A_881[%get3A_882, %get3A_883] {strides = array<i32>} : memref<104x128xf32, #tpu.memory_space<vmem>>, vector<1x16xf32>,
      %get3A_885 = vector.shape_cast %get3A_884 : vector<1x16xf32> to vector<16xf32>
      %add3A_886 = arith.addf %add3A_812, %get3A_885 : vector<16xf32>
      %get3A_887 = arith.constant 0 : i32
      %get3A_888 = arith.constant 0 : i32
      %get3A_889 = tpu.memref_slice %arg6[%scan3A_686, %get3A_887, %get3A_888] : memref<4x104x128xf32, #tpu.memory_space<vmem>> -> memref<1x104x128xf32, #tpu.memory_space<vmem>>
      %get3A_890 = tpu.memref_squeeze %get3A_889 : memref<1x104x128xf32, #tpu.memory_space<vmem>> -> memref<104x128xf32, #tpu.memory_space<vmem>>
      %get3A_891 = arith.index_cast %scan3A_841 : i32 to index
      %get3A_892 = arith.constant 80 : index
      %get3A_893 = tpu.vector_load %get3A_890[%get3A_891, %get3A_892] {strides = array<i32>} : memref<104x128xf32, #tpu.memory_space<vmem>>, vector<1x16xf32>,
      %get3A_894 = vector.shape_cast %get3A_893 : vector<1x16xf32> to vector<16xf32>
      %add3A_895 = arith.addf %add3A_821, %get3A_894 : vector<16xf32>
      %get3A_896 = arith.constant 0 : i32
      %get3A_897 = arith.constant 0 : i32
      %get3A_898 = tpu.memref_slice %arg6[%scan3A_686, %get3A_896, %get3A_897] : memref<4x104x128xf32, #tpu.memory_space<vmem>> -> memref<1x104x128xf32, #tpu.memory_space<vmem>>
      %get3A_899 = tpu.memref_squeeze %get3A_898 : memref<1x104x128xf32, #tpu.memory_space<vmem>> -> memref<104x128xf32, #tpu.memory_space<vmem>>
      %get3A_900 = arith.index_cast %scan3A_841 : i32 to index
      %get3A_901 = arith.constant 96 : index
      %get3A_902 = tpu.vector_load %get3A_899[%get3A_900, %get3A_901] {strides = array<i32>} : memref<104x128xf32, #tpu.memory_space<vmem>>, vector<1x16xf32>,
      %get3A_903 = vector.shape_cast %get3A_902 : vector<1x16xf32> to vector<16xf32>
      %add3A_904 = arith.addf %add3A_830, %get3A_903 : vector<16xf32>
      %get3A_905 = arith.constant 0 : i32
      %get3A_906 = arith.constant 0 : i32
      %get3A_907 = tpu.memref_slice %arg6[%scan3A_686, %get3A_905, %get3A_906] : memref<4x104x128xf32, #tpu.memory_space<vmem>> -> memref<1x104x128xf32, #tpu.memory_space<vmem>>
      %get3A_908 = tpu.memref_squeeze %get3A_907 : memref<1x104x128xf32, #tpu.memory_space<vmem>> -> memref<104x128xf32, #tpu.memory_space<vmem>>
      %get3A_909 = arith.index_cast %scan3A_841 : i32 to index
      %get3A_910 = arith.constant 112 : index
      %get3A_911 = tpu.vector_load %get3A_908[%get3A_909, %get3A_910] {strides = array<i32>} : memref<104x128xf32, #tpu.memory_space<vmem>>, vector<1x16xf32>,
      %get3A_912 = vector.shape_cast %get3A_911 : vector<1x16xf32> to vector<16xf32>
      %add3A_913 = arith.addf %add3A_839, %get3A_912 : vector<16xf32>
      %scan3A_914 = arith.constant 103 : i32
      %mul3A_915 = arith.constant 5.000000e-03 : f32
      %mul3A_916 = vector.broadcast %mul3A_915 : f32 to vector<16xf32>
      %mul3A_917 = arith.mulf %add3A_850, %mul3A_916 : vector<16xf32>
      %swap3A_918 = arith.index_cast %add3A_574 : i32 to index
      %swap3A_919 = arith.constant 0 : index
      %swap3A_920 = tpu.vector_load %arg7[%swap3A_918, %swap3A_919] {strides = array<i32>} : memref<128x128xf32, #tpu.memory_space<vmem>>, vector<1x16xf32>,
      %swap3A_921 = vector.shape_cast %swap3A_920 : vector<1x16xf32> to vector<16xf32>
      %swap3A_922 = vector.shape_cast %mul3A_917 : vector<16xf32> to vector<1x16xf32>
      tpu.vector_store %arg7[%swap3A_918, %swap3A_919], %swap3A_922 {strides = array<i32>} : memref<128x128xf32, #tpu.memory_space<vmem>>, vector<1x16xf32>,
      %mul3A_923 = arith.constant 5.000000e-03 : f32
      %mul3A_924 = vector.broadcast %mul3A_923 : f32 to vector<16xf32>
      %mul3A_925 = arith.mulf %add3A_859, %mul3A_924 : vector<16xf32>
      %swap3A_926 = arith.index_cast %add3A_574 : i32 to index
      %swap3A_927 = arith.constant 16 : index
      %swap3A_928 = tpu.vector_load %arg7[%swap3A_926, %swap3A_927] {strides = array<i32>} : memref<128x128xf32, #tpu.memory_space<vmem>>, vector<1x16xf32>,
      %swap3A_929 = vector.shape_cast %swap3A_928 : vector<1x16xf32> to vector<16xf32>
      %swap3A_930 = vector.shape_cast %mul3A_925 : vector<16xf32> to vector<1x16xf32>
      tpu.vector_store %arg7[%swap3A_926, %swap3A_927], %swap3A_930 {strides = array<i32>} : memref<128x128xf32, #tpu.memory_space<vmem>>, vector<1x16xf32>,
      %mul3A_931 = arith.constant 5.000000e-03 : f32
      %mul3A_932 = vector.broadcast %mul3A_931 : f32 to vector<16xf32>
      %mul3A_933 = arith.mulf %add3A_868, %mul3A_932 : vector<16xf32>
      %swap3A_934 = arith.index_cast %add3A_574 : i32 to index
      %swap3A_935 = arith.constant 32 : index
      %swap3A_936 = tpu.vector_load %arg7[%swap3A_934, %swap3A_935] {strides = array<i32>} : memref<128x128xf32, #tpu.memory_space<vmem>>, vector<1x16xf32>,
      %swap3A_937 = vector.shape_cast %swap3A_936 : vector<1x16xf32> to vector<16xf32>
      %swap3A_938 = vector.shape_cast %mul3A_933 : vector<16xf32> to vector<1x16xf32>
      tpu.vector_store %arg7[%swap3A_934, %swap3A_935], %swap3A_938 {strides = array<i32>} : memref<128x128xf32, #tpu.memory_space<vmem>>, vector<1x16xf32>,
      %mul3A_939 = arith.constant 5.000000e-03 : f32
      %mul3A_940 = vector.broadcast %mul3A_939 : f32 to vector<16xf32>
      %mul3A_941 = arith.mulf %add3A_877, %mul3A_940 : vector<16xf32>
      %swap3A_942 = arith.index_cast %add3A_574 : i32 to index
      %swap3A_943 = arith.constant 48 : index
      %swap3A_944 = tpu.vector_load %arg7[%swap3A_942, %swap3A_943] {strides = array<i32>} : memref<128x128xf32, #tpu.memory_space<vmem>>, vector<1x16xf32>,
      %swap3A_945 = vector.shape_cast %swap3A_944 : vector<1x16xf32> to vector<16xf32>
      %swap3A_946 = vector.shape_cast %mul3A_941 : vector<16xf32> to vector<1x16xf32>
      tpu.vector_store %arg7[%swap3A_942, %swap3A_943], %swap3A_946 {strides = array<i32>} : memref<128x128xf32, #tpu.memory_space<vmem>>, vector<1x16xf32>,
      %mul3A_947 = arith.constant 5.000000e-03 : f32
      %mul3A_948 = vector.broadcast %mul3A_947 : f32 to vector<16xf32>
      %mul3A_949 = arith.mulf %add3A_886, %mul3A_948 : vector<16xf32>
      %swap3A_950 = arith.index_cast %add3A_574 : i32 to index
      %swap3A_951 = arith.constant 64 : index
      %swap3A_952 = tpu.vector_load %arg7[%swap3A_950, %swap3A_951] {strides = array<i32>} : memref<128x128xf32, #tpu.memory_space<vmem>>, vector<1x16xf32>,
      %swap3A_953 = vector.shape_cast %swap3A_952 : vector<1x16xf32> to vector<16xf32>
      %swap3A_954 = vector.shape_cast %mul3A_949 : vector<16xf32> to vector<1x16xf32>
      tpu.vector_store %arg7[%swap3A_950, %swap3A_951], %swap3A_954 {strides = array<i32>} : memref<128x128xf32, #tpu.memory_space<vmem>>, vector<1x16xf32>,
      %mul3A_955 = arith.constant 5.000000e-03 : f32
      %mul3A_956 = vector.broadcast %mul3A_955 : f32 to vector<16xf32>
      %mul3A_957 = arith.mulf %add3A_895, %mul3A_956 : vector<16xf32>
      %swap3A_958 = arith.index_cast %add3A_574 : i32 to index
      %swap3A_959 = arith.constant 80 : index
      %swap3A_960 = tpu.vector_load %arg7[%swap3A_958, %swap3A_959] {strides = array<i32>} : memref<128x128xf32, #tpu.memory_space<vmem>>, vector<1x16xf32>,
      %swap3A_961 = vector.shape_cast %swap3A_960 : vector<1x16xf32> to vector<16xf32>
      %swap3A_962 = vector.shape_cast %mul3A_957 : vector<16xf32> to vector<1x16xf32>
      tpu.vector_store %arg7[%swap3A_958, %swap3A_959], %swap3A_962 {strides = array<i32>} : memref<128x128xf32, #tpu.memory_space<vmem>>, vector<1x16xf32>,
      %mul3A_963 = arith.constant 5.000000e-03 : f32
      %mul3A_964 = vector.broadcast %mul3A_963 : f32 to vector<16xf32>
      %mul3A_965 = arith.mulf %add3A_904, %mul3A_964 : vector<16xf32>
      %swap3A_966 = arith.index_cast %add3A_574 : i32 to index
      %swap3A_967 = arith.constant 96 : index
      %swap3A_968 = tpu.vector_load %arg7[%swap3A_966, %swap3A_967] {strides = array<i32>} : memref<128x128xf32, #tpu.memory_space<vmem>>, vector<1x16xf32>,
      %swap3A_969 = vector.shape_cast %swap3A_968 : vector<1x16xf32> to vector<16xf32>
      %swap3A_970 = vector.shape_cast %mul3A_965 : vector<16xf32> to vector<1x16xf32>
      tpu.vector_store %arg7[%swap3A_966, %swap3A_967], %swap3A_970 {strides = array<i32>} : memref<128x128xf32, #tpu.memory_space<vmem>>, vector<1x16xf32>,
      %mul3A_971 = arith.constant 5.000000e-03 : f32
      %mul3A_972 = vector.broadcast %mul3A_971 : f32 to vector<16xf32>
      %mul3A_973 = arith.mulf %add3A_913, %mul3A_972 : vector<16xf32>
      %swap3A_974 = arith.index_cast %add3A_574 : i32 to index
      %swap3A_975 = arith.constant 112 : index
      %swap3A_976 = tpu.vector_load %arg7[%swap3A_974, %swap3A_975] {strides = array<i32>} : memref<128x128xf32, #tpu.memory_space<vmem>>, vector<1x16xf32>,
      %swap3A_977 = vector.shape_cast %swap3A_976 : vector<1x16xf32> to vector<16xf32>
      %swap3A_978 = vector.shape_cast %mul3A_973 : vector<16xf32> to vector<1x16xf32>
      tpu.vector_store %arg7[%swap3A_974, %swap3A_975], %swap3A_978 {strides = array<i32>} : memref<128x128xf32, #tpu.memory_space<vmem>>, vector<1x16xf32>,
      %broadcast_in_dim3A_979 = arith.constant 0.000000e+00 : f32
      %broadcast_in_dim3A_980 = vector.broadcast %broadcast_in_dim3A_979 : f32 to vector<16xf32>
      %scan3A_981 = arith.constant 0 : i32
      %scan3A_982 = arith.constant 104 : i32
      %scan3A_983 = arith.addi %scan3A_981, %scan3A_982 : i32
      %scan3A_984 = arith.constant 1 : i32
      scf.for %scan3A_1833 = %scan3A_981 to %scan3A_983 step %scan3A_984  : i32 {
        %mul3A_1834 = arith.constant 1 : i32
        %mul3A_1835 = arith.muli %scan3A_1833, %mul3A_1834 : i32
        %add3A_1836 = arith.constant 0 : i32
        %add3A_1837 = arith.addi %add3A_1836, %mul3A_1835 : i32
        %swap3A_1838 = arith.constant 1 : i32
        %swap3A_1839 = arith.index_cast %swap3A_1838 : i32 to index
        %swap3A_1840 = arith.index_cast %add3A_1837 : i32 to index
        %swap3A_1841 = arith.constant 0 : index
        %swap3A_1842 = tpu.vector_load %arg6[%swap3A_1839, %swap3A_1840, %swap3A_1841] {strides = array<i32>} : memref<4x104x128xf32, #tpu.memory_space<vmem>>, vector<1x1x16xf32>,
        %swap3A_1843 = vector.shape_cast %swap3A_1842 : vector<1x1x16xf32> to vector<16xf32>
        %swap3A_1844 = vector.shape_cast %broadcast_in_dim3A_980 : vector<16xf32> to vector<1x1x16xf32>
        tpu.vector_store %arg6[%swap3A_1839, %swap3A_1840, %swap3A_1841], %swap3A_1844 {strides = array<i32>} : memref<4x104x128xf32, #tpu.memory_space<vmem>>, vector<1x1x16xf32>,
        %swap3A_1845 = arith.constant 1 : i32
        %swap3A_1846 = arith.index_cast %swap3A_1845 : i32 to index
        %swap3A_1847 = arith.index_cast %add3A_1837 : i32 to index
        %swap3A_1848 = arith.constant 16 : index
        %swap3A_1849 = tpu.vector_load %arg6[%swap3A_1846, %swap3A_1847, %swap3A_1848] {strides = array<i32>} : memref<4x104x128xf32, #tpu.memory_space<vmem>>, vector<1x1x16xf32>,
        %swap3A_1850 = vector.shape_cast %swap3A_1849 : vector<1x1x16xf32> to vector<16xf32>
        %swap3A_1851 = vector.shape_cast %broadcast_in_dim3A_980 : vector<16xf32> to vector<1x1x16xf32>
        tpu.vector_store %arg6[%swap3A_1846, %swap3A_1847, %swap3A_1848], %swap3A_1851 {strides = array<i32>} : memref<4x104x128xf32, #tpu.memory_space<vmem>>, vector<1x1x16xf32>,
        %swap3A_1852 = arith.constant 1 : i32
        %swap3A_1853 = arith.index_cast %swap3A_1852 : i32 to index
        %swap3A_1854 = arith.index_cast %add3A_1837 : i32 to index
        %swap3A_1855 = arith.constant 32 : index
        %swap3A_1856 = tpu.vector_load %arg6[%swap3A_1853, %swap3A_1854, %swap3A_1855] {strides = array<i32>} : memref<4x104x128xf32, #tpu.memory_space<vmem>>, vector<1x1x16xf32>,
        %swap3A_1857 = vector.shape_cast %swap3A_1856 : vector<1x1x16xf32> to vector<16xf32>
        %swap3A_1858 = vector.shape_cast %broadcast_in_dim3A_980 : vector<16xf32> to vector<1x1x16xf32>
        tpu.vector_store %arg6[%swap3A_1853, %swap3A_1854, %swap3A_1855], %swap3A_1858 {strides = array<i32>} : memref<4x104x128xf32, #tpu.memory_space<vmem>>, vector<1x1x16xf32>,
        %swap3A_1859 = arith.constant 1 : i32
        %swap3A_1860 = arith.index_cast %swap3A_1859 : i32 to index
        %swap3A_1861 = arith.index_cast %add3A_1837 : i32 to index
        %swap3A_1862 = arith.constant 48 : index
        %swap3A_1863 = tpu.vector_load %arg6[%swap3A_1860, %swap3A_1861, %swap3A_1862] {strides = array<i32>} : memref<4x104x128xf32, #tpu.memory_space<vmem>>, vector<1x1x16xf32>,
        %swap3A_1864 = vector.shape_cast %swap3A_1863 : vector<1x1x16xf32> to vector<16xf32>
        %swap3A_1865 = vector.shape_cast %broadcast_in_dim3A_980 : vector<16xf32> to vector<1x1x16xf32>
        tpu.vector_store %arg6[%swap3A_1860, %swap3A_1861, %swap3A_1862], %swap3A_1865 {strides = array<i32>} : memref<4x104x128xf32, #tpu.memory_space<vmem>>, vector<1x1x16xf32>,
        %swap3A_1866 = arith.constant 1 : i32
        %swap3A_1867 = arith.index_cast %swap3A_1866 : i32 to index
        %swap3A_1868 = arith.index_cast %add3A_1837 : i32 to index
        %swap3A_1869 = arith.constant 64 : index
        %swap3A_1870 = tpu.vector_load %arg6[%swap3A_1867, %swap3A_1868, %swap3A_1869] {strides = array<i32>} : memref<4x104x128xf32, #tpu.memory_space<vmem>>, vector<1x1x16xf32>,
        %swap3A_1871 = vector.shape_cast %swap3A_1870 : vector<1x1x16xf32> to vector<16xf32>
        %swap3A_1872 = vector.shape_cast %broadcast_in_dim3A_980 : vector<16xf32> to vector<1x1x16xf32>
        tpu.vector_store %arg6[%swap3A_1867, %swap3A_1868, %swap3A_1869], %swap3A_1872 {strides = array<i32>} : memref<4x104x128xf32, #tpu.memory_space<vmem>>, vector<1x1x16xf32>,
        %swap3A_1873 = arith.constant 1 : i32
        %swap3A_1874 = arith.index_cast %swap3A_1873 : i32 to index
        %swap3A_1875 = arith.index_cast %add3A_1837 : i32 to index
        %swap3A_1876 = arith.constant 80 : index
        %swap3A_1877 = tpu.vector_load %arg6[%swap3A_1874, %swap3A_1875, %swap3A_1876] {strides = array<i32>} : memref<4x104x128xf32, #tpu.memory_space<vmem>>, vector<1x1x16xf32>,
        %swap3A_1878 = vector.shape_cast %swap3A_1877 : vector<1x1x16xf32> to vector<16xf32>
        %swap3A_1879 = vector.shape_cast %broadcast_in_dim3A_980 : vector<16xf32> to vector<1x1x16xf32>
        tpu.vector_store %arg6[%swap3A_1874, %swap3A_1875, %swap3A_1876], %swap3A_1879 {strides = array<i32>} : memref<4x104x128xf32, #tpu.memory_space<vmem>>, vector<1x1x16xf32>,
        %swap3A_1880 = arith.constant 1 : i32
        %swap3A_1881 = arith.index_cast %swap3A_1880 : i32 to index
        %swap3A_1882 = arith.index_cast %add3A_1837 : i32 to index
        %swap3A_1883 = arith.constant 96 : index
        %swap3A_1884 = tpu.vector_load %arg6[%swap3A_1881, %swap3A_1882, %swap3A_1883] {strides = array<i32>} : memref<4x104x128xf32, #tpu.memory_space<vmem>>, vector<1x1x16xf32>,
        %swap3A_1885 = vector.shape_cast %swap3A_1884 : vector<1x1x16xf32> to vector<16xf32>
        %swap3A_1886 = vector.shape_cast %broadcast_in_dim3A_980 : vector<16xf32> to vector<1x1x16xf32>
        tpu.vector_store %arg6[%swap3A_1881, %swap3A_1882, %swap3A_1883], %swap3A_1886 {strides = array<i32>} : memref<4x104x128xf32, #tpu.memory_space<vmem>>, vector<1x1x16xf32>,
        %swap3A_1887 = arith.constant 1 : i32
        %swap3A_1888 = arith.index_cast %swap3A_1887 : i32 to index
        %swap3A_1889 = arith.index_cast %add3A_1837 : i32 to index
        %swap3A_1890 = arith.constant 112 : index
        %swap3A_1891 = tpu.vector_load %arg6[%swap3A_1888, %swap3A_1889, %swap3A_1890] {strides = array<i32>} : memref<4x104x128xf32, #tpu.memory_space<vmem>>, vector<1x1x16xf32>,
        %swap3A_1892 = vector.shape_cast %swap3A_1891 : vector<1x1x16xf32> to vector<16xf32>
        %swap3A_1893 = vector.shape_cast %broadcast_in_dim3A_980 : vector<16xf32> to vector<1x1x16xf32>
        tpu.vector_store %arg6[%swap3A_1888, %swap3A_1889, %swap3A_1890], %swap3A_1893 {strides = array<i32>} : memref<4x104x128xf32, #tpu.memory_space<vmem>>, vector<1x1x16xf32>,
      }
      %scan3A_985 = arith.constant 104 : i32
      %add3A_986 = arith.constant 4 : i32
      %add3A_987 = arith.addi %add3A_574, %add3A_986 : i32
      %lt3A_988 = arith.constant 128 : i32
      %lt3A_989 = arith.cmpi slt, %add3A_987, %lt3A_988 : i32
      %convert_element_type3A_990 = arith.extui %lt3A_989 : i1 to i32
      %cond3A_991 = arith.constant 0 : i32
      %cond3A_992 = arith.cmpi ne, %convert_element_type3A_990, %cond3A_991 : i32
      scf.if %cond3A_992 {
        %add3A_1833 = arith.constant 4 : i32
        %add3A_1834 = arith.addi %add3A_574, %add3A_1833 : i32
        %mul3A_1835 = arith.constant 200 : i32
        %mul3A_1836 = arith.muli %add3A_1834, %mul3A_1835 : i32
        %multiple_of3A_1837 = tpu.assume_multiple %mul3A_1836, 8 : i32
        %add3A_1838 = arith.constant 0 : i32
        %add3A_1839 = arith.addi %multiple_of3A_1837, %add3A_1838 : i32
        %dma_start3A_1840 = arith.constant 1 : i32
        %dma_start3A_1841 = arith.constant 0 : i32
        %dma_start3A_1842 = arith.constant 0 : i32
        %dma_start3A_1843 = tpu.memref_slice %arg6[%dma_start3A_1840, %dma_start3A_1841, %dma_start3A_1842] : memref<4x104x128xf32, #tpu.memory_space<vmem>> -> memref<1x104x128xf32, #tpu.memory_space<vmem>>
        %dma_start3A_1844 = tpu.memref_squeeze %dma_start3A_1843 : memref<1x104x128xf32, #tpu.memory_space<vmem>> -> memref<104x128xf32, #tpu.memory_space<vmem>>
        %dma_start3A_1845 = arith.constant 0 : i32
        %dma_start3A_1846 = arith.constant 0 : i32
        %dma_start3A_1847 = tpu.memref_slice %dma_start3A_1844[%dma_start3A_1845, %dma_start3A_1846] : memref<104x128xf32, #tpu.memory_space<vmem>> -> memref<104x128xf32, #tpu.memory_space<vmem>>
        %dma_start3A_1848 = tpu.memref_slice %arg5[%add3A_1839] : memref<25600xi32, #tpu.memory_space<vmem>> -> memref<104xi32, #tpu.memory_space<vmem>>
        %dma_start3A_1849 = arith.constant 0 : i32
        %dma_start3A_1850 = arith.constant 0 : i32
        %dma_start3A_1851 = tpu.memref_slice %arg2[%dma_start3A_1849, %dma_start3A_1850] : memref<100000x128xf32, #tpu.memory_space<hbm>> -> memref<100000x128xf32, #tpu.memory_space<hbm>>
        tpu.enqueue_indirect_dma source(%dma_start3A_1851 : memref<100000x128xf32, #tpu.memory_space<hbm>>) target(%dma_start3A_1847 : memref<104x128xf32, #tpu.memory_space<vmem>>) offsets(%dma_start3A_1848 : memref<104xi32, #tpu.memory_space<vmem>>) semaphore(%arg9 : memref<!tpu.dma_semaphore, #tpu.memory_space<semaphore_mem>>) {add = true}
        %add3A_1852 = arith.constant 104 : i32
        %add3A_1853 = arith.addi %multiple_of3A_1837, %add3A_1852 : i32
        %dma_start3A_1854 = arith.constant 1 : i32
        %dma_start3A_1855 = arith.constant 0 : i32
        %dma_start3A_1856 = arith.constant 0 : i32
        %dma_start3A_1857 = tpu.memref_slice %arg6[%dma_start3A_1854, %dma_start3A_1855, %dma_start3A_1856] : memref<4x104x128xf32, #tpu.memory_space<vmem>> -> memref<1x104x128xf32, #tpu.memory_space<vmem>>
        %dma_start3A_1858 = tpu.memref_squeeze %dma_start3A_1857 : memref<1x104x128xf32, #tpu.memory_space<vmem>> -> memref<104x128xf32, #tpu.memory_space<vmem>>
        %dma_start3A_1859 = arith.constant 0 : i32
        %dma_start3A_1860 = arith.constant 0 : i32
        %dma_start3A_1861 = tpu.memref_slice %dma_start3A_1858[%dma_start3A_1859, %dma_start3A_1860] : memref<104x128xf32, #tpu.memory_space<vmem>> -> memref<96x128xf32, #tpu.memory_space<vmem>>
        %dma_start3A_1862 = tpu.memref_slice %arg5[%add3A_1853] : memref<25600xi32, #tpu.memory_space<vmem>> -> memref<96xi32, #tpu.memory_space<vmem>>
        %dma_start3A_1863 = arith.constant 0 : i32
        %dma_start3A_1864 = arith.constant 0 : i32
        %dma_start3A_1865 = tpu.memref_slice %arg2[%dma_start3A_1863, %dma_start3A_1864] : memref<100000x128xf32, #tpu.memory_space<hbm>> -> memref<100000x128xf32, #tpu.memory_space<hbm>>
        tpu.enqueue_indirect_dma source(%dma_start3A_1865 : memref<100000x128xf32, #tpu.memory_space<hbm>>) target(%dma_start3A_1861 : memref<96x128xf32, #tpu.memory_space<vmem>>) offsets(%dma_start3A_1862 : memref<96xi32, #tpu.memory_space<vmem>>) semaphore(%arg9 : memref<!tpu.dma_semaphore, #tpu.memory_space<semaphore_mem>>) {add = true}
      } else {
      }
      %add3A_993 = arith.constant 2 : i32
      %add3A_994 = arith.addi %add3A_158, %add3A_993 : i32
      %mul3A_995 = arith.constant 200 : i32
      %mul3A_996 = arith.muli %add3A_994, %mul3A_995 : i32
      %multiple_of3A_997 = tpu.assume_multiple %mul3A_996, 8 : i32
      %add3A_998 = arith.constant 0 : i32
      %add3A_999 = arith.addi %multiple_of3A_997, %add3A_998 : i32
      %dma_wait3A_1000 = arith.constant 2 : i32
      %dma_wait3A_1001 = arith.constant 0 : i32
      %dma_wait3A_1002 = arith.constant 0 : i32
      %dma_wait3A_1003 = tpu.memref_slice %arg6[%dma_wait3A_1000, %dma_wait3A_1001, %dma_wait3A_1002] : memref<4x104x128xf32, #tpu.memory_space<vmem>> -> memref<1x104x128xf32, #tpu.memory_space<vmem>>
      %dma_wait3A_1004 = tpu.memref_squeeze %dma_wait3A_1003 : memref<1x104x128xf32, #tpu.memory_space<vmem>> -> memref<104x128xf32, #tpu.memory_space<vmem>>
      %dma_wait3A_1005 = arith.constant 0 : i32
      %dma_wait3A_1006 = arith.constant 0 : i32
      %dma_wait3A_1007 = tpu.memref_slice %dma_wait3A_1004[%dma_wait3A_1005, %dma_wait3A_1006] : memref<104x128xf32, #tpu.memory_space<vmem>> -> memref<104x128xf32, #tpu.memory_space<vmem>>
      %dma_wait3A_1008 = tpu.memref_slice %arg5[%add3A_999] : memref<25600xi32, #tpu.memory_space<vmem>> -> memref<104xi32, #tpu.memory_space<vmem>>
      %dma_wait3A_1009 = arith.constant 0 : i32
      %dma_wait3A_1010 = arith.constant 0 : i32
      %dma_wait3A_1011 = tpu.memref_slice %arg2[%dma_wait3A_1009, %dma_wait3A_1010] : memref<100000x128xf32, #tpu.memory_space<hbm>> -> memref<100000x128xf32, #tpu.memory_space<hbm>>
      tpu.wait_indirect_dma semaphore(%arg10 : memref<!tpu.dma_semaphore, #tpu.memory_space<semaphore_mem>>) src(%dma_wait3A_1011 : memref<100000x128xf32, #tpu.memory_space<hbm>>) dst(%dma_wait3A_1007 : memref<104x128xf32, #tpu.memory_space<vmem>>)
      %add3A_1012 = arith.constant 104 : i32
      %add3A_1013 = arith.addi %multiple_of3A_997, %add3A_1012 : i32
      %dma_wait3A_1014 = arith.constant 2 : i32
      %dma_wait3A_1015 = arith.constant 0 : i32
      %dma_wait3A_1016 = arith.constant 0 : i32
      %dma_wait3A_1017 = tpu.memref_slice %arg6[%dma_wait3A_1014, %dma_wait3A_1015, %dma_wait3A_1016] : memref<4x104x128xf32, #tpu.memory_space<vmem>> -> memref<1x104x128xf32, #tpu.memory_space<vmem>>
      %dma_wait3A_1018 = tpu.memref_squeeze %dma_wait3A_1017 : memref<1x104x128xf32, #tpu.memory_space<vmem>> -> memref<104x128xf32, #tpu.memory_space<vmem>>
      %dma_wait3A_1019 = arith.constant 0 : i32
      %dma_wait3A_1020 = arith.constant 0 : i32
      %dma_wait3A_1021 = tpu.memref_slice %dma_wait3A_1018[%dma_wait3A_1019, %dma_wait3A_1020] : memref<104x128xf32, #tpu.memory_space<vmem>> -> memref<96x128xf32, #tpu.memory_space<vmem>>
      %dma_wait3A_1022 = tpu.memref_slice %arg5[%add3A_1013] : memref<25600xi32, #tpu.memory_space<vmem>> -> memref<96xi32, #tpu.memory_space<vmem>>
      %dma_wait3A_1023 = arith.constant 0 : i32
      %dma_wait3A_1024 = arith.constant 0 : i32
      %dma_wait3A_1025 = tpu.memref_slice %arg2[%dma_wait3A_1023, %dma_wait3A_1024] : memref<100000x128xf32, #tpu.memory_space<hbm>> -> memref<100000x128xf32, #tpu.memory_space<hbm>>
      tpu.wait_indirect_dma semaphore(%arg10 : memref<!tpu.dma_semaphore, #tpu.memory_space<semaphore_mem>>) src(%dma_wait3A_1025 : memref<100000x128xf32, #tpu.memory_space<hbm>>) dst(%dma_wait3A_1021 : memref<96x128xf32, #tpu.memory_space<vmem>>)
      %get3A_1026 = arith.constant 2 : i32
      %get3A_1027 = arith.constant 0 : i32
      %get3A_1028 = arith.constant 0 : i32
      %get3A_1029 = arith.constant 0 : i32
      %get3A_1030 = tpu.memref_slice %arg6[%get3A_1026, %get3A_1028, %get3A_1029] : memref<4x104x128xf32, #tpu.memory_space<vmem>> -> memref<1x104x128xf32, #tpu.memory_space<vmem>>
      %get3A_1031 = tpu.memref_squeeze %get3A_1030 : memref<1x104x128xf32, #tpu.memory_space<vmem>> -> memref<104x128xf32, #tpu.memory_space<vmem>>
      %get3A_1032 = arith.index_cast %get3A_1027 : i32 to index
      %get3A_1033 = arith.constant 0 : index
      %get3A_1034 = tpu.vector_load %get3A_1031[%get3A_1032, %get3A_1033] {strides = array<i32>} : memref<104x128xf32, #tpu.memory_space<vmem>>, vector<1x16xf32>,
      %get3A_1035 = vector.shape_cast %get3A_1034 : vector<1x16xf32> to vector<16xf32>
      %get3A_1036 = arith.constant 2 : i32
      %get3A_1037 = arith.constant 0 : i32
      %get3A_1038 = arith.constant 0 : i32
      %get3A_1039 = arith.constant 0 : i32
      %get3A_1040 = tpu.memref_slice %arg6[%get3A_1036, %get3A_1038, %get3A_1039] : memref<4x104x128xf32, #tpu.memory_space<vmem>> -> memref<1x104x128xf32, #tpu.memory_space<vmem>>
      %get3A_1041 = tpu.memref_squeeze %get3A_1040 : memref<1x104x128xf32, #tpu.memory_space<vmem>> -> memref<104x128xf32, #tpu.memory_space<vmem>>
      %get3A_1042 = arith.index_cast %get3A_1037 : i32 to index
      %get3A_1043 = arith.constant 16 : index
      %get3A_1044 = tpu.vector_load %get3A_1041[%get3A_1042, %get3A_1043] {strides = array<i32>} : memref<104x128xf32, #tpu.memory_space<vmem>>, vector<1x16xf32>,
      %get3A_1045 = vector.shape_cast %get3A_1044 : vector<1x16xf32> to vector<16xf32>
      %get3A_1046 = arith.constant 2 : i32
      %get3A_1047 = arith.constant 0 : i32
      %get3A_1048 = arith.constant 0 : i32
      %get3A_1049 = arith.constant 0 : i32
      %get3A_1050 = tpu.memref_slice %arg6[%get3A_1046, %get3A_1048, %get3A_1049] : memref<4x104x128xf32, #tpu.memory_space<vmem>> -> memref<1x104x128xf32, #tpu.memory_space<vmem>>
      %get3A_1051 = tpu.memref_squeeze %get3A_1050 : memref<1x104x128xf32, #tpu.memory_space<vmem>> -> memref<104x128xf32, #tpu.memory_space<vmem>>
      %get3A_1052 = arith.index_cast %get3A_1047 : i32 to index
      %get3A_1053 = arith.constant 32 : index
      %get3A_1054 = tpu.vector_load %get3A_1051[%get3A_1052, %get3A_1053] {strides = array<i32>} : memref<104x128xf32, #tpu.memory_space<vmem>>, vector<1x16xf32>,
      %get3A_1055 = vector.shape_cast %get3A_1054 : vector<1x16xf32> to vector<16xf32>
      %get3A_1056 = arith.constant 2 : i32
      %get3A_1057 = arith.constant 0 : i32
      %get3A_1058 = arith.constant 0 : i32
      %get3A_1059 = arith.constant 0 : i32
      %get3A_1060 = tpu.memref_slice %arg6[%get3A_1056, %get3A_1058, %get3A_1059] : memref<4x104x128xf32, #tpu.memory_space<vmem>> -> memref<1x104x128xf32, #tpu.memory_space<vmem>>
      %get3A_1061 = tpu.memref_squeeze %get3A_1060 : memref<1x104x128xf32, #tpu.memory_space<vmem>> -> memref<104x128xf32, #tpu.memory_space<vmem>>
      %get3A_1062 = arith.index_cast %get3A_1057 : i32 to index
      %get3A_1063 = arith.constant 48 : index
      %get3A_1064 = tpu.vector_load %get3A_1061[%get3A_1062, %get3A_1063] {strides = array<i32>} : memref<104x128xf32, #tpu.memory_space<vmem>>, vector<1x16xf32>,
      %get3A_1065 = vector.shape_cast %get3A_1064 : vector<1x16xf32> to vector<16xf32>
      %get3A_1066 = arith.constant 2 : i32
      %get3A_1067 = arith.constant 0 : i32
      %get3A_1068 = arith.constant 0 : i32
      %get3A_1069 = arith.constant 0 : i32
      %get3A_1070 = tpu.memref_slice %arg6[%get3A_1066, %get3A_1068, %get3A_1069] : memref<4x104x128xf32, #tpu.memory_space<vmem>> -> memref<1x104x128xf32, #tpu.memory_space<vmem>>
      %get3A_1071 = tpu.memref_squeeze %get3A_1070 : memref<1x104x128xf32, #tpu.memory_space<vmem>> -> memref<104x128xf32, #tpu.memory_space<vmem>>
      %get3A_1072 = arith.index_cast %get3A_1067 : i32 to index
      %get3A_1073 = arith.constant 64 : index
      %get3A_1074 = tpu.vector_load %get3A_1071[%get3A_1072, %get3A_1073] {strides = array<i32>} : memref<104x128xf32, #tpu.memory_space<vmem>>, vector<1x16xf32>,
      %get3A_1075 = vector.shape_cast %get3A_1074 : vector<1x16xf32> to vector<16xf32>
      %get3A_1076 = arith.constant 2 : i32
      %get3A_1077 = arith.constant 0 : i32
      %get3A_1078 = arith.constant 0 : i32
      %get3A_1079 = arith.constant 0 : i32
      %get3A_1080 = tpu.memref_slice %arg6[%get3A_1076, %get3A_1078, %get3A_1079] : memref<4x104x128xf32, #tpu.memory_space<vmem>> -> memref<1x104x128xf32, #tpu.memory_space<vmem>>
      %get3A_1081 = tpu.memref_squeeze %get3A_1080 : memref<1x104x128xf32, #tpu.memory_space<vmem>> -> memref<104x128xf32, #tpu.memory_space<vmem>>
      %get3A_1082 = arith.index_cast %get3A_1077 : i32 to index
      %get3A_1083 = arith.constant 80 : index
      %get3A_1084 = tpu.vector_load %get3A_1081[%get3A_1082, %get3A_1083] {strides = array<i32>} : memref<104x128xf32, #tpu.memory_space<vmem>>, vector<1x16xf32>,
      %get3A_1085 = vector.shape_cast %get3A_1084 : vector<1x16xf32> to vector<16xf32>
      %get3A_1086 = arith.constant 2 : i32
      %get3A_1087 = arith.constant 0 : i32
      %get3A_1088 = arith.constant 0 : i32
      %get3A_1089 = arith.constant 0 : i32
      %get3A_1090 = tpu.memref_slice %arg6[%get3A_1086, %get3A_1088, %get3A_1089] : memref<4x104x128xf32, #tpu.memory_space<vmem>> -> memref<1x104x128xf32, #tpu.memory_space<vmem>>
      %get3A_1091 = tpu.memref_squeeze %get3A_1090 : memref<1x104x128xf32, #tpu.memory_space<vmem>> -> memref<104x128xf32, #tpu.memory_space<vmem>>
      %get3A_1092 = arith.index_cast %get3A_1087 : i32 to index
      %get3A_1093 = arith.constant 96 : index
      %get3A_1094 = tpu.vector_load %get3A_1091[%get3A_1092, %get3A_1093] {strides = array<i32>} : memref<104x128xf32, #tpu.memory_space<vmem>>, vector<1x16xf32>,
      %get3A_1095 = vector.shape_cast %get3A_1094 : vector<1x16xf32> to vector<16xf32>
      %get3A_1096 = arith.constant 2 : i32
      %get3A_1097 = arith.constant 0 : i32
      %get3A_1098 = arith.constant 0 : i32
      %get3A_1099 = arith.constant 0 : i32
      %get3A_1100 = tpu.memref_slice %arg6[%get3A_1096, %get3A_1098, %get3A_1099] : memref<4x104x128xf32, #tpu.memory_space<vmem>> -> memref<1x104x128xf32, #tpu.memory_space<vmem>>
      %get3A_1101 = tpu.memref_squeeze %get3A_1100 : memref<1x104x128xf32, #tpu.memory_space<vmem>> -> memref<104x128xf32, #tpu.memory_space<vmem>>
      %get3A_1102 = arith.index_cast %get3A_1097 : i32 to index
      %get3A_1103 = arith.constant 112 : index
      %get3A_1104 = tpu.vector_load %get3A_1101[%get3A_1102, %get3A_1103] {strides = array<i32>} : memref<104x128xf32, #tpu.memory_space<vmem>>, vector<1x16xf32>,
      %get3A_1105 = vector.shape_cast %get3A_1104 : vector<1x16xf32> to vector<16xf32>
      %scan3A_1106 = arith.constant 2 : i32
      %scan3A_1107 = arith.constant 1 : i32
      %scan3A_1108 = arith.constant 100 : i32
      %scan3A_1109 = arith.addi %scan3A_1107, %scan3A_1108 : i32
      %scan3A_1110 = arith.constant 4 : i32
      %scan3A_1111:8 = scf.for %scan3A_1833 = %scan3A_1107 to %scan3A_1109 step %scan3A_1110 iter_args(%scan3A_1834 = %get3A_1035, %scan3A_1835 = %get3A_1045, %scan3A_1836 = %get3A_1055, %scan3A_1837 = %get3A_1065, %scan3A_1838 = %get3A_1075, %scan3A_1839 = %get3A_1085, %scan3A_1840 = %get3A_1095, %scan3A_1841 = %get3A_1105) -> (vector<16xf32>, vector<16xf32>, vector<16xf32>, vector<16xf32>, vector<16xf32>, vector<16xf32>, vector<16xf32>, vector<16xf32>)  : i32 {
        %get3A_1842 = arith.constant 0 : i32
        %get3A_1843 = arith.constant 0 : i32
        %get3A_1844 = tpu.memref_slice %arg6[%scan3A_1106, %get3A_1842, %get3A_1843] : memref<4x104x128xf32, #tpu.memory_space<vmem>> -> memref<1x104x128xf32, #tpu.memory_space<vmem>>
        %get3A_1845 = tpu.memref_squeeze %get3A_1844 : memref<1x104x128xf32, #tpu.memory_space<vmem>> -> memref<104x128xf32, #tpu.memory_space<vmem>>
        %get3A_1846 = arith.index_cast %scan3A_1833 : i32 to index
        %get3A_1847 = arith.constant 0 : index
        %get3A_1848 = tpu.vector_load %get3A_1845[%get3A_1846, %get3A_1847] {strides = array<i32>} : memref<104x128xf32, #tpu.memory_space<vmem>>, vector<1x16xf32>,
        %get3A_1849 = vector.shape_cast %get3A_1848 : vector<1x16xf32> to vector<16xf32>
        %add3A_1850 = arith.addf %scan3A_1834, %get3A_1849 : vector<16xf32>
        %get3A_1851 = arith.constant 0 : i32
        %get3A_1852 = arith.constant 0 : i32
        %get3A_1853 = tpu.memref_slice %arg6[%scan3A_1106, %get3A_1851, %get3A_1852] : memref<4x104x128xf32, #tpu.memory_space<vmem>> -> memref<1x104x128xf32, #tpu.memory_space<vmem>>
        %get3A_1854 = tpu.memref_squeeze %get3A_1853 : memref<1x104x128xf32, #tpu.memory_space<vmem>> -> memref<104x128xf32, #tpu.memory_space<vmem>>
        %get3A_1855 = arith.index_cast %scan3A_1833 : i32 to index
        %get3A_1856 = arith.constant 16 : index
        %get3A_1857 = tpu.vector_load %get3A_1854[%get3A_1855, %get3A_1856] {strides = array<i32>} : memref<104x128xf32, #tpu.memory_space<vmem>>, vector<1x16xf32>,
        %get3A_1858 = vector.shape_cast %get3A_1857 : vector<1x16xf32> to vector<16xf32>
        %add3A_1859 = arith.addf %scan3A_1835, %get3A_1858 : vector<16xf32>
        %get3A_1860 = arith.constant 0 : i32
        %get3A_1861 = arith.constant 0 : i32
        %get3A_1862 = tpu.memref_slice %arg6[%scan3A_1106, %get3A_1860, %get3A_1861] : memref<4x104x128xf32, #tpu.memory_space<vmem>> -> memref<1x104x128xf32, #tpu.memory_space<vmem>>
        %get3A_1863 = tpu.memref_squeeze %get3A_1862 : memref<1x104x128xf32, #tpu.memory_space<vmem>> -> memref<104x128xf32, #tpu.memory_space<vmem>>
        %get3A_1864 = arith.index_cast %scan3A_1833 : i32 to index
        %get3A_1865 = arith.constant 32 : index
        %get3A_1866 = tpu.vector_load %get3A_1863[%get3A_1864, %get3A_1865] {strides = array<i32>} : memref<104x128xf32, #tpu.memory_space<vmem>>, vector<1x16xf32>,
        %get3A_1867 = vector.shape_cast %get3A_1866 : vector<1x16xf32> to vector<16xf32>
        %add3A_1868 = arith.addf %scan3A_1836, %get3A_1867 : vector<16xf32>
        %get3A_1869 = arith.constant 0 : i32
        %get3A_1870 = arith.constant 0 : i32
        %get3A_1871 = tpu.memref_slice %arg6[%scan3A_1106, %get3A_1869, %get3A_1870] : memref<4x104x128xf32, #tpu.memory_space<vmem>> -> memref<1x104x128xf32, #tpu.memory_space<vmem>>
        %get3A_1872 = tpu.memref_squeeze %get3A_1871 : memref<1x104x128xf32, #tpu.memory_space<vmem>> -> memref<104x128xf32, #tpu.memory_space<vmem>>
        %get3A_1873 = arith.index_cast %scan3A_1833 : i32 to index
        %get3A_1874 = arith.constant 48 : index
        %get3A_1875 = tpu.vector_load %get3A_1872[%get3A_1873, %get3A_1874] {strides = array<i32>} : memref<104x128xf32, #tpu.memory_space<vmem>>, vector<1x16xf32>,
        %get3A_1876 = vector.shape_cast %get3A_1875 : vector<1x16xf32> to vector<16xf32>
        %add3A_1877 = arith.addf %scan3A_1837, %get3A_1876 : vector<16xf32>
        %get3A_1878 = arith.constant 0 : i32
        %get3A_1879 = arith.constant 0 : i32
        %get3A_1880 = tpu.memref_slice %arg6[%scan3A_1106, %get3A_1878, %get3A_1879] : memref<4x104x128xf32, #tpu.memory_space<vmem>> -> memref<1x104x128xf32, #tpu.memory_space<vmem>>
        %get3A_1881 = tpu.memref_squeeze %get3A_1880 : memref<1x104x128xf32, #tpu.memory_space<vmem>> -> memref<104x128xf32, #tpu.memory_space<vmem>>
        %get3A_1882 = arith.index_cast %scan3A_1833 : i32 to index
        %get3A_1883 = arith.constant 64 : index
        %get3A_1884 = tpu.vector_load %get3A_1881[%get3A_1882, %get3A_1883] {strides = array<i32>} : memref<104x128xf32, #tpu.memory_space<vmem>>, vector<1x16xf32>,
        %get3A_1885 = vector.shape_cast %get3A_1884 : vector<1x16xf32> to vector<16xf32>
        %add3A_1886 = arith.addf %scan3A_1838, %get3A_1885 : vector<16xf32>
        %get3A_1887 = arith.constant 0 : i32
        %get3A_1888 = arith.constant 0 : i32
        %get3A_1889 = tpu.memref_slice %arg6[%scan3A_1106, %get3A_1887, %get3A_1888] : memref<4x104x128xf32, #tpu.memory_space<vmem>> -> memref<1x104x128xf32, #tpu.memory_space<vmem>>
        %get3A_1890 = tpu.memref_squeeze %get3A_1889 : memref<1x104x128xf32, #tpu.memory_space<vmem>> -> memref<104x128xf32, #tpu.memory_space<vmem>>
        %get3A_1891 = arith.index_cast %scan3A_1833 : i32 to index
        %get3A_1892 = arith.constant 80 : index
        %get3A_1893 = tpu.vector_load %get3A_1890[%get3A_1891, %get3A_1892] {strides = array<i32>} : memref<104x128xf32, #tpu.memory_space<vmem>>, vector<1x16xf32>,
        %get3A_1894 = vector.shape_cast %get3A_1893 : vector<1x16xf32> to vector<16xf32>
        %add3A_1895 = arith.addf %scan3A_1839, %get3A_1894 : vector<16xf32>
        %get3A_1896 = arith.constant 0 : i32
        %get3A_1897 = arith.constant 0 : i32
        %get3A_1898 = tpu.memref_slice %arg6[%scan3A_1106, %get3A_1896, %get3A_1897] : memref<4x104x128xf32, #tpu.memory_space<vmem>> -> memref<1x104x128xf32, #tpu.memory_space<vmem>>
        %get3A_1899 = tpu.memref_squeeze %get3A_1898 : memref<1x104x128xf32, #tpu.memory_space<vmem>> -> memref<104x128xf32, #tpu.memory_space<vmem>>
        %get3A_1900 = arith.index_cast %scan3A_1833 : i32 to index
        %get3A_1901 = arith.constant 96 : index
        %get3A_1902 = tpu.vector_load %get3A_1899[%get3A_1900, %get3A_1901] {strides = array<i32>} : memref<104x128xf32, #tpu.memory_space<vmem>>, vector<1x16xf32>,
        %get3A_1903 = vector.shape_cast %get3A_1902 : vector<1x16xf32> to vector<16xf32>
        %add3A_1904 = arith.addf %scan3A_1840, %get3A_1903 : vector<16xf32>
        %get3A_1905 = arith.constant 0 : i32
        %get3A_1906 = arith.constant 0 : i32
        %get3A_1907 = tpu.memref_slice %arg6[%scan3A_1106, %get3A_1905, %get3A_1906] : memref<4x104x128xf32, #tpu.memory_space<vmem>> -> memref<1x104x128xf32, #tpu.memory_space<vmem>>
        %get3A_1908 = tpu.memref_squeeze %get3A_1907 : memref<1x104x128xf32, #tpu.memory_space<vmem>> -> memref<104x128xf32, #tpu.memory_space<vmem>>
        %get3A_1909 = arith.index_cast %scan3A_1833 : i32 to index
        %get3A_1910 = arith.constant 112 : index
        %get3A_1911 = tpu.vector_load %get3A_1908[%get3A_1909, %get3A_1910] {strides = array<i32>} : memref<104x128xf32, #tpu.memory_space<vmem>>, vector<1x16xf32>,
        %get3A_1912 = vector.shape_cast %get3A_1911 : vector<1x16xf32> to vector<16xf32>
        %add3A_1913 = arith.addf %scan3A_1841, %get3A_1912 : vector<16xf32>
        %scan3A_1914 = arith.constant 1 : i32
        %scan3A_1915 = arith.addi %scan3A_1833, %scan3A_1914 : i32
        %get3A_1916 = arith.constant 0 : i32
        %get3A_1917 = arith.constant 0 : i32
        %get3A_1918 = tpu.memref_slice %arg6[%scan3A_1106, %get3A_1916, %get3A_1917] : memref<4x104x128xf32, #tpu.memory_space<vmem>> -> memref<1x104x128xf32, #tpu.memory_space<vmem>>
        %get3A_1919 = tpu.memref_squeeze %get3A_1918 : memref<1x104x128xf32, #tpu.memory_space<vmem>> -> memref<104x128xf32, #tpu.memory_space<vmem>>
        %get3A_1920 = arith.index_cast %scan3A_1915 : i32 to index
        %get3A_1921 = arith.constant 0 : index
        %get3A_1922 = tpu.vector_load %get3A_1919[%get3A_1920, %get3A_1921] {strides = array<i32>} : memref<104x128xf32, #tpu.memory_space<vmem>>, vector<1x16xf32>,
        %get3A_1923 = vector.shape_cast %get3A_1922 : vector<1x16xf32> to vector<16xf32>
        %add3A_1924 = arith.addf %add3A_1850, %get3A_1923 : vector<16xf32>
        %get3A_1925 = arith.constant 0 : i32
        %get3A_1926 = arith.constant 0 : i32
        %get3A_1927 = tpu.memref_slice %arg6[%scan3A_1106, %get3A_1925, %get3A_1926] : memref<4x104x128xf32, #tpu.memory_space<vmem>> -> memref<1x104x128xf32, #tpu.memory_space<vmem>>
        %get3A_1928 = tpu.memref_squeeze %get3A_1927 : memref<1x104x128xf32, #tpu.memory_space<vmem>> -> memref<104x128xf32, #tpu.memory_space<vmem>>
        %get3A_1929 = arith.index_cast %scan3A_1915 : i32 to index
        %get3A_1930 = arith.constant 16 : index
        %get3A_1931 = tpu.vector_load %get3A_1928[%get3A_1929, %get3A_1930] {strides = array<i32>} : memref<104x128xf32, #tpu.memory_space<vmem>>, vector<1x16xf32>,
        %get3A_1932 = vector.shape_cast %get3A_1931 : vector<1x16xf32> to vector<16xf32>
        %add3A_1933 = arith.addf %add3A_1859, %get3A_1932 : vector<16xf32>
        %get3A_1934 = arith.constant 0 : i32
        %get3A_1935 = arith.constant 0 : i32
        %get3A_1936 = tpu.memref_slice %arg6[%scan3A_1106, %get3A_1934, %get3A_1935] : memref<4x104x128xf32, #tpu.memory_space<vmem>> -> memref<1x104x128xf32, #tpu.memory_space<vmem>>
        %get3A_1937 = tpu.memref_squeeze %get3A_1936 : memref<1x104x128xf32, #tpu.memory_space<vmem>> -> memref<104x128xf32, #tpu.memory_space<vmem>>
        %get3A_1938 = arith.index_cast %scan3A_1915 : i32 to index
        %get3A_1939 = arith.constant 32 : index
        %get3A_1940 = tpu.vector_load %get3A_1937[%get3A_1938, %get3A_1939] {strides = array<i32>} : memref<104x128xf32, #tpu.memory_space<vmem>>, vector<1x16xf32>,
        %get3A_1941 = vector.shape_cast %get3A_1940 : vector<1x16xf32> to vector<16xf32>
        %add3A_1942 = arith.addf %add3A_1868, %get3A_1941 : vector<16xf32>
        %get3A_1943 = arith.constant 0 : i32
        %get3A_1944 = arith.constant 0 : i32
        %get3A_1945 = tpu.memref_slice %arg6[%scan3A_1106, %get3A_1943, %get3A_1944] : memref<4x104x128xf32, #tpu.memory_space<vmem>> -> memref<1x104x128xf32, #tpu.memory_space<vmem>>
        %get3A_1946 = tpu.memref_squeeze %get3A_1945 : memref<1x104x128xf32, #tpu.memory_space<vmem>> -> memref<104x128xf32, #tpu.memory_space<vmem>>
        %get3A_1947 = arith.index_cast %scan3A_1915 : i32 to index
        %get3A_1948 = arith.constant 48 : index
        %get3A_1949 = tpu.vector_load %get3A_1946[%get3A_1947, %get3A_1948] {strides = array<i32>} : memref<104x128xf32, #tpu.memory_space<vmem>>, vector<1x16xf32>,
        %get3A_1950 = vector.shape_cast %get3A_1949 : vector<1x16xf32> to vector<16xf32>
        %add3A_1951 = arith.addf %add3A_1877, %get3A_1950 : vector<16xf32>
        %get3A_1952 = arith.constant 0 : i32
        %get3A_1953 = arith.constant 0 : i32
        %get3A_1954 = tpu.memref_slice %arg6[%scan3A_1106, %get3A_1952, %get3A_1953] : memref<4x104x128xf32, #tpu.memory_space<vmem>> -> memref<1x104x128xf32, #tpu.memory_space<vmem>>
        %get3A_1955 = tpu.memref_squeeze %get3A_1954 : memref<1x104x128xf32, #tpu.memory_space<vmem>> -> memref<104x128xf32, #tpu.memory_space<vmem>>
        %get3A_1956 = arith.index_cast %scan3A_1915 : i32 to index
        %get3A_1957 = arith.constant 64 : index
        %get3A_1958 = tpu.vector_load %get3A_1955[%get3A_1956, %get3A_1957] {strides = array<i32>} : memref<104x128xf32, #tpu.memory_space<vmem>>, vector<1x16xf32>,
        %get3A_1959 = vector.shape_cast %get3A_1958 : vector<1x16xf32> to vector<16xf32>
        %add3A_1960 = arith.addf %add3A_1886, %get3A_1959 : vector<16xf32>
        %get3A_1961 = arith.constant 0 : i32
        %get3A_1962 = arith.constant 0 : i32
        %get3A_1963 = tpu.memref_slice %arg6[%scan3A_1106, %get3A_1961, %get3A_1962] : memref<4x104x128xf32, #tpu.memory_space<vmem>> -> memref<1x104x128xf32, #tpu.memory_space<vmem>>
        %get3A_1964 = tpu.memref_squeeze %get3A_1963 : memref<1x104x128xf32, #tpu.memory_space<vmem>> -> memref<104x128xf32, #tpu.memory_space<vmem>>
        %get3A_1965 = arith.index_cast %scan3A_1915 : i32 to index
        %get3A_1966 = arith.constant 80 : index
        %get3A_1967 = tpu.vector_load %get3A_1964[%get3A_1965, %get3A_1966] {strides = array<i32>} : memref<104x128xf32, #tpu.memory_space<vmem>>, vector<1x16xf32>,
        %get3A_1968 = vector.shape_cast %get3A_1967 : vector<1x16xf32> to vector<16xf32>
        %add3A_1969 = arith.addf %add3A_1895, %get3A_1968 : vector<16xf32>
        %get3A_1970 = arith.constant 0 : i32
        %get3A_1971 = arith.constant 0 : i32
        %get3A_1972 = tpu.memref_slice %arg6[%scan3A_1106, %get3A_1970, %get3A_1971] : memref<4x104x128xf32, #tpu.memory_space<vmem>> -> memref<1x104x128xf32, #tpu.memory_space<vmem>>
        %get3A_1973 = tpu.memref_squeeze %get3A_1972 : memref<1x104x128xf32, #tpu.memory_space<vmem>> -> memref<104x128xf32, #tpu.memory_space<vmem>>
        %get3A_1974 = arith.index_cast %scan3A_1915 : i32 to index
        %get3A_1975 = arith.constant 96 : index
        %get3A_1976 = tpu.vector_load %get3A_1973[%get3A_1974, %get3A_1975] {strides = array<i32>} : memref<104x128xf32, #tpu.memory_space<vmem>>, vector<1x16xf32>,
        %get3A_1977 = vector.shape_cast %get3A_1976 : vector<1x16xf32> to vector<16xf32>
        %add3A_1978 = arith.addf %add3A_1904, %get3A_1977 : vector<16xf32>
        %get3A_1979 = arith.constant 0 : i32
        %get3A_1980 = arith.constant 0 : i32
        %get3A_1981 = tpu.memref_slice %arg6[%scan3A_1106, %get3A_1979, %get3A_1980] : memref<4x104x128xf32, #tpu.memory_space<vmem>> -> memref<1x104x128xf32, #tpu.memory_space<vmem>>
        %get3A_1982 = tpu.memref_squeeze %get3A_1981 : memref<1x104x128xf32, #tpu.memory_space<vmem>> -> memref<104x128xf32, #tpu.memory_space<vmem>>
        %get3A_1983 = arith.index_cast %scan3A_1915 : i32 to index
        %get3A_1984 = arith.constant 112 : index
        %get3A_1985 = tpu.vector_load %get3A_1982[%get3A_1983, %get3A_1984] {strides = array<i32>} : memref<104x128xf32, #tpu.memory_space<vmem>>, vector<1x16xf32>,
        %get3A_1986 = vector.shape_cast %get3A_1985 : vector<1x16xf32> to vector<16xf32>
        %add3A_1987 = arith.addf %add3A_1913, %get3A_1986 : vector<16xf32>
        %scan3A_1988 = arith.constant 2 : i32
        %scan3A_1989 = arith.addi %scan3A_1833, %scan3A_1988 : i32
        %get3A_1990 = arith.constant 0 : i32
        %get3A_1991 = arith.constant 0 : i32
        %get3A_1992 = tpu.memref_slice %arg6[%scan3A_1106, %get3A_1990, %get3A_1991] : memref<4x104x128xf32, #tpu.memory_space<vmem>> -> memref<1x104x128xf32, #tpu.memory_space<vmem>>
        %get3A_1993 = tpu.memref_squeeze %get3A_1992 : memref<1x104x128xf32, #tpu.memory_space<vmem>> -> memref<104x128xf32, #tpu.memory_space<vmem>>
        %get3A_1994 = arith.index_cast %scan3A_1989 : i32 to index
        %get3A_1995 = arith.constant 0 : index
        %get3A_1996 = tpu.vector_load %get3A_1993[%get3A_1994, %get3A_1995] {strides = array<i32>} : memref<104x128xf32, #tpu.memory_space<vmem>>, vector<1x16xf32>,
        %get3A_1997 = vector.shape_cast %get3A_1996 : vector<1x16xf32> to vector<16xf32>
        %add3A_1998 = arith.addf %add3A_1924, %get3A_1997 : vector<16xf32>
        %get3A_1999 = arith.constant 0 : i32
        %get3A_2000 = arith.constant 0 : i32
        %get3A_2001 = tpu.memref_slice %arg6[%scan3A_1106, %get3A_1999, %get3A_2000] : memref<4x104x128xf32, #tpu.memory_space<vmem>> -> memref<1x104x128xf32, #tpu.memory_space<vmem>>
        %get3A_2002 = tpu.memref_squeeze %get3A_2001 : memref<1x104x128xf32, #tpu.memory_space<vmem>> -> memref<104x128xf32, #tpu.memory_space<vmem>>
        %get3A_2003 = arith.index_cast %scan3A_1989 : i32 to index
        %get3A_2004 = arith.constant 16 : index
        %get3A_2005 = tpu.vector_load %get3A_2002[%get3A_2003, %get3A_2004] {strides = array<i32>} : memref<104x128xf32, #tpu.memory_space<vmem>>, vector<1x16xf32>,
        %get3A_2006 = vector.shape_cast %get3A_2005 : vector<1x16xf32> to vector<16xf32>
        %add3A_2007 = arith.addf %add3A_1933, %get3A_2006 : vector<16xf32>
        %get3A_2008 = arith.constant 0 : i32
        %get3A_2009 = arith.constant 0 : i32
        %get3A_2010 = tpu.memref_slice %arg6[%scan3A_1106, %get3A_2008, %get3A_2009] : memref<4x104x128xf32, #tpu.memory_space<vmem>> -> memref<1x104x128xf32, #tpu.memory_space<vmem>>
        %get3A_2011 = tpu.memref_squeeze %get3A_2010 : memref<1x104x128xf32, #tpu.memory_space<vmem>> -> memref<104x128xf32, #tpu.memory_space<vmem>>
        %get3A_2012 = arith.index_cast %scan3A_1989 : i32 to index
        %get3A_2013 = arith.constant 32 : index
        %get3A_2014 = tpu.vector_load %get3A_2011[%get3A_2012, %get3A_2013] {strides = array<i32>} : memref<104x128xf32, #tpu.memory_space<vmem>>, vector<1x16xf32>,
        %get3A_2015 = vector.shape_cast %get3A_2014 : vector<1x16xf32> to vector<16xf32>
        %add3A_2016 = arith.addf %add3A_1942, %get3A_2015 : vector<16xf32>
        %get3A_2017 = arith.constant 0 : i32
        %get3A_2018 = arith.constant 0 : i32
        %get3A_2019 = tpu.memref_slice %arg6[%scan3A_1106, %get3A_2017, %get3A_2018] : memref<4x104x128xf32, #tpu.memory_space<vmem>> -> memref<1x104x128xf32, #tpu.memory_space<vmem>>
        %get3A_2020 = tpu.memref_squeeze %get3A_2019 : memref<1x104x128xf32, #tpu.memory_space<vmem>> -> memref<104x128xf32, #tpu.memory_space<vmem>>
        %get3A_2021 = arith.index_cast %scan3A_1989 : i32 to index
        %get3A_2022 = arith.constant 48 : index
        %get3A_2023 = tpu.vector_load %get3A_2020[%get3A_2021, %get3A_2022] {strides = array<i32>} : memref<104x128xf32, #tpu.memory_space<vmem>>, vector<1x16xf32>,
        %get3A_2024 = vector.shape_cast %get3A_2023 : vector<1x16xf32> to vector<16xf32>
        %add3A_2025 = arith.addf %add3A_1951, %get3A_2024 : vector<16xf32>
        %get3A_2026 = arith.constant 0 : i32
        %get3A_2027 = arith.constant 0 : i32
        %get3A_2028 = tpu.memref_slice %arg6[%scan3A_1106, %get3A_2026, %get3A_2027] : memref<4x104x128xf32, #tpu.memory_space<vmem>> -> memref<1x104x128xf32, #tpu.memory_space<vmem>>
        %get3A_2029 = tpu.memref_squeeze %get3A_2028 : memref<1x104x128xf32, #tpu.memory_space<vmem>> -> memref<104x128xf32, #tpu.memory_space<vmem>>
        %get3A_2030 = arith.index_cast %scan3A_1989 : i32 to index
        %get3A_2031 = arith.constant 64 : index
        %get3A_2032 = tpu.vector_load %get3A_2029[%get3A_2030, %get3A_2031] {strides = array<i32>} : memref<104x128xf32, #tpu.memory_space<vmem>>, vector<1x16xf32>,
        %get3A_2033 = vector.shape_cast %get3A_2032 : vector<1x16xf32> to vector<16xf32>
        %add3A_2034 = arith.addf %add3A_1960, %get3A_2033 : vector<16xf32>
        %get3A_2035 = arith.constant 0 : i32
        %get3A_2036 = arith.constant 0 : i32
        %get3A_2037 = tpu.memref_slice %arg6[%scan3A_1106, %get3A_2035, %get3A_2036] : memref<4x104x128xf32, #tpu.memory_space<vmem>> -> memref<1x104x128xf32, #tpu.memory_space<vmem>>
        %get3A_2038 = tpu.memref_squeeze %get3A_2037 : memref<1x104x128xf32, #tpu.memory_space<vmem>> -> memref<104x128xf32, #tpu.memory_space<vmem>>
        %get3A_2039 = arith.index_cast %scan3A_1989 : i32 to index
        %get3A_2040 = arith.constant 80 : index
        %get3A_2041 = tpu.vector_load %get3A_2038[%get3A_2039, %get3A_2040] {strides = array<i32>} : memref<104x128xf32, #tpu.memory_space<vmem>>, vector<1x16xf32>,
        %get3A_2042 = vector.shape_cast %get3A_2041 : vector<1x16xf32> to vector<16xf32>
        %add3A_2043 = arith.addf %add3A_1969, %get3A_2042 : vector<16xf32>
        %get3A_2044 = arith.constant 0 : i32
        %get3A_2045 = arith.constant 0 : i32
        %get3A_2046 = tpu.memref_slice %arg6[%scan3A_1106, %get3A_2044, %get3A_2045] : memref<4x104x128xf32, #tpu.memory_space<vmem>> -> memref<1x104x128xf32, #tpu.memory_space<vmem>>
        %get3A_2047 = tpu.memref_squeeze %get3A_2046 : memref<1x104x128xf32, #tpu.memory_space<vmem>> -> memref<104x128xf32, #tpu.memory_space<vmem>>
        %get3A_2048 = arith.index_cast %scan3A_1989 : i32 to index
        %get3A_2049 = arith.constant 96 : index
        %get3A_2050 = tpu.vector_load %get3A_2047[%get3A_2048, %get3A_2049] {strides = array<i32>} : memref<104x128xf32, #tpu.memory_space<vmem>>, vector<1x16xf32>,
        %get3A_2051 = vector.shape_cast %get3A_2050 : vector<1x16xf32> to vector<16xf32>
        %add3A_2052 = arith.addf %add3A_1978, %get3A_2051 : vector<16xf32>
        %get3A_2053 = arith.constant 0 : i32
        %get3A_2054 = arith.constant 0 : i32
        %get3A_2055 = tpu.memref_slice %arg6[%scan3A_1106, %get3A_2053, %get3A_2054] : memref<4x104x128xf32, #tpu.memory_space<vmem>> -> memref<1x104x128xf32, #tpu.memory_space<vmem>>
        %get3A_2056 = tpu.memref_squeeze %get3A_2055 : memref<1x104x128xf32, #tpu.memory_space<vmem>> -> memref<104x128xf32, #tpu.memory_space<vmem>>
        %get3A_2057 = arith.index_cast %scan3A_1989 : i32 to index
        %get3A_2058 = arith.constant 112 : index
        %get3A_2059 = tpu.vector_load %get3A_2056[%get3A_2057, %get3A_2058] {strides = array<i32>} : memref<104x128xf32, #tpu.memory_space<vmem>>, vector<1x16xf32>,
        %get3A_2060 = vector.shape_cast %get3A_2059 : vector<1x16xf32> to vector<16xf32>
        %add3A_2061 = arith.addf %add3A_1987, %get3A_2060 : vector<16xf32>
        %scan3A_2062 = arith.constant 3 : i32
        %scan3A_2063 = arith.addi %scan3A_1833, %scan3A_2062 : i32
        %get3A_2064 = arith.constant 0 : i32
        %get3A_2065 = arith.constant 0 : i32
        %get3A_2066 = tpu.memref_slice %arg6[%scan3A_1106, %get3A_2064, %get3A_2065] : memref<4x104x128xf32, #tpu.memory_space<vmem>> -> memref<1x104x128xf32, #tpu.memory_space<vmem>>
        %get3A_2067 = tpu.memref_squeeze %get3A_2066 : memref<1x104x128xf32, #tpu.memory_space<vmem>> -> memref<104x128xf32, #tpu.memory_space<vmem>>
        %get3A_2068 = arith.index_cast %scan3A_2063 : i32 to index
        %get3A_2069 = arith.constant 0 : index
        %get3A_2070 = tpu.vector_load %get3A_2067[%get3A_2068, %get3A_2069] {strides = array<i32>} : memref<104x128xf32, #tpu.memory_space<vmem>>, vector<1x16xf32>,
        %get3A_2071 = vector.shape_cast %get3A_2070 : vector<1x16xf32> to vector<16xf32>
        %add3A_2072 = arith.addf %add3A_1998, %get3A_2071 : vector<16xf32>
        %get3A_2073 = arith.constant 0 : i32
        %get3A_2074 = arith.constant 0 : i32
        %get3A_2075 = tpu.memref_slice %arg6[%scan3A_1106, %get3A_2073, %get3A_2074] : memref<4x104x128xf32, #tpu.memory_space<vmem>> -> memref<1x104x128xf32, #tpu.memory_space<vmem>>
        %get3A_2076 = tpu.memref_squeeze %get3A_2075 : memref<1x104x128xf32, #tpu.memory_space<vmem>> -> memref<104x128xf32, #tpu.memory_space<vmem>>
        %get3A_2077 = arith.index_cast %scan3A_2063 : i32 to index
        %get3A_2078 = arith.constant 16 : index
        %get3A_2079 = tpu.vector_load %get3A_2076[%get3A_2077, %get3A_2078] {strides = array<i32>} : memref<104x128xf32, #tpu.memory_space<vmem>>, vector<1x16xf32>,
        %get3A_2080 = vector.shape_cast %get3A_2079 : vector<1x16xf32> to vector<16xf32>
        %add3A_2081 = arith.addf %add3A_2007, %get3A_2080 : vector<16xf32>
        %get3A_2082 = arith.constant 0 : i32
        %get3A_2083 = arith.constant 0 : i32
        %get3A_2084 = tpu.memref_slice %arg6[%scan3A_1106, %get3A_2082, %get3A_2083] : memref<4x104x128xf32, #tpu.memory_space<vmem>> -> memref<1x104x128xf32, #tpu.memory_space<vmem>>
        %get3A_2085 = tpu.memref_squeeze %get3A_2084 : memref<1x104x128xf32, #tpu.memory_space<vmem>> -> memref<104x128xf32, #tpu.memory_space<vmem>>
        %get3A_2086 = arith.index_cast %scan3A_2063 : i32 to index
        %get3A_2087 = arith.constant 32 : index
        %get3A_2088 = tpu.vector_load %get3A_2085[%get3A_2086, %get3A_2087] {strides = array<i32>} : memref<104x128xf32, #tpu.memory_space<vmem>>, vector<1x16xf32>,
        %get3A_2089 = vector.shape_cast %get3A_2088 : vector<1x16xf32> to vector<16xf32>
        %add3A_2090 = arith.addf %add3A_2016, %get3A_2089 : vector<16xf32>
        %get3A_2091 = arith.constant 0 : i32
        %get3A_2092 = arith.constant 0 : i32
        %get3A_2093 = tpu.memref_slice %arg6[%scan3A_1106, %get3A_2091, %get3A_2092] : memref<4x104x128xf32, #tpu.memory_space<vmem>> -> memref<1x104x128xf32, #tpu.memory_space<vmem>>
        %get3A_2094 = tpu.memref_squeeze %get3A_2093 : memref<1x104x128xf32, #tpu.memory_space<vmem>> -> memref<104x128xf32, #tpu.memory_space<vmem>>
        %get3A_2095 = arith.index_cast %scan3A_2063 : i32 to index
        %get3A_2096 = arith.constant 48 : index
        %get3A_2097 = tpu.vector_load %get3A_2094[%get3A_2095, %get3A_2096] {strides = array<i32>} : memref<104x128xf32, #tpu.memory_space<vmem>>, vector<1x16xf32>,
        %get3A_2098 = vector.shape_cast %get3A_2097 : vector<1x16xf32> to vector<16xf32>
        %add3A_2099 = arith.addf %add3A_2025, %get3A_2098 : vector<16xf32>
        %get3A_2100 = arith.constant 0 : i32
        %get3A_2101 = arith.constant 0 : i32
        %get3A_2102 = tpu.memref_slice %arg6[%scan3A_1106, %get3A_2100, %get3A_2101] : memref<4x104x128xf32, #tpu.memory_space<vmem>> -> memref<1x104x128xf32, #tpu.memory_space<vmem>>
        %get3A_2103 = tpu.memref_squeeze %get3A_2102 : memref<1x104x128xf32, #tpu.memory_space<vmem>> -> memref<104x128xf32, #tpu.memory_space<vmem>>
        %get3A_2104 = arith.index_cast %scan3A_2063 : i32 to index
        %get3A_2105 = arith.constant 64 : index
        %get3A_2106 = tpu.vector_load %get3A_2103[%get3A_2104, %get3A_2105] {strides = array<i32>} : memref<104x128xf32, #tpu.memory_space<vmem>>, vector<1x16xf32>,
        %get3A_2107 = vector.shape_cast %get3A_2106 : vector<1x16xf32> to vector<16xf32>
        %add3A_2108 = arith.addf %add3A_2034, %get3A_2107 : vector<16xf32>
        %get3A_2109 = arith.constant 0 : i32
        %get3A_2110 = arith.constant 0 : i32
        %get3A_2111 = tpu.memref_slice %arg6[%scan3A_1106, %get3A_2109, %get3A_2110] : memref<4x104x128xf32, #tpu.memory_space<vmem>> -> memref<1x104x128xf32, #tpu.memory_space<vmem>>
        %get3A_2112 = tpu.memref_squeeze %get3A_2111 : memref<1x104x128xf32, #tpu.memory_space<vmem>> -> memref<104x128xf32, #tpu.memory_space<vmem>>
        %get3A_2113 = arith.index_cast %scan3A_2063 : i32 to index
        %get3A_2114 = arith.constant 80 : index
        %get3A_2115 = tpu.vector_load %get3A_2112[%get3A_2113, %get3A_2114] {strides = array<i32>} : memref<104x128xf32, #tpu.memory_space<vmem>>, vector<1x16xf32>,
        %get3A_2116 = vector.shape_cast %get3A_2115 : vector<1x16xf32> to vector<16xf32>
        %add3A_2117 = arith.addf %add3A_2043, %get3A_2116 : vector<16xf32>
        %get3A_2118 = arith.constant 0 : i32
        %get3A_2119 = arith.constant 0 : i32
        %get3A_2120 = tpu.memref_slice %arg6[%scan3A_1106, %get3A_2118, %get3A_2119] : memref<4x104x128xf32, #tpu.memory_space<vmem>> -> memref<1x104x128xf32, #tpu.memory_space<vmem>>
        %get3A_2121 = tpu.memref_squeeze %get3A_2120 : memref<1x104x128xf32, #tpu.memory_space<vmem>> -> memref<104x128xf32, #tpu.memory_space<vmem>>
        %get3A_2122 = arith.index_cast %scan3A_2063 : i32 to index
        %get3A_2123 = arith.constant 96 : index
        %get3A_2124 = tpu.vector_load %get3A_2121[%get3A_2122, %get3A_2123] {strides = array<i32>} : memref<104x128xf32, #tpu.memory_space<vmem>>, vector<1x16xf32>,
        %get3A_2125 = vector.shape_cast %get3A_2124 : vector<1x16xf32> to vector<16xf32>
        %add3A_2126 = arith.addf %add3A_2052, %get3A_2125 : vector<16xf32>
        %get3A_2127 = arith.constant 0 : i32
        %get3A_2128 = arith.constant 0 : i32
        %get3A_2129 = tpu.memref_slice %arg6[%scan3A_1106, %get3A_2127, %get3A_2128] : memref<4x104x128xf32, #tpu.memory_space<vmem>> -> memref<1x104x128xf32, #tpu.memory_space<vmem>>
        %get3A_2130 = tpu.memref_squeeze %get3A_2129 : memref<1x104x128xf32, #tpu.memory_space<vmem>> -> memref<104x128xf32, #tpu.memory_space<vmem>>
        %get3A_2131 = arith.index_cast %scan3A_2063 : i32 to index
        %get3A_2132 = arith.constant 112 : index
        %get3A_2133 = tpu.vector_load %get3A_2130[%get3A_2131, %get3A_2132] {strides = array<i32>} : memref<104x128xf32, #tpu.memory_space<vmem>>, vector<1x16xf32>,
        %get3A_2134 = vector.shape_cast %get3A_2133 : vector<1x16xf32> to vector<16xf32>
        %add3A_2135 = arith.addf %add3A_2061, %get3A_2134 : vector<16xf32>
        scf.yield %add3A_2072, %add3A_2081, %add3A_2090, %add3A_2099, %add3A_2108, %add3A_2117, %add3A_2126, %add3A_2135 : vector<16xf32>, vector<16xf32>, vector<16xf32>, vector<16xf32>, vector<16xf32>, vector<16xf32>, vector<16xf32>, vector<16xf32>
      }
      %scan3A_1112 = arith.constant 100 : i32
      %scan3A_1113 = arith.addi %scan3A_1107, %scan3A_1112 : i32
      %get3A_1114 = arith.constant 0 : i32
      %get3A_1115 = arith.constant 0 : i32
      %get3A_1116 = tpu.memref_slice %arg6[%scan3A_1106, %get3A_1114, %get3A_1115] : memref<4x104x128xf32, #tpu.memory_space<vmem>> -> memref<1x104x128xf32, #tpu.memory_space<vmem>>
      %get3A_1117 = tpu.memref_squeeze %get3A_1116 : memref<1x104x128xf32, #tpu.memory_space<vmem>> -> memref<104x128xf32, #tpu.memory_space<vmem>>
      %get3A_1118 = arith.index_cast %scan3A_1113 : i32 to index
      %get3A_1119 = arith.constant 0 : index
      %get3A_1120 = tpu.vector_load %get3A_1117[%get3A_1118, %get3A_1119] {strides = array<i32>} : memref<104x128xf32, #tpu.memory_space<vmem>>, vector<1x16xf32>,
      %get3A_1121 = vector.shape_cast %get3A_1120 : vector<1x16xf32> to vector<16xf32>
      %add3A_1122 = arith.addf %scan3A_1111#0, %get3A_1121 : vector<16xf32>
      %get3A_1123 = arith.constant 0 : i32
      %get3A_1124 = arith.constant 0 : i32
      %get3A_1125 = tpu.memref_slice %arg6[%scan3A_1106, %get3A_1123, %get3A_1124] : memref<4x104x128xf32, #tpu.memory_space<vmem>> -> memref<1x104x128xf32, #tpu.memory_space<vmem>>
      %get3A_1126 = tpu.memref_squeeze %get3A_1125 : memref<1x104x128xf32, #tpu.memory_space<vmem>> -> memref<104x128xf32, #tpu.memory_space<vmem>>
      %get3A_1127 = arith.index_cast %scan3A_1113 : i32 to index
      %get3A_1128 = arith.constant 16 : index
      %get3A_1129 = tpu.vector_load %get3A_1126[%get3A_1127, %get3A_1128] {strides = array<i32>} : memref<104x128xf32, #tpu.memory_space<vmem>>, vector<1x16xf32>,
      %get3A_1130 = vector.shape_cast %get3A_1129 : vector<1x16xf32> to vector<16xf32>
      %add3A_1131 = arith.addf %scan3A_1111#1, %get3A_1130 : vector<16xf32>
      %get3A_1132 = arith.constant 0 : i32
      %get3A_1133 = arith.constant 0 : i32
      %get3A_1134 = tpu.memref_slice %arg6[%scan3A_1106, %get3A_1132, %get3A_1133] : memref<4x104x128xf32, #tpu.memory_space<vmem>> -> memref<1x104x128xf32, #tpu.memory_space<vmem>>
      %get3A_1135 = tpu.memref_squeeze %get3A_1134 : memref<1x104x128xf32, #tpu.memory_space<vmem>> -> memref<104x128xf32, #tpu.memory_space<vmem>>
      %get3A_1136 = arith.index_cast %scan3A_1113 : i32 to index
      %get3A_1137 = arith.constant 32 : index
      %get3A_1138 = tpu.vector_load %get3A_1135[%get3A_1136, %get3A_1137] {strides = array<i32>} : memref<104x128xf32, #tpu.memory_space<vmem>>, vector<1x16xf32>,
      %get3A_1139 = vector.shape_cast %get3A_1138 : vector<1x16xf32> to vector<16xf32>
      %add3A_1140 = arith.addf %scan3A_1111#2, %get3A_1139 : vector<16xf32>
      %get3A_1141 = arith.constant 0 : i32
      %get3A_1142 = arith.constant 0 : i32
      %get3A_1143 = tpu.memref_slice %arg6[%scan3A_1106, %get3A_1141, %get3A_1142] : memref<4x104x128xf32, #tpu.memory_space<vmem>> -> memref<1x104x128xf32, #tpu.memory_space<vmem>>
      %get3A_1144 = tpu.memref_squeeze %get3A_1143 : memref<1x104x128xf32, #tpu.memory_space<vmem>> -> memref<104x128xf32, #tpu.memory_space<vmem>>
      %get3A_1145 = arith.index_cast %scan3A_1113 : i32 to index
      %get3A_1146 = arith.constant 48 : index
      %get3A_1147 = tpu.vector_load %get3A_1144[%get3A_1145, %get3A_1146] {strides = array<i32>} : memref<104x128xf32, #tpu.memory_space<vmem>>, vector<1x16xf32>,
      %get3A_1148 = vector.shape_cast %get3A_1147 : vector<1x16xf32> to vector<16xf32>
      %add3A_1149 = arith.addf %scan3A_1111#3, %get3A_1148 : vector<16xf32>
      %get3A_1150 = arith.constant 0 : i32
      %get3A_1151 = arith.constant 0 : i32
      %get3A_1152 = tpu.memref_slice %arg6[%scan3A_1106, %get3A_1150, %get3A_1151] : memref<4x104x128xf32, #tpu.memory_space<vmem>> -> memref<1x104x128xf32, #tpu.memory_space<vmem>>
      %get3A_1153 = tpu.memref_squeeze %get3A_1152 : memref<1x104x128xf32, #tpu.memory_space<vmem>> -> memref<104x128xf32, #tpu.memory_space<vmem>>
      %get3A_1154 = arith.index_cast %scan3A_1113 : i32 to index
      %get3A_1155 = arith.constant 64 : index
      %get3A_1156 = tpu.vector_load %get3A_1153[%get3A_1154, %get3A_1155] {strides = array<i32>} : memref<104x128xf32, #tpu.memory_space<vmem>>, vector<1x16xf32>,
      %get3A_1157 = vector.shape_cast %get3A_1156 : vector<1x16xf32> to vector<16xf32>
      %add3A_1158 = arith.addf %scan3A_1111#4, %get3A_1157 : vector<16xf32>
      %get3A_1159 = arith.constant 0 : i32
      %get3A_1160 = arith.constant 0 : i32
      %get3A_1161 = tpu.memref_slice %arg6[%scan3A_1106, %get3A_1159, %get3A_1160] : memref<4x104x128xf32, #tpu.memory_space<vmem>> -> memref<1x104x128xf32, #tpu.memory_space<vmem>>
      %get3A_1162 = tpu.memref_squeeze %get3A_1161 : memref<1x104x128xf32, #tpu.memory_space<vmem>> -> memref<104x128xf32, #tpu.memory_space<vmem>>
      %get3A_1163 = arith.index_cast %scan3A_1113 : i32 to index
      %get3A_1164 = arith.constant 80 : index
      %get3A_1165 = tpu.vector_load %get3A_1162[%get3A_1163, %get3A_1164] {strides = array<i32>} : memref<104x128xf32, #tpu.memory_space<vmem>>, vector<1x16xf32>,
      %get3A_1166 = vector.shape_cast %get3A_1165 : vector<1x16xf32> to vector<16xf32>
      %add3A_1167 = arith.addf %scan3A_1111#5, %get3A_1166 : vector<16xf32>
      %get3A_1168 = arith.constant 0 : i32
      %get3A_1169 = arith.constant 0 : i32
      %get3A_1170 = tpu.memref_slice %arg6[%scan3A_1106, %get3A_1168, %get3A_1169] : memref<4x104x128xf32, #tpu.memory_space<vmem>> -> memref<1x104x128xf32, #tpu.memory_space<vmem>>
      %get3A_1171 = tpu.memref_squeeze %get3A_1170 : memref<1x104x128xf32, #tpu.memory_space<vmem>> -> memref<104x128xf32, #tpu.memory_space<vmem>>
      %get3A_1172 = arith.index_cast %scan3A_1113 : i32 to index
      %get3A_1173 = arith.constant 96 : index
      %get3A_1174 = tpu.vector_load %get3A_1171[%get3A_1172, %get3A_1173] {strides = array<i32>} : memref<104x128xf32, #tpu.memory_space<vmem>>, vector<1x16xf32>,
      %get3A_1175 = vector.shape_cast %get3A_1174 : vector<1x16xf32> to vector<16xf32>
      %add3A_1176 = arith.addf %scan3A_1111#6, %get3A_1175 : vector<16xf32>
      %get3A_1177 = arith.constant 0 : i32
      %get3A_1178 = arith.constant 0 : i32
      %get3A_1179 = tpu.memref_slice %arg6[%scan3A_1106, %get3A_1177, %get3A_1178] : memref<4x104x128xf32, #tpu.memory_space<vmem>> -> memref<1x104x128xf32, #tpu.memory_space<vmem>>
      %get3A_1180 = tpu.memref_squeeze %get3A_1179 : memref<1x104x128xf32, #tpu.memory_space<vmem>> -> memref<104x128xf32, #tpu.memory_space<vmem>>
      %get3A_1181 = arith.index_cast %scan3A_1113 : i32 to index
      %get3A_1182 = arith.constant 112 : index
      %get3A_1183 = tpu.vector_load %get3A_1180[%get3A_1181, %get3A_1182] {strides = array<i32>} : memref<104x128xf32, #tpu.memory_space<vmem>>, vector<1x16xf32>,
      %get3A_1184 = vector.shape_cast %get3A_1183 : vector<1x16xf32> to vector<16xf32>
      %add3A_1185 = arith.addf %scan3A_1111#7, %get3A_1184 : vector<16xf32>
      %scan3A_1186 = arith.constant 101 : i32
      %scan3A_1187 = arith.addi %scan3A_1107, %scan3A_1186 : i32
      %get3A_1188 = arith.constant 0 : i32
      %get3A_1189 = arith.constant 0 : i32
      %get3A_1190 = tpu.memref_slice %arg6[%scan3A_1106, %get3A_1188, %get3A_1189] : memref<4x104x128xf32, #tpu.memory_space<vmem>> -> memref<1x104x128xf32, #tpu.memory_space<vmem>>
      %get3A_1191 = tpu.memref_squeeze %get3A_1190 : memref<1x104x128xf32, #tpu.memory_space<vmem>> -> memref<104x128xf32, #tpu.memory_space<vmem>>
      %get3A_1192 = arith.index_cast %scan3A_1187 : i32 to index
      %get3A_1193 = arith.constant 0 : index
      %get3A_1194 = tpu.vector_load %get3A_1191[%get3A_1192, %get3A_1193] {strides = array<i32>} : memref<104x128xf32, #tpu.memory_space<vmem>>, vector<1x16xf32>,
      %get3A_1195 = vector.shape_cast %get3A_1194 : vector<1x16xf32> to vector<16xf32>
      %add3A_1196 = arith.addf %add3A_1122, %get3A_1195 : vector<16xf32>
      %get3A_1197 = arith.constant 0 : i32
      %get3A_1198 = arith.constant 0 : i32
      %get3A_1199 = tpu.memref_slice %arg6[%scan3A_1106, %get3A_1197, %get3A_1198] : memref<4x104x128xf32, #tpu.memory_space<vmem>> -> memref<1x104x128xf32, #tpu.memory_space<vmem>>
      %get3A_1200 = tpu.memref_squeeze %get3A_1199 : memref<1x104x128xf32, #tpu.memory_space<vmem>> -> memref<104x128xf32, #tpu.memory_space<vmem>>
      %get3A_1201 = arith.index_cast %scan3A_1187 : i32 to index
      %get3A_1202 = arith.constant 16 : index
      %get3A_1203 = tpu.vector_load %get3A_1200[%get3A_1201, %get3A_1202] {strides = array<i32>} : memref<104x128xf32, #tpu.memory_space<vmem>>, vector<1x16xf32>,
      %get3A_1204 = vector.shape_cast %get3A_1203 : vector<1x16xf32> to vector<16xf32>
      %add3A_1205 = arith.addf %add3A_1131, %get3A_1204 : vector<16xf32>
      %get3A_1206 = arith.constant 0 : i32
      %get3A_1207 = arith.constant 0 : i32
      %get3A_1208 = tpu.memref_slice %arg6[%scan3A_1106, %get3A_1206, %get3A_1207] : memref<4x104x128xf32, #tpu.memory_space<vmem>> -> memref<1x104x128xf32, #tpu.memory_space<vmem>>
      %get3A_1209 = tpu.memref_squeeze %get3A_1208 : memref<1x104x128xf32, #tpu.memory_space<vmem>> -> memref<104x128xf32, #tpu.memory_space<vmem>>
      %get3A_1210 = arith.index_cast %scan3A_1187 : i32 to index
      %get3A_1211 = arith.constant 32 : index
      %get3A_1212 = tpu.vector_load %get3A_1209[%get3A_1210, %get3A_1211] {strides = array<i32>} : memref<104x128xf32, #tpu.memory_space<vmem>>, vector<1x16xf32>,
      %get3A_1213 = vector.shape_cast %get3A_1212 : vector<1x16xf32> to vector<16xf32>
      %add3A_1214 = arith.addf %add3A_1140, %get3A_1213 : vector<16xf32>
      %get3A_1215 = arith.constant 0 : i32
      %get3A_1216 = arith.constant 0 : i32
      %get3A_1217 = tpu.memref_slice %arg6[%scan3A_1106, %get3A_1215, %get3A_1216] : memref<4x104x128xf32, #tpu.memory_space<vmem>> -> memref<1x104x128xf32, #tpu.memory_space<vmem>>
      %get3A_1218 = tpu.memref_squeeze %get3A_1217 : memref<1x104x128xf32, #tpu.memory_space<vmem>> -> memref<104x128xf32, #tpu.memory_space<vmem>>
      %get3A_1219 = arith.index_cast %scan3A_1187 : i32 to index
      %get3A_1220 = arith.constant 48 : index
      %get3A_1221 = tpu.vector_load %get3A_1218[%get3A_1219, %get3A_1220] {strides = array<i32>} : memref<104x128xf32, #tpu.memory_space<vmem>>, vector<1x16xf32>,
      %get3A_1222 = vector.shape_cast %get3A_1221 : vector<1x16xf32> to vector<16xf32>
      %add3A_1223 = arith.addf %add3A_1149, %get3A_1222 : vector<16xf32>
      %get3A_1224 = arith.constant 0 : i32
      %get3A_1225 = arith.constant 0 : i32
      %get3A_1226 = tpu.memref_slice %arg6[%scan3A_1106, %get3A_1224, %get3A_1225] : memref<4x104x128xf32, #tpu.memory_space<vmem>> -> memref<1x104x128xf32, #tpu.memory_space<vmem>>
      %get3A_1227 = tpu.memref_squeeze %get3A_1226 : memref<1x104x128xf32, #tpu.memory_space<vmem>> -> memref<104x128xf32, #tpu.memory_space<vmem>>
      %get3A_1228 = arith.index_cast %scan3A_1187 : i32 to index
      %get3A_1229 = arith.constant 64 : index
      %get3A_1230 = tpu.vector_load %get3A_1227[%get3A_1228, %get3A_1229] {strides = array<i32>} : memref<104x128xf32, #tpu.memory_space<vmem>>, vector<1x16xf32>,
      %get3A_1231 = vector.shape_cast %get3A_1230 : vector<1x16xf32> to vector<16xf32>
      %add3A_1232 = arith.addf %add3A_1158, %get3A_1231 : vector<16xf32>
      %get3A_1233 = arith.constant 0 : i32
      %get3A_1234 = arith.constant 0 : i32
      %get3A_1235 = tpu.memref_slice %arg6[%scan3A_1106, %get3A_1233, %get3A_1234] : memref<4x104x128xf32, #tpu.memory_space<vmem>> -> memref<1x104x128xf32, #tpu.memory_space<vmem>>
      %get3A_1236 = tpu.memref_squeeze %get3A_1235 : memref<1x104x128xf32, #tpu.memory_space<vmem>> -> memref<104x128xf32, #tpu.memory_space<vmem>>
      %get3A_1237 = arith.index_cast %scan3A_1187 : i32 to index
      %get3A_1238 = arith.constant 80 : index
      %get3A_1239 = tpu.vector_load %get3A_1236[%get3A_1237, %get3A_1238] {strides = array<i32>} : memref<104x128xf32, #tpu.memory_space<vmem>>, vector<1x16xf32>,
      %get3A_1240 = vector.shape_cast %get3A_1239 : vector<1x16xf32> to vector<16xf32>
      %add3A_1241 = arith.addf %add3A_1167, %get3A_1240 : vector<16xf32>
      %get3A_1242 = arith.constant 0 : i32
      %get3A_1243 = arith.constant 0 : i32
      %get3A_1244 = tpu.memref_slice %arg6[%scan3A_1106, %get3A_1242, %get3A_1243] : memref<4x104x128xf32, #tpu.memory_space<vmem>> -> memref<1x104x128xf32, #tpu.memory_space<vmem>>
      %get3A_1245 = tpu.memref_squeeze %get3A_1244 : memref<1x104x128xf32, #tpu.memory_space<vmem>> -> memref<104x128xf32, #tpu.memory_space<vmem>>
      %get3A_1246 = arith.index_cast %scan3A_1187 : i32 to index
      %get3A_1247 = arith.constant 96 : index
      %get3A_1248 = tpu.vector_load %get3A_1245[%get3A_1246, %get3A_1247] {strides = array<i32>} : memref<104x128xf32, #tpu.memory_space<vmem>>, vector<1x16xf32>,
      %get3A_1249 = vector.shape_cast %get3A_1248 : vector<1x16xf32> to vector<16xf32>
      %add3A_1250 = arith.addf %add3A_1176, %get3A_1249 : vector<16xf32>
      %get3A_1251 = arith.constant 0 : i32
      %get3A_1252 = arith.constant 0 : i32
      %get3A_1253 = tpu.memref_slice %arg6[%scan3A_1106, %get3A_1251, %get3A_1252] : memref<4x104x128xf32, #tpu.memory_space<vmem>> -> memref<1x104x128xf32, #tpu.memory_space<vmem>>
      %get3A_1254 = tpu.memref_squeeze %get3A_1253 : memref<1x104x128xf32, #tpu.memory_space<vmem>> -> memref<104x128xf32, #tpu.memory_space<vmem>>
      %get3A_1255 = arith.index_cast %scan3A_1187 : i32 to index
      %get3A_1256 = arith.constant 112 : index
      %get3A_1257 = tpu.vector_load %get3A_1254[%get3A_1255, %get3A_1256] {strides = array<i32>} : memref<104x128xf32, #tpu.memory_space<vmem>>, vector<1x16xf32>,
      %get3A_1258 = vector.shape_cast %get3A_1257 : vector<1x16xf32> to vector<16xf32>
      %add3A_1259 = arith.addf %add3A_1185, %get3A_1258 : vector<16xf32>
      %scan3A_1260 = arith.constant 102 : i32
      %scan3A_1261 = arith.addi %scan3A_1107, %scan3A_1260 : i32
      %get3A_1262 = arith.constant 0 : i32
      %get3A_1263 = arith.constant 0 : i32
      %get3A_1264 = tpu.memref_slice %arg6[%scan3A_1106, %get3A_1262, %get3A_1263] : memref<4x104x128xf32, #tpu.memory_space<vmem>> -> memref<1x104x128xf32, #tpu.memory_space<vmem>>
      %get3A_1265 = tpu.memref_squeeze %get3A_1264 : memref<1x104x128xf32, #tpu.memory_space<vmem>> -> memref<104x128xf32, #tpu.memory_space<vmem>>
      %get3A_1266 = arith.index_cast %scan3A_1261 : i32 to index
      %get3A_1267 = arith.constant 0 : index
      %get3A_1268 = tpu.vector_load %get3A_1265[%get3A_1266, %get3A_1267] {strides = array<i32>} : memref<104x128xf32, #tpu.memory_space<vmem>>, vector<1x16xf32>,
      %get3A_1269 = vector.shape_cast %get3A_1268 : vector<1x16xf32> to vector<16xf32>
      %add3A_1270 = arith.addf %add3A_1196, %get3A_1269 : vector<16xf32>
      %get3A_1271 = arith.constant 0 : i32
      %get3A_1272 = arith.constant 0 : i32
      %get3A_1273 = tpu.memref_slice %arg6[%scan3A_1106, %get3A_1271, %get3A_1272] : memref<4x104x128xf32, #tpu.memory_space<vmem>> -> memref<1x104x128xf32, #tpu.memory_space<vmem>>
      %get3A_1274 = tpu.memref_squeeze %get3A_1273 : memref<1x104x128xf32, #tpu.memory_space<vmem>> -> memref<104x128xf32, #tpu.memory_space<vmem>>
      %get3A_1275 = arith.index_cast %scan3A_1261 : i32 to index
      %get3A_1276 = arith.constant 16 : index
      %get3A_1277 = tpu.vector_load %get3A_1274[%get3A_1275, %get3A_1276] {strides = array<i32>} : memref<104x128xf32, #tpu.memory_space<vmem>>, vector<1x16xf32>,
      %get3A_1278 = vector.shape_cast %get3A_1277 : vector<1x16xf32> to vector<16xf32>
      %add3A_1279 = arith.addf %add3A_1205, %get3A_1278 : vector<16xf32>
      %get3A_1280 = arith.constant 0 : i32
      %get3A_1281 = arith.constant 0 : i32
      %get3A_1282 = tpu.memref_slice %arg6[%scan3A_1106, %get3A_1280, %get3A_1281] : memref<4x104x128xf32, #tpu.memory_space<vmem>> -> memref<1x104x128xf32, #tpu.memory_space<vmem>>
      %get3A_1283 = tpu.memref_squeeze %get3A_1282 : memref<1x104x128xf32, #tpu.memory_space<vmem>> -> memref<104x128xf32, #tpu.memory_space<vmem>>
      %get3A_1284 = arith.index_cast %scan3A_1261 : i32 to index
      %get3A_1285 = arith.constant 32 : index
      %get3A_1286 = tpu.vector_load %get3A_1283[%get3A_1284, %get3A_1285] {strides = array<i32>} : memref<104x128xf32, #tpu.memory_space<vmem>>, vector<1x16xf32>,
      %get3A_1287 = vector.shape_cast %get3A_1286 : vector<1x16xf32> to vector<16xf32>
      %add3A_1288 = arith.addf %add3A_1214, %get3A_1287 : vector<16xf32>
      %get3A_1289 = arith.constant 0 : i32
      %get3A_1290 = arith.constant 0 : i32
      %get3A_1291 = tpu.memref_slice %arg6[%scan3A_1106, %get3A_1289, %get3A_1290] : memref<4x104x128xf32, #tpu.memory_space<vmem>> -> memref<1x104x128xf32, #tpu.memory_space<vmem>>
      %get3A_1292 = tpu.memref_squeeze %get3A_1291 : memref<1x104x128xf32, #tpu.memory_space<vmem>> -> memref<104x128xf32, #tpu.memory_space<vmem>>
      %get3A_1293 = arith.index_cast %scan3A_1261 : i32 to index
      %get3A_1294 = arith.constant 48 : index
      %get3A_1295 = tpu.vector_load %get3A_1292[%get3A_1293, %get3A_1294] {strides = array<i32>} : memref<104x128xf32, #tpu.memory_space<vmem>>, vector<1x16xf32>,
      %get3A_1296 = vector.shape_cast %get3A_1295 : vector<1x16xf32> to vector<16xf32>
      %add3A_1297 = arith.addf %add3A_1223, %get3A_1296 : vector<16xf32>
      %get3A_1298 = arith.constant 0 : i32
      %get3A_1299 = arith.constant 0 : i32
      %get3A_1300 = tpu.memref_slice %arg6[%scan3A_1106, %get3A_1298, %get3A_1299] : memref<4x104x128xf32, #tpu.memory_space<vmem>> -> memref<1x104x128xf32, #tpu.memory_space<vmem>>
      %get3A_1301 = tpu.memref_squeeze %get3A_1300 : memref<1x104x128xf32, #tpu.memory_space<vmem>> -> memref<104x128xf32, #tpu.memory_space<vmem>>
      %get3A_1302 = arith.index_cast %scan3A_1261 : i32 to index
      %get3A_1303 = arith.constant 64 : index
      %get3A_1304 = tpu.vector_load %get3A_1301[%get3A_1302, %get3A_1303] {strides = array<i32>} : memref<104x128xf32, #tpu.memory_space<vmem>>, vector<1x16xf32>,
      %get3A_1305 = vector.shape_cast %get3A_1304 : vector<1x16xf32> to vector<16xf32>
      %add3A_1306 = arith.addf %add3A_1232, %get3A_1305 : vector<16xf32>
      %get3A_1307 = arith.constant 0 : i32
      %get3A_1308 = arith.constant 0 : i32
      %get3A_1309 = tpu.memref_slice %arg6[%scan3A_1106, %get3A_1307, %get3A_1308] : memref<4x104x128xf32, #tpu.memory_space<vmem>> -> memref<1x104x128xf32, #tpu.memory_space<vmem>>
      %get3A_1310 = tpu.memref_squeeze %get3A_1309 : memref<1x104x128xf32, #tpu.memory_space<vmem>> -> memref<104x128xf32, #tpu.memory_space<vmem>>
      %get3A_1311 = arith.index_cast %scan3A_1261 : i32 to index
      %get3A_1312 = arith.constant 80 : index
      %get3A_1313 = tpu.vector_load %get3A_1310[%get3A_1311, %get3A_1312] {strides = array<i32>} : memref<104x128xf32, #tpu.memory_space<vmem>>, vector<1x16xf32>,
      %get3A_1314 = vector.shape_cast %get3A_1313 : vector<1x16xf32> to vector<16xf32>
      %add3A_1315 = arith.addf %add3A_1241, %get3A_1314 : vector<16xf32>
      %get3A_1316 = arith.constant 0 : i32
      %get3A_1317 = arith.constant 0 : i32
      %get3A_1318 = tpu.memref_slice %arg6[%scan3A_1106, %get3A_1316, %get3A_1317] : memref<4x104x128xf32, #tpu.memory_space<vmem>> -> memref<1x104x128xf32, #tpu.memory_space<vmem>>
      %get3A_1319 = tpu.memref_squeeze %get3A_1318 : memref<1x104x128xf32, #tpu.memory_space<vmem>> -> memref<104x128xf32, #tpu.memory_space<vmem>>
      %get3A_1320 = arith.index_cast %scan3A_1261 : i32 to index
      %get3A_1321 = arith.constant 96 : index
      %get3A_1322 = tpu.vector_load %get3A_1319[%get3A_1320, %get3A_1321] {strides = array<i32>} : memref<104x128xf32, #tpu.memory_space<vmem>>, vector<1x16xf32>,
      %get3A_1323 = vector.shape_cast %get3A_1322 : vector<1x16xf32> to vector<16xf32>
      %add3A_1324 = arith.addf %add3A_1250, %get3A_1323 : vector<16xf32>
      %get3A_1325 = arith.constant 0 : i32
      %get3A_1326 = arith.constant 0 : i32
      %get3A_1327 = tpu.memref_slice %arg6[%scan3A_1106, %get3A_1325, %get3A_1326] : memref<4x104x128xf32, #tpu.memory_space<vmem>> -> memref<1x104x128xf32, #tpu.memory_space<vmem>>
      %get3A_1328 = tpu.memref_squeeze %get3A_1327 : memref<1x104x128xf32, #tpu.memory_space<vmem>> -> memref<104x128xf32, #tpu.memory_space<vmem>>
      %get3A_1329 = arith.index_cast %scan3A_1261 : i32 to index
      %get3A_1330 = arith.constant 112 : index
      %get3A_1331 = tpu.vector_load %get3A_1328[%get3A_1329, %get3A_1330] {strides = array<i32>} : memref<104x128xf32, #tpu.memory_space<vmem>>, vector<1x16xf32>,
      %get3A_1332 = vector.shape_cast %get3A_1331 : vector<1x16xf32> to vector<16xf32>
      %add3A_1333 = arith.addf %add3A_1259, %get3A_1332 : vector<16xf32>
      %scan3A_1334 = arith.constant 103 : i32
      %mul3A_1335 = arith.constant 5.000000e-03 : f32
      %mul3A_1336 = vector.broadcast %mul3A_1335 : f32 to vector<16xf32>
      %mul3A_1337 = arith.mulf %add3A_1270, %mul3A_1336 : vector<16xf32>
      %swap3A_1338 = arith.index_cast %add3A_994 : i32 to index
      %swap3A_1339 = arith.constant 0 : index
      %swap3A_1340 = tpu.vector_load %arg7[%swap3A_1338, %swap3A_1339] {strides = array<i32>} : memref<128x128xf32, #tpu.memory_space<vmem>>, vector<1x16xf32>,
      %swap3A_1341 = vector.shape_cast %swap3A_1340 : vector<1x16xf32> to vector<16xf32>
      %swap3A_1342 = vector.shape_cast %mul3A_1337 : vector<16xf32> to vector<1x16xf32>
      tpu.vector_store %arg7[%swap3A_1338, %swap3A_1339], %swap3A_1342 {strides = array<i32>} : memref<128x128xf32, #tpu.memory_space<vmem>>, vector<1x16xf32>,
      %mul3A_1343 = arith.constant 5.000000e-03 : f32
      %mul3A_1344 = vector.broadcast %mul3A_1343 : f32 to vector<16xf32>
      %mul3A_1345 = arith.mulf %add3A_1279, %mul3A_1344 : vector<16xf32>
      %swap3A_1346 = arith.index_cast %add3A_994 : i32 to index
      %swap3A_1347 = arith.constant 16 : index
      %swap3A_1348 = tpu.vector_load %arg7[%swap3A_1346, %swap3A_1347] {strides = array<i32>} : memref<128x128xf32, #tpu.memory_space<vmem>>, vector<1x16xf32>,
      %swap3A_1349 = vector.shape_cast %swap3A_1348 : vector<1x16xf32> to vector<16xf32>
      %swap3A_1350 = vector.shape_cast %mul3A_1345 : vector<16xf32> to vector<1x16xf32>
      tpu.vector_store %arg7[%swap3A_1346, %swap3A_1347], %swap3A_1350 {strides = array<i32>} : memref<128x128xf32, #tpu.memory_space<vmem>>, vector<1x16xf32>,
      %mul3A_1351 = arith.constant 5.000000e-03 : f32
      %mul3A_1352 = vector.broadcast %mul3A_1351 : f32 to vector<16xf32>
      %mul3A_1353 = arith.mulf %add3A_1288, %mul3A_1352 : vector<16xf32>
      %swap3A_1354 = arith.index_cast %add3A_994 : i32 to index
      %swap3A_1355 = arith.constant 32 : index
      %swap3A_1356 = tpu.vector_load %arg7[%swap3A_1354, %swap3A_1355] {strides = array<i32>} : memref<128x128xf32, #tpu.memory_space<vmem>>, vector<1x16xf32>,
      %swap3A_1357 = vector.shape_cast %swap3A_1356 : vector<1x16xf32> to vector<16xf32>
      %swap3A_1358 = vector.shape_cast %mul3A_1353 : vector<16xf32> to vector<1x16xf32>
      tpu.vector_store %arg7[%swap3A_1354, %swap3A_1355], %swap3A_1358 {strides = array<i32>} : memref<128x128xf32, #tpu.memory_space<vmem>>, vector<1x16xf32>,
      %mul3A_1359 = arith.constant 5.000000e-03 : f32
      %mul3A_1360 = vector.broadcast %mul3A_1359 : f32 to vector<16xf32>
      %mul3A_1361 = arith.mulf %add3A_1297, %mul3A_1360 : vector<16xf32>
      %swap3A_1362 = arith.index_cast %add3A_994 : i32 to index
      %swap3A_1363 = arith.constant 48 : index
      %swap3A_1364 = tpu.vector_load %arg7[%swap3A_1362, %swap3A_1363] {strides = array<i32>} : memref<128x128xf32, #tpu.memory_space<vmem>>, vector<1x16xf32>,
      %swap3A_1365 = vector.shape_cast %swap3A_1364 : vector<1x16xf32> to vector<16xf32>
      %swap3A_1366 = vector.shape_cast %mul3A_1361 : vector<16xf32> to vector<1x16xf32>
      tpu.vector_store %arg7[%swap3A_1362, %swap3A_1363], %swap3A_1366 {strides = array<i32>} : memref<128x128xf32, #tpu.memory_space<vmem>>, vector<1x16xf32>,
      %mul3A_1367 = arith.constant 5.000000e-03 : f32
      %mul3A_1368 = vector.broadcast %mul3A_1367 : f32 to vector<16xf32>
      %mul3A_1369 = arith.mulf %add3A_1306, %mul3A_1368 : vector<16xf32>
      %swap3A_1370 = arith.index_cast %add3A_994 : i32 to index
      %swap3A_1371 = arith.constant 64 : index
      %swap3A_1372 = tpu.vector_load %arg7[%swap3A_1370, %swap3A_1371] {strides = array<i32>} : memref<128x128xf32, #tpu.memory_space<vmem>>, vector<1x16xf32>,
      %swap3A_1373 = vector.shape_cast %swap3A_1372 : vector<1x16xf32> to vector<16xf32>
      %swap3A_1374 = vector.shape_cast %mul3A_1369 : vector<16xf32> to vector<1x16xf32>
      tpu.vector_store %arg7[%swap3A_1370, %swap3A_1371], %swap3A_1374 {strides = array<i32>} : memref<128x128xf32, #tpu.memory_space<vmem>>, vector<1x16xf32>,
      %mul3A_1375 = arith.constant 5.000000e-03 : f32
      %mul3A_1376 = vector.broadcast %mul3A_1375 : f32 to vector<16xf32>
      %mul3A_1377 = arith.mulf %add3A_1315, %mul3A_1376 : vector<16xf32>
      %swap3A_1378 = arith.index_cast %add3A_994 : i32 to index
      %swap3A_1379 = arith.constant 80 : index
      %swap3A_1380 = tpu.vector_load %arg7[%swap3A_1378, %swap3A_1379] {strides = array<i32>} : memref<128x128xf32, #tpu.memory_space<vmem>>, vector<1x16xf32>,
      %swap3A_1381 = vector.shape_cast %swap3A_1380 : vector<1x16xf32> to vector<16xf32>
      %swap3A_1382 = vector.shape_cast %mul3A_1377 : vector<16xf32> to vector<1x16xf32>
      tpu.vector_store %arg7[%swap3A_1378, %swap3A_1379], %swap3A_1382 {strides = array<i32>} : memref<128x128xf32, #tpu.memory_space<vmem>>, vector<1x16xf32>,
      %mul3A_1383 = arith.constant 5.000000e-03 : f32
      %mul3A_1384 = vector.broadcast %mul3A_1383 : f32 to vector<16xf32>
      %mul3A_1385 = arith.mulf %add3A_1324, %mul3A_1384 : vector<16xf32>
      %swap3A_1386 = arith.index_cast %add3A_994 : i32 to index
      %swap3A_1387 = arith.constant 96 : index
      %swap3A_1388 = tpu.vector_load %arg7[%swap3A_1386, %swap3A_1387] {strides = array<i32>} : memref<128x128xf32, #tpu.memory_space<vmem>>, vector<1x16xf32>,
      %swap3A_1389 = vector.shape_cast %swap3A_1388 : vector<1x16xf32> to vector<16xf32>
      %swap3A_1390 = vector.shape_cast %mul3A_1385 : vector<16xf32> to vector<1x16xf32>
      tpu.vector_store %arg7[%swap3A_1386, %swap3A_1387], %swap3A_1390 {strides = array<i32>} : memref<128x128xf32, #tpu.memory_space<vmem>>, vector<1x16xf32>,
      %mul3A_1391 = arith.constant 5.000000e-03 : f32
      %mul3A_1392 = vector.broadcast %mul3A_1391 : f32 to vector<16xf32>
      %mul3A_1393 = arith.mulf %add3A_1333, %mul3A_1392 : vector<16xf32>
      %swap3A_1394 = arith.index_cast %add3A_994 : i32 to index
      %swap3A_1395 = arith.constant 112 : index
      %swap3A_1396 = tpu.vector_load %arg7[%swap3A_1394, %swap3A_1395] {strides = array<i32>} : memref<128x128xf32, #tpu.memory_space<vmem>>, vector<1x16xf32>,
      %swap3A_1397 = vector.shape_cast %swap3A_1396 : vector<1x16xf32> to vector<16xf32>
      %swap3A_1398 = vector.shape_cast %mul3A_1393 : vector<16xf32> to vector<1x16xf32>
      tpu.vector_store %arg7[%swap3A_1394, %swap3A_1395], %swap3A_1398 {strides = array<i32>} : memref<128x128xf32, #tpu.memory_space<vmem>>, vector<1x16xf32>,
      %broadcast_in_dim3A_1399 = arith.constant 0.000000e+00 : f32
      %broadcast_in_dim3A_1400 = vector.broadcast %broadcast_in_dim3A_1399 : f32 to vector<16xf32>
      %scan3A_1401 = arith.constant 0 : i32
      %scan3A_1402 = arith.constant 104 : i32
      %scan3A_1403 = arith.addi %scan3A_1401, %scan3A_1402 : i32
      %scan3A_1404 = arith.constant 1 : i32
      scf.for %scan3A_1833 = %scan3A_1401 to %scan3A_1403 step %scan3A_1404  : i32 {
        %mul3A_1834 = arith.constant 1 : i32
        %mul3A_1835 = arith.muli %scan3A_1833, %mul3A_1834 : i32
        %add3A_1836 = arith.constant 0 : i32
        %add3A_1837 = arith.addi %add3A_1836, %mul3A_1835 : i32
        %swap3A_1838 = arith.constant 2 : i32
        %swap3A_1839 = arith.index_cast %swap3A_1838 : i32 to index
        %swap3A_1840 = arith.index_cast %add3A_1837 : i32 to index
        %swap3A_1841 = arith.constant 0 : index
        %swap3A_1842 = tpu.vector_load %arg6[%swap3A_1839, %swap3A_1840, %swap3A_1841] {strides = array<i32>} : memref<4x104x128xf32, #tpu.memory_space<vmem>>, vector<1x1x16xf32>,
        %swap3A_1843 = vector.shape_cast %swap3A_1842 : vector<1x1x16xf32> to vector<16xf32>
        %swap3A_1844 = vector.shape_cast %broadcast_in_dim3A_1400 : vector<16xf32> to vector<1x1x16xf32>
        tpu.vector_store %arg6[%swap3A_1839, %swap3A_1840, %swap3A_1841], %swap3A_1844 {strides = array<i32>} : memref<4x104x128xf32, #tpu.memory_space<vmem>>, vector<1x1x16xf32>,
        %swap3A_1845 = arith.constant 2 : i32
        %swap3A_1846 = arith.index_cast %swap3A_1845 : i32 to index
        %swap3A_1847 = arith.index_cast %add3A_1837 : i32 to index
        %swap3A_1848 = arith.constant 16 : index
        %swap3A_1849 = tpu.vector_load %arg6[%swap3A_1846, %swap3A_1847, %swap3A_1848] {strides = array<i32>} : memref<4x104x128xf32, #tpu.memory_space<vmem>>, vector<1x1x16xf32>,
        %swap3A_1850 = vector.shape_cast %swap3A_1849 : vector<1x1x16xf32> to vector<16xf32>
        %swap3A_1851 = vector.shape_cast %broadcast_in_dim3A_1400 : vector<16xf32> to vector<1x1x16xf32>
        tpu.vector_store %arg6[%swap3A_1846, %swap3A_1847, %swap3A_1848], %swap3A_1851 {strides = array<i32>} : memref<4x104x128xf32, #tpu.memory_space<vmem>>, vector<1x1x16xf32>,
        %swap3A_1852 = arith.constant 2 : i32
        %swap3A_1853 = arith.index_cast %swap3A_1852 : i32 to index
        %swap3A_1854 = arith.index_cast %add3A_1837 : i32 to index
        %swap3A_1855 = arith.constant 32 : index
        %swap3A_1856 = tpu.vector_load %arg6[%swap3A_1853, %swap3A_1854, %swap3A_1855] {strides = array<i32>} : memref<4x104x128xf32, #tpu.memory_space<vmem>>, vector<1x1x16xf32>,
        %swap3A_1857 = vector.shape_cast %swap3A_1856 : vector<1x1x16xf32> to vector<16xf32>
        %swap3A_1858 = vector.shape_cast %broadcast_in_dim3A_1400 : vector<16xf32> to vector<1x1x16xf32>
        tpu.vector_store %arg6[%swap3A_1853, %swap3A_1854, %swap3A_1855], %swap3A_1858 {strides = array<i32>} : memref<4x104x128xf32, #tpu.memory_space<vmem>>, vector<1x1x16xf32>,
        %swap3A_1859 = arith.constant 2 : i32
        %swap3A_1860 = arith.index_cast %swap3A_1859 : i32 to index
        %swap3A_1861 = arith.index_cast %add3A_1837 : i32 to index
        %swap3A_1862 = arith.constant 48 : index
        %swap3A_1863 = tpu.vector_load %arg6[%swap3A_1860, %swap3A_1861, %swap3A_1862] {strides = array<i32>} : memref<4x104x128xf32, #tpu.memory_space<vmem>>, vector<1x1x16xf32>,
        %swap3A_1864 = vector.shape_cast %swap3A_1863 : vector<1x1x16xf32> to vector<16xf32>
        %swap3A_1865 = vector.shape_cast %broadcast_in_dim3A_1400 : vector<16xf32> to vector<1x1x16xf32>
        tpu.vector_store %arg6[%swap3A_1860, %swap3A_1861, %swap3A_1862], %swap3A_1865 {strides = array<i32>} : memref<4x104x128xf32, #tpu.memory_space<vmem>>, vector<1x1x16xf32>,
        %swap3A_1866 = arith.constant 2 : i32
        %swap3A_1867 = arith.index_cast %swap3A_1866 : i32 to index
        %swap3A_1868 = arith.index_cast %add3A_1837 : i32 to index
        %swap3A_1869 = arith.constant 64 : index
        %swap3A_1870 = tpu.vector_load %arg6[%swap3A_1867, %swap3A_1868, %swap3A_1869] {strides = array<i32>} : memref<4x104x128xf32, #tpu.memory_space<vmem>>, vector<1x1x16xf32>,
        %swap3A_1871 = vector.shape_cast %swap3A_1870 : vector<1x1x16xf32> to vector<16xf32>
        %swap3A_1872 = vector.shape_cast %broadcast_in_dim3A_1400 : vector<16xf32> to vector<1x1x16xf32>
        tpu.vector_store %arg6[%swap3A_1867, %swap3A_1868, %swap3A_1869], %swap3A_1872 {strides = array<i32>} : memref<4x104x128xf32, #tpu.memory_space<vmem>>, vector<1x1x16xf32>,
        %swap3A_1873 = arith.constant 2 : i32
        %swap3A_1874 = arith.index_cast %swap3A_1873 : i32 to index
        %swap3A_1875 = arith.index_cast %add3A_1837 : i32 to index
        %swap3A_1876 = arith.constant 80 : index
        %swap3A_1877 = tpu.vector_load %arg6[%swap3A_1874, %swap3A_1875, %swap3A_1876] {strides = array<i32>} : memref<4x104x128xf32, #tpu.memory_space<vmem>>, vector<1x1x16xf32>,
        %swap3A_1878 = vector.shape_cast %swap3A_1877 : vector<1x1x16xf32> to vector<16xf32>
        %swap3A_1879 = vector.shape_cast %broadcast_in_dim3A_1400 : vector<16xf32> to vector<1x1x16xf32>
        tpu.vector_store %arg6[%swap3A_1874, %swap3A_1875, %swap3A_1876], %swap3A_1879 {strides = array<i32>} : memref<4x104x128xf32, #tpu.memory_space<vmem>>, vector<1x1x16xf32>,
        %swap3A_1880 = arith.constant 2 : i32
        %swap3A_1881 = arith.index_cast %swap3A_1880 : i32 to index
        %swap3A_1882 = arith.index_cast %add3A_1837 : i32 to index
        %swap3A_1883 = arith.constant 96 : index
        %swap3A_1884 = tpu.vector_load %arg6[%swap3A_1881, %swap3A_1882, %swap3A_1883] {strides = array<i32>} : memref<4x104x128xf32, #tpu.memory_space<vmem>>, vector<1x1x16xf32>,
        %swap3A_1885 = vector.shape_cast %swap3A_1884 : vector<1x1x16xf32> to vector<16xf32>
        %swap3A_1886 = vector.shape_cast %broadcast_in_dim3A_1400 : vector<16xf32> to vector<1x1x16xf32>
        tpu.vector_store %arg6[%swap3A_1881, %swap3A_1882, %swap3A_1883], %swap3A_1886 {strides = array<i32>} : memref<4x104x128xf32, #tpu.memory_space<vmem>>, vector<1x1x16xf32>,
        %swap3A_1887 = arith.constant 2 : i32
        %swap3A_1888 = arith.index_cast %swap3A_1887 : i32 to index
        %swap3A_1889 = arith.index_cast %add3A_1837 : i32 to index
        %swap3A_1890 = arith.constant 112 : index
        %swap3A_1891 = tpu.vector_load %arg6[%swap3A_1888, %swap3A_1889, %swap3A_1890] {strides = array<i32>} : memref<4x104x128xf32, #tpu.memory_space<vmem>>, vector<1x1x16xf32>,
        %swap3A_1892 = vector.shape_cast %swap3A_1891 : vector<1x1x16xf32> to vector<16xf32>
        %swap3A_1893 = vector.shape_cast %broadcast_in_dim3A_1400 : vector<16xf32> to vector<1x1x16xf32>
        tpu.vector_store %arg6[%swap3A_1888, %swap3A_1889, %swap3A_1890], %swap3A_1893 {strides = array<i32>} : memref<4x104x128xf32, #tpu.memory_space<vmem>>, vector<1x1x16xf32>,
      }
      %scan3A_1405 = arith.constant 104 : i32
      %add3A_1406 = arith.constant 4 : i32
      %add3A_1407 = arith.addi %add3A_994, %add3A_1406 : i32
      %lt3A_1408 = arith.constant 128 : i32
      %lt3A_1409 = arith.cmpi slt, %add3A_1407, %lt3A_1408 : i32
      %convert_element_type3A_1410 = arith.extui %lt3A_1409 : i1 to i32
      %cond3A_1411 = arith.constant 0 : i32
      %cond3A_1412 = arith.cmpi ne, %convert_element_type3A_1410, %cond3A_1411 : i32
      scf.if %cond3A_1412 {
        %add3A_1833 = arith.constant 4 : i32
        %add3A_1834 = arith.addi %add3A_994, %add3A_1833 : i32
        %mul3A_1835 = arith.constant 200 : i32
        %mul3A_1836 = arith.muli %add3A_1834, %mul3A_1835 : i32
        %multiple_of3A_1837 = tpu.assume_multiple %mul3A_1836, 8 : i32
        %add3A_1838 = arith.constant 0 : i32
        %add3A_1839 = arith.addi %multiple_of3A_1837, %add3A_1838 : i32
        %dma_start3A_1840 = arith.constant 2 : i32
        %dma_start3A_1841 = arith.constant 0 : i32
        %dma_start3A_1842 = arith.constant 0 : i32
        %dma_start3A_1843 = tpu.memref_slice %arg6[%dma_start3A_1840, %dma_start3A_1841, %dma_start3A_1842] : memref<4x104x128xf32, #tpu.memory_space<vmem>> -> memref<1x104x128xf32, #tpu.memory_space<vmem>>
        %dma_start3A_1844 = tpu.memref_squeeze %dma_start3A_1843 : memref<1x104x128xf32, #tpu.memory_space<vmem>> -> memref<104x128xf32, #tpu.memory_space<vmem>>
        %dma_start3A_1845 = arith.constant 0 : i32
        %dma_start3A_1846 = arith.constant 0 : i32
        %dma_start3A_1847 = tpu.memref_slice %dma_start3A_1844[%dma_start3A_1845, %dma_start3A_1846] : memref<104x128xf32, #tpu.memory_space<vmem>> -> memref<104x128xf32, #tpu.memory_space<vmem>>
        %dma_start3A_1848 = tpu.memref_slice %arg5[%add3A_1839] : memref<25600xi32, #tpu.memory_space<vmem>> -> memref<104xi32, #tpu.memory_space<vmem>>
        %dma_start3A_1849 = arith.constant 0 : i32
        %dma_start3A_1850 = arith.constant 0 : i32
        %dma_start3A_1851 = tpu.memref_slice %arg2[%dma_start3A_1849, %dma_start3A_1850] : memref<100000x128xf32, #tpu.memory_space<hbm>> -> memref<100000x128xf32, #tpu.memory_space<hbm>>
        tpu.enqueue_indirect_dma source(%dma_start3A_1851 : memref<100000x128xf32, #tpu.memory_space<hbm>>) target(%dma_start3A_1847 : memref<104x128xf32, #tpu.memory_space<vmem>>) offsets(%dma_start3A_1848 : memref<104xi32, #tpu.memory_space<vmem>>) semaphore(%arg10 : memref<!tpu.dma_semaphore, #tpu.memory_space<semaphore_mem>>) {add = true}
        %add3A_1852 = arith.constant 104 : i32
        %add3A_1853 = arith.addi %multiple_of3A_1837, %add3A_1852 : i32
        %dma_start3A_1854 = arith.constant 2 : i32
        %dma_start3A_1855 = arith.constant 0 : i32
        %dma_start3A_1856 = arith.constant 0 : i32
        %dma_start3A_1857 = tpu.memref_slice %arg6[%dma_start3A_1854, %dma_start3A_1855, %dma_start3A_1856] : memref<4x104x128xf32, #tpu.memory_space<vmem>> -> memref<1x104x128xf32, #tpu.memory_space<vmem>>
        %dma_start3A_1858 = tpu.memref_squeeze %dma_start3A_1857 : memref<1x104x128xf32, #tpu.memory_space<vmem>> -> memref<104x128xf32, #tpu.memory_space<vmem>>
        %dma_start3A_1859 = arith.constant 0 : i32
        %dma_start3A_1860 = arith.constant 0 : i32
        %dma_start3A_1861 = tpu.memref_slice %dma_start3A_1858[%dma_start3A_1859, %dma_start3A_1860] : memref<104x128xf32, #tpu.memory_space<vmem>> -> memref<96x128xf32, #tpu.memory_space<vmem>>
        %dma_start3A_1862 = tpu.memref_slice %arg5[%add3A_1853] : memref<25600xi32, #tpu.memory_space<vmem>> -> memref<96xi32, #tpu.memory_space<vmem>>
        %dma_start3A_1863 = arith.constant 0 : i32
        %dma_start3A_1864 = arith.constant 0 : i32
        %dma_start3A_1865 = tpu.memref_slice %arg2[%dma_start3A_1863, %dma_start3A_1864] : memref<100000x128xf32, #tpu.memory_space<hbm>> -> memref<100000x128xf32, #tpu.memory_space<hbm>>
        tpu.enqueue_indirect_dma source(%dma_start3A_1865 : memref<100000x128xf32, #tpu.memory_space<hbm>>) target(%dma_start3A_1861 : memref<96x128xf32, #tpu.memory_space<vmem>>) offsets(%dma_start3A_1862 : memref<96xi32, #tpu.memory_space<vmem>>) semaphore(%arg10 : memref<!tpu.dma_semaphore, #tpu.memory_space<semaphore_mem>>) {add = true}
      } else {
      }
      %add3A_1413 = arith.constant 3 : i32
      %add3A_1414 = arith.addi %add3A_158, %add3A_1413 : i32
      %mul3A_1415 = arith.constant 200 : i32
      %mul3A_1416 = arith.muli %add3A_1414, %mul3A_1415 : i32
      %multiple_of3A_1417 = tpu.assume_multiple %mul3A_1416, 8 : i32
      %add3A_1418 = arith.constant 0 : i32
      %add3A_1419 = arith.addi %multiple_of3A_1417, %add3A_1418 : i32
      %dma_wait3A_1420 = arith.constant 3 : i32
      %dma_wait3A_1421 = arith.constant 0 : i32
      %dma_wait3A_1422 = arith.constant 0 : i32
      %dma_wait3A_1423 = tpu.memref_slice %arg6[%dma_wait3A_1420, %dma_wait3A_1421, %dma_wait3A_1422] : memref<4x104x128xf32, #tpu.memory_space<vmem>> -> memref<1x104x128xf32, #tpu.memory_space<vmem>>
      %dma_wait3A_1424 = tpu.memref_squeeze %dma_wait3A_1423 : memref<1x104x128xf32, #tpu.memory_space<vmem>> -> memref<104x128xf32, #tpu.memory_space<vmem>>
      %dma_wait3A_1425 = arith.constant 0 : i32
      %dma_wait3A_1426 = arith.constant 0 : i32
      %dma_wait3A_1427 = tpu.memref_slice %dma_wait3A_1424[%dma_wait3A_1425, %dma_wait3A_1426] : memref<104x128xf32, #tpu.memory_space<vmem>> -> memref<104x128xf32, #tpu.memory_space<vmem>>
      %dma_wait3A_1428 = tpu.memref_slice %arg5[%add3A_1419] : memref<25600xi32, #tpu.memory_space<vmem>> -> memref<104xi32, #tpu.memory_space<vmem>>
      %dma_wait3A_1429 = arith.constant 0 : i32
      %dma_wait3A_1430 = arith.constant 0 : i32
      %dma_wait3A_1431 = tpu.memref_slice %arg2[%dma_wait3A_1429, %dma_wait3A_1430] : memref<100000x128xf32, #tpu.memory_space<hbm>> -> memref<100000x128xf32, #tpu.memory_space<hbm>>
      tpu.wait_indirect_dma semaphore(%arg11 : memref<!tpu.dma_semaphore, #tpu.memory_space<semaphore_mem>>) src(%dma_wait3A_1431 : memref<100000x128xf32, #tpu.memory_space<hbm>>) dst(%dma_wait3A_1427 : memref<104x128xf32, #tpu.memory_space<vmem>>)
      %add3A_1432 = arith.constant 104 : i32
      %add3A_1433 = arith.addi %multiple_of3A_1417, %add3A_1432 : i32
      %dma_wait3A_1434 = arith.constant 3 : i32
      %dma_wait3A_1435 = arith.constant 0 : i32
      %dma_wait3A_1436 = arith.constant 0 : i32
      %dma_wait3A_1437 = tpu.memref_slice %arg6[%dma_wait3A_1434, %dma_wait3A_1435, %dma_wait3A_1436] : memref<4x104x128xf32, #tpu.memory_space<vmem>> -> memref<1x104x128xf32, #tpu.memory_space<vmem>>
      %dma_wait3A_1438 = tpu.memref_squeeze %dma_wait3A_1437 : memref<1x104x128xf32, #tpu.memory_space<vmem>> -> memref<104x128xf32, #tpu.memory_space<vmem>>
      %dma_wait3A_1439 = arith.constant 0 : i32
      %dma_wait3A_1440 = arith.constant 0 : i32
      %dma_wait3A_1441 = tpu.memref_slice %dma_wait3A_1438[%dma_wait3A_1439, %dma_wait3A_1440] : memref<104x128xf32, #tpu.memory_space<vmem>> -> memref<96x128xf32, #tpu.memory_space<vmem>>
      %dma_wait3A_1442 = tpu.memref_slice %arg5[%add3A_1433] : memref<25600xi32, #tpu.memory_space<vmem>> -> memref<96xi32, #tpu.memory_space<vmem>>
      %dma_wait3A_1443 = arith.constant 0 : i32
      %dma_wait3A_1444 = arith.constant 0 : i32
      %dma_wait3A_1445 = tpu.memref_slice %arg2[%dma_wait3A_1443, %dma_wait3A_1444] : memref<100000x128xf32, #tpu.memory_space<hbm>> -> memref<100000x128xf32, #tpu.memory_space<hbm>>
      tpu.wait_indirect_dma semaphore(%arg11 : memref<!tpu.dma_semaphore, #tpu.memory_space<semaphore_mem>>) src(%dma_wait3A_1445 : memref<100000x128xf32, #tpu.memory_space<hbm>>) dst(%dma_wait3A_1441 : memref<96x128xf32, #tpu.memory_space<vmem>>)
      %get3A_1446 = arith.constant 3 : i32
      %get3A_1447 = arith.constant 0 : i32
      %get3A_1448 = arith.constant 0 : i32
      %get3A_1449 = arith.constant 0 : i32
      %get3A_1450 = tpu.memref_slice %arg6[%get3A_1446, %get3A_1448, %get3A_1449] : memref<4x104x128xf32, #tpu.memory_space<vmem>> -> memref<1x104x128xf32, #tpu.memory_space<vmem>>
      %get3A_1451 = tpu.memref_squeeze %get3A_1450 : memref<1x104x128xf32, #tpu.memory_space<vmem>> -> memref<104x128xf32, #tpu.memory_space<vmem>>
      %get3A_1452 = arith.index_cast %get3A_1447 : i32 to index
      %get3A_1453 = arith.constant 0 : index
      %get3A_1454 = tpu.vector_load %get3A_1451[%get3A_1452, %get3A_1453] {strides = array<i32>} : memref<104x128xf32, #tpu.memory_space<vmem>>, vector<1x16xf32>,
      %get3A_1455 = vector.shape_cast %get3A_1454 : vector<1x16xf32> to vector<16xf32>
      %get3A_1456 = arith.constant 3 : i32
      %get3A_1457 = arith.constant 0 : i32
      %get3A_1458 = arith.constant 0 : i32
      %get3A_1459 = arith.constant 0 : i32
      %get3A_1460 = tpu.memref_slice %arg6[%get3A_1456, %get3A_1458, %get3A_1459] : memref<4x104x128xf32, #tpu.memory_space<vmem>> -> memref<1x104x128xf32, #tpu.memory_space<vmem>>
      %get3A_1461 = tpu.memref_squeeze %get3A_1460 : memref<1x104x128xf32, #tpu.memory_space<vmem>> -> memref<104x128xf32, #tpu.memory_space<vmem>>
      %get3A_1462 = arith.index_cast %get3A_1457 : i32 to index
      %get3A_1463 = arith.constant 16 : index
      %get3A_1464 = tpu.vector_load %get3A_1461[%get3A_1462, %get3A_1463] {strides = array<i32>} : memref<104x128xf32, #tpu.memory_space<vmem>>, vector<1x16xf32>,
      %get3A_1465 = vector.shape_cast %get3A_1464 : vector<1x16xf32> to vector<16xf32>
      %get3A_1466 = arith.constant 3 : i32
      %get3A_1467 = arith.constant 0 : i32
      %get3A_1468 = arith.constant 0 : i32
      %get3A_1469 = arith.constant 0 : i32
      %get3A_1470 = tpu.memref_slice %arg6[%get3A_1466, %get3A_1468, %get3A_1469] : memref<4x104x128xf32, #tpu.memory_space<vmem>> -> memref<1x104x128xf32, #tpu.memory_space<vmem>>
      %get3A_1471 = tpu.memref_squeeze %get3A_1470 : memref<1x104x128xf32, #tpu.memory_space<vmem>> -> memref<104x128xf32, #tpu.memory_space<vmem>>
      %get3A_1472 = arith.index_cast %get3A_1467 : i32 to index
      %get3A_1473 = arith.constant 32 : index
      %get3A_1474 = tpu.vector_load %get3A_1471[%get3A_1472, %get3A_1473] {strides = array<i32>} : memref<104x128xf32, #tpu.memory_space<vmem>>, vector<1x16xf32>,
      %get3A_1475 = vector.shape_cast %get3A_1474 : vector<1x16xf32> to vector<16xf32>
      %get3A_1476 = arith.constant 3 : i32
      %get3A_1477 = arith.constant 0 : i32
      %get3A_1478 = arith.constant 0 : i32
      %get3A_1479 = arith.constant 0 : i32
      %get3A_1480 = tpu.memref_slice %arg6[%get3A_1476, %get3A_1478, %get3A_1479] : memref<4x104x128xf32, #tpu.memory_space<vmem>> -> memref<1x104x128xf32, #tpu.memory_space<vmem>>
      %get3A_1481 = tpu.memref_squeeze %get3A_1480 : memref<1x104x128xf32, #tpu.memory_space<vmem>> -> memref<104x128xf32, #tpu.memory_space<vmem>>
      %get3A_1482 = arith.index_cast %get3A_1477 : i32 to index
      %get3A_1483 = arith.constant 48 : index
      %get3A_1484 = tpu.vector_load %get3A_1481[%get3A_1482, %get3A_1483] {strides = array<i32>} : memref<104x128xf32, #tpu.memory_space<vmem>>, vector<1x16xf32>,
      %get3A_1485 = vector.shape_cast %get3A_1484 : vector<1x16xf32> to vector<16xf32>
      %get3A_1486 = arith.constant 3 : i32
      %get3A_1487 = arith.constant 0 : i32
      %get3A_1488 = arith.constant 0 : i32
      %get3A_1489 = arith.constant 0 : i32
      %get3A_1490 = tpu.memref_slice %arg6[%get3A_1486, %get3A_1488, %get3A_1489] : memref<4x104x128xf32, #tpu.memory_space<vmem>> -> memref<1x104x128xf32, #tpu.memory_space<vmem>>
      %get3A_1491 = tpu.memref_squeeze %get3A_1490 : memref<1x104x128xf32, #tpu.memory_space<vmem>> -> memref<104x128xf32, #tpu.memory_space<vmem>>
      %get3A_1492 = arith.index_cast %get3A_1487 : i32 to index
      %get3A_1493 = arith.constant 64 : index
      %get3A_1494 = tpu.vector_load %get3A_1491[%get3A_1492, %get3A_1493] {strides = array<i32>} : memref<104x128xf32, #tpu.memory_space<vmem>>, vector<1x16xf32>,
      %get3A_1495 = vector.shape_cast %get3A_1494 : vector<1x16xf32> to vector<16xf32>
      %get3A_1496 = arith.constant 3 : i32
      %get3A_1497 = arith.constant 0 : i32
      %get3A_1498 = arith.constant 0 : i32
      %get3A_1499 = arith.constant 0 : i32
      %get3A_1500 = tpu.memref_slice %arg6[%get3A_1496, %get3A_1498, %get3A_1499] : memref<4x104x128xf32, #tpu.memory_space<vmem>> -> memref<1x104x128xf32, #tpu.memory_space<vmem>>
      %get3A_1501 = tpu.memref_squeeze %get3A_1500 : memref<1x104x128xf32, #tpu.memory_space<vmem>> -> memref<104x128xf32, #tpu.memory_space<vmem>>
      %get3A_1502 = arith.index_cast %get3A_1497 : i32 to index
      %get3A_1503 = arith.constant 80 : index
      %get3A_1504 = tpu.vector_load %get3A_1501[%get3A_1502, %get3A_1503] {strides = array<i32>} : memref<104x128xf32, #tpu.memory_space<vmem>>, vector<1x16xf32>,
      %get3A_1505 = vector.shape_cast %get3A_1504 : vector<1x16xf32> to vector<16xf32>
      %get3A_1506 = arith.constant 3 : i32
      %get3A_1507 = arith.constant 0 : i32
      %get3A_1508 = arith.constant 0 : i32
      %get3A_1509 = arith.constant 0 : i32
      %get3A_1510 = tpu.memref_slice %arg6[%get3A_1506, %get3A_1508, %get3A_1509] : memref<4x104x128xf32, #tpu.memory_space<vmem>> -> memref<1x104x128xf32, #tpu.memory_space<vmem>>
      %get3A_1511 = tpu.memref_squeeze %get3A_1510 : memref<1x104x128xf32, #tpu.memory_space<vmem>> -> memref<104x128xf32, #tpu.memory_space<vmem>>
      %get3A_1512 = arith.index_cast %get3A_1507 : i32 to index
      %get3A_1513 = arith.constant 96 : index
      %get3A_1514 = tpu.vector_load %get3A_1511[%get3A_1512, %get3A_1513] {strides = array<i32>} : memref<104x128xf32, #tpu.memory_space<vmem>>, vector<1x16xf32>,
      %get3A_1515 = vector.shape_cast %get3A_1514 : vector<1x16xf32> to vector<16xf32>
      %get3A_1516 = arith.constant 3 : i32
      %get3A_1517 = arith.constant 0 : i32
      %get3A_1518 = arith.constant 0 : i32
      %get3A_1519 = arith.constant 0 : i32
      %get3A_1520 = tpu.memref_slice %arg6[%get3A_1516, %get3A_1518, %get3A_1519] : memref<4x104x128xf32, #tpu.memory_space<vmem>> -> memref<1x104x128xf32, #tpu.memory_space<vmem>>
      %get3A_1521 = tpu.memref_squeeze %get3A_1520 : memref<1x104x128xf32, #tpu.memory_space<vmem>> -> memref<104x128xf32, #tpu.memory_space<vmem>>
      %get3A_1522 = arith.index_cast %get3A_1517 : i32 to index
      %get3A_1523 = arith.constant 112 : index
      %get3A_1524 = tpu.vector_load %get3A_1521[%get3A_1522, %get3A_1523] {strides = array<i32>} : memref<104x128xf32, #tpu.memory_space<vmem>>, vector<1x16xf32>,
      %get3A_1525 = vector.shape_cast %get3A_1524 : vector<1x16xf32> to vector<16xf32>
      %scan3A_1526 = arith.constant 3 : i32
      %scan3A_1527 = arith.constant 1 : i32
      %scan3A_1528 = arith.constant 100 : i32
      %scan3A_1529 = arith.addi %scan3A_1527, %scan3A_1528 : i32
      %scan3A_1530 = arith.constant 4 : i32
      %scan3A_1531:8 = scf.for %scan3A_1833 = %scan3A_1527 to %scan3A_1529 step %scan3A_1530 iter_args(%scan3A_1834 = %get3A_1455, %scan3A_1835 = %get3A_1465, %scan3A_1836 = %get3A_1475, %scan3A_1837 = %get3A_1485, %scan3A_1838 = %get3A_1495, %scan3A_1839 = %get3A_1505, %scan3A_1840 = %get3A_1515, %scan3A_1841 = %get3A_1525) -> (vector<16xf32>, vector<16xf32>, vector<16xf32>, vector<16xf32>, vector<16xf32>, vector<16xf32>, vector<16xf32>, vector<16xf32>)  : i32 {
        %get3A_1842 = arith.constant 0 : i32
        %get3A_1843 = arith.constant 0 : i32
        %get3A_1844 = tpu.memref_slice %arg6[%scan3A_1526, %get3A_1842, %get3A_1843] : memref<4x104x128xf32, #tpu.memory_space<vmem>> -> memref<1x104x128xf32, #tpu.memory_space<vmem>>
        %get3A_1845 = tpu.memref_squeeze %get3A_1844 : memref<1x104x128xf32, #tpu.memory_space<vmem>> -> memref<104x128xf32, #tpu.memory_space<vmem>>
        %get3A_1846 = arith.index_cast %scan3A_1833 : i32 to index
        %get3A_1847 = arith.constant 0 : index
        %get3A_1848 = tpu.vector_load %get3A_1845[%get3A_1846, %get3A_1847] {strides = array<i32>} : memref<104x128xf32, #tpu.memory_space<vmem>>, vector<1x16xf32>,
        %get3A_1849 = vector.shape_cast %get3A_1848 : vector<1x16xf32> to vector<16xf32>
        %add3A_1850 = arith.addf %scan3A_1834, %get3A_1849 : vector<16xf32>
        %get3A_1851 = arith.constant 0 : i32
        %get3A_1852 = arith.constant 0 : i32
        %get3A_1853 = tpu.memref_slice %arg6[%scan3A_1526, %get3A_1851, %get3A_1852] : memref<4x104x128xf32, #tpu.memory_space<vmem>> -> memref<1x104x128xf32, #tpu.memory_space<vmem>>
        %get3A_1854 = tpu.memref_squeeze %get3A_1853 : memref<1x104x128xf32, #tpu.memory_space<vmem>> -> memref<104x128xf32, #tpu.memory_space<vmem>>
        %get3A_1855 = arith.index_cast %scan3A_1833 : i32 to index
        %get3A_1856 = arith.constant 16 : index
        %get3A_1857 = tpu.vector_load %get3A_1854[%get3A_1855, %get3A_1856] {strides = array<i32>} : memref<104x128xf32, #tpu.memory_space<vmem>>, vector<1x16xf32>,
        %get3A_1858 = vector.shape_cast %get3A_1857 : vector<1x16xf32> to vector<16xf32>
        %add3A_1859 = arith.addf %scan3A_1835, %get3A_1858 : vector<16xf32>
        %get3A_1860 = arith.constant 0 : i32
        %get3A_1861 = arith.constant 0 : i32
        %get3A_1862 = tpu.memref_slice %arg6[%scan3A_1526, %get3A_1860, %get3A_1861] : memref<4x104x128xf32, #tpu.memory_space<vmem>> -> memref<1x104x128xf32, #tpu.memory_space<vmem>>
        %get3A_1863 = tpu.memref_squeeze %get3A_1862 : memref<1x104x128xf32, #tpu.memory_space<vmem>> -> memref<104x128xf32, #tpu.memory_space<vmem>>
        %get3A_1864 = arith.index_cast %scan3A_1833 : i32 to index
        %get3A_1865 = arith.constant 32 : index
        %get3A_1866 = tpu.vector_load %get3A_1863[%get3A_1864, %get3A_1865] {strides = array<i32>} : memref<104x128xf32, #tpu.memory_space<vmem>>, vector<1x16xf32>,
        %get3A_1867 = vector.shape_cast %get3A_1866 : vector<1x16xf32> to vector<16xf32>
        %add3A_1868 = arith.addf %scan3A_1836, %get3A_1867 : vector<16xf32>
        %get3A_1869 = arith.constant 0 : i32
        %get3A_1870 = arith.constant 0 : i32
        %get3A_1871 = tpu.memref_slice %arg6[%scan3A_1526, %get3A_1869, %get3A_1870] : memref<4x104x128xf32, #tpu.memory_space<vmem>> -> memref<1x104x128xf32, #tpu.memory_space<vmem>>
        %get3A_1872 = tpu.memref_squeeze %get3A_1871 : memref<1x104x128xf32, #tpu.memory_space<vmem>> -> memref<104x128xf32, #tpu.memory_space<vmem>>
        %get3A_1873 = arith.index_cast %scan3A_1833 : i32 to index
        %get3A_1874 = arith.constant 48 : index
        %get3A_1875 = tpu.vector_load %get3A_1872[%get3A_1873, %get3A_1874] {strides = array<i32>} : memref<104x128xf32, #tpu.memory_space<vmem>>, vector<1x16xf32>,
        %get3A_1876 = vector.shape_cast %get3A_1875 : vector<1x16xf32> to vector<16xf32>
        %add3A_1877 = arith.addf %scan3A_1837, %get3A_1876 : vector<16xf32>
        %get3A_1878 = arith.constant 0 : i32
        %get3A_1879 = arith.constant 0 : i32
        %get3A_1880 = tpu.memref_slice %arg6[%scan3A_1526, %get3A_1878, %get3A_1879] : memref<4x104x128xf32, #tpu.memory_space<vmem>> -> memref<1x104x128xf32, #tpu.memory_space<vmem>>
        %get3A_1881 = tpu.memref_squeeze %get3A_1880 : memref<1x104x128xf32, #tpu.memory_space<vmem>> -> memref<104x128xf32, #tpu.memory_space<vmem>>
        %get3A_1882 = arith.index_cast %scan3A_1833 : i32 to index
        %get3A_1883 = arith.constant 64 : index
        %get3A_1884 = tpu.vector_load %get3A_1881[%get3A_1882, %get3A_1883] {strides = array<i32>} : memref<104x128xf32, #tpu.memory_space<vmem>>, vector<1x16xf32>,
        %get3A_1885 = vector.shape_cast %get3A_1884 : vector<1x16xf32> to vector<16xf32>
        %add3A_1886 = arith.addf %scan3A_1838, %get3A_1885 : vector<16xf32>
        %get3A_1887 = arith.constant 0 : i32
        %get3A_1888 = arith.constant 0 : i32
        %get3A_1889 = tpu.memref_slice %arg6[%scan3A_1526, %get3A_1887, %get3A_1888] : memref<4x104x128xf32, #tpu.memory_space<vmem>> -> memref<1x104x128xf32, #tpu.memory_space<vmem>>
        %get3A_1890 = tpu.memref_squeeze %get3A_1889 : memref<1x104x128xf32, #tpu.memory_space<vmem>> -> memref<104x128xf32, #tpu.memory_space<vmem>>
        %get3A_1891 = arith.index_cast %scan3A_1833 : i32 to index
        %get3A_1892 = arith.constant 80 : index
        %get3A_1893 = tpu.vector_load %get3A_1890[%get3A_1891, %get3A_1892] {strides = array<i32>} : memref<104x128xf32, #tpu.memory_space<vmem>>, vector<1x16xf32>,
        %get3A_1894 = vector.shape_cast %get3A_1893 : vector<1x16xf32> to vector<16xf32>
        %add3A_1895 = arith.addf %scan3A_1839, %get3A_1894 : vector<16xf32>
        %get3A_1896 = arith.constant 0 : i32
        %get3A_1897 = arith.constant 0 : i32
        %get3A_1898 = tpu.memref_slice %arg6[%scan3A_1526, %get3A_1896, %get3A_1897] : memref<4x104x128xf32, #tpu.memory_space<vmem>> -> memref<1x104x128xf32, #tpu.memory_space<vmem>>
        %get3A_1899 = tpu.memref_squeeze %get3A_1898 : memref<1x104x128xf32, #tpu.memory_space<vmem>> -> memref<104x128xf32, #tpu.memory_space<vmem>>
        %get3A_1900 = arith.index_cast %scan3A_1833 : i32 to index
        %get3A_1901 = arith.constant 96 : index
        %get3A_1902 = tpu.vector_load %get3A_1899[%get3A_1900, %get3A_1901] {strides = array<i32>} : memref<104x128xf32, #tpu.memory_space<vmem>>, vector<1x16xf32>,
        %get3A_1903 = vector.shape_cast %get3A_1902 : vector<1x16xf32> to vector<16xf32>
        %add3A_1904 = arith.addf %scan3A_1840, %get3A_1903 : vector<16xf32>
        %get3A_1905 = arith.constant 0 : i32
        %get3A_1906 = arith.constant 0 : i32
        %get3A_1907 = tpu.memref_slice %arg6[%scan3A_1526, %get3A_1905, %get3A_1906] : memref<4x104x128xf32, #tpu.memory_space<vmem>> -> memref<1x104x128xf32, #tpu.memory_space<vmem>>
        %get3A_1908 = tpu.memref_squeeze %get3A_1907 : memref<1x104x128xf32, #tpu.memory_space<vmem>> -> memref<104x128xf32, #tpu.memory_space<vmem>>
        %get3A_1909 = arith.index_cast %scan3A_1833 : i32 to index
        %get3A_1910 = arith.constant 112 : index
        %get3A_1911 = tpu.vector_load %get3A_1908[%get3A_1909, %get3A_1910] {strides = array<i32>} : memref<104x128xf32, #tpu.memory_space<vmem>>, vector<1x16xf32>,
        %get3A_1912 = vector.shape_cast %get3A_1911 : vector<1x16xf32> to vector<16xf32>
        %add3A_1913 = arith.addf %scan3A_1841, %get3A_1912 : vector<16xf32>
        %scan3A_1914 = arith.constant 1 : i32
        %scan3A_1915 = arith.addi %scan3A_1833, %scan3A_1914 : i32
        %get3A_1916 = arith.constant 0 : i32
        %get3A_1917 = arith.constant 0 : i32
        %get3A_1918 = tpu.memref_slice %arg6[%scan3A_1526, %get3A_1916, %get3A_1917] : memref<4x104x128xf32, #tpu.memory_space<vmem>> -> memref<1x104x128xf32, #tpu.memory_space<vmem>>
        %get3A_1919 = tpu.memref_squeeze %get3A_1918 : memref<1x104x128xf32, #tpu.memory_space<vmem>> -> memref<104x128xf32, #tpu.memory_space<vmem>>
        %get3A_1920 = arith.index_cast %scan3A_1915 : i32 to index
        %get3A_1921 = arith.constant 0 : index
        %get3A_1922 = tpu.vector_load %get3A_1919[%get3A_1920, %get3A_1921] {strides = array<i32>} : memref<104x128xf32, #tpu.memory_space<vmem>>, vector<1x16xf32>,
        %get3A_1923 = vector.shape_cast %get3A_1922 : vector<1x16xf32> to vector<16xf32>
        %add3A_1924 = arith.addf %add3A_1850, %get3A_1923 : vector<16xf32>
        %get3A_1925 = arith.constant 0 : i32
        %get3A_1926 = arith.constant 0 : i32
        %get3A_1927 = tpu.memref_slice %arg6[%scan3A_1526, %get3A_1925, %get3A_1926] : memref<4x104x128xf32, #tpu.memory_space<vmem>> -> memref<1x104x128xf32, #tpu.memory_space<vmem>>
        %get3A_1928 = tpu.memref_squeeze %get3A_1927 : memref<1x104x128xf32, #tpu.memory_space<vmem>> -> memref<104x128xf32, #tpu.memory_space<vmem>>
        %get3A_1929 = arith.index_cast %scan3A_1915 : i32 to index
        %get3A_1930 = arith.constant 16 : index
        %get3A_1931 = tpu.vector_load %get3A_1928[%get3A_1929, %get3A_1930] {strides = array<i32>} : memref<104x128xf32, #tpu.memory_space<vmem>>, vector<1x16xf32>,
        %get3A_1932 = vector.shape_cast %get3A_1931 : vector<1x16xf32> to vector<16xf32>
        %add3A_1933 = arith.addf %add3A_1859, %get3A_1932 : vector<16xf32>
        %get3A_1934 = arith.constant 0 : i32
        %get3A_1935 = arith.constant 0 : i32
        %get3A_1936 = tpu.memref_slice %arg6[%scan3A_1526, %get3A_1934, %get3A_1935] : memref<4x104x128xf32, #tpu.memory_space<vmem>> -> memref<1x104x128xf32, #tpu.memory_space<vmem>>
        %get3A_1937 = tpu.memref_squeeze %get3A_1936 : memref<1x104x128xf32, #tpu.memory_space<vmem>> -> memref<104x128xf32, #tpu.memory_space<vmem>>
        %get3A_1938 = arith.index_cast %scan3A_1915 : i32 to index
        %get3A_1939 = arith.constant 32 : index
        %get3A_1940 = tpu.vector_load %get3A_1937[%get3A_1938, %get3A_1939] {strides = array<i32>} : memref<104x128xf32, #tpu.memory_space<vmem>>, vector<1x16xf32>,
        %get3A_1941 = vector.shape_cast %get3A_1940 : vector<1x16xf32> to vector<16xf32>
        %add3A_1942 = arith.addf %add3A_1868, %get3A_1941 : vector<16xf32>
        %get3A_1943 = arith.constant 0 : i32
        %get3A_1944 = arith.constant 0 : i32
        %get3A_1945 = tpu.memref_slice %arg6[%scan3A_1526, %get3A_1943, %get3A_1944] : memref<4x104x128xf32, #tpu.memory_space<vmem>> -> memref<1x104x128xf32, #tpu.memory_space<vmem>>
        %get3A_1946 = tpu.memref_squeeze %get3A_1945 : memref<1x104x128xf32, #tpu.memory_space<vmem>> -> memref<104x128xf32, #tpu.memory_space<vmem>>
        %get3A_1947 = arith.index_cast %scan3A_1915 : i32 to index
        %get3A_1948 = arith.constant 48 : index
        %get3A_1949 = tpu.vector_load %get3A_1946[%get3A_1947, %get3A_1948] {strides = array<i32>} : memref<104x128xf32, #tpu.memory_space<vmem>>, vector<1x16xf32>,
        %get3A_1950 = vector.shape_cast %get3A_1949 : vector<1x16xf32> to vector<16xf32>
        %add3A_1951 = arith.addf %add3A_1877, %get3A_1950 : vector<16xf32>
        %get3A_1952 = arith.constant 0 : i32
        %get3A_1953 = arith.constant 0 : i32
        %get3A_1954 = tpu.memref_slice %arg6[%scan3A_1526, %get3A_1952, %get3A_1953] : memref<4x104x128xf32, #tpu.memory_space<vmem>> -> memref<1x104x128xf32, #tpu.memory_space<vmem>>
        %get3A_1955 = tpu.memref_squeeze %get3A_1954 : memref<1x104x128xf32, #tpu.memory_space<vmem>> -> memref<104x128xf32, #tpu.memory_space<vmem>>
        %get3A_1956 = arith.index_cast %scan3A_1915 : i32 to index
        %get3A_1957 = arith.constant 64 : index
        %get3A_1958 = tpu.vector_load %get3A_1955[%get3A_1956, %get3A_1957] {strides = array<i32>} : memref<104x128xf32, #tpu.memory_space<vmem>>, vector<1x16xf32>,
        %get3A_1959 = vector.shape_cast %get3A_1958 : vector<1x16xf32> to vector<16xf32>
        %add3A_1960 = arith.addf %add3A_1886, %get3A_1959 : vector<16xf32>
        %get3A_1961 = arith.constant 0 : i32
        %get3A_1962 = arith.constant 0 : i32
        %get3A_1963 = tpu.memref_slice %arg6[%scan3A_1526, %get3A_1961, %get3A_1962] : memref<4x104x128xf32, #tpu.memory_space<vmem>> -> memref<1x104x128xf32, #tpu.memory_space<vmem>>
        %get3A_1964 = tpu.memref_squeeze %get3A_1963 : memref<1x104x128xf32, #tpu.memory_space<vmem>> -> memref<104x128xf32, #tpu.memory_space<vmem>>
        %get3A_1965 = arith.index_cast %scan3A_1915 : i32 to index
        %get3A_1966 = arith.constant 80 : index
        %get3A_1967 = tpu.vector_load %get3A_1964[%get3A_1965, %get3A_1966] {strides = array<i32>} : memref<104x128xf32, #tpu.memory_space<vmem>>, vector<1x16xf32>,
        %get3A_1968 = vector.shape_cast %get3A_1967 : vector<1x16xf32> to vector<16xf32>
        %add3A_1969 = arith.addf %add3A_1895, %get3A_1968 : vector<16xf32>
        %get3A_1970 = arith.constant 0 : i32
        %get3A_1971 = arith.constant 0 : i32
        %get3A_1972 = tpu.memref_slice %arg6[%scan3A_1526, %get3A_1970, %get3A_1971] : memref<4x104x128xf32, #tpu.memory_space<vmem>> -> memref<1x104x128xf32, #tpu.memory_space<vmem>>
        %get3A_1973 = tpu.memref_squeeze %get3A_1972 : memref<1x104x128xf32, #tpu.memory_space<vmem>> -> memref<104x128xf32, #tpu.memory_space<vmem>>
        %get3A_1974 = arith.index_cast %scan3A_1915 : i32 to index
        %get3A_1975 = arith.constant 96 : index
        %get3A_1976 = tpu.vector_load %get3A_1973[%get3A_1974, %get3A_1975] {strides = array<i32>} : memref<104x128xf32, #tpu.memory_space<vmem>>, vector<1x16xf32>,
        %get3A_1977 = vector.shape_cast %get3A_1976 : vector<1x16xf32> to vector<16xf32>
        %add3A_1978 = arith.addf %add3A_1904, %get3A_1977 : vector<16xf32>
        %get3A_1979 = arith.constant 0 : i32
        %get3A_1980 = arith.constant 0 : i32
        %get3A_1981 = tpu.memref_slice %arg6[%scan3A_1526, %get3A_1979, %get3A_1980] : memref<4x104x128xf32, #tpu.memory_space<vmem>> -> memref<1x104x128xf32, #tpu.memory_space<vmem>>
        %get3A_1982 = tpu.memref_squeeze %get3A_1981 : memref<1x104x128xf32, #tpu.memory_space<vmem>> -> memref<104x128xf32, #tpu.memory_space<vmem>>
        %get3A_1983 = arith.index_cast %scan3A_1915 : i32 to index
        %get3A_1984 = arith.constant 112 : index
        %get3A_1985 = tpu.vector_load %get3A_1982[%get3A_1983, %get3A_1984] {strides = array<i32>} : memref<104x128xf32, #tpu.memory_space<vmem>>, vector<1x16xf32>,
        %get3A_1986 = vector.shape_cast %get3A_1985 : vector<1x16xf32> to vector<16xf32>
        %add3A_1987 = arith.addf %add3A_1913, %get3A_1986 : vector<16xf32>
        %scan3A_1988 = arith.constant 2 : i32
        %scan3A_1989 = arith.addi %scan3A_1833, %scan3A_1988 : i32
        %get3A_1990 = arith.constant 0 : i32
        %get3A_1991 = arith.constant 0 : i32
        %get3A_1992 = tpu.memref_slice %arg6[%scan3A_1526, %get3A_1990, %get3A_1991] : memref<4x104x128xf32, #tpu.memory_space<vmem>> -> memref<1x104x128xf32, #tpu.memory_space<vmem>>
        %get3A_1993 = tpu.memref_squeeze %get3A_1992 : memref<1x104x128xf32, #tpu.memory_space<vmem>> -> memref<104x128xf32, #tpu.memory_space<vmem>>
        %get3A_1994 = arith.index_cast %scan3A_1989 : i32 to index
        %get3A_1995 = arith.constant 0 : index
        %get3A_1996 = tpu.vector_load %get3A_1993[%get3A_1994, %get3A_1995] {strides = array<i32>} : memref<104x128xf32, #tpu.memory_space<vmem>>, vector<1x16xf32>,
        %get3A_1997 = vector.shape_cast %get3A_1996 : vector<1x16xf32> to vector<16xf32>
        %add3A_1998 = arith.addf %add3A_1924, %get3A_1997 : vector<16xf32>
        %get3A_1999 = arith.constant 0 : i32
        %get3A_2000 = arith.constant 0 : i32
        %get3A_2001 = tpu.memref_slice %arg6[%scan3A_1526, %get3A_1999, %get3A_2000] : memref<4x104x128xf32, #tpu.memory_space<vmem>> -> memref<1x104x128xf32, #tpu.memory_space<vmem>>
        %get3A_2002 = tpu.memref_squeeze %get3A_2001 : memref<1x104x128xf32, #tpu.memory_space<vmem>> -> memref<104x128xf32, #tpu.memory_space<vmem>>
        %get3A_2003 = arith.index_cast %scan3A_1989 : i32 to index
        %get3A_2004 = arith.constant 16 : index
        %get3A_2005 = tpu.vector_load %get3A_2002[%get3A_2003, %get3A_2004] {strides = array<i32>} : memref<104x128xf32, #tpu.memory_space<vmem>>, vector<1x16xf32>,
        %get3A_2006 = vector.shape_cast %get3A_2005 : vector<1x16xf32> to vector<16xf32>
        %add3A_2007 = arith.addf %add3A_1933, %get3A_2006 : vector<16xf32>
        %get3A_2008 = arith.constant 0 : i32
        %get3A_2009 = arith.constant 0 : i32
        %get3A_2010 = tpu.memref_slice %arg6[%scan3A_1526, %get3A_2008, %get3A_2009] : memref<4x104x128xf32, #tpu.memory_space<vmem>> -> memref<1x104x128xf32, #tpu.memory_space<vmem>>
        %get3A_2011 = tpu.memref_squeeze %get3A_2010 : memref<1x104x128xf32, #tpu.memory_space<vmem>> -> memref<104x128xf32, #tpu.memory_space<vmem>>
        %get3A_2012 = arith.index_cast %scan3A_1989 : i32 to index
        %get3A_2013 = arith.constant 32 : index
        %get3A_2014 = tpu.vector_load %get3A_2011[%get3A_2012, %get3A_2013] {strides = array<i32>} : memref<104x128xf32, #tpu.memory_space<vmem>>, vector<1x16xf32>,
        %get3A_2015 = vector.shape_cast %get3A_2014 : vector<1x16xf32> to vector<16xf32>
        %add3A_2016 = arith.addf %add3A_1942, %get3A_2015 : vector<16xf32>
        %get3A_2017 = arith.constant 0 : i32
        %get3A_2018 = arith.constant 0 : i32
        %get3A_2019 = tpu.memref_slice %arg6[%scan3A_1526, %get3A_2017, %get3A_2018] : memref<4x104x128xf32, #tpu.memory_space<vmem>> -> memref<1x104x128xf32, #tpu.memory_space<vmem>>
        %get3A_2020 = tpu.memref_squeeze %get3A_2019 : memref<1x104x128xf32, #tpu.memory_space<vmem>> -> memref<104x128xf32, #tpu.memory_space<vmem>>
        %get3A_2021 = arith.index_cast %scan3A_1989 : i32 to index
        %get3A_2022 = arith.constant 48 : index
        %get3A_2023 = tpu.vector_load %get3A_2020[%get3A_2021, %get3A_2022] {strides = array<i32>} : memref<104x128xf32, #tpu.memory_space<vmem>>, vector<1x16xf32>,
        %get3A_2024 = vector.shape_cast %get3A_2023 : vector<1x16xf32> to vector<16xf32>
        %add3A_2025 = arith.addf %add3A_1951, %get3A_2024 : vector<16xf32>
        %get3A_2026 = arith.constant 0 : i32
        %get3A_2027 = arith.constant 0 : i32
        %get3A_2028 = tpu.memref_slice %arg6[%scan3A_1526, %get3A_2026, %get3A_2027] : memref<4x104x128xf32, #tpu.memory_space<vmem>> -> memref<1x104x128xf32, #tpu.memory_space<vmem>>
        %get3A_2029 = tpu.memref_squeeze %get3A_2028 : memref<1x104x128xf32, #tpu.memory_space<vmem>> -> memref<104x128xf32, #tpu.memory_space<vmem>>
        %get3A_2030 = arith.index_cast %scan3A_1989 : i32 to index
        %get3A_2031 = arith.constant 64 : index
        %get3A_2032 = tpu.vector_load %get3A_2029[%get3A_2030, %get3A_2031] {strides = array<i32>} : memref<104x128xf32, #tpu.memory_space<vmem>>, vector<1x16xf32>,
        %get3A_2033 = vector.shape_cast %get3A_2032 : vector<1x16xf32> to vector<16xf32>
        %add3A_2034 = arith.addf %add3A_1960, %get3A_2033 : vector<16xf32>
        %get3A_2035 = arith.constant 0 : i32
        %get3A_2036 = arith.constant 0 : i32
        %get3A_2037 = tpu.memref_slice %arg6[%scan3A_1526, %get3A_2035, %get3A_2036] : memref<4x104x128xf32, #tpu.memory_space<vmem>> -> memref<1x104x128xf32, #tpu.memory_space<vmem>>
        %get3A_2038 = tpu.memref_squeeze %get3A_2037 : memref<1x104x128xf32, #tpu.memory_space<vmem>> -> memref<104x128xf32, #tpu.memory_space<vmem>>
        %get3A_2039 = arith.index_cast %scan3A_1989 : i32 to index
        %get3A_2040 = arith.constant 80 : index
        %get3A_2041 = tpu.vector_load %get3A_2038[%get3A_2039, %get3A_2040] {strides = array<i32>} : memref<104x128xf32, #tpu.memory_space<vmem>>, vector<1x16xf32>,
        %get3A_2042 = vector.shape_cast %get3A_2041 : vector<1x16xf32> to vector<16xf32>
        %add3A_2043 = arith.addf %add3A_1969, %get3A_2042 : vector<16xf32>
        %get3A_2044 = arith.constant 0 : i32
        %get3A_2045 = arith.constant 0 : i32
        %get3A_2046 = tpu.memref_slice %arg6[%scan3A_1526, %get3A_2044, %get3A_2045] : memref<4x104x128xf32, #tpu.memory_space<vmem>> -> memref<1x104x128xf32, #tpu.memory_space<vmem>>
        %get3A_2047 = tpu.memref_squeeze %get3A_2046 : memref<1x104x128xf32, #tpu.memory_space<vmem>> -> memref<104x128xf32, #tpu.memory_space<vmem>>
        %get3A_2048 = arith.index_cast %scan3A_1989 : i32 to index
        %get3A_2049 = arith.constant 96 : index
        %get3A_2050 = tpu.vector_load %get3A_2047[%get3A_2048, %get3A_2049] {strides = array<i32>} : memref<104x128xf32, #tpu.memory_space<vmem>>, vector<1x16xf32>,
        %get3A_2051 = vector.shape_cast %get3A_2050 : vector<1x16xf32> to vector<16xf32>
        %add3A_2052 = arith.addf %add3A_1978, %get3A_2051 : vector<16xf32>
        %get3A_2053 = arith.constant 0 : i32
        %get3A_2054 = arith.constant 0 : i32
        %get3A_2055 = tpu.memref_slice %arg6[%scan3A_1526, %get3A_2053, %get3A_2054] : memref<4x104x128xf32, #tpu.memory_space<vmem>> -> memref<1x104x128xf32, #tpu.memory_space<vmem>>
        %get3A_2056 = tpu.memref_squeeze %get3A_2055 : memref<1x104x128xf32, #tpu.memory_space<vmem>> -> memref<104x128xf32, #tpu.memory_space<vmem>>
        %get3A_2057 = arith.index_cast %scan3A_1989 : i32 to index
        %get3A_2058 = arith.constant 112 : index
        %get3A_2059 = tpu.vector_load %get3A_2056[%get3A_2057, %get3A_2058] {strides = array<i32>} : memref<104x128xf32, #tpu.memory_space<vmem>>, vector<1x16xf32>,
        %get3A_2060 = vector.shape_cast %get3A_2059 : vector<1x16xf32> to vector<16xf32>
        %add3A_2061 = arith.addf %add3A_1987, %get3A_2060 : vector<16xf32>
        %scan3A_2062 = arith.constant 3 : i32
        %scan3A_2063 = arith.addi %scan3A_1833, %scan3A_2062 : i32
        %get3A_2064 = arith.constant 0 : i32
        %get3A_2065 = arith.constant 0 : i32
        %get3A_2066 = tpu.memref_slice %arg6[%scan3A_1526, %get3A_2064, %get3A_2065] : memref<4x104x128xf32, #tpu.memory_space<vmem>> -> memref<1x104x128xf32, #tpu.memory_space<vmem>>
        %get3A_2067 = tpu.memref_squeeze %get3A_2066 : memref<1x104x128xf32, #tpu.memory_space<vmem>> -> memref<104x128xf32, #tpu.memory_space<vmem>>
        %get3A_2068 = arith.index_cast %scan3A_2063 : i32 to index
        %get3A_2069 = arith.constant 0 : index
        %get3A_2070 = tpu.vector_load %get3A_2067[%get3A_2068, %get3A_2069] {strides = array<i32>} : memref<104x128xf32, #tpu.memory_space<vmem>>, vector<1x16xf32>,
        %get3A_2071 = vector.shape_cast %get3A_2070 : vector<1x16xf32> to vector<16xf32>
        %add3A_2072 = arith.addf %add3A_1998, %get3A_2071 : vector<16xf32>
        %get3A_2073 = arith.constant 0 : i32
        %get3A_2074 = arith.constant 0 : i32
        %get3A_2075 = tpu.memref_slice %arg6[%scan3A_1526, %get3A_2073, %get3A_2074] : memref<4x104x128xf32, #tpu.memory_space<vmem>> -> memref<1x104x128xf32, #tpu.memory_space<vmem>>
        %get3A_2076 = tpu.memref_squeeze %get3A_2075 : memref<1x104x128xf32, #tpu.memory_space<vmem>> -> memref<104x128xf32, #tpu.memory_space<vmem>>
        %get3A_2077 = arith.index_cast %scan3A_2063 : i32 to index
        %get3A_2078 = arith.constant 16 : index
        %get3A_2079 = tpu.vector_load %get3A_2076[%get3A_2077, %get3A_2078] {strides = array<i32>} : memref<104x128xf32, #tpu.memory_space<vmem>>, vector<1x16xf32>,
        %get3A_2080 = vector.shape_cast %get3A_2079 : vector<1x16xf32> to vector<16xf32>
        %add3A_2081 = arith.addf %add3A_2007, %get3A_2080 : vector<16xf32>
        %get3A_2082 = arith.constant 0 : i32
        %get3A_2083 = arith.constant 0 : i32
        %get3A_2084 = tpu.memref_slice %arg6[%scan3A_1526, %get3A_2082, %get3A_2083] : memref<4x104x128xf32, #tpu.memory_space<vmem>> -> memref<1x104x128xf32, #tpu.memory_space<vmem>>
        %get3A_2085 = tpu.memref_squeeze %get3A_2084 : memref<1x104x128xf32, #tpu.memory_space<vmem>> -> memref<104x128xf32, #tpu.memory_space<vmem>>
        %get3A_2086 = arith.index_cast %scan3A_2063 : i32 to index
        %get3A_2087 = arith.constant 32 : index
        %get3A_2088 = tpu.vector_load %get3A_2085[%get3A_2086, %get3A_2087] {strides = array<i32>} : memref<104x128xf32, #tpu.memory_space<vmem>>, vector<1x16xf32>,
        %get3A_2089 = vector.shape_cast %get3A_2088 : vector<1x16xf32> to vector<16xf32>
        %add3A_2090 = arith.addf %add3A_2016, %get3A_2089 : vector<16xf32>
        %get3A_2091 = arith.constant 0 : i32
        %get3A_2092 = arith.constant 0 : i32
        %get3A_2093 = tpu.memref_slice %arg6[%scan3A_1526, %get3A_2091, %get3A_2092] : memref<4x104x128xf32, #tpu.memory_space<vmem>> -> memref<1x104x128xf32, #tpu.memory_space<vmem>>
        %get3A_2094 = tpu.memref_squeeze %get3A_2093 : memref<1x104x128xf32, #tpu.memory_space<vmem>> -> memref<104x128xf32, #tpu.memory_space<vmem>>
        %get3A_2095 = arith.index_cast %scan3A_2063 : i32 to index
        %get3A_2096 = arith.constant 48 : index
        %get3A_2097 = tpu.vector_load %get3A_2094[%get3A_2095, %get3A_2096] {strides = array<i32>} : memref<104x128xf32, #tpu.memory_space<vmem>>, vector<1x16xf32>,
        %get3A_2098 = vector.shape_cast %get3A_2097 : vector<1x16xf32> to vector<16xf32>
        %add3A_2099 = arith.addf %add3A_2025, %get3A_2098 : vector<16xf32>
        %get3A_2100 = arith.constant 0 : i32
        %get3A_2101 = arith.constant 0 : i32
        %get3A_2102 = tpu.memref_slice %arg6[%scan3A_1526, %get3A_2100, %get3A_2101] : memref<4x104x128xf32, #tpu.memory_space<vmem>> -> memref<1x104x128xf32, #tpu.memory_space<vmem>>
        %get3A_2103 = tpu.memref_squeeze %get3A_2102 : memref<1x104x128xf32, #tpu.memory_space<vmem>> -> memref<104x128xf32, #tpu.memory_space<vmem>>
        %get3A_2104 = arith.index_cast %scan3A_2063 : i32 to index
        %get3A_2105 = arith.constant 64 : index
        %get3A_2106 = tpu.vector_load %get3A_2103[%get3A_2104, %get3A_2105] {strides = array<i32>} : memref<104x128xf32, #tpu.memory_space<vmem>>, vector<1x16xf32>,
        %get3A_2107 = vector.shape_cast %get3A_2106 : vector<1x16xf32> to vector<16xf32>
        %add3A_2108 = arith.addf %add3A_2034, %get3A_2107 : vector<16xf32>
        %get3A_2109 = arith.constant 0 : i32
        %get3A_2110 = arith.constant 0 : i32
        %get3A_2111 = tpu.memref_slice %arg6[%scan3A_1526, %get3A_2109, %get3A_2110] : memref<4x104x128xf32, #tpu.memory_space<vmem>> -> memref<1x104x128xf32, #tpu.memory_space<vmem>>
        %get3A_2112 = tpu.memref_squeeze %get3A_2111 : memref<1x104x128xf32, #tpu.memory_space<vmem>> -> memref<104x128xf32, #tpu.memory_space<vmem>>
        %get3A_2113 = arith.index_cast %scan3A_2063 : i32 to index
        %get3A_2114 = arith.constant 80 : index
        %get3A_2115 = tpu.vector_load %get3A_2112[%get3A_2113, %get3A_2114] {strides = array<i32>} : memref<104x128xf32, #tpu.memory_space<vmem>>, vector<1x16xf32>,
        %get3A_2116 = vector.shape_cast %get3A_2115 : vector<1x16xf32> to vector<16xf32>
        %add3A_2117 = arith.addf %add3A_2043, %get3A_2116 : vector<16xf32>
        %get3A_2118 = arith.constant 0 : i32
        %get3A_2119 = arith.constant 0 : i32
        %get3A_2120 = tpu.memref_slice %arg6[%scan3A_1526, %get3A_2118, %get3A_2119] : memref<4x104x128xf32, #tpu.memory_space<vmem>> -> memref<1x104x128xf32, #tpu.memory_space<vmem>>
        %get3A_2121 = tpu.memref_squeeze %get3A_2120 : memref<1x104x128xf32, #tpu.memory_space<vmem>> -> memref<104x128xf32, #tpu.memory_space<vmem>>
        %get3A_2122 = arith.index_cast %scan3A_2063 : i32 to index
        %get3A_2123 = arith.constant 96 : index
        %get3A_2124 = tpu.vector_load %get3A_2121[%get3A_2122, %get3A_2123] {strides = array<i32>} : memref<104x128xf32, #tpu.memory_space<vmem>>, vector<1x16xf32>,
        %get3A_2125 = vector.shape_cast %get3A_2124 : vector<1x16xf32> to vector<16xf32>
        %add3A_2126 = arith.addf %add3A_2052, %get3A_2125 : vector<16xf32>
        %get3A_2127 = arith.constant 0 : i32
        %get3A_2128 = arith.constant 0 : i32
        %get3A_2129 = tpu.memref_slice %arg6[%scan3A_1526, %get3A_2127, %get3A_2128] : memref<4x104x128xf32, #tpu.memory_space<vmem>> -> memref<1x104x128xf32, #tpu.memory_space<vmem>>
        %get3A_2130 = tpu.memref_squeeze %get3A_2129 : memref<1x104x128xf32, #tpu.memory_space<vmem>> -> memref<104x128xf32, #tpu.memory_space<vmem>>
        %get3A_2131 = arith.index_cast %scan3A_2063 : i32 to index
        %get3A_2132 = arith.constant 112 : index
        %get3A_2133 = tpu.vector_load %get3A_2130[%get3A_2131, %get3A_2132] {strides = array<i32>} : memref<104x128xf32, #tpu.memory_space<vmem>>, vector<1x16xf32>,
        %get3A_2134 = vector.shape_cast %get3A_2133 : vector<1x16xf32> to vector<16xf32>
        %add3A_2135 = arith.addf %add3A_2061, %get3A_2134 : vector<16xf32>
        scf.yield %add3A_2072, %add3A_2081, %add3A_2090, %add3A_2099, %add3A_2108, %add3A_2117, %add3A_2126, %add3A_2135 : vector<16xf32>, vector<16xf32>, vector<16xf32>, vector<16xf32>, vector<16xf32>, vector<16xf32>, vector<16xf32>, vector<16xf32>
      }
      %scan3A_1532 = arith.constant 100 : i32
      %scan3A_1533 = arith.addi %scan3A_1527, %scan3A_1532 : i32
      %get3A_1534 = arith.constant 0 : i32
      %get3A_1535 = arith.constant 0 : i32
      %get3A_1536 = tpu.memref_slice %arg6[%scan3A_1526, %get3A_1534, %get3A_1535] : memref<4x104x128xf32, #tpu.memory_space<vmem>> -> memref<1x104x128xf32, #tpu.memory_space<vmem>>
      %get3A_1537 = tpu.memref_squeeze %get3A_1536 : memref<1x104x128xf32, #tpu.memory_space<vmem>> -> memref<104x128xf32, #tpu.memory_space<vmem>>
      %get3A_1538 = arith.index_cast %scan3A_1533 : i32 to index
      %get3A_1539 = arith.constant 0 : index
      %get3A_1540 = tpu.vector_load %get3A_1537[%get3A_1538, %get3A_1539] {strides = array<i32>} : memref<104x128xf32, #tpu.memory_space<vmem>>, vector<1x16xf32>,
      %get3A_1541 = vector.shape_cast %get3A_1540 : vector<1x16xf32> to vector<16xf32>
      %add3A_1542 = arith.addf %scan3A_1531#0, %get3A_1541 : vector<16xf32>
      %get3A_1543 = arith.constant 0 : i32
      %get3A_1544 = arith.constant 0 : i32
      %get3A_1545 = tpu.memref_slice %arg6[%scan3A_1526, %get3A_1543, %get3A_1544] : memref<4x104x128xf32, #tpu.memory_space<vmem>> -> memref<1x104x128xf32, #tpu.memory_space<vmem>>
      %get3A_1546 = tpu.memref_squeeze %get3A_1545 : memref<1x104x128xf32, #tpu.memory_space<vmem>> -> memref<104x128xf32, #tpu.memory_space<vmem>>
      %get3A_1547 = arith.index_cast %scan3A_1533 : i32 to index
      %get3A_1548 = arith.constant 16 : index
      %get3A_1549 = tpu.vector_load %get3A_1546[%get3A_1547, %get3A_1548] {strides = array<i32>} : memref<104x128xf32, #tpu.memory_space<vmem>>, vector<1x16xf32>,
      %get3A_1550 = vector.shape_cast %get3A_1549 : vector<1x16xf32> to vector<16xf32>
      %add3A_1551 = arith.addf %scan3A_1531#1, %get3A_1550 : vector<16xf32>
      %get3A_1552 = arith.constant 0 : i32
      %get3A_1553 = arith.constant 0 : i32
      %get3A_1554 = tpu.memref_slice %arg6[%scan3A_1526, %get3A_1552, %get3A_1553] : memref<4x104x128xf32, #tpu.memory_space<vmem>> -> memref<1x104x128xf32, #tpu.memory_space<vmem>>
      %get3A_1555 = tpu.memref_squeeze %get3A_1554 : memref<1x104x128xf32, #tpu.memory_space<vmem>> -> memref<104x128xf32, #tpu.memory_space<vmem>>
      %get3A_1556 = arith.index_cast %scan3A_1533 : i32 to index
      %get3A_1557 = arith.constant 32 : index
      %get3A_1558 = tpu.vector_load %get3A_1555[%get3A_1556, %get3A_1557] {strides = array<i32>} : memref<104x128xf32, #tpu.memory_space<vmem>>, vector<1x16xf32>,
      %get3A_1559 = vector.shape_cast %get3A_1558 : vector<1x16xf32> to vector<16xf32>
      %add3A_1560 = arith.addf %scan3A_1531#2, %get3A_1559 : vector<16xf32>
      %get3A_1561 = arith.constant 0 : i32
      %get3A_1562 = arith.constant 0 : i32
      %get3A_1563 = tpu.memref_slice %arg6[%scan3A_1526, %get3A_1561, %get3A_1562] : memref<4x104x128xf32, #tpu.memory_space<vmem>> -> memref<1x104x128xf32, #tpu.memory_space<vmem>>
      %get3A_1564 = tpu.memref_squeeze %get3A_1563 : memref<1x104x128xf32, #tpu.memory_space<vmem>> -> memref<104x128xf32, #tpu.memory_space<vmem>>
      %get3A_1565 = arith.index_cast %scan3A_1533 : i32 to index
      %get3A_1566 = arith.constant 48 : index
      %get3A_1567 = tpu.vector_load %get3A_1564[%get3A_1565, %get3A_1566] {strides = array<i32>} : memref<104x128xf32, #tpu.memory_space<vmem>>, vector<1x16xf32>,
      %get3A_1568 = vector.shape_cast %get3A_1567 : vector<1x16xf32> to vector<16xf32>
      %add3A_1569 = arith.addf %scan3A_1531#3, %get3A_1568 : vector<16xf32>
      %get3A_1570 = arith.constant 0 : i32
      %get3A_1571 = arith.constant 0 : i32
      %get3A_1572 = tpu.memref_slice %arg6[%scan3A_1526, %get3A_1570, %get3A_1571] : memref<4x104x128xf32, #tpu.memory_space<vmem>> -> memref<1x104x128xf32, #tpu.memory_space<vmem>>
      %get3A_1573 = tpu.memref_squeeze %get3A_1572 : memref<1x104x128xf32, #tpu.memory_space<vmem>> -> memref<104x128xf32, #tpu.memory_space<vmem>>
      %get3A_1574 = arith.index_cast %scan3A_1533 : i32 to index
      %get3A_1575 = arith.constant 64 : index
      %get3A_1576 = tpu.vector_load %get3A_1573[%get3A_1574, %get3A_1575] {strides = array<i32>} : memref<104x128xf32, #tpu.memory_space<vmem>>, vector<1x16xf32>,
      %get3A_1577 = vector.shape_cast %get3A_1576 : vector<1x16xf32> to vector<16xf32>
      %add3A_1578 = arith.addf %scan3A_1531#4, %get3A_1577 : vector<16xf32>
      %get3A_1579 = arith.constant 0 : i32
      %get3A_1580 = arith.constant 0 : i32
      %get3A_1581 = tpu.memref_slice %arg6[%scan3A_1526, %get3A_1579, %get3A_1580] : memref<4x104x128xf32, #tpu.memory_space<vmem>> -> memref<1x104x128xf32, #tpu.memory_space<vmem>>
      %get3A_1582 = tpu.memref_squeeze %get3A_1581 : memref<1x104x128xf32, #tpu.memory_space<vmem>> -> memref<104x128xf32, #tpu.memory_space<vmem>>
      %get3A_1583 = arith.index_cast %scan3A_1533 : i32 to index
      %get3A_1584 = arith.constant 80 : index
      %get3A_1585 = tpu.vector_load %get3A_1582[%get3A_1583, %get3A_1584] {strides = array<i32>} : memref<104x128xf32, #tpu.memory_space<vmem>>, vector<1x16xf32>,
      %get3A_1586 = vector.shape_cast %get3A_1585 : vector<1x16xf32> to vector<16xf32>
      %add3A_1587 = arith.addf %scan3A_1531#5, %get3A_1586 : vector<16xf32>
      %get3A_1588 = arith.constant 0 : i32
      %get3A_1589 = arith.constant 0 : i32
      %get3A_1590 = tpu.memref_slice %arg6[%scan3A_1526, %get3A_1588, %get3A_1589] : memref<4x104x128xf32, #tpu.memory_space<vmem>> -> memref<1x104x128xf32, #tpu.memory_space<vmem>>
      %get3A_1591 = tpu.memref_squeeze %get3A_1590 : memref<1x104x128xf32, #tpu.memory_space<vmem>> -> memref<104x128xf32, #tpu.memory_space<vmem>>
      %get3A_1592 = arith.index_cast %scan3A_1533 : i32 to index
      %get3A_1593 = arith.constant 96 : index
      %get3A_1594 = tpu.vector_load %get3A_1591[%get3A_1592, %get3A_1593] {strides = array<i32>} : memref<104x128xf32, #tpu.memory_space<vmem>>, vector<1x16xf32>,
      %get3A_1595 = vector.shape_cast %get3A_1594 : vector<1x16xf32> to vector<16xf32>
      %add3A_1596 = arith.addf %scan3A_1531#6, %get3A_1595 : vector<16xf32>
      %get3A_1597 = arith.constant 0 : i32
      %get3A_1598 = arith.constant 0 : i32
      %get3A_1599 = tpu.memref_slice %arg6[%scan3A_1526, %get3A_1597, %get3A_1598] : memref<4x104x128xf32, #tpu.memory_space<vmem>> -> memref<1x104x128xf32, #tpu.memory_space<vmem>>
      %get3A_1600 = tpu.memref_squeeze %get3A_1599 : memref<1x104x128xf32, #tpu.memory_space<vmem>> -> memref<104x128xf32, #tpu.memory_space<vmem>>
      %get3A_1601 = arith.index_cast %scan3A_1533 : i32 to index
      %get3A_1602 = arith.constant 112 : index
      %get3A_1603 = tpu.vector_load %get3A_1600[%get3A_1601, %get3A_1602] {strides = array<i32>} : memref<104x128xf32, #tpu.memory_space<vmem>>, vector<1x16xf32>,
      %get3A_1604 = vector.shape_cast %get3A_1603 : vector<1x16xf32> to vector<16xf32>
      %add3A_1605 = arith.addf %scan3A_1531#7, %get3A_1604 : vector<16xf32>
      %scan3A_1606 = arith.constant 101 : i32
      %scan3A_1607 = arith.addi %scan3A_1527, %scan3A_1606 : i32
      %get3A_1608 = arith.constant 0 : i32
      %get3A_1609 = arith.constant 0 : i32
      %get3A_1610 = tpu.memref_slice %arg6[%scan3A_1526, %get3A_1608, %get3A_1609] : memref<4x104x128xf32, #tpu.memory_space<vmem>> -> memref<1x104x128xf32, #tpu.memory_space<vmem>>
      %get3A_1611 = tpu.memref_squeeze %get3A_1610 : memref<1x104x128xf32, #tpu.memory_space<vmem>> -> memref<104x128xf32, #tpu.memory_space<vmem>>
      %get3A_1612 = arith.index_cast %scan3A_1607 : i32 to index
      %get3A_1613 = arith.constant 0 : index
      %get3A_1614 = tpu.vector_load %get3A_1611[%get3A_1612, %get3A_1613] {strides = array<i32>} : memref<104x128xf32, #tpu.memory_space<vmem>>, vector<1x16xf32>,
      %get3A_1615 = vector.shape_cast %get3A_1614 : vector<1x16xf32> to vector<16xf32>
      %add3A_1616 = arith.addf %add3A_1542, %get3A_1615 : vector<16xf32>
      %get3A_1617 = arith.constant 0 : i32
      %get3A_1618 = arith.constant 0 : i32
      %get3A_1619 = tpu.memref_slice %arg6[%scan3A_1526, %get3A_1617, %get3A_1618] : memref<4x104x128xf32, #tpu.memory_space<vmem>> -> memref<1x104x128xf32, #tpu.memory_space<vmem>>
      %get3A_1620 = tpu.memref_squeeze %get3A_1619 : memref<1x104x128xf32, #tpu.memory_space<vmem>> -> memref<104x128xf32, #tpu.memory_space<vmem>>
      %get3A_1621 = arith.index_cast %scan3A_1607 : i32 to index
      %get3A_1622 = arith.constant 16 : index
      %get3A_1623 = tpu.vector_load %get3A_1620[%get3A_1621, %get3A_1622] {strides = array<i32>} : memref<104x128xf32, #tpu.memory_space<vmem>>, vector<1x16xf32>,
      %get3A_1624 = vector.shape_cast %get3A_1623 : vector<1x16xf32> to vector<16xf32>
      %add3A_1625 = arith.addf %add3A_1551, %get3A_1624 : vector<16xf32>
      %get3A_1626 = arith.constant 0 : i32
      %get3A_1627 = arith.constant 0 : i32
      %get3A_1628 = tpu.memref_slice %arg6[%scan3A_1526, %get3A_1626, %get3A_1627] : memref<4x104x128xf32, #tpu.memory_space<vmem>> -> memref<1x104x128xf32, #tpu.memory_space<vmem>>
      %get3A_1629 = tpu.memref_squeeze %get3A_1628 : memref<1x104x128xf32, #tpu.memory_space<vmem>> -> memref<104x128xf32, #tpu.memory_space<vmem>>
      %get3A_1630 = arith.index_cast %scan3A_1607 : i32 to index
      %get3A_1631 = arith.constant 32 : index
      %get3A_1632 = tpu.vector_load %get3A_1629[%get3A_1630, %get3A_1631] {strides = array<i32>} : memref<104x128xf32, #tpu.memory_space<vmem>>, vector<1x16xf32>,
      %get3A_1633 = vector.shape_cast %get3A_1632 : vector<1x16xf32> to vector<16xf32>
      %add3A_1634 = arith.addf %add3A_1560, %get3A_1633 : vector<16xf32>
      %get3A_1635 = arith.constant 0 : i32
      %get3A_1636 = arith.constant 0 : i32
      %get3A_1637 = tpu.memref_slice %arg6[%scan3A_1526, %get3A_1635, %get3A_1636] : memref<4x104x128xf32, #tpu.memory_space<vmem>> -> memref<1x104x128xf32, #tpu.memory_space<vmem>>
      %get3A_1638 = tpu.memref_squeeze %get3A_1637 : memref<1x104x128xf32, #tpu.memory_space<vmem>> -> memref<104x128xf32, #tpu.memory_space<vmem>>
      %get3A_1639 = arith.index_cast %scan3A_1607 : i32 to index
      %get3A_1640 = arith.constant 48 : index
      %get3A_1641 = tpu.vector_load %get3A_1638[%get3A_1639, %get3A_1640] {strides = array<i32>} : memref<104x128xf32, #tpu.memory_space<vmem>>, vector<1x16xf32>,
      %get3A_1642 = vector.shape_cast %get3A_1641 : vector<1x16xf32> to vector<16xf32>
      %add3A_1643 = arith.addf %add3A_1569, %get3A_1642 : vector<16xf32>
      %get3A_1644 = arith.constant 0 : i32
      %get3A_1645 = arith.constant 0 : i32
      %get3A_1646 = tpu.memref_slice %arg6[%scan3A_1526, %get3A_1644, %get3A_1645] : memref<4x104x128xf32, #tpu.memory_space<vmem>> -> memref<1x104x128xf32, #tpu.memory_space<vmem>>
      %get3A_1647 = tpu.memref_squeeze %get3A_1646 : memref<1x104x128xf32, #tpu.memory_space<vmem>> -> memref<104x128xf32, #tpu.memory_space<vmem>>
      %get3A_1648 = arith.index_cast %scan3A_1607 : i32 to index
      %get3A_1649 = arith.constant 64 : index
      %get3A_1650 = tpu.vector_load %get3A_1647[%get3A_1648, %get3A_1649] {strides = array<i32>} : memref<104x128xf32, #tpu.memory_space<vmem>>, vector<1x16xf32>,
      %get3A_1651 = vector.shape_cast %get3A_1650 : vector<1x16xf32> to vector<16xf32>
      %add3A_1652 = arith.addf %add3A_1578, %get3A_1651 : vector<16xf32>
      %get3A_1653 = arith.constant 0 : i32
      %get3A_1654 = arith.constant 0 : i32
      %get3A_1655 = tpu.memref_slice %arg6[%scan3A_1526, %get3A_1653, %get3A_1654] : memref<4x104x128xf32, #tpu.memory_space<vmem>> -> memref<1x104x128xf32, #tpu.memory_space<vmem>>
      %get3A_1656 = tpu.memref_squeeze %get3A_1655 : memref<1x104x128xf32, #tpu.memory_space<vmem>> -> memref<104x128xf32, #tpu.memory_space<vmem>>
      %get3A_1657 = arith.index_cast %scan3A_1607 : i32 to index
      %get3A_1658 = arith.constant 80 : index
      %get3A_1659 = tpu.vector_load %get3A_1656[%get3A_1657, %get3A_1658] {strides = array<i32>} : memref<104x128xf32, #tpu.memory_space<vmem>>, vector<1x16xf32>,
      %get3A_1660 = vector.shape_cast %get3A_1659 : vector<1x16xf32> to vector<16xf32>
      %add3A_1661 = arith.addf %add3A_1587, %get3A_1660 : vector<16xf32>
      %get3A_1662 = arith.constant 0 : i32
      %get3A_1663 = arith.constant 0 : i32
      %get3A_1664 = tpu.memref_slice %arg6[%scan3A_1526, %get3A_1662, %get3A_1663] : memref<4x104x128xf32, #tpu.memory_space<vmem>> -> memref<1x104x128xf32, #tpu.memory_space<vmem>>
      %get3A_1665 = tpu.memref_squeeze %get3A_1664 : memref<1x104x128xf32, #tpu.memory_space<vmem>> -> memref<104x128xf32, #tpu.memory_space<vmem>>
      %get3A_1666 = arith.index_cast %scan3A_1607 : i32 to index
      %get3A_1667 = arith.constant 96 : index
      %get3A_1668 = tpu.vector_load %get3A_1665[%get3A_1666, %get3A_1667] {strides = array<i32>} : memref<104x128xf32, #tpu.memory_space<vmem>>, vector<1x16xf32>,
      %get3A_1669 = vector.shape_cast %get3A_1668 : vector<1x16xf32> to vector<16xf32>
      %add3A_1670 = arith.addf %add3A_1596, %get3A_1669 : vector<16xf32>
      %get3A_1671 = arith.constant 0 : i32
      %get3A_1672 = arith.constant 0 : i32
      %get3A_1673 = tpu.memref_slice %arg6[%scan3A_1526, %get3A_1671, %get3A_1672] : memref<4x104x128xf32, #tpu.memory_space<vmem>> -> memref<1x104x128xf32, #tpu.memory_space<vmem>>
      %get3A_1674 = tpu.memref_squeeze %get3A_1673 : memref<1x104x128xf32, #tpu.memory_space<vmem>> -> memref<104x128xf32, #tpu.memory_space<vmem>>
      %get3A_1675 = arith.index_cast %scan3A_1607 : i32 to index
      %get3A_1676 = arith.constant 112 : index
      %get3A_1677 = tpu.vector_load %get3A_1674[%get3A_1675, %get3A_1676] {strides = array<i32>} : memref<104x128xf32, #tpu.memory_space<vmem>>, vector<1x16xf32>,
      %get3A_1678 = vector.shape_cast %get3A_1677 : vector<1x16xf32> to vector<16xf32>
      %add3A_1679 = arith.addf %add3A_1605, %get3A_1678 : vector<16xf32>
      %scan3A_1680 = arith.constant 102 : i32
      %scan3A_1681 = arith.addi %scan3A_1527, %scan3A_1680 : i32
      %get3A_1682 = arith.constant 0 : i32
      %get3A_1683 = arith.constant 0 : i32
      %get3A_1684 = tpu.memref_slice %arg6[%scan3A_1526, %get3A_1682, %get3A_1683] : memref<4x104x128xf32, #tpu.memory_space<vmem>> -> memref<1x104x128xf32, #tpu.memory_space<vmem>>
      %get3A_1685 = tpu.memref_squeeze %get3A_1684 : memref<1x104x128xf32, #tpu.memory_space<vmem>> -> memref<104x128xf32, #tpu.memory_space<vmem>>
      %get3A_1686 = arith.index_cast %scan3A_1681 : i32 to index
      %get3A_1687 = arith.constant 0 : index
      %get3A_1688 = tpu.vector_load %get3A_1685[%get3A_1686, %get3A_1687] {strides = array<i32>} : memref<104x128xf32, #tpu.memory_space<vmem>>, vector<1x16xf32>,
      %get3A_1689 = vector.shape_cast %get3A_1688 : vector<1x16xf32> to vector<16xf32>
      %add3A_1690 = arith.addf %add3A_1616, %get3A_1689 : vector<16xf32>
      %get3A_1691 = arith.constant 0 : i32
      %get3A_1692 = arith.constant 0 : i32
      %get3A_1693 = tpu.memref_slice %arg6[%scan3A_1526, %get3A_1691, %get3A_1692] : memref<4x104x128xf32, #tpu.memory_space<vmem>> -> memref<1x104x128xf32, #tpu.memory_space<vmem>>
      %get3A_1694 = tpu.memref_squeeze %get3A_1693 : memref<1x104x128xf32, #tpu.memory_space<vmem>> -> memref<104x128xf32, #tpu.memory_space<vmem>>
      %get3A_1695 = arith.index_cast %scan3A_1681 : i32 to index
      %get3A_1696 = arith.constant 16 : index
      %get3A_1697 = tpu.vector_load %get3A_1694[%get3A_1695, %get3A_1696] {strides = array<i32>} : memref<104x128xf32, #tpu.memory_space<vmem>>, vector<1x16xf32>,
      %get3A_1698 = vector.shape_cast %get3A_1697 : vector<1x16xf32> to vector<16xf32>
      %add3A_1699 = arith.addf %add3A_1625, %get3A_1698 : vector<16xf32>
      %get3A_1700 = arith.constant 0 : i32
      %get3A_1701 = arith.constant 0 : i32
      %get3A_1702 = tpu.memref_slice %arg6[%scan3A_1526, %get3A_1700, %get3A_1701] : memref<4x104x128xf32, #tpu.memory_space<vmem>> -> memref<1x104x128xf32, #tpu.memory_space<vmem>>
      %get3A_1703 = tpu.memref_squeeze %get3A_1702 : memref<1x104x128xf32, #tpu.memory_space<vmem>> -> memref<104x128xf32, #tpu.memory_space<vmem>>
      %get3A_1704 = arith.index_cast %scan3A_1681 : i32 to index
      %get3A_1705 = arith.constant 32 : index
      %get3A_1706 = tpu.vector_load %get3A_1703[%get3A_1704, %get3A_1705] {strides = array<i32>} : memref<104x128xf32, #tpu.memory_space<vmem>>, vector<1x16xf32>,
      %get3A_1707 = vector.shape_cast %get3A_1706 : vector<1x16xf32> to vector<16xf32>
      %add3A_1708 = arith.addf %add3A_1634, %get3A_1707 : vector<16xf32>
      %get3A_1709 = arith.constant 0 : i32
      %get3A_1710 = arith.constant 0 : i32
      %get3A_1711 = tpu.memref_slice %arg6[%scan3A_1526, %get3A_1709, %get3A_1710] : memref<4x104x128xf32, #tpu.memory_space<vmem>> -> memref<1x104x128xf32, #tpu.memory_space<vmem>>
      %get3A_1712 = tpu.memref_squeeze %get3A_1711 : memref<1x104x128xf32, #tpu.memory_space<vmem>> -> memref<104x128xf32, #tpu.memory_space<vmem>>
      %get3A_1713 = arith.index_cast %scan3A_1681 : i32 to index
      %get3A_1714 = arith.constant 48 : index
      %get3A_1715 = tpu.vector_load %get3A_1712[%get3A_1713, %get3A_1714] {strides = array<i32>} : memref<104x128xf32, #tpu.memory_space<vmem>>, vector<1x16xf32>,
      %get3A_1716 = vector.shape_cast %get3A_1715 : vector<1x16xf32> to vector<16xf32>
      %add3A_1717 = arith.addf %add3A_1643, %get3A_1716 : vector<16xf32>
      %get3A_1718 = arith.constant 0 : i32
      %get3A_1719 = arith.constant 0 : i32
      %get3A_1720 = tpu.memref_slice %arg6[%scan3A_1526, %get3A_1718, %get3A_1719] : memref<4x104x128xf32, #tpu.memory_space<vmem>> -> memref<1x104x128xf32, #tpu.memory_space<vmem>>
      %get3A_1721 = tpu.memref_squeeze %get3A_1720 : memref<1x104x128xf32, #tpu.memory_space<vmem>> -> memref<104x128xf32, #tpu.memory_space<vmem>>
      %get3A_1722 = arith.index_cast %scan3A_1681 : i32 to index
      %get3A_1723 = arith.constant 64 : index
      %get3A_1724 = tpu.vector_load %get3A_1721[%get3A_1722, %get3A_1723] {strides = array<i32>} : memref<104x128xf32, #tpu.memory_space<vmem>>, vector<1x16xf32>,
      %get3A_1725 = vector.shape_cast %get3A_1724 : vector<1x16xf32> to vector<16xf32>
      %add3A_1726 = arith.addf %add3A_1652, %get3A_1725 : vector<16xf32>
      %get3A_1727 = arith.constant 0 : i32
      %get3A_1728 = arith.constant 0 : i32
      %get3A_1729 = tpu.memref_slice %arg6[%scan3A_1526, %get3A_1727, %get3A_1728] : memref<4x104x128xf32, #tpu.memory_space<vmem>> -> memref<1x104x128xf32, #tpu.memory_space<vmem>>
      %get3A_1730 = tpu.memref_squeeze %get3A_1729 : memref<1x104x128xf32, #tpu.memory_space<vmem>> -> memref<104x128xf32, #tpu.memory_space<vmem>>
      %get3A_1731 = arith.index_cast %scan3A_1681 : i32 to index
      %get3A_1732 = arith.constant 80 : index
      %get3A_1733 = tpu.vector_load %get3A_1730[%get3A_1731, %get3A_1732] {strides = array<i32>} : memref<104x128xf32, #tpu.memory_space<vmem>>, vector<1x16xf32>,
      %get3A_1734 = vector.shape_cast %get3A_1733 : vector<1x16xf32> to vector<16xf32>
      %add3A_1735 = arith.addf %add3A_1661, %get3A_1734 : vector<16xf32>
      %get3A_1736 = arith.constant 0 : i32
      %get3A_1737 = arith.constant 0 : i32
      %get3A_1738 = tpu.memref_slice %arg6[%scan3A_1526, %get3A_1736, %get3A_1737] : memref<4x104x128xf32, #tpu.memory_space<vmem>> -> memref<1x104x128xf32, #tpu.memory_space<vmem>>
      %get3A_1739 = tpu.memref_squeeze %get3A_1738 : memref<1x104x128xf32, #tpu.memory_space<vmem>> -> memref<104x128xf32, #tpu.memory_space<vmem>>
      %get3A_1740 = arith.index_cast %scan3A_1681 : i32 to index
      %get3A_1741 = arith.constant 96 : index
      %get3A_1742 = tpu.vector_load %get3A_1739[%get3A_1740, %get3A_1741] {strides = array<i32>} : memref<104x128xf32, #tpu.memory_space<vmem>>, vector<1x16xf32>,
      %get3A_1743 = vector.shape_cast %get3A_1742 : vector<1x16xf32> to vector<16xf32>
      %add3A_1744 = arith.addf %add3A_1670, %get3A_1743 : vector<16xf32>
      %get3A_1745 = arith.constant 0 : i32
      %get3A_1746 = arith.constant 0 : i32
      %get3A_1747 = tpu.memref_slice %arg6[%scan3A_1526, %get3A_1745, %get3A_1746] : memref<4x104x128xf32, #tpu.memory_space<vmem>> -> memref<1x104x128xf32, #tpu.memory_space<vmem>>
      %get3A_1748 = tpu.memref_squeeze %get3A_1747 : memref<1x104x128xf32, #tpu.memory_space<vmem>> -> memref<104x128xf32, #tpu.memory_space<vmem>>
      %get3A_1749 = arith.index_cast %scan3A_1681 : i32 to index
      %get3A_1750 = arith.constant 112 : index
      %get3A_1751 = tpu.vector_load %get3A_1748[%get3A_1749, %get3A_1750] {strides = array<i32>} : memref<104x128xf32, #tpu.memory_space<vmem>>, vector<1x16xf32>,
      %get3A_1752 = vector.shape_cast %get3A_1751 : vector<1x16xf32> to vector<16xf32>
      %add3A_1753 = arith.addf %add3A_1679, %get3A_1752 : vector<16xf32>
      %scan3A_1754 = arith.constant 103 : i32
      %mul3A_1755 = arith.constant 5.000000e-03 : f32
      %mul3A_1756 = vector.broadcast %mul3A_1755 : f32 to vector<16xf32>
      %mul3A_1757 = arith.mulf %add3A_1690, %mul3A_1756 : vector<16xf32>
      %swap3A_1758 = arith.index_cast %add3A_1414 : i32 to index
      %swap3A_1759 = arith.constant 0 : index
      %swap3A_1760 = tpu.vector_load %arg7[%swap3A_1758, %swap3A_1759] {strides = array<i32>} : memref<128x128xf32, #tpu.memory_space<vmem>>, vector<1x16xf32>,
      %swap3A_1761 = vector.shape_cast %swap3A_1760 : vector<1x16xf32> to vector<16xf32>
      %swap3A_1762 = vector.shape_cast %mul3A_1757 : vector<16xf32> to vector<1x16xf32>
      tpu.vector_store %arg7[%swap3A_1758, %swap3A_1759], %swap3A_1762 {strides = array<i32>} : memref<128x128xf32, #tpu.memory_space<vmem>>, vector<1x16xf32>,
      %mul3A_1763 = arith.constant 5.000000e-03 : f32
      %mul3A_1764 = vector.broadcast %mul3A_1763 : f32 to vector<16xf32>
      %mul3A_1765 = arith.mulf %add3A_1699, %mul3A_1764 : vector<16xf32>
      %swap3A_1766 = arith.index_cast %add3A_1414 : i32 to index
      %swap3A_1767 = arith.constant 16 : index
      %swap3A_1768 = tpu.vector_load %arg7[%swap3A_1766, %swap3A_1767] {strides = array<i32>} : memref<128x128xf32, #tpu.memory_space<vmem>>, vector<1x16xf32>,
      %swap3A_1769 = vector.shape_cast %swap3A_1768 : vector<1x16xf32> to vector<16xf32>
      %swap3A_1770 = vector.shape_cast %mul3A_1765 : vector<16xf32> to vector<1x16xf32>
      tpu.vector_store %arg7[%swap3A_1766, %swap3A_1767], %swap3A_1770 {strides = array<i32>} : memref<128x128xf32, #tpu.memory_space<vmem>>, vector<1x16xf32>,
      %mul3A_1771 = arith.constant 5.000000e-03 : f32
      %mul3A_1772 = vector.broadcast %mul3A_1771 : f32 to vector<16xf32>
      %mul3A_1773 = arith.mulf %add3A_1708, %mul3A_1772 : vector<16xf32>
      %swap3A_1774 = arith.index_cast %add3A_1414 : i32 to index
      %swap3A_1775 = arith.constant 32 : index
      %swap3A_1776 = tpu.vector_load %arg7[%swap3A_1774, %swap3A_1775] {strides = array<i32>} : memref<128x128xf32, #tpu.memory_space<vmem>>, vector<1x16xf32>,
      %swap3A_1777 = vector.shape_cast %swap3A_1776 : vector<1x16xf32> to vector<16xf32>
      %swap3A_1778 = vector.shape_cast %mul3A_1773 : vector<16xf32> to vector<1x16xf32>
      tpu.vector_store %arg7[%swap3A_1774, %swap3A_1775], %swap3A_1778 {strides = array<i32>} : memref<128x128xf32, #tpu.memory_space<vmem>>, vector<1x16xf32>,
      %mul3A_1779 = arith.constant 5.000000e-03 : f32
      %mul3A_1780 = vector.broadcast %mul3A_1779 : f32 to vector<16xf32>
      %mul3A_1781 = arith.mulf %add3A_1717, %mul3A_1780 : vector<16xf32>
      %swap3A_1782 = arith.index_cast %add3A_1414 : i32 to index
      %swap3A_1783 = arith.constant 48 : index
      %swap3A_1784 = tpu.vector_load %arg7[%swap3A_1782, %swap3A_1783] {strides = array<i32>} : memref<128x128xf32, #tpu.memory_space<vmem>>, vector<1x16xf32>,
      %swap3A_1785 = vector.shape_cast %swap3A_1784 : vector<1x16xf32> to vector<16xf32>
      %swap3A_1786 = vector.shape_cast %mul3A_1781 : vector<16xf32> to vector<1x16xf32>
      tpu.vector_store %arg7[%swap3A_1782, %swap3A_1783], %swap3A_1786 {strides = array<i32>} : memref<128x128xf32, #tpu.memory_space<vmem>>, vector<1x16xf32>,
      %mul3A_1787 = arith.constant 5.000000e-03 : f32
      %mul3A_1788 = vector.broadcast %mul3A_1787 : f32 to vector<16xf32>
      %mul3A_1789 = arith.mulf %add3A_1726, %mul3A_1788 : vector<16xf32>
      %swap3A_1790 = arith.index_cast %add3A_1414 : i32 to index
      %swap3A_1791 = arith.constant 64 : index
      %swap3A_1792 = tpu.vector_load %arg7[%swap3A_1790, %swap3A_1791] {strides = array<i32>} : memref<128x128xf32, #tpu.memory_space<vmem>>, vector<1x16xf32>,
      %swap3A_1793 = vector.shape_cast %swap3A_1792 : vector<1x16xf32> to vector<16xf32>
      %swap3A_1794 = vector.shape_cast %mul3A_1789 : vector<16xf32> to vector<1x16xf32>
      tpu.vector_store %arg7[%swap3A_1790, %swap3A_1791], %swap3A_1794 {strides = array<i32>} : memref<128x128xf32, #tpu.memory_space<vmem>>, vector<1x16xf32>,
      %mul3A_1795 = arith.constant 5.000000e-03 : f32
      %mul3A_1796 = vector.broadcast %mul3A_1795 : f32 to vector<16xf32>
      %mul3A_1797 = arith.mulf %add3A_1735, %mul3A_1796 : vector<16xf32>
      %swap3A_1798 = arith.index_cast %add3A_1414 : i32 to index
      %swap3A_1799 = arith.constant 80 : index
      %swap3A_1800 = tpu.vector_load %arg7[%swap3A_1798, %swap3A_1799] {strides = array<i32>} : memref<128x128xf32, #tpu.memory_space<vmem>>, vector<1x16xf32>,
      %swap3A_1801 = vector.shape_cast %swap3A_1800 : vector<1x16xf32> to vector<16xf32>
      %swap3A_1802 = vector.shape_cast %mul3A_1797 : vector<16xf32> to vector<1x16xf32>
      tpu.vector_store %arg7[%swap3A_1798, %swap3A_1799], %swap3A_1802 {strides = array<i32>} : memref<128x128xf32, #tpu.memory_space<vmem>>, vector<1x16xf32>,
      %mul3A_1803 = arith.constant 5.000000e-03 : f32
      %mul3A_1804 = vector.broadcast %mul3A_1803 : f32 to vector<16xf32>
      %mul3A_1805 = arith.mulf %add3A_1744, %mul3A_1804 : vector<16xf32>
      %swap3A_1806 = arith.index_cast %add3A_1414 : i32 to index
      %swap3A_1807 = arith.constant 96 : index
      %swap3A_1808 = tpu.vector_load %arg7[%swap3A_1806, %swap3A_1807] {strides = array<i32>} : memref<128x128xf32, #tpu.memory_space<vmem>>, vector<1x16xf32>,
      %swap3A_1809 = vector.shape_cast %swap3A_1808 : vector<1x16xf32> to vector<16xf32>
      %swap3A_1810 = vector.shape_cast %mul3A_1805 : vector<16xf32> to vector<1x16xf32>
      tpu.vector_store %arg7[%swap3A_1806, %swap3A_1807], %swap3A_1810 {strides = array<i32>} : memref<128x128xf32, #tpu.memory_space<vmem>>, vector<1x16xf32>,
      %mul3A_1811 = arith.constant 5.000000e-03 : f32
      %mul3A_1812 = vector.broadcast %mul3A_1811 : f32 to vector<16xf32>
      %mul3A_1813 = arith.mulf %add3A_1753, %mul3A_1812 : vector<16xf32>
      %swap3A_1814 = arith.index_cast %add3A_1414 : i32 to index
      %swap3A_1815 = arith.constant 112 : index
      %swap3A_1816 = tpu.vector_load %arg7[%swap3A_1814, %swap3A_1815] {strides = array<i32>} : memref<128x128xf32, #tpu.memory_space<vmem>>, vector<1x16xf32>,
      %swap3A_1817 = vector.shape_cast %swap3A_1816 : vector<1x16xf32> to vector<16xf32>
      %swap3A_1818 = vector.shape_cast %mul3A_1813 : vector<16xf32> to vector<1x16xf32>
      tpu.vector_store %arg7[%swap3A_1814, %swap3A_1815], %swap3A_1818 {strides = array<i32>} : memref<128x128xf32, #tpu.memory_space<vmem>>, vector<1x16xf32>,
      %broadcast_in_dim3A_1819 = arith.constant 0.000000e+00 : f32
      %broadcast_in_dim3A_1820 = vector.broadcast %broadcast_in_dim3A_1819 : f32 to vector<16xf32>
      %scan3A_1821 = arith.constant 0 : i32
      %scan3A_1822 = arith.constant 104 : i32
      %scan3A_1823 = arith.addi %scan3A_1821, %scan3A_1822 : i32
      %scan3A_1824 = arith.constant 1 : i32
      scf.for %scan3A_1833 = %scan3A_1821 to %scan3A_1823 step %scan3A_1824  : i32 {
        %mul3A_1834 = arith.constant 1 : i32
        %mul3A_1835 = arith.muli %scan3A_1833, %mul3A_1834 : i32
        %add3A_1836 = arith.constant 0 : i32
        %add3A_1837 = arith.addi %add3A_1836, %mul3A_1835 : i32
        %swap3A_1838 = arith.constant 3 : i32
        %swap3A_1839 = arith.index_cast %swap3A_1838 : i32 to index
        %swap3A_1840 = arith.index_cast %add3A_1837 : i32 to index
        %swap3A_1841 = arith.constant 0 : index
        %swap3A_1842 = tpu.vector_load %arg6[%swap3A_1839, %swap3A_1840, %swap3A_1841] {strides = array<i32>} : memref<4x104x128xf32, #tpu.memory_space<vmem>>, vector<1x1x16xf32>,
        %swap3A_1843 = vector.shape_cast %swap3A_1842 : vector<1x1x16xf32> to vector<16xf32>
        %swap3A_1844 = vector.shape_cast %broadcast_in_dim3A_1820 : vector<16xf32> to vector<1x1x16xf32>
        tpu.vector_store %arg6[%swap3A_1839, %swap3A_1840, %swap3A_1841], %swap3A_1844 {strides = array<i32>} : memref<4x104x128xf32, #tpu.memory_space<vmem>>, vector<1x1x16xf32>,
        %swap3A_1845 = arith.constant 3 : i32
        %swap3A_1846 = arith.index_cast %swap3A_1845 : i32 to index
        %swap3A_1847 = arith.index_cast %add3A_1837 : i32 to index
        %swap3A_1848 = arith.constant 16 : index
        %swap3A_1849 = tpu.vector_load %arg6[%swap3A_1846, %swap3A_1847, %swap3A_1848] {strides = array<i32>} : memref<4x104x128xf32, #tpu.memory_space<vmem>>, vector<1x1x16xf32>,
        %swap3A_1850 = vector.shape_cast %swap3A_1849 : vector<1x1x16xf32> to vector<16xf32>
        %swap3A_1851 = vector.shape_cast %broadcast_in_dim3A_1820 : vector<16xf32> to vector<1x1x16xf32>
        tpu.vector_store %arg6[%swap3A_1846, %swap3A_1847, %swap3A_1848], %swap3A_1851 {strides = array<i32>} : memref<4x104x128xf32, #tpu.memory_space<vmem>>, vector<1x1x16xf32>,
        %swap3A_1852 = arith.constant 3 : i32
        %swap3A_1853 = arith.index_cast %swap3A_1852 : i32 to index
        %swap3A_1854 = arith.index_cast %add3A_1837 : i32 to index
        %swap3A_1855 = arith.constant 32 : index
        %swap3A_1856 = tpu.vector_load %arg6[%swap3A_1853, %swap3A_1854, %swap3A_1855] {strides = array<i32>} : memref<4x104x128xf32, #tpu.memory_space<vmem>>, vector<1x1x16xf32>,
        %swap3A_1857 = vector.shape_cast %swap3A_1856 : vector<1x1x16xf32> to vector<16xf32>
        %swap3A_1858 = vector.shape_cast %broadcast_in_dim3A_1820 : vector<16xf32> to vector<1x1x16xf32>
        tpu.vector_store %arg6[%swap3A_1853, %swap3A_1854, %swap3A_1855], %swap3A_1858 {strides = array<i32>} : memref<4x104x128xf32, #tpu.memory_space<vmem>>, vector<1x1x16xf32>,
        %swap3A_1859 = arith.constant 3 : i32
        %swap3A_1860 = arith.index_cast %swap3A_1859 : i32 to index
        %swap3A_1861 = arith.index_cast %add3A_1837 : i32 to index
        %swap3A_1862 = arith.constant 48 : index
        %swap3A_1863 = tpu.vector_load %arg6[%swap3A_1860, %swap3A_1861, %swap3A_1862] {strides = array<i32>} : memref<4x104x128xf32, #tpu.memory_space<vmem>>, vector<1x1x16xf32>,
        %swap3A_1864 = vector.shape_cast %swap3A_1863 : vector<1x1x16xf32> to vector<16xf32>
        %swap3A_1865 = vector.shape_cast %broadcast_in_dim3A_1820 : vector<16xf32> to vector<1x1x16xf32>
        tpu.vector_store %arg6[%swap3A_1860, %swap3A_1861, %swap3A_1862], %swap3A_1865 {strides = array<i32>} : memref<4x104x128xf32, #tpu.memory_space<vmem>>, vector<1x1x16xf32>,
        %swap3A_1866 = arith.constant 3 : i32
        %swap3A_1867 = arith.index_cast %swap3A_1866 : i32 to index
        %swap3A_1868 = arith.index_cast %add3A_1837 : i32 to index
        %swap3A_1869 = arith.constant 64 : index
        %swap3A_1870 = tpu.vector_load %arg6[%swap3A_1867, %swap3A_1868, %swap3A_1869] {strides = array<i32>} : memref<4x104x128xf32, #tpu.memory_space<vmem>>, vector<1x1x16xf32>,
        %swap3A_1871 = vector.shape_cast %swap3A_1870 : vector<1x1x16xf32> to vector<16xf32>
        %swap3A_1872 = vector.shape_cast %broadcast_in_dim3A_1820 : vector<16xf32> to vector<1x1x16xf32>
        tpu.vector_store %arg6[%swap3A_1867, %swap3A_1868, %swap3A_1869], %swap3A_1872 {strides = array<i32>} : memref<4x104x128xf32, #tpu.memory_space<vmem>>, vector<1x1x16xf32>,
        %swap3A_1873 = arith.constant 3 : i32
        %swap3A_1874 = arith.index_cast %swap3A_1873 : i32 to index
        %swap3A_1875 = arith.index_cast %add3A_1837 : i32 to index
        %swap3A_1876 = arith.constant 80 : index
        %swap3A_1877 = tpu.vector_load %arg6[%swap3A_1874, %swap3A_1875, %swap3A_1876] {strides = array<i32>} : memref<4x104x128xf32, #tpu.memory_space<vmem>>, vector<1x1x16xf32>,
        %swap3A_1878 = vector.shape_cast %swap3A_1877 : vector<1x1x16xf32> to vector<16xf32>
        %swap3A_1879 = vector.shape_cast %broadcast_in_dim3A_1820 : vector<16xf32> to vector<1x1x16xf32>
        tpu.vector_store %arg6[%swap3A_1874, %swap3A_1875, %swap3A_1876], %swap3A_1879 {strides = array<i32>} : memref<4x104x128xf32, #tpu.memory_space<vmem>>, vector<1x1x16xf32>,
        %swap3A_1880 = arith.constant 3 : i32
        %swap3A_1881 = arith.index_cast %swap3A_1880 : i32 to index
        %swap3A_1882 = arith.index_cast %add3A_1837 : i32 to index
        %swap3A_1883 = arith.constant 96 : index
        %swap3A_1884 = tpu.vector_load %arg6[%swap3A_1881, %swap3A_1882, %swap3A_1883] {strides = array<i32>} : memref<4x104x128xf32, #tpu.memory_space<vmem>>, vector<1x1x16xf32>,
        %swap3A_1885 = vector.shape_cast %swap3A_1884 : vector<1x1x16xf32> to vector<16xf32>
        %swap3A_1886 = vector.shape_cast %broadcast_in_dim3A_1820 : vector<16xf32> to vector<1x1x16xf32>
        tpu.vector_store %arg6[%swap3A_1881, %swap3A_1882, %swap3A_1883], %swap3A_1886 {strides = array<i32>} : memref<4x104x128xf32, #tpu.memory_space<vmem>>, vector<1x1x16xf32>,
        %swap3A_1887 = arith.constant 3 : i32
        %swap3A_1888 = arith.index_cast %swap3A_1887 : i32 to index
        %swap3A_1889 = arith.index_cast %add3A_1837 : i32 to index
        %swap3A_1890 = arith.constant 112 : index
        %swap3A_1891 = tpu.vector_load %arg6[%swap3A_1888, %swap3A_1889, %swap3A_1890] {strides = array<i32>} : memref<4x104x128xf32, #tpu.memory_space<vmem>>, vector<1x1x16xf32>,
        %swap3A_1892 = vector.shape_cast %swap3A_1891 : vector<1x1x16xf32> to vector<16xf32>
        %swap3A_1893 = vector.shape_cast %broadcast_in_dim3A_1820 : vector<16xf32> to vector<1x1x16xf32>
        tpu.vector_store %arg6[%swap3A_1888, %swap3A_1889, %swap3A_1890], %swap3A_1893 {strides = array<i32>} : memref<4x104x128xf32, #tpu.memory_space<vmem>>, vector<1x1x16xf32>,
      }
      %scan3A_1825 = arith.constant 104 : i32
      %add3A_1826 = arith.constant 4 : i32
      %add3A_1827 = arith.addi %add3A_1414, %add3A_1826 : i32
      %lt3A_1828 = arith.constant 128 : i32
      %lt3A_1829 = arith.cmpi slt, %add3A_1827, %lt3A_1828 : i32
      %convert_element_type3A_1830 = arith.extui %lt3A_1829 : i1 to i32
      %cond3A_1831 = arith.constant 0 : i32
      %cond3A_1832 = arith.cmpi ne, %convert_element_type3A_1830, %cond3A_1831 : i32
      scf.if %cond3A_1832 {
        %add3A_1833 = arith.constant 4 : i32
        %add3A_1834 = arith.addi %add3A_1414, %add3A_1833 : i32
        %mul3A_1835 = arith.constant 200 : i32
        %mul3A_1836 = arith.muli %add3A_1834, %mul3A_1835 : i32
        %multiple_of3A_1837 = tpu.assume_multiple %mul3A_1836, 8 : i32
        %add3A_1838 = arith.constant 0 : i32
        %add3A_1839 = arith.addi %multiple_of3A_1837, %add3A_1838 : i32
        %dma_start3A_1840 = arith.constant 3 : i32
        %dma_start3A_1841 = arith.constant 0 : i32
        %dma_start3A_1842 = arith.constant 0 : i32
        %dma_start3A_1843 = tpu.memref_slice %arg6[%dma_start3A_1840, %dma_start3A_1841, %dma_start3A_1842] : memref<4x104x128xf32, #tpu.memory_space<vmem>> -> memref<1x104x128xf32, #tpu.memory_space<vmem>>
        %dma_start3A_1844 = tpu.memref_squeeze %dma_start3A_1843 : memref<1x104x128xf32, #tpu.memory_space<vmem>> -> memref<104x128xf32, #tpu.memory_space<vmem>>
        %dma_start3A_1845 = arith.constant 0 : i32
        %dma_start3A_1846 = arith.constant 0 : i32
        %dma_start3A_1847 = tpu.memref_slice %dma_start3A_1844[%dma_start3A_1845, %dma_start3A_1846] : memref<104x128xf32, #tpu.memory_space<vmem>> -> memref<104x128xf32, #tpu.memory_space<vmem>>
        %dma_start3A_1848 = tpu.memref_slice %arg5[%add3A_1839] : memref<25600xi32, #tpu.memory_space<vmem>> -> memref<104xi32, #tpu.memory_space<vmem>>
        %dma_start3A_1849 = arith.constant 0 : i32
        %dma_start3A_1850 = arith.constant 0 : i32
        %dma_start3A_1851 = tpu.memref_slice %arg2[%dma_start3A_1849, %dma_start3A_1850] : memref<100000x128xf32, #tpu.memory_space<hbm>> -> memref<100000x128xf32, #tpu.memory_space<hbm>>
        tpu.enqueue_indirect_dma source(%dma_start3A_1851 : memref<100000x128xf32, #tpu.memory_space<hbm>>) target(%dma_start3A_1847 : memref<104x128xf32, #tpu.memory_space<vmem>>) offsets(%dma_start3A_1848 : memref<104xi32, #tpu.memory_space<vmem>>) semaphore(%arg11 : memref<!tpu.dma_semaphore, #tpu.memory_space<semaphore_mem>>) {add = true}
        %add3A_1852 = arith.constant 104 : i32
        %add3A_1853 = arith.addi %multiple_of3A_1837, %add3A_1852 : i32
        %dma_start3A_1854 = arith.constant 3 : i32
        %dma_start3A_1855 = arith.constant 0 : i32
        %dma_start3A_1856 = arith.constant 0 : i32
        %dma_start3A_1857 = tpu.memref_slice %arg6[%dma_start3A_1854, %dma_start3A_1855, %dma_start3A_1856] : memref<4x104x128xf32, #tpu.memory_space<vmem>> -> memref<1x104x128xf32, #tpu.memory_space<vmem>>
        %dma_start3A_1858 = tpu.memref_squeeze %dma_start3A_1857 : memref<1x104x128xf32, #tpu.memory_space<vmem>> -> memref<104x128xf32, #tpu.memory_space<vmem>>
        %dma_start3A_1859 = arith.constant 0 : i32
        %dma_start3A_1860 = arith.constant 0 : i32
        %dma_start3A_1861 = tpu.memref_slice %dma_start3A_1858[%dma_start3A_1859, %dma_start3A_1860] : memref<104x128xf32, #tpu.memory_space<vmem>> -> memref<96x128xf32, #tpu.memory_space<vmem>>
        %dma_start3A_1862 = tpu.memref_slice %arg5[%add3A_1853] : memref<25600xi32, #tpu.memory_space<vmem>> -> memref<96xi32, #tpu.memory_space<vmem>>
        %dma_start3A_1863 = arith.constant 0 : i32
        %dma_start3A_1864 = arith.constant 0 : i32
        %dma_start3A_1865 = tpu.memref_slice %arg2[%dma_start3A_1863, %dma_start3A_1864] : memref<100000x128xf32, #tpu.memory_space<hbm>> -> memref<100000x128xf32, #tpu.memory_space<hbm>>
        tpu.enqueue_indirect_dma source(%dma_start3A_1865 : memref<100000x128xf32, #tpu.memory_space<hbm>>) target(%dma_start3A_1861 : memref<96x128xf32, #tpu.memory_space<vmem>>) offsets(%dma_start3A_1862 : memref<96xi32, #tpu.memory_space<vmem>>) semaphore(%arg11 : memref<!tpu.dma_semaphore, #tpu.memory_space<semaphore_mem>>) {add = true}
      } else {
      }
    }
    %scan3A_153 = arith.constant 32 : i32
    "tpu.region"() ({
      %run_scoped3A = tpu.sem_alloc : memref<!tpu.dma_semaphore, #tpu.memory_space<semaphore_mem>>
      %dma_start3A_154 = arith.constant 0 : i32
      %dma_start3A_155 = tpu.memref_slice %arg4[%mul3A_2, %dma_start3A_154] : memref<4096x128xf32, #tpu.memory_space<hbm>> -> memref<128x128xf32, #tpu.memory_space<hbm>>
      %dma_start3A_156 = arith.constant 0 : i32
      %dma_start3A_157 = tpu.memref_slice %arg4[%mul3A_2, %dma_start3A_156] : memref<4096x128xf32, #tpu.memory_space<hbm>> -> memref<128x128xf32, #tpu.memory_space<hbm>>
      tpu.enqueue_dma source(%arg7 : memref<128x128xf32, #tpu.memory_space<vmem>>) target(%dma_start3A_157 : memref<128x128xf32, #tpu.memory_space<hbm>>) target_semaphore(%run_scoped3A : memref<!tpu.dma_semaphore, #tpu.memory_space<semaphore_mem>>)
      %dma_wait3A = arith.constant 0 : i32
      %dma_wait3A_158 = tpu.memref_slice %arg4[%mul3A_2, %dma_wait3A] : memref<4096x128xf32, #tpu.memory_space<hbm>> -> memref<128x128xf32, #tpu.memory_space<hbm>>
      %dma_wait3A_159 = arith.constant 0 : i32
      %dma_wait3A_160 = tpu.memref_slice %arg4[%mul3A_2, %dma_wait3A_159] : memref<4096x128xf32, #tpu.memory_space<hbm>> -> memref<128x128xf32, #tpu.memory_space<hbm>>
      tpu.wait_dma2 semaphore(%run_scoped3A : memref<!tpu.dma_semaphore, #tpu.memory_space<semaphore_mem>>) src(%arg7 : memref<128x128xf32, #tpu.memory_space<vmem>>) dst(%dma_wait3A_160 : memref<128x128xf32, #tpu.memory_space<hbm>>)
      tpu.yield
    }) : () -> ()
    return
  }
}

</mosaic_0001>

<sc_bundles>
// kernel: kernel.3.cloned.1.call-start
scs
__scs_entry_jumppad:
0x0: {  	(pc) =	sbr.rel $0x88, $3  }
0x1: {  	(tag) =	ssettag $0x0;
	lr =	simm.s32 $0x1  }
0x2: {  	[smem:$0x3F9F] =	sst lr;
	_ =	strace $0xD0000000  }
0x3: {  	_ = 	snop  }
0x4: {  	_ = 	snop  }
0x5: {  	_ = 	snop  }
0x6: {  	_ = 	snop  }
0x7: {  	_ = 	snop  }
__scs_overlays_trampoline_lowered:
0x8: {  	[smem:$0x3FAE] =	sst s0  }
0x9: {  	[smem:$0x3FAF] =	sst s1  }
0xa: {  	[smem:$0x3FB0] =	sst s2  }
0xb: {  	[smem:$0x3FB1] =	sst s3  }
0xc: {  	[smem:$0x3FB2] =	sst s4  }
0xd: {  	[smem:$0x3FB3] =	sst s5  }
0xe: {  	[smem:$0x3FB4] =	sst s6  }
0xf: {  	[smem:$0x3FB5] =	sst s7  }
0x10: {  	[smem:$0x3FB6] =	sst s8  }
0x11: {  	[smem:$0x3FB7] =	sst s9;
	s0 =	simm.s32 @!p0 $0x0  }
0x12: {  	s1 =	sld [smem:$0x3F9D];
	s0 =	simm.s32 @p0 $0x1  }
0x13: {  	[smem:$0x3FB8] =	sst s0;
	s0 =	simm.s32 @!p1 $0x0  }
0x14: {  	s2 =	sld [smem:$0x3F9C];
	s0 =	simm.s32 @p1 $0x1  }
0x15: {  	[smem:$0x3FB9] =	sst s0;
	s0 =	simm.s32 @!p2 $0x0  }
0x16: {  	s3 =	sld [smem:$0x3FDB];
	s0 =	simm.s32 @p2 $0x1  }
0x17: {  	s4 =	simm.s32 $0x1BF5;
	[smem:$0x3FBB] =	sst s0  }
0x18: {  	s0 =	sld [smem:$0x3F9E];
	_ =	swait.ge [sflag:s4], $0x0  }
0x19: {  	s7 =	sld [smem:$0x3F9F]  }
0x1a: {  	s8 =	sadd.s32 $0xFFFFE003, lr  }
0x1b: {  	s9 =	sadd.s32 $0xFFFFFEF7, lr;
	s5 =	simm.s32 $0xFFFFFFFF;
	p2 =	slt.u32 s8, $0xFFFFF086  }
0x1c: {  	p1 =	slt.u32 s9, $0xF7A;
	s5 =	simm.s32 @!p2 $0x0  }
0x1d: {  	s5 =	simm.s32 @p1 $0x1;
	p0 =	seq.s32 s7, s2  }
0x1e: {  	s7 =	smul.u32 @!p0 $0xF7A, s2;
	p2 =	seq.s32 @!p0 s5, $0x0  }
0x1f: {  	s9 =	smul.u32 $0xF7A, s1;
	s8 =	simm.s32 @!p0 $0x1BF5;
	p2 =	por !p2, p0  }
0x20: {  	[sflag:s8] =	ssyncset.s32 @!p0 $0xFFFFF086;
	s6 =	sadd.s32 @!p0 s3, s7;
	s7 =	simm.s32 @!p0 $0x108  }
0x21: {  	s3 =	sadd.s32 s3, s9;
	s6 =	sadd.s32 @!p0 $0x88, s6;
	s7 =	simm.s32 @p2 $0x1082  }
0x22: {  	[simem:s7], [sflag:s8] =	dma.local @!p0 [hbm:s6], $0xF7A  }
0x23: {  	s9 =	sor.u32 $0xD0000000, s2;
	s6 =	simm.s32 $0x108;
	_ =	swait.ge @!p0 [sflag:s8], $0x0  }
0x24: {  	s3 =	sadd.s32 $0x88, s3;
	s6 =	simm.s32 @!p1 $0x1082;
	[sflag:s4] =	ssyncset.s32 $0xFFFFF086  }
0x25: {  	[simem:s6], [sflag:s4] =	dma.local [hbm:s3], $0xF7A  }
0x26: {  	[smem:$0x3F9F] =	sst s1;
	(tag) =	ssettag s2;
	_ =	strace s9  }
0x27: {  	s1 =	sld [smem:$0x3FAF]  }
0x28: {  	s2 =	sld [smem:$0x3FB0]  }
0x29: {  	s4 =	sld [smem:$0x3FB2]  }
0x2a: {  	p0 =	seq.s32 s5, $0x0;
	s5 =	sld [smem:$0x3FB3]  }
0x2b: {  	s6 =	sld [smem:$0x3FB4]  }
0x2c: {  	s7 =	sld [smem:$0x3FB5]  }
0x2d: {  	s3 =	simm.s32 $0x108;
	s8 =	sld [smem:$0x3FB6]  }
0x2e: {  	s3 =	simm.s32 @!p0 $0x1082;
	s9 =	sld [smem:$0x3FB7]  }
0x2f: {  	lr =	sadd.s32 s0, s3;
	s0 =	sld [smem:$0x3FAE]  }
0x30: {  	s3 =	sld [smem:$0x3FB1]  }
0x31: {  	[smem:$0x3FBA] =	sst s10  }
0x32: {  	s10 =	sld [smem:$0x3FB8];
	_ =	sdelay $0x3  }
0x33: {  	p0 =	seq.s32 s10, $0x1;
	s10 =	sld [smem:$0x3FBA];
	_ =	sdelay $0x3  }
0x34: {  	[smem:$0x3FBA] =	sst s10  }
0x35: {  	s10 =	sld [smem:$0x3FB9];
	_ =	sdelay $0x3  }
0x36: {  	p1 =	seq.s32 s10, $0x1;
	s10 =	sld [smem:$0x3FBA];
	_ =	sdelay $0x3  }
0x37: {  	[smem:$0x3FBA] =	sst s10  }
0x38: {  	s10 =	sld [smem:$0x3FBB]  }
0x39: {  	_ = 	snop;
	(pc) =	sbr.ind lr, $3  }
0x3a: {  	_ = 	snop  }
0x3b: {  	_ = 	snop  }
0x3c: {  	p2 =	seq.s32 s10, $0x1;
	s10 =	sld [smem:$0x3FBA]  }
0x3d: {  	_ =	shalt  }
0x3e: {  	_ =	shalt  }
0x3f: {  	_ =	shalt  }
0x40: {  	_ =	shalt  }
0x41: {  	_ =	shalt  }
0x42: {  	_ =	shalt  }
0x43: {  	_ =	shalt  }
0x44: {  	_ =	shalt  }
0x45: {  	_ =	shalt  }
0x46: {  	_ =	shalt  }
0x47: {  	_ =	shalt  }
0x48: {  	_ =	shalt  }
0x49: {  	_ =	shalt  }
0x4a: {  	_ =	shalt  }
0x4b: {  	_ =	shalt  }
0x4c: {  	_ =	shalt  }
0x4d: {  	_ =	shalt  }
0x4e: {  	_ =	shalt  }
0x4f: {  	_ =	shalt  }
0x50: {  	_ =	shalt  }
0x51: {  	_ =	shalt  }
0x52: {  	_ =	shalt  }
0x53: {  	_ =	shalt  }
0x54: {  	_ =	shalt  }
0x55: {  	_ =	shalt  }
0x56: {  	_ =	shalt  }
0x57: {  	_ =	shalt  }
0x58: {  	_ =	shalt  }
0x59: {  	_ =	shalt  }
0x5a: {  	_ =	shalt  }
0x5b: {  	_ =	shalt  }
0x5c: {  	_ =	shalt  }
0x5d: {  	_ =	shalt  }
0x5e: {  	_ =	shalt  }
0x5f: {  	_ =	shalt  }
0x60: {  	_ =	shalt  }
0x61: {  	_ =	shalt  }
0x62: {  	_ =	shalt  }
0x63: {  	_ =	shalt  }
0x64: {  	_ =	shalt  }
0x65: {  	_ =	shalt  }
0x66: {  	_ =	shalt  }
0x67: {  	_ =	shalt  }
0x68: {  	_ =	shalt  }
0x69: {  	_ =	shalt  }
0x6a: {  	_ =	shalt  }
0x6b: {  	_ =	shalt  }
0x6c: {  	_ =	shalt  }
0x6d: {  	_ =	shalt  }
0x6e: {  	_ =	shalt  }
0x6f: {  	_ =	shalt  }
0x70: {  	_ =	shalt  }
0x71: {  	_ =	shalt  }
0x72: {  	_ =	shalt  }
0x73: {  	_ =	shalt  }
0x74: {  	_ =	shalt  }
0x75: {  	_ =	shalt  }
0x76: {  	_ =	shalt  }
0x77: {  	_ =	shalt  }
0x78: {  	_ =	shalt  }
0x79: {  	_ =	shalt  }
0x7a: {  	_ =	shalt  }
0x7b: {  	_ =	shalt  }
0x7c: {  	_ =	shalt  }
0x7d: {  	_ =	shalt  }
0x7e: {  	_ =	shalt  }
0x7f: {  	_ =	shalt  }
0x80: {  	_ =	shalt  }
0x81: {  	_ =	shalt  }
0x82: {  	_ =	shalt  }
0x83: {  	_ =	shalt  }
0x84: {  	_ =	shalt  }
0x85: {  	_ =	shalt  }
0x86: {  	_ =	shalt  }
0x87: {  	_ =	shalt  }
.Lfunc_end0:
.L_simem_size_0:
called_computation_lowered:
.L_overlay_start_0:
0x88: {  	s2 =	sld [smem:$0x3FD9]  }
0x89: {  	s3 =	sld [smem:$0x3FFE];
	_ =	sdelay $0x1  }
0x8a: {  	s1 =	srdreg.scid  }
0x8b: {  	s0 =	sand.u32 $0x1, s1  }
0x8c: {  	s17 =	sshll.u32 s0, $0xA;
	s2 =	sadd.s32 s3, s2  }
0x8d: {  	s2 =	sadd.s32 s2, s17  }
0x8e: {  	[smem:$0x3FC6] =	sst s2  }
0x8f: {  	_ = 	snop  }
0x90: {  	s2 =	sld [smem:$0x3FC8]  }
0x91: {  	s18 =	sld [smem:$0x3FD0];
	(tm) =	ssettm $0x1  }
0x92: {  	s4 =	sld [smem:$0x3FFB];
	_ =	sdelay $0x3  }
0x93: {  	_ =	strace s4  }
0x94: {  	s4 =	sld [smem:$0x3FFC];
	_ =	sdelay $0x3  }
0x95: {  	_ =	strace s4  }
0x96: {  	s4 =	sld [smem:$0x3FFD];
	_ =	sdelay $0x3  }
0x97: {  	_ =	strace s4  }
0x98: {  	_ =	strace $0x8FFFFFFF  }
0x99: {  	s19 =	sld [smem:$0x3FDB];
	_ =	sdelay $0x1  }
0x9a: {  	s5 =	simm.s32 $_scs_section_size  }
0x9b: {  	s6 =	simm.s32 $_size__tile_overlayer_lowered;
	s7 =	simm.s32 $_tile_overlayer_lowered  }
0x9c: {  	s22 =	simm.s32 $0x1BFF;
	s21 =	sshll.u32 s7, $0x1;
	s4 =	sadd.s32 s5, s19  }
0x9d: {  	s8 =	simm.s32 $0x0;
	s20 =	sshll.u32 s6, $0x1;
	s6 =	sadd.s32 s21, s4  }
0x9e: {  	[timem:s8], [sflag:s22] =	dma.local [hbm:s6], s20  }
0x9f: {  	_ =	swait.ge [sflag:s22], s20  }
0xa0: {  	s5 =	ssub.s32 $0x0, s20;
	[sflag:s22] =	ssyncset.done $0x0  }
0xa1: {  	[sflag:s22] =	ssyncadd.s32 s5;
	_ =	sdelay $0x1  }
0xa2: {  	s23 =	simm.s32 $0x1B8B  }
0xa3: {  	_ =	swait.ge [sflag:s23], $0x1  }
0xa4: {  	[sflag:s23] =	ssyncset.done $0x0  }
0xa5: {  	s25 =	simm.s32 $0x1B8E;
	s24 =	sld [smem:$0x3FFE];
	[sflag:s23] =	ssyncadd.s32 $0xFFFFFFFF  }
0xa6: {  	s26 =	simm.s32 $execute0_lowered;
	[smem:$0x3FD2] =	sst s25  }
0xa7: {  	s6 =	sshll.u32 s26, $0x1;
	_ =	strace $0x80000046;
	[dreg:$0x1] =	wrdreg $0xFFFFFFFF  }
0xa8: {  	s28 =	simm.s32 $_size_execute0_lowered;
	s4 =	sadd.s32 s4, s6;
	[dreg:$0x0] =	wrdreg $0x0  }
0xa9: {  	s6 =	sshll.u32 s28, $0x1;
	[dreg:$0x2] =	wrdreg s4  }
0xaa: {  	[dreg:$0x3] =	wrdreg s6  }
0xab: {  	[dreg:$0x4] =	wrdreg $0xC0  }
0xac: {  	_ =	task [dreg:s8], $0x5FFFF  }
0xad: {  	[dreg:$0x1] =	wrdreg $0xFFFFFFFF  }
0xae: {  	[dreg:$0x0] =	wrdreg $0x60  }
0xaf: {  	[dreg:$0x2] =	wrdreg s2  }
0xb0: {  	[dreg:$0x3] =	wrdreg s24  }
0xb1: {  	[dreg:$0x4] =	wrdreg s18  }
0xb2: {  	[dreg:$0x5] =	wrdreg $0x9  }
0xb3: {  	_ =	task.clear_ibuf [dreg:s8], $0x6FFFF;
	_ =	strace $0x90000046  }
0xb4: {  	s29 =	simm.s32 $0x9;
	_ =	strace $0x80000048  }
0xb5: {  	_ =	swait.ge [sflag:s29], $0x1  }
0xb6: {  	[sflag:s29] =	ssyncadd.s32 $0xFFFFFFFF  }
0xb7: {  	_ =	strace $0x90000048  }
0xb8: {  	_ =	sfence  }
0xb9: {  	s30 =	sld [smem:$0x0];
	_ =	sdelay $0x2  }
0xba: {  	s31 =	sshll.u32 s1, $0xD;
	s1 =	sshrl.u32 s1, $0x2  }
0xbb: {  	s3 =	sand.u32 $0x4000, s31;
	s1 =	sadd.s32 s1, s30  }
0xbc: {  	s0 =	sor.u32 s3, s0;
	s1 =	sshll.u32 s1, $0x11  }
0xbd: {  	s0 =	sor.u32 s1, s0  }
0xbe: {  	s0 =	sadd.s32 $0x8F2B, s0  }
0xbf: {  	[sflag:s0] =	ssyncadd.remote.s32 $0x1  }
0xc0: {  	_ =	sfence.sel $0xFFFF  }
0xc1: {  	[dreg:$0x0] =	wrdreg $0xFFFFFFFF;
	(pc) =	sbr.abs _section_cstart, $3  }
0xc2: {  	[dreg:$0x1] =	wrdreg $0xFFFFFFFF  }
0xc3: {  	_ =	task.clear_ibuf [dreg:s8], $0x2FFFF;
	_ =	strace $0x9FFFFFFF  }
0xc4: {  	(tm) =	ssettm $0x7FFFFFFF  }
0xc5: {  	_ =	shalt  }
tec
execute0_lowered:
.L_overlay_start_1:
0x0: {  	(tag) =	ssettag $0x1  }
0x1: {  	s1 =	rddreg [dreg:$0x0]  }
0x2: {  	s5 =	rddreg [dreg:$0x1]  }
0x3: {  	s0 =	srdreg.scid;
	s6 =	rddreg [dreg:$0x2]  }
0x4: {  	s3 =	simm.s32 $0x0;
	s9 =	simm.s32 $0x6400;
	s10 =	simm.s32 $0x60  }
0x5: {  	s11 =	simm.s32 $0xC8;
	s12 =	simm.s32 $0x9800;
	s13 =	simm.s32 $0x130  }
0x6: {  	s14 =	simm.s32 $0x190;
	s15 =	simm.s32 $0xCC00;
	s16 =	simm.s32 $0x1F8  }
0x7: {  	s17 =	simm.s32 $0x258;
	s18 =	simm.s32 $0x10000;
	s4 =	sand.u32 $0x1, s0  }
0x8: {  	s19 =	simm.s32 $0x2C0;
	s0 =	stileid.u32;
	s2 =	sshll.u32 s4, $0x4  }
0x9: {  	s20 =	simm.s32 $0x1;
	s21 =	simm.s32 $0x2;
	s7 =	sor.u32 s0, s2  }
0xa: {  	s22 =	simm.s32 $0x3;
	s23 =	simm.s32 $0x4;
	s8 =	smul.u32 $0xC80, s7  }
.Ltmp0:
0xb: {  	s24 =	simm.s32 $0x13400;
	[smem:$0x7FF] =	sst s3;
	(pc) =	sbr.rel .LBB2_1-.Ltmp0, $4  }
0xc: {  	s25 =	simm.s32 $0x0;
	s4 =	ssub.s32 $0x2, s4;
	_ =	strace $0x80000047  }
0xd: {  	s30 =	sshrl.u32 s4, $0x1;
	s31 =	sshll.u32 s7, $0xB;
	s5 =	sadd.s32 s8, s5  }
0xe: {  	s7 =	simm.s32 $0x5;
	s8 =	ssub.s32 s4, s30;
	s4 =	sadd.s32 $0x400, s5  }
0xf: {  	v0 =	vimm.f32 $0.0e+00;
	s5 =	sadd.s32 s6, s31;
	s6 =	smax.u32 s8, $0x1;
	s8 =	simm.s32 $0x68  }
.LBB2_28:
0x10: {  	s25 =	sadd.s32 $0x1, s25  }
0x11: {  	p0 =	sne.s32 s25, s6  }
.Ltmp1:
0x12: {  	_ = 	snop;
	(pc) =	sbr.rel @!p0 .LBB2_29-.Ltmp1, $4  }
0x13: {  	[hbm4b:s5+s3] =	stream.linear.scatter [tilespmem:s24], [sflag:$0x5], $0x4000, $0x38;
	[tilespmem:$0x17400] =	vst v63  }
0x14: {  	_ =	swait.ge [sflag:s7], $0x4000  }
0x15: {  	[sflag:s7] =	ssyncset.done $0x0  }
0x16: {  	[sflag:s7] =	ssyncadd.s32 $0xFFFFC000  }
.LBB2_1:
0x17: {  	[tilespmem:s3], [sflag:$0x5] =	stream.linear.gather [hbm4b:s4+s3], $0x6400, $0x38;
	[tilespmem:$0x17400] =	vst v63  }
0x18: {  	_ =	swait.ge [sflag:s7], $0x6400  }
0x19: {  	[sflag:s7] =	ssyncset.done $0x0  }
0x1a: {  	s26 =	simm.s32 $0x0;
	s28 =	simm.s32 $0x200;
	[sflag:s7] =	ssyncadd.s32 $0xFFFF9C00  }
.LBB2_2:
0x1b: {  	p0 =	sne.s32 s28, $0xCE00;
	[tilespmem:s26+$0x6470] =	vst v0  }
0x1c: {  	[tilespmem:s26+$0x6400] =	vst v0  }
0x1d: {  	[tilespmem:s26+$0x6410] =	vst v0  }
.Ltmp2:
0x1e: {  	[tilespmem:s26+$0x6420] =	vst v0;
	(pc) =	sbr.rel @p0 .LBB2_2-.Ltmp2, $4  }
0x1f: {  	[tilespmem:s26+$0x6430] =	vst v0  }
0x20: {  	[tilespmem:s26+$0x6440] =	vst v0  }
0x21: {  	[tilespmem:s26+$0x6450] =	vst v0  }
0x22: {  	[tilespmem:s26+$0x6460] =	vst v0;
	s26 =	sshra.s32 s28, $0x2;
	s28 =	sadd.s32 $0x200, s28  }
0x23: {  	[tilespmem:s26+$0x6470] =	vst v0  }
0x24: {  	[tilespmem:s26+$0x6400] =	vst v0  }
0x25: {  	[tilespmem:s26+$0x6410] =	vst v0  }
0x26: {  	[tilespmem:s26+$0x6420] =	vst v0  }
0x27: {  	[tilespmem:s26+$0x6430] =	vst v0  }
0x28: {  	[tilespmem:s26+$0x6440] =	vst v0  }
0x29: {  	[tilespmem:s26+$0x6450] =	vst v0  }
0x2a: {  	[tilespmem:s26+$0x6460] =	vst v0;
	s31 =	simm.s32 $0x0  }
0x2b: {  	[tilespmem:s9], [sflag:$0x1] =	stream.indirect.gather.add.f32 [hbm:s1], $0x80, s31, s8, $0xb8;
	[tilespmem:$0x17400] =	vst v63  }
0x2c: {  	s26 =	simm.s32 $0x0;
	s28 =	simm.s32 $0x200  }
0x2d: {  	[tilespmem:s9], [sflag:$0x1] =	stream.indirect.gather.add.f32 [hbm:s1], $0x80, s8, s10, $0xb8;
	[tilespmem:$0x17400] =	vst v63  }
.LBB2_4:
0x2e: {  	p0 =	sne.s32 s28, $0xCE00;
	[tilespmem:s26+$0x9870] =	vst v0  }
0x2f: {  	[tilespmem:s26+$0x9800] =	vst v0  }
0x30: {  	[tilespmem:s26+$0x9810] =	vst v0  }
.Ltmp3:
0x31: {  	[tilespmem:s26+$0x9820] =	vst v0;
	(pc) =	sbr.rel @p0 .LBB2_4-.Ltmp3, $4  }
0x32: {  	[tilespmem:s26+$0x9830] =	vst v0  }
0x33: {  	[tilespmem:s26+$0x9840] =	vst v0  }
0x34: {  	[tilespmem:s26+$0x9850] =	vst v0  }
0x35: {  	[tilespmem:s26+$0x9860] =	vst v0;
	s26 =	sshra.s32 s28, $0x2;
	s28 =	sadd.s32 $0x200, s28  }
0x36: {  	[tilespmem:s26+$0x9870] =	vst v0  }
0x37: {  	[tilespmem:s26+$0x9800] =	vst v0  }
0x38: {  	[tilespmem:s26+$0x9810] =	vst v0  }
0x39: {  	[tilespmem:s26+$0x9820] =	vst v0  }
0x3a: {  	[tilespmem:s26+$0x9830] =	vst v0  }
0x3b: {  	[tilespmem:s26+$0x9840] =	vst v0  }
0x3c: {  	[tilespmem:s26+$0x9850] =	vst v0  }
0x3d: {  	[tilespmem:s26+$0x9860] =	vst v0  }
0x3e: {  	[tilespmem:s12], [sflag:$0x2] =	stream.indirect.gather.add.f32 [hbm:s1], $0x80, s11, s8, $0xb8;
	[tilespmem:$0x17400] =	vst v63  }
0x3f: {  	s26 =	simm.s32 $0x0;
	s28 =	simm.s32 $0x200  }
0x40: {  	[tilespmem:s12], [sflag:$0x2] =	stream.indirect.gather.add.f32 [hbm:s1], $0x80, s13, s10, $0xb8;
	[tilespmem:$0x17400] =	vst v63  }
.LBB2_6:
0x41: {  	p0 =	sne.s32 s28, $0xCE00;
	[tilespmem:s26+$0xCC70] =	vst v0  }
0x42: {  	[tilespmem:s26+$0xCC00] =	vst v0  }
0x43: {  	[tilespmem:s26+$0xCC10] =	vst v0  }
.Ltmp4:
0x44: {  	[tilespmem:s26+$0xCC20] =	vst v0;
	(pc) =	sbr.rel @p0 .LBB2_6-.Ltmp4, $4  }
0x45: {  	[tilespmem:s26+$0xCC30] =	vst v0  }
0x46: {  	[tilespmem:s26+$0xCC40] =	vst v0  }
0x47: {  	[tilespmem:s26+$0xCC50] =	vst v0  }
0x48: {  	[tilespmem:s26+$0xCC60] =	vst v0;
	s26 =	sshra.s32 s28, $0x2;
	s28 =	sadd.s32 $0x200, s28  }
0x49: {  	[tilespmem:s26+$0xCC70] =	vst v0  }
0x4a: {  	[tilespmem:s26+$0xCC00] =	vst v0  }
0x4b: {  	[tilespmem:s26+$0xCC10] =	vst v0  }
0x4c: {  	[tilespmem:s26+$0xCC20] =	vst v0  }
0x4d: {  	[tilespmem:s26+$0xCC30] =	vst v0  }
0x4e: {  	[tilespmem:s26+$0xCC40] =	vst v0  }
0x4f: {  	[tilespmem:s26+$0xCC50] =	vst v0  }
0x50: {  	[tilespmem:s26+$0xCC60] =	vst v0  }
0x51: {  	[tilespmem:s15], [sflag:$0x3] =	stream.indirect.gather.add.f32 [hbm:s1], $0x80, s14, s8, $0xb8;
	[tilespmem:$0x17400] =	vst v63  }
0x52: {  	s26 =	simm.s32 $0x0;
	s28 =	simm.s32 $0x200  }
0x53: {  	[tilespmem:s15], [sflag:$0x3] =	stream.indirect.gather.add.f32 [hbm:s1], $0x80, s16, s10, $0xb8;
	[tilespmem:$0x17400] =	vst v63  }
.LBB2_8:
0x54: {  	p0 =	sne.s32 s28, $0xCE00;
	[tilespmem:s26+$0x10070] =	vst v0  }
0x55: {  	[tilespmem:s26+$0x10000] =	vst v0  }
0x56: {  	[tilespmem:s26+$0x10010] =	vst v0  }
.Ltmp5:
0x57: {  	[tilespmem:s26+$0x10020] =	vst v0;
	(pc) =	sbr.rel @p0 .LBB2_8-.Ltmp5, $4  }
0x58: {  	[tilespmem:s26+$0x10030] =	vst v0  }
0x59: {  	[tilespmem:s26+$0x10040] =	vst v0  }
0x5a: {  	[tilespmem:s26+$0x10050] =	vst v0  }
0x5b: {  	[tilespmem:s26+$0x10060] =	vst v0;
	s26 =	sshra.s32 s28, $0x2;
	s28 =	sadd.s32 $0x200, s28  }
0x5c: {  	[tilespmem:s26+$0x10070] =	vst v0  }
0x5d: {  	[tilespmem:s26+$0x10000] =	vst v0  }
0x5e: {  	[tilespmem:s26+$0x10010] =	vst v0  }
0x5f: {  	[tilespmem:s26+$0x10020] =	vst v0  }
0x60: {  	[tilespmem:s26+$0x10030] =	vst v0  }
0x61: {  	[tilespmem:s26+$0x10040] =	vst v0  }
0x62: {  	[tilespmem:s26+$0x10050] =	vst v0  }
0x63: {  	[tilespmem:s26+$0x10060] =	vst v0  }
0x64: {  	[tilespmem:s18], [sflag:$0x4] =	stream.indirect.gather.add.f32 [hbm:s1], $0x80, s17, s8, $0xb8;
	[tilespmem:$0x17400] =	vst v63  }
0x65: {  	s26 =	simm.s32 $0x0  }
0x66: {  	[tilespmem:s18], [sflag:$0x4] =	stream.indirect.gather.add.f32 [hbm:s1], $0x80, s19, s10, $0xb8;
	[tilespmem:$0x17400] =	vst v63  }
.LBB2_10:
0x67: {  	_ =	swait.ge [sflag:s20], $0x3400  }
0x68: {  	[sflag:s20] =	ssyncset.done $0x0  }
0x69: {  	[sflag:s20] =	ssyncadd.s32 $0xFFFFCC00  }
0x6a: {  	_ =	swait.ge [sflag:s20], $0x3000  }
0x6b: {  	[sflag:s20] =	ssyncset.done $0x0  }
0x6c: {  	[sflag:s20] =	ssyncadd.s32 $0xFFFFD000  }
0x6d: {  	v5 =	vld [tilespmem:$0x6400]  }
0x6e: {  	v6 =	vld [tilespmem:$0x6410]  }
0x6f: {  	v7 =	vld [tilespmem:$0x6420]  }
0x70: {  	v8 =	vld [tilespmem:$0x6430]  }
0x71: {  	v11 =	vld [tilespmem:$0x6440]  }
0x72: {  	v13 =	vld [tilespmem:$0x6450]  }
0x73: {  	v14 =	vld [tilespmem:$0x6460]  }
0x74: {  	s29 =	simm.s32 $0x6540;
	v16 =	vld [tilespmem:$0x6470]  }
0x75: {  	v10 =	vld [tilespmem:s29+$0xC0]  }
0x76: {  	v15 =	vld [tilespmem:s29+$0xD0]  }
0x77: {  	v17 =	vld [tilespmem:s29+$0xE0]  }
0x78: {  	v18 =	vld [tilespmem:s29+$0xF0]  }
0x79: {  	v1 =	vld [tilespmem:s29+$0x100]  }
0x7a: {  	v2 =	vld [tilespmem:s29+$0x110]  }
0x7b: {  	v9 =	vld [tilespmem:s29+$0x40]  }
0x7c: {  	v12 =	vld [tilespmem:s29+$0x50]  }
0x7d: {  	v19 =	vld [tilespmem:s29+$0x60]  }
0x7e: {  	v20 =	vld [tilespmem:s29+$0x70]  }
0x7f: {  	v3 =	vld [tilespmem:s29+$0x80]  }
0x80: {  	v4 =	vld [tilespmem:s29+$0x90]  }
0x81: {  	v21 =	vld [tilespmem:s29+$0xFFFFFFC0]  }
0x82: {  	v23 =	vld [tilespmem:s29+$0xFFFFFF40]  }
0x83: {  	v24 =	vld [tilespmem:s29+$0xFFFFFF50]  }
0x84: {  	v25 =	vld [tilespmem:s29+$0xFFFFFF60]  }
0x85: {  	v26 =	vld [tilespmem:s29+$0xFFFFFF70]  }
0x86: {  	v27 =	vld [tilespmem:s29+$0xFFFFFFE0]  }
0x87: {  	v63 =	vld [tilespmem:s29+$0xFFFFFFB0]  }
0x88: {  	v28 =	vld [tilespmem:s29+$0xFFFFFFF0]  }
0x89: {  	v22 =	vld [tilespmem:s29+$0xFFFFFFD0]  }
0x8a: {  	v29 =	vld [tilespmem:s29+$0x0];
	v5 =	vadd.f32 v23, v5;
	v6 =	vadd.f32 v24, v6  }
0x8b: {  	v59 =	vld [tilespmem:s29+$0x10];
	v7 =	vadd.f32 v25, v7;
	v8 =	vadd.f32 v26, v8  }
0x8c: {  	v60 =	vld [tilespmem:s29+$0xFFFFFF80];
	v16 =	vadd.f32 v63, v16;
	v5 =	vadd.f32 v21, v5  }
0x8d: {  	v61 =	vld [tilespmem:s29+$0xFFFFFF90];
	v7 =	vadd.f32 v27, v7;
	v8 =	vadd.f32 v28, v8  }
0x8e: {  	v62 =	vld [tilespmem:s29+$0xFFFFFFA0];
	v6 =	vadd.f32 v22, v6;
	v5 =	vadd.f32 v9, v5  }
0x8f: {  	v9 =	vld [tilespmem:s29+$0x20];
	v7 =	vadd.f32 v19, v7;
	v8 =	vadd.f32 v20, v8  }
0x90: {  	v6 =	vadd.f32 v12, v6;
	v12 =	vld [tilespmem:s29+$0x30];
	v5 =	vadd.f32 v10, v5  }
0x91: {  	v10 =	vld [tilespmem:s29+$0xA0];
	v7 =	vadd.f32 v17, v7;
	v8 =	vadd.f32 v18, v8  }
0x92: {  	v17 =	vadd.f32 v60, v11;
	v18 =	vadd.f32 v61, v13;
	v13 =	vld [tilespmem:s29+$0xB0]  }
0x93: {  	v6 =	vadd.f32 v15, v6;
	v15 =	vadd.f32 v62, v14;
	v11 =	vld [tilespmem:s29+$0x120]  }
0x94: {  	s28 =	simm.s32 $0x1;
	v14 =	vld [tilespmem:s29+$0x130];
	s29 =	simm.s32 $0x6740;
	v17 =	vadd.f32 v29, v17;
	v18 =	vadd.f32 v59, v18  }
.LBB2_11:
0x95: {  	v19 =	vld [tilespmem:s29+$0xC0];
	v9 =	vadd.f32 v9, v15;
	v12 =	vadd.f32 v12, v16  }
0x96: {  	v15 =	vld [tilespmem:s29+$0xD0];
	v3 =	vadd.f32 v3, v17;
	v4 =	vadd.f32 v4, v18  }
0x97: {  	v16 =	vld [tilespmem:s29+$0xE0];
	v9 =	vadd.f32 v10, v9;
	v10 =	vadd.f32 v13, v12  }
0x98: {  	v13 =	vld [tilespmem:s29+$0xF0];
	v17 =	vadd.f32 v1, v3;
	v18 =	vadd.f32 v2, v4  }
0x99: {  	v1 =	vld [tilespmem:s29+$0x100];
	v11 =	vadd.f32 v11, v9;
	v14 =	vadd.f32 v14, v10  }
0x9a: {  	v2 =	vld [tilespmem:s29+$0x110]  }
0x9b: {  	v9 =	vld [tilespmem:s29+$0x40]  }
0x9c: {  	v10 =	vld [tilespmem:s29+$0x50]  }
0x9d: {  	v12 =	vld [tilespmem:s29+$0x60]  }
0x9e: {  	v20 =	vld [tilespmem:s29+$0x70]  }
0x9f: {  	v3 =	vld [tilespmem:s29+$0x80]  }
0xa0: {  	v4 =	vld [tilespmem:s29+$0x90]  }
0xa1: {  	v21 =	vld [tilespmem:s29+$0xFFFFFFC0]  }
0xa2: {  	v22 =	vld [tilespmem:s29+$0xFFFFFFD0]  }
0xa3: {  	v23 =	vld [tilespmem:s29+$0xFFFFFF40]  }
0xa4: {  	v24 =	vld [tilespmem:s29+$0xFFFFFF50]  }
0xa5: {  	v25 =	vld [tilespmem:s29+$0xFFFFFF60]  }
0xa6: {  	v26 =	vld [tilespmem:s29+$0xFFFFFF70]  }
0xa7: {  	v27 =	vld [tilespmem:s29+$0xFFFFFFE0]  }
0xa8: {  	v28 =	vld [tilespmem:s29+$0xFFFFFFF0]  }
0xa9: {  	v29 =	vld [tilespmem:s29+$0x0]  }
0xaa: {  	v5 =	vadd.f32 v23, v5;
	v6 =	vadd.f32 v24, v6;
	v23 =	vld [tilespmem:s29+$0x10]  }
0xab: {  	v7 =	vadd.f32 v25, v7;
	v8 =	vadd.f32 v26, v8;
	v24 =	vld [tilespmem:s29+$0xFFFFFF80]  }
0xac: {  	v5 =	vadd.f32 v21, v5;
	v6 =	vadd.f32 v22, v6;
	v25 =	vld [tilespmem:s29+$0xFFFFFF90]  }
0xad: {  	v7 =	vadd.f32 v27, v7;
	v21 =	vld [tilespmem:s29+$0xFFFFFFA0];
	v8 =	vadd.f32 v28, v8  }
0xae: {  	s28 =	sadd.s32 $0x4, s28;
	v5 =	vadd.f32 v9, v5;
	v6 =	vadd.f32 v10, v6;
	v22 =	vld [tilespmem:s29+$0xFFFFFFB0]  }
0xaf: {  	p0 =	slt.u32 s28, $0x61;
	v7 =	vadd.f32 v12, v7;
	v9 =	vld [tilespmem:s29+$0x20];
	v8 =	vadd.f32 v20, v8  }
.Ltmp6:
0xb0: {  	v5 =	vadd.f32 v19, v5;
	v6 =	vadd.f32 v15, v6;
	v12 =	vld [tilespmem:s29+$0x30];
	(pc) =	sbr.rel @p0 .LBB2_11-.Ltmp6, $4  }
0xb1: {  	v7 =	vadd.f32 v16, v7;
	v10 =	vld [tilespmem:s29+$0xA0];
	v8 =	vadd.f32 v13, v8  }
0xb2: {  	v17 =	vadd.f32 v24, v17;
	v18 =	vadd.f32 v25, v18;
	v13 =	vld [tilespmem:s29+$0xB0]  }
0xb3: {  	v15 =	vadd.f32 v21, v11;
	v16 =	vadd.f32 v22, v14;
	v11 =	vld [tilespmem:s29+$0x120]  }
0xb4: {  	v17 =	vadd.f32 v29, v17;
	v18 =	vadd.f32 v23, v18;
	v14 =	vld [tilespmem:s29+$0x130];
	s29 =	sadd.s32 $0x200, s29  }
0xb5: {  	v19 =	vld [tilespmem:$0x9680]  }
0xb6: {  	v20 =	vld [tilespmem:$0x9690]  }
0xb7: {  	v21 =	vld [tilespmem:$0x96A0]  }
0xb8: {  	v22 =	vld [tilespmem:$0x96B0]  }
0xb9: {  	v23 =	vld [tilespmem:$0x96C0]  }
0xba: {  	v24 =	vld [tilespmem:$0x96D0]  }
0xbb: {  	v25 =	vld [tilespmem:$0x96E0]  }
0xbc: {  	v26 =	vld [tilespmem:$0x96F0]  }
0xbd: {  	v27 =	vld [tilespmem:$0x9700]  }
0xbe: {  	v28 =	vld [tilespmem:$0x9710]  }
0xbf: {  	v29 =	vld [tilespmem:$0x9720]  }
0xc0: {  	v9 =	vadd.f32 v9, v15;
	v12 =	vadd.f32 v12, v16;
	v45 =	vld [tilespmem:$0x9730]  }
0xc1: {  	v46 =	vld [tilespmem:$0x9740];
	v3 =	vadd.f32 v3, v17;
	v4 =	vadd.f32 v4, v18  }
0xc2: {  	v48 =	vld [tilespmem:$0x9750];
	v9 =	vadd.f32 v10, v9;
	v47 =	vadd.f32 v13, v12  }
0xc3: {  	v51 =	vld [tilespmem:$0x9770];
	v1 =	vadd.f32 v1, v3;
	v2 =	vadd.f32 v2, v4  }
0xc4: {  	v52 =	vld [tilespmem:$0x9780];
	v49 =	vadd.f32 v11, v9;
	v50 =	vadd.f32 v14, v47  }
0xc5: {  	v53 =	vld [tilespmem:$0x9790];
	v5 =	vadd.f32 v19, v5;
	v6 =	vadd.f32 v20, v6  }
0xc6: {  	v54 =	vld [tilespmem:$0x97A0];
	v7 =	vadd.f32 v21, v7;
	v8 =	vadd.f32 v22, v8  }
0xc7: {  	v55 =	vld [tilespmem:$0x97B0];
	v1 =	vadd.f32 v23, v1;
	v2 =	vadd.f32 v24, v2  }
0xc8: {  	v56 =	vld [tilespmem:$0x97C0];
	v4 =	vadd.f32 v25, v49;
	v5 =	vadd.f32 v27, v5  }
0xc9: {  	v3 =	vld [tilespmem:$0x9760];
	v9 =	vadd.f32 v26, v50;
	v6 =	vadd.f32 v28, v6  }
0xca: {  	v57 =	vld [tilespmem:$0x97D0];
	v7 =	vadd.f32 v29, v7;
	v5 =	vadd.f32 v52, v5  }
0xcb: {  	v58 =	vld [tilespmem:$0x97E0];
	v8 =	vadd.f32 v45, v8;
	v6 =	vadd.f32 v53, v6  }
0xcc: {  	v59 =	vld [tilespmem:$0x97F0];
	s28 =	sshll.u32 s26, $0x9;
	v1 =	vadd.f32 v46, v1;
	v7 =	vadd.f32 v54, v7;
	v5 =	vmul.f32 $4.999999890e-03, v5  }
0xcd: {  	s28 =	sand.u32 $0x3FFFFE00, s28;
	v2 =	vadd.f32 v48, v2;
	v8 =	vadd.f32 v55, v8;
	v6 =	vmul.f32 $4.999999890e-03, v6  }
0xce: {  	v3 =	vadd.f32 v3, v4;
	v1 =	vadd.f32 v56, v1;
	v60 =	vmul.f32 $4.999999890e-03, v7;
	[tilespmem:s28+$0x13400] =	vst v5  }
0xcf: {  	v61 =	vadd.f32 v51, v9;
	v2 =	vadd.f32 v57, v2;
	v62 =	vmul.f32 $4.999999890e-03, v8;
	[tilespmem:s28+$0x13410] =	vst v6  }
0xd0: {  	v3 =	vadd.f32 v58, v3;
	v1 =	vmul.f32 $4.999999890e-03, v1;
	[tilespmem:s28+$0x13420] =	vst v60  }
0xd1: {  	v63 =	vadd.f32 v59, v61;
	v2 =	vmul.f32 $4.999999890e-03, v2;
	[tilespmem:s28+$0x13430] =	vst v62  }
0xd2: {  	[tilespmem:s28+$0x13440] =	vst v1;
	v1 =	vmul.f32 $4.999999890e-03, v3  }
0xd3: {  	[tilespmem:s28+$0x13450] =	vst v2;
	v2 =	vmul.f32 $4.999999890e-03, v63  }
0xd4: {  	[tilespmem:s28+$0x13460] =	vst v1  }
0xd5: {  	s30 =	simm.s32 $0x0;
	s29 =	simm.s32 $0x200;
	[tilespmem:s28+$0x13470] =	vst v2  }
.LBB2_13:
0xd6: {  	p0 =	sne.s32 s29, $0xCE00;
	[tilespmem:s30+$0x6470] =	vst v0  }
0xd7: {  	[tilespmem:s30+$0x6400] =	vst v0  }
0xd8: {  	[tilespmem:s30+$0x6410] =	vst v0  }
.Ltmp7:
0xd9: {  	[tilespmem:s30+$0x6420] =	vst v0;
	(pc) =	sbr.rel @p0 .LBB2_13-.Ltmp7, $4  }
0xda: {  	[tilespmem:s30+$0x6430] =	vst v0  }
0xdb: {  	[tilespmem:s30+$0x6440] =	vst v0  }
0xdc: {  	[tilespmem:s30+$0x6450] =	vst v0  }
0xdd: {  	[tilespmem:s30+$0x6460] =	vst v0;
	s30 =	sshra.s32 s29, $0x2;
	s29 =	sadd.s32 $0x200, s29  }
0xde: {  	[tilespmem:s30+$0x6470] =	vst v0  }
0xdf: {  	[tilespmem:s30+$0x6400] =	vst v0  }
0xe0: {  	[tilespmem:s30+$0x6410] =	vst v0  }
0xe1: {  	[tilespmem:s30+$0x6420] =	vst v0;
	p0 =	seq.s32 s26, $0x1F  }
0xe2: {  	[tilespmem:s30+$0x6430] =	vst v0;
	s29 =	smul.u32 @!p0 $0xC80, s26  }
0xe3: {  	[tilespmem:s30+$0x6440] =	vst v0  }
0xe4: {  	[tilespmem:s30+$0x6450] =	vst v0;
	s29 =	sshra.s32 @!p0 s29, $0x2  }
0xe5: {  	[tilespmem:s30+$0x6460] =	vst v0;
	s31 =	simm.s32 @!p0 $0x68;
	s2 =	simm.s32 @!p0 $0x6400;
	s30 =	sadd.s32 @!p0 $0x320, s29  }
0xe6: {  	[tilespmem:s2], [sflag:$0x1] =	stream.indirect.gather.add.f32 @!p0 [hbm:s1], $0x80, s30, s31, $0xb8;
	[tilespmem:$0x17400] =	vst v63  }
0xe7: {  	s30 =	sadd.s32 @!p0 $0x388, s29;
	s31 =	simm.s32 @!p0 $0x60  }
0xe8: {  	[tilespmem:s2], [sflag:$0x1] =	stream.indirect.gather.add.f32 @!p0 [hbm:s1], $0x80, s30, s31, $0xb8;
	[tilespmem:$0x17400] =	vst v63  }
0xe9: {  	_ =	swait.ge [sflag:s21], $0x3400  }
0xea: {  	[sflag:s21] =	ssyncset.done $0x0  }
0xeb: {  	[sflag:s21] =	ssyncadd.s32 $0xFFFFCC00  }
0xec: {  	_ =	swait.ge [sflag:s21], $0x3000  }
0xed: {  	[sflag:s21] =	ssyncset.done $0x0  }
0xee: {  	[sflag:s21] =	ssyncadd.s32 $0xFFFFD000  }
0xef: {  	v5 =	vld [tilespmem:$0x9800]  }
0xf0: {  	v6 =	vld [tilespmem:$0x9810]  }
0xf1: {  	v7 =	vld [tilespmem:$0x9820]  }
0xf2: {  	v8 =	vld [tilespmem:$0x9830]  }
0xf3: {  	v11 =	vld [tilespmem:$0x9840]  }
0xf4: {  	v13 =	vld [tilespmem:$0x9850]  }
0xf5: {  	v14 =	vld [tilespmem:$0x9860]  }
0xf6: {  	s2 =	simm.s32 $0x9A70;
	v16 =	vld [tilespmem:$0x9870]  }
0xf7: {  	v10 =	vld [tilespmem:s2+$0xFFFFFF90]  }
0xf8: {  	v15 =	vld [tilespmem:s2+$0xFFFFFFA0]  }
0xf9: {  	v17 =	vld [tilespmem:s2+$0xFFFFFFB0]  }
0xfa: {  	v18 =	vld [tilespmem:s2+$0xFFFFFFC0]  }
0xfb: {  	v1 =	vld [tilespmem:s2+$0xFFFFFFD0]  }
0xfc: {  	v2 =	vld [tilespmem:s2+$0xFFFFFFE0]  }
0xfd: {  	v9 =	vld [tilespmem:s2+$0xFFFFFF10]  }
0xfe: {  	v12 =	vld [tilespmem:s2+$0xFFFFFF20]  }
0xff: {  	v19 =	vld [tilespmem:s2+$0xFFFFFF30]  }
0x100: {  	v20 =	vld [tilespmem:s2+$0xFFFFFF40]  }
0x101: {  	v3 =	vld [tilespmem:s2+$0xFFFFFF50]  }
0x102: {  	v4 =	vld [tilespmem:s2+$0xFFFFFF60]  }
0x103: {  	v21 =	vld [tilespmem:s2+$0xFFFFFE90]  }
0x104: {  	v23 =	vld [tilespmem:s2+$0xFFFFFE10]  }
0x105: {  	v24 =	vld [tilespmem:s2+$0xFFFFFE20]  }
0x106: {  	v25 =	vld [tilespmem:s2+$0xFFFFFE30]  }
0x107: {  	v26 =	vld [tilespmem:s2+$0xFFFFFE40]  }
0x108: {  	v27 =	vld [tilespmem:s2+$0xFFFFFEB0]  }
0x109: {  	v63 =	vld [tilespmem:s2+$0xFFFFFE80]  }
0x10a: {  	v28 =	vld [tilespmem:s2+$0xFFFFFEC0]  }
0x10b: {  	v22 =	vld [tilespmem:s2+$0xFFFFFEA0]  }
0x10c: {  	v29 =	vld [tilespmem:s2+$0xFFFFFED0];
	v5 =	vadd.f32 v23, v5;
	v6 =	vadd.f32 v24, v6  }
0x10d: {  	v59 =	vld [tilespmem:s2+$0xFFFFFEE0];
	v7 =	vadd.f32 v25, v7;
	v8 =	vadd.f32 v26, v8  }
0x10e: {  	v60 =	vld [tilespmem:s2+$0xFFFFFE50];
	v16 =	vadd.f32 v63, v16;
	v5 =	vadd.f32 v21, v5  }
0x10f: {  	v61 =	vld [tilespmem:s2+$0xFFFFFE60];
	v7 =	vadd.f32 v27, v7;
	v8 =	vadd.f32 v28, v8  }
0x110: {  	v62 =	vld [tilespmem:s2+$0xFFFFFE70];
	v6 =	vadd.f32 v22, v6;
	v5 =	vadd.f32 v9, v5  }
0x111: {  	v9 =	vld [tilespmem:s2+$0xFFFFFEF0];
	v7 =	vadd.f32 v19, v7;
	v8 =	vadd.f32 v20, v8  }
0x112: {  	v6 =	vadd.f32 v12, v6;
	v12 =	vld [tilespmem:s2+$0xFFFFFF00];
	v5 =	vadd.f32 v10, v5  }
0x113: {  	v10 =	vld [tilespmem:s2+$0xFFFFFF70];
	v7 =	vadd.f32 v17, v7;
	v8 =	vadd.f32 v18, v8  }
0x114: {  	v17 =	vadd.f32 v60, v11;
	v18 =	vadd.f32 v61, v13;
	v13 =	vld [tilespmem:s2+$0xFFFFFF80]  }
0x115: {  	v6 =	vadd.f32 v15, v6;
	v15 =	vadd.f32 v62, v14;
	v11 =	vld [tilespmem:s2+$0xFFFFFFF0]  }
0x116: {  	s30 =	simm.s32 $0x1;
	s31 =	simm.s32 $0x9C70;
	v14 =	vld [tilespmem:s2+$0x0];
	v17 =	vadd.f32 v29, v17;
	v18 =	vadd.f32 v59, v18  }
.LBB2_15:
0x117: {  	v19 =	vld [tilespmem:s31+$0xFFFFFF90];
	v9 =	vadd.f32 v9, v15;
	v12 =	vadd.f32 v12, v16  }
0x118: {  	v15 =	vld [tilespmem:s31+$0xFFFFFFA0];
	v3 =	vadd.f32 v3, v17;
	v4 =	vadd.f32 v4, v18  }
0x119: {  	v16 =	vld [tilespmem:s31+$0xFFFFFFB0];
	v9 =	vadd.f32 v10, v9;
	v10 =	vadd.f32 v13, v12  }
0x11a: {  	v13 =	vld [tilespmem:s31+$0xFFFFFFC0];
	v17 =	vadd.f32 v1, v3;
	v18 =	vadd.f32 v2, v4  }
0x11b: {  	v1 =	vld [tilespmem:s31+$0xFFFFFFD0];
	v11 =	vadd.f32 v11, v9;
	v14 =	vadd.f32 v14, v10  }
0x11c: {  	v2 =	vld [tilespmem:s31+$0xFFFFFFE0]  }
0x11d: {  	v9 =	vld [tilespmem:s31+$0xFFFFFF10]  }
0x11e: {  	v10 =	vld [tilespmem:s31+$0xFFFFFF20]  }
0x11f: {  	v12 =	vld [tilespmem:s31+$0xFFFFFF30]  }
0x120: {  	v20 =	vld [tilespmem:s31+$0xFFFFFF40]  }
0x121: {  	v3 =	vld [tilespmem:s31+$0xFFFFFF50]  }
0x122: {  	v4 =	vld [tilespmem:s31+$0xFFFFFF60]  }
0x123: {  	v21 =	vld [tilespmem:s31+$0xFFFFFE90]  }
0x124: {  	v22 =	vld [tilespmem:s31+$0xFFFFFEA0]  }
0x125: {  	v23 =	vld [tilespmem:s31+$0xFFFFFE10]  }
0x126: {  	v24 =	vld [tilespmem:s31+$0xFFFFFE20]  }
0x127: {  	v25 =	vld [tilespmem:s31+$0xFFFFFE30]  }
0x128: {  	v26 =	vld [tilespmem:s31+$0xFFFFFE40]  }
0x129: {  	v27 =	vld [tilespmem:s31+$0xFFFFFEB0]  }
0x12a: {  	v28 =	vld [tilespmem:s31+$0xFFFFFEC0]  }
0x12b: {  	v29 =	vld [tilespmem:s31+$0xFFFFFED0]  }
0x12c: {  	v5 =	vadd.f32 v23, v5;
	v6 =	vadd.f32 v24, v6;
	v23 =	vld [tilespmem:s31+$0xFFFFFEE0]  }
0x12d: {  	v7 =	vadd.f32 v25, v7;
	v8 =	vadd.f32 v26, v8;
	v24 =	vld [tilespmem:s31+$0xFFFFFE50]  }
0x12e: {  	v5 =	vadd.f32 v21, v5;
	v6 =	vadd.f32 v22, v6;
	v25 =	vld [tilespmem:s31+$0xFFFFFE60]  }
0x12f: {  	v7 =	vadd.f32 v27, v7;
	v21 =	vld [tilespmem:s31+$0xFFFFFE70];
	v8 =	vadd.f32 v28, v8  }
0x130: {  	s30 =	sadd.s32 $0x4, s30;
	v5 =	vadd.f32 v9, v5;
	v6 =	vadd.f32 v10, v6;
	v22 =	vld [tilespmem:s31+$0xFFFFFE80]  }
0x131: {  	p1 =	slt.u32 s30, $0x61;
	v7 =	vadd.f32 v12, v7;
	v9 =	vld [tilespmem:s31+$0xFFFFFEF0];
	v8 =	vadd.f32 v20, v8  }
.Ltmp8:
0x132: {  	v5 =	vadd.f32 v19, v5;
	v6 =	vadd.f32 v15, v6;
	v12 =	vld [tilespmem:s31+$0xFFFFFF00];
	(pc) =	sbr.rel @p1 .LBB2_15-.Ltmp8, $4  }
0x133: {  	v7 =	vadd.f32 v16, v7;
	v10 =	vld [tilespmem:s31+$0xFFFFFF70];
	v8 =	vadd.f32 v13, v8  }
0x134: {  	v17 =	vadd.f32 v24, v17;
	v18 =	vadd.f32 v25, v18;
	v13 =	vld [tilespmem:s31+$0xFFFFFF80]  }
0x135: {  	v15 =	vadd.f32 v21, v11;
	v16 =	vadd.f32 v22, v14;
	v11 =	vld [tilespmem:s31+$0xFFFFFFF0]  }
0x136: {  	v17 =	vadd.f32 v29, v17;
	v18 =	vadd.f32 v23, v18;
	v14 =	vld [tilespmem:s31+$0x0];
	s31 =	sadd.s32 $0x200, s31  }
0x137: {  	v19 =	vld [tilespmem:$0xCA80]  }
0x138: {  	v20 =	vld [tilespmem:$0xCA90]  }
0x139: {  	v21 =	vld [tilespmem:$0xCAA0]  }
0x13a: {  	v22 =	vld [tilespmem:$0xCAB0]  }
0x13b: {  	v23 =	vld [tilespmem:$0xCAC0]  }
0x13c: {  	v24 =	vld [tilespmem:$0xCAD0]  }
0x13d: {  	v25 =	vld [tilespmem:$0xCAE0]  }
0x13e: {  	v26 =	vld [tilespmem:$0xCAF0]  }
0x13f: {  	v27 =	vld [tilespmem:$0xCB00]  }
0x140: {  	v28 =	vld [tilespmem:$0xCB10]  }
0x141: {  	v29 =	vld [tilespmem:$0xCB20]  }
0x142: {  	v9 =	vadd.f32 v9, v15;
	v12 =	vadd.f32 v12, v16;
	v45 =	vld [tilespmem:$0xCB30]  }
0x143: {  	v46 =	vld [tilespmem:$0xCB40];
	v3 =	vadd.f32 v3, v17;
	v4 =	vadd.f32 v4, v18  }
0x144: {  	v48 =	vld [tilespmem:$0xCB50];
	v9 =	vadd.f32 v10, v9;
	v47 =	vadd.f32 v13, v12  }
0x145: {  	v51 =	vld [tilespmem:$0xCB70];
	v1 =	vadd.f32 v1, v3;
	v2 =	vadd.f32 v2, v4  }
0x146: {  	v52 =	vld [tilespmem:$0xCB80];
	v49 =	vadd.f32 v11, v9;
	v50 =	vadd.f32 v14, v47  }
0x147: {  	v53 =	vld [tilespmem:$0xCB90];
	v5 =	vadd.f32 v19, v5;
	v6 =	vadd.f32 v20, v6  }
0x148: {  	v54 =	vld [tilespmem:$0xCBA0];
	v7 =	vadd.f32 v21, v7;
	v8 =	vadd.f32 v22, v8  }
0x149: {  	v55 =	vld [tilespmem:$0xCBB0];
	v1 =	vadd.f32 v23, v1;
	v2 =	vadd.f32 v24, v2  }
0x14a: {  	v56 =	vld [tilespmem:$0xCBC0];
	v4 =	vadd.f32 v25, v49;
	v5 =	vadd.f32 v27, v5  }
0x14b: {  	v3 =	vld [tilespmem:$0xCB60];
	v9 =	vadd.f32 v26, v50;
	v6 =	vadd.f32 v28, v6  }
0x14c: {  	v57 =	vld [tilespmem:$0xCBD0];
	v7 =	vadd.f32 v29, v7;
	v5 =	vadd.f32 v52, v5  }
0x14d: {  	v58 =	vld [tilespmem:$0xCBE0];
	v8 =	vadd.f32 v45, v8;
	v6 =	vadd.f32 v53, v6  }
0x14e: {  	v59 =	vld [tilespmem:$0xCBF0];
	v1 =	vadd.f32 v46, v1;
	v7 =	vadd.f32 v54, v7;
	v5 =	vmul.f32 $4.999999890e-03, v5  }
0x14f: {  	v2 =	vadd.f32 v48, v2;
	v8 =	vadd.f32 v55, v8;
	v6 =	vmul.f32 $4.999999890e-03, v6  }
0x150: {  	v3 =	vadd.f32 v3, v4;
	v1 =	vadd.f32 v56, v1;
	v60 =	vmul.f32 $4.999999890e-03, v7;
	[tilespmem:s28+$0x13480] =	vst v5  }
0x151: {  	v61 =	vadd.f32 v51, v9;
	v2 =	vadd.f32 v57, v2;
	v62 =	vmul.f32 $4.999999890e-03, v8;
	[tilespmem:s28+$0x13490] =	vst v6  }
0x152: {  	v3 =	vadd.f32 v58, v3;
	v1 =	vmul.f32 $4.999999890e-03, v1;
	[tilespmem:s28+$0x134A0] =	vst v60  }
0x153: {  	v63 =	vadd.f32 v59, v61;
	v2 =	vmul.f32 $4.999999890e-03, v2;
	[tilespmem:s28+$0x134B0] =	vst v62  }
0x154: {  	[tilespmem:s28+$0x134C0] =	vst v1;
	v1 =	vmul.f32 $4.999999890e-03, v3  }
0x155: {  	[tilespmem:s28+$0x134D0] =	vst v2;
	v2 =	vmul.f32 $4.999999890e-03, v63  }
0x156: {  	[tilespmem:s28+$0x134E0] =	vst v1  }
0x157: {  	s30 =	simm.s32 $0x0;
	s31 =	simm.s32 $0x200;
	[tilespmem:s28+$0x134F0] =	vst v2  }
.LBB2_17:
0x158: {  	p1 =	sne.s32 s31, $0xCE00;
	[tilespmem:s30+$0x9870] =	vst v0  }
0x159: {  	[tilespmem:s30+$0x9800] =	vst v0  }
0x15a: {  	[tilespmem:s30+$0x9810] =	vst v0  }
.Ltmp9:
0x15b: {  	[tilespmem:s30+$0x9820] =	vst v0;
	(pc) =	sbr.rel @p1 .LBB2_17-.Ltmp9, $4  }
0x15c: {  	[tilespmem:s30+$0x9830] =	vst v0  }
0x15d: {  	[tilespmem:s30+$0x9840] =	vst v0  }
0x15e: {  	[tilespmem:s30+$0x9850] =	vst v0  }
0x15f: {  	[tilespmem:s30+$0x9860] =	vst v0;
	s30 =	sshra.s32 s31, $0x2;
	s31 =	sadd.s32 $0x200, s31  }
0x160: {  	[tilespmem:s30+$0x9870] =	vst v0  }
0x161: {  	[tilespmem:s30+$0x9800] =	vst v0  }
0x162: {  	[tilespmem:s30+$0x9810] =	vst v0  }
0x163: {  	[tilespmem:s30+$0x9820] =	vst v0  }
0x164: {  	[tilespmem:s30+$0x9830] =	vst v0  }
0x165: {  	[tilespmem:s30+$0x9840] =	vst v0  }
0x166: {  	[tilespmem:s30+$0x9850] =	vst v0  }
0x167: {  	[tilespmem:s30+$0x9860] =	vst v0;
	s2 =	sadd.s32 @!p0 $0x3E8, s29;
	s30 =	simm.s32 @!p0 $0x68;
	s31 =	simm.s32 @!p0 $0x9800  }
0x168: {  	[tilespmem:s31], [sflag:$0x2] =	stream.indirect.gather.add.f32 @!p0 [hbm:s1], $0x80, s2, s30, $0xb8;
	[tilespmem:$0x17400] =	vst v63  }
0x169: {  	s2 =	sadd.s32 @!p0 $0x450, s29;
	s30 =	simm.s32 @!p0 $0x60  }
0x16a: {  	[tilespmem:s31], [sflag:$0x2] =	stream.indirect.gather.add.f32 @!p0 [hbm:s1], $0x80, s2, s30, $0xb8;
	[tilespmem:$0x17400] =	vst v63  }
0x16b: {  	_ =	swait.ge [sflag:s22], $0x3400  }
0x16c: {  	[sflag:s22] =	ssyncset.done $0x0  }
0x16d: {  	[sflag:s22] =	ssyncadd.s32 $0xFFFFCC00  }
0x16e: {  	_ =	swait.ge [sflag:s22], $0x3000  }
0x16f: {  	[sflag:s22] =	ssyncset.done $0x0  }
0x170: {  	[sflag:s22] =	ssyncadd.s32 $0xFFFFD000  }
0x171: {  	v5 =	vld [tilespmem:$0xCC00]  }
0x172: {  	v6 =	vld [tilespmem:$0xCC10]  }
0x173: {  	v7 =	vld [tilespmem:$0xCC20]  }
0x174: {  	v8 =	vld [tilespmem:$0xCC30]  }
0x175: {  	v11 =	vld [tilespmem:$0xCC40]  }
0x176: {  	v13 =	vld [tilespmem:$0xCC50]  }
0x177: {  	v14 =	vld [tilespmem:$0xCC60]  }
0x178: {  	s2 =	simm.s32 $0xCC80;
	v16 =	vld [tilespmem:$0xCC70]  }
0x179: {  	v10 =	vld [tilespmem:s2+$0x180]  }
0x17a: {  	v15 =	vld [tilespmem:s2+$0x190]  }
0x17b: {  	v17 =	vld [tilespmem:s2+$0x1A0]  }
0x17c: {  	v18 =	vld [tilespmem:s2+$0x1B0]  }
0x17d: {  	v1 =	vld [tilespmem:s2+$0x1C0]  }
0x17e: {  	v2 =	vld [tilespmem:s2+$0x1D0]  }
0x17f: {  	v9 =	vld [tilespmem:s2+$0x100]  }
0x180: {  	v12 =	vld [tilespmem:s2+$0x110]  }
0x181: {  	v19 =	vld [tilespmem:s2+$0x120]  }
0x182: {  	v20 =	vld [tilespmem:s2+$0x130]  }
0x183: {  	v3 =	vld [tilespmem:s2+$0x140]  }
0x184: {  	v4 =	vld [tilespmem:s2+$0x150]  }
0x185: {  	v21 =	vld [tilespmem:s2+$0x80]  }
0x186: {  	v23 =	vld [tilespmem:s2+$0x0]  }
0x187: {  	v24 =	vld [tilespmem:s2+$0x10]  }
0x188: {  	v25 =	vld [tilespmem:s2+$0x20]  }
0x189: {  	v26 =	vld [tilespmem:s2+$0x30]  }
0x18a: {  	v27 =	vld [tilespmem:s2+$0xA0]  }
0x18b: {  	v63 =	vld [tilespmem:s2+$0x70]  }
0x18c: {  	v28 =	vld [tilespmem:s2+$0xB0]  }
0x18d: {  	v22 =	vld [tilespmem:s2+$0x90]  }
0x18e: {  	v29 =	vld [tilespmem:s2+$0xC0];
	v5 =	vadd.f32 v23, v5;
	v6 =	vadd.f32 v24, v6  }
0x18f: {  	v59 =	vld [tilespmem:s2+$0xD0];
	v7 =	vadd.f32 v25, v7;
	v8 =	vadd.f32 v26, v8  }
0x190: {  	v60 =	vld [tilespmem:s2+$0x40];
	v16 =	vadd.f32 v63, v16;
	v5 =	vadd.f32 v21, v5  }
0x191: {  	v61 =	vld [tilespmem:s2+$0x50];
	v7 =	vadd.f32 v27, v7;
	v8 =	vadd.f32 v28, v8  }
0x192: {  	v62 =	vld [tilespmem:s2+$0x60];
	v6 =	vadd.f32 v22, v6;
	v5 =	vadd.f32 v9, v5  }
0x193: {  	v9 =	vld [tilespmem:s2+$0xE0];
	v7 =	vadd.f32 v19, v7;
	v8 =	vadd.f32 v20, v8  }
0x194: {  	v6 =	vadd.f32 v12, v6;
	v12 =	vld [tilespmem:s2+$0xF0];
	v5 =	vadd.f32 v10, v5  }
0x195: {  	v10 =	vld [tilespmem:s2+$0x160];
	v7 =	vadd.f32 v17, v7;
	v8 =	vadd.f32 v18, v8  }
0x196: {  	v17 =	vadd.f32 v60, v11;
	v18 =	vadd.f32 v61, v13;
	v13 =	vld [tilespmem:s2+$0x170]  }
0x197: {  	v6 =	vadd.f32 v15, v6;
	v15 =	vadd.f32 v62, v14;
	v11 =	vld [tilespmem:s2+$0x1E0]  }
0x198: {  	s30 =	simm.s32 $0x1;
	s31 =	simm.s32 $0xCE80;
	v14 =	vld [tilespmem:s2+$0x1F0];
	v17 =	vadd.f32 v29, v17;
	v18 =	vadd.f32 v59, v18  }
.LBB2_19:
0x199: {  	v19 =	vld [tilespmem:s31+$0x180];
	v9 =	vadd.f32 v9, v15;
	v12 =	vadd.f32 v12, v16  }
0x19a: {  	v15 =	vld [tilespmem:s31+$0x190];
	v3 =	vadd.f32 v3, v17;
	v4 =	vadd.f32 v4, v18  }
0x19b: {  	v16 =	vld [tilespmem:s31+$0x1A0];
	v9 =	vadd.f32 v10, v9;
	v10 =	vadd.f32 v13, v12  }
0x19c: {  	v13 =	vld [tilespmem:s31+$0x1B0];
	v17 =	vadd.f32 v1, v3;
	v18 =	vadd.f32 v2, v4  }
0x19d: {  	v1 =	vld [tilespmem:s31+$0x1C0];
	v11 =	vadd.f32 v11, v9;
	v14 =	vadd.f32 v14, v10  }
0x19e: {  	v2 =	vld [tilespmem:s31+$0x1D0]  }
0x19f: {  	v9 =	vld [tilespmem:s31+$0x100]  }
0x1a0: {  	v10 =	vld [tilespmem:s31+$0x110]  }
0x1a1: {  	v12 =	vld [tilespmem:s31+$0x120]  }
0x1a2: {  	v20 =	vld [tilespmem:s31+$0x130]  }
0x1a3: {  	v3 =	vld [tilespmem:s31+$0x140]  }
0x1a4: {  	v4 =	vld [tilespmem:s31+$0x150]  }
0x1a5: {  	v21 =	vld [tilespmem:s31+$0x80]  }
0x1a6: {  	v22 =	vld [tilespmem:s31+$0x90]  }
0x1a7: {  	v23 =	vld [tilespmem:s31+$0x0]  }
0x1a8: {  	v24 =	vld [tilespmem:s31+$0x10]  }
0x1a9: {  	v25 =	vld [tilespmem:s31+$0x20]  }
0x1aa: {  	v26 =	vld [tilespmem:s31+$0x30]  }
0x1ab: {  	v27 =	vld [tilespmem:s31+$0xA0]  }
0x1ac: {  	v28 =	vld [tilespmem:s31+$0xB0]  }
0x1ad: {  	v29 =	vld [tilespmem:s31+$0xC0]  }
0x1ae: {  	v5 =	vadd.f32 v23, v5;
	v6 =	vadd.f32 v24, v6;
	v23 =	vld [tilespmem:s31+$0xD0]  }
0x1af: {  	v7 =	vadd.f32 v25, v7;
	v8 =	vadd.f32 v26, v8;
	v24 =	vld [tilespmem:s31+$0x40]  }
0x1b0: {  	v5 =	vadd.f32 v21, v5;
	v6 =	vadd.f32 v22, v6;
	v25 =	vld [tilespmem:s31+$0x50]  }
0x1b1: {  	v7 =	vadd.f32 v27, v7;
	v21 =	vld [tilespmem:s31+$0x60];
	v8 =	vadd.f32 v28, v8  }
0x1b2: {  	s30 =	sadd.s32 $0x4, s30;
	v5 =	vadd.f32 v9, v5;
	v6 =	vadd.f32 v10, v6;
	v22 =	vld [tilespmem:s31+$0x70]  }
0x1b3: {  	p1 =	slt.u32 s30, $0x61;
	v7 =	vadd.f32 v12, v7;
	v9 =	vld [tilespmem:s31+$0xE0];
	v8 =	vadd.f32 v20, v8  }
.Ltmp10:
0x1b4: {  	v5 =	vadd.f32 v19, v5;
	v6 =	vadd.f32 v15, v6;
	v12 =	vld [tilespmem:s31+$0xF0];
	(pc) =	sbr.rel @p1 .LBB2_19-.Ltmp10, $4  }
0x1b5: {  	v7 =	vadd.f32 v16, v7;
	v10 =	vld [tilespmem:s31+$0x160];
	v8 =	vadd.f32 v13, v8  }
0x1b6: {  	v17 =	vadd.f32 v24, v17;
	v18 =	vadd.f32 v25, v18;
	v13 =	vld [tilespmem:s31+$0x170]  }
0x1b7: {  	v15 =	vadd.f32 v21, v11;
	v16 =	vadd.f32 v22, v14;
	v11 =	vld [tilespmem:s31+$0x1E0]  }
0x1b8: {  	v17 =	vadd.f32 v29, v17;
	v18 =	vadd.f32 v23, v18;
	v14 =	vld [tilespmem:s31+$0x1F0];
	s31 =	sadd.s32 $0x200, s31  }
0x1b9: {  	v19 =	vld [tilespmem:$0xFE80]  }
0x1ba: {  	v20 =	vld [tilespmem:$0xFE90]  }
0x1bb: {  	v21 =	vld [tilespmem:$0xFEA0]  }
0x1bc: {  	v22 =	vld [tilespmem:$0xFEB0]  }
0x1bd: {  	v23 =	vld [tilespmem:$0xFEC0]  }
0x1be: {  	v24 =	vld [tilespmem:$0xFED0]  }
0x1bf: {  	v25 =	vld [tilespmem:$0xFEE0]  }
0x1c0: {  	v26 =	vld [tilespmem:$0xFEF0]  }
0x1c1: {  	v27 =	vld [tilespmem:$0xFF00]  }
0x1c2: {  	v28 =	vld [tilespmem:$0xFF10]  }
0x1c3: {  	v29 =	vld [tilespmem:$0xFF20]  }
0x1c4: {  	v9 =	vadd.f32 v9, v15;
	v12 =	vadd.f32 v12, v16;
	v45 =	vld [tilespmem:$0xFF30]  }
0x1c5: {  	v46 =	vld [tilespmem:$0xFF40];
	v3 =	vadd.f32 v3, v17;
	v4 =	vadd.f32 v4, v18  }
0x1c6: {  	v48 =	vld [tilespmem:$0xFF50];
	v9 =	vadd.f32 v10, v9;
	v47 =	vadd.f32 v13, v12  }
0x1c7: {  	v51 =	vld [tilespmem:$0xFF70];
	v1 =	vadd.f32 v1, v3;
	v2 =	vadd.f32 v2, v4  }
0x1c8: {  	v52 =	vld [tilespmem:$0xFF80];
	v49 =	vadd.f32 v11, v9;
	v50 =	vadd.f32 v14, v47  }
0x1c9: {  	v53 =	vld [tilespmem:$0xFF90];
	v5 =	vadd.f32 v19, v5;
	v6 =	vadd.f32 v20, v6  }
0x1ca: {  	v54 =	vld [tilespmem:$0xFFA0];
	v7 =	vadd.f32 v21, v7;
	v8 =	vadd.f32 v22, v8  }
0x1cb: {  	v55 =	vld [tilespmem:$0xFFB0];
	v1 =	vadd.f32 v23, v1;
	v2 =	vadd.f32 v24, v2  }
0x1cc: {  	v56 =	vld [tilespmem:$0xFFC0];
	v4 =	vadd.f32 v25, v49;
	v5 =	vadd.f32 v27, v5  }
0x1cd: {  	v3 =	vld [tilespmem:$0xFF60];
	v9 =	vadd.f32 v26, v50;
	v6 =	vadd.f32 v28, v6  }
0x1ce: {  	v57 =	vld [tilespmem:$0xFFD0];
	v7 =	vadd.f32 v29, v7;
	v5 =	vadd.f32 v52, v5  }
0x1cf: {  	v58 =	vld [tilespmem:$0xFFE0];
	v8 =	vadd.f32 v45, v8;
	v6 =	vadd.f32 v53, v6  }
0x1d0: {  	v59 =	vld [tilespmem:$0xFFF0];
	v1 =	vadd.f32 v46, v1;
	v7 =	vadd.f32 v54, v7;
	v5 =	vmul.f32 $4.999999890e-03, v5  }
0x1d1: {  	v2 =	vadd.f32 v48, v2;
	v8 =	vadd.f32 v55, v8;
	v6 =	vmul.f32 $4.999999890e-03, v6  }
0x1d2: {  	v3 =	vadd.f32 v3, v4;
	v1 =	vadd.f32 v56, v1;
	v60 =	vmul.f32 $4.999999890e-03, v7;
	[tilespmem:s28+$0x13500] =	vst v5  }
0x1d3: {  	v61 =	vadd.f32 v51, v9;
	v2 =	vadd.f32 v57, v2;
	v62 =	vmul.f32 $4.999999890e-03, v8;
	[tilespmem:s28+$0x13510] =	vst v6  }
0x1d4: {  	v3 =	vadd.f32 v58, v3;
	v1 =	vmul.f32 $4.999999890e-03, v1;
	[tilespmem:s28+$0x13520] =	vst v60  }
0x1d5: {  	v63 =	vadd.f32 v59, v61;
	v2 =	vmul.f32 $4.999999890e-03, v2;
	[tilespmem:s28+$0x13530] =	vst v62  }
0x1d6: {  	[tilespmem:s28+$0x13540] =	vst v1;
	v1 =	vmul.f32 $4.999999890e-03, v3  }
0x1d7: {  	[tilespmem:s28+$0x13550] =	vst v2;
	v2 =	vmul.f32 $4.999999890e-03, v63  }
0x1d8: {  	[tilespmem:s28+$0x13560] =	vst v1  }
0x1d9: {  	s30 =	simm.s32 $0x0;
	s31 =	simm.s32 $0x200;
	[tilespmem:s28+$0x13570] =	vst v2  }
.LBB2_21:
0x1da: {  	p1 =	sne.s32 s31, $0xCE00;
	[tilespmem:s30+$0xCC70] =	vst v0  }
0x1db: {  	[tilespmem:s30+$0xCC00] =	vst v0  }
0x1dc: {  	[tilespmem:s30+$0xCC10] =	vst v0  }
.Ltmp11:
0x1dd: {  	[tilespmem:s30+$0xCC20] =	vst v0;
	(pc) =	sbr.rel @p1 .LBB2_21-.Ltmp11, $4  }
0x1de: {  	[tilespmem:s30+$0xCC30] =	vst v0  }
0x1df: {  	[tilespmem:s30+$0xCC40] =	vst v0  }
0x1e0: {  	[tilespmem:s30+$0xCC50] =	vst v0  }
0x1e1: {  	[tilespmem:s30+$0xCC60] =	vst v0;
	s30 =	sshra.s32 s31, $0x2;
	s31 =	sadd.s32 $0x200, s31  }
0x1e2: {  	[tilespmem:s30+$0xCC70] =	vst v0  }
0x1e3: {  	[tilespmem:s30+$0xCC00] =	vst v0  }
0x1e4: {  	[tilespmem:s30+$0xCC10] =	vst v0  }
0x1e5: {  	[tilespmem:s30+$0xCC20] =	vst v0  }
0x1e6: {  	[tilespmem:s30+$0xCC30] =	vst v0  }
0x1e7: {  	[tilespmem:s30+$0xCC40] =	vst v0  }
0x1e8: {  	[tilespmem:s30+$0xCC50] =	vst v0  }
0x1e9: {  	[tilespmem:s30+$0xCC60] =	vst v0;
	s2 =	sadd.s32 @!p0 $0x4B0, s29;
	s30 =	simm.s32 @!p0 $0x68;
	s31 =	simm.s32 @!p0 $0xCC00  }
0x1ea: {  	[tilespmem:s31], [sflag:$0x3] =	stream.indirect.gather.add.f32 @!p0 [hbm:s1], $0x80, s2, s30, $0xb8;
	[tilespmem:$0x17400] =	vst v63  }
0x1eb: {  	s2 =	sadd.s32 @!p0 $0x518, s29;
	s29 =	simm.s32 @!p0 $0x60  }
0x1ec: {  	[tilespmem:s31], [sflag:$0x3] =	stream.indirect.gather.add.f32 @!p0 [hbm:s1], $0x80, s2, s29, $0xb8;
	[tilespmem:$0x17400] =	vst v63  }
0x1ed: {  	_ =	swait.ge [sflag:s23], $0x3400  }
0x1ee: {  	[sflag:s23] =	ssyncset.done $0x0  }
0x1ef: {  	[sflag:s23] =	ssyncadd.s32 $0xFFFFCC00  }
0x1f0: {  	_ =	swait.ge [sflag:s23], $0x3000  }
0x1f1: {  	[sflag:s23] =	ssyncset.done $0x0  }
0x1f2: {  	[sflag:s23] =	ssyncadd.s32 $0xFFFFD000  }
0x1f3: {  	v5 =	vld [tilespmem:$0x10000]  }
0x1f4: {  	v6 =	vld [tilespmem:$0x10010]  }
0x1f5: {  	v7 =	vld [tilespmem:$0x10020]  }
0x1f6: {  	v8 =	vld [tilespmem:$0x10030]  }
0x1f7: {  	v11 =	vld [tilespmem:$0x10040]  }
0x1f8: {  	v13 =	vld [tilespmem:$0x10050]  }
0x1f9: {  	v14 =	vld [tilespmem:$0x10060]  }
0x1fa: {  	s31 =	simm.s32 $0x10080;
	v16 =	vld [tilespmem:$0x10070]  }
0x1fb: {  	v10 =	vld [tilespmem:s31+$0x180]  }
0x1fc: {  	v15 =	vld [tilespmem:s31+$0x190]  }
0x1fd: {  	v17 =	vld [tilespmem:s31+$0x1A0]  }
0x1fe: {  	v18 =	vld [tilespmem:s31+$0x1B0]  }
0x1ff: {  	v1 =	vld [tilespmem:s31+$0x1C0]  }
0x200: {  	v2 =	vld [tilespmem:s31+$0x1D0]  }
0x201: {  	v9 =	vld [tilespmem:s31+$0x100]  }
0x202: {  	v12 =	vld [tilespmem:s31+$0x110]  }
0x203: {  	v19 =	vld [tilespmem:s31+$0x120]  }
0x204: {  	v20 =	vld [tilespmem:s31+$0x130]  }
0x205: {  	v3 =	vld [tilespmem:s31+$0x140]  }
0x206: {  	v4 =	vld [tilespmem:s31+$0x150]  }
0x207: {  	v21 =	vld [tilespmem:s31+$0x80]  }
0x208: {  	v23 =	vld [tilespmem:s31+$0x0]  }
0x209: {  	v24 =	vld [tilespmem:s31+$0x10]  }
0x20a: {  	v25 =	vld [tilespmem:s31+$0x20]  }
0x20b: {  	v26 =	vld [tilespmem:s31+$0x30]  }
0x20c: {  	v27 =	vld [tilespmem:s31+$0xA0]  }
0x20d: {  	v63 =	vld [tilespmem:s31+$0x70]  }
0x20e: {  	v28 =	vld [tilespmem:s31+$0xB0]  }
0x20f: {  	v22 =	vld [tilespmem:s31+$0x90]  }
0x210: {  	v29 =	vld [tilespmem:s31+$0xC0];
	v5 =	vadd.f32 v23, v5;
	v6 =	vadd.f32 v24, v6  }
0x211: {  	v59 =	vld [tilespmem:s31+$0xD0];
	v7 =	vadd.f32 v25, v7;
	v8 =	vadd.f32 v26, v8  }
0x212: {  	v60 =	vld [tilespmem:s31+$0x40];
	v16 =	vadd.f32 v63, v16;
	v5 =	vadd.f32 v21, v5  }
0x213: {  	v61 =	vld [tilespmem:s31+$0x50];
	v7 =	vadd.f32 v27, v7;
	v8 =	vadd.f32 v28, v8  }
0x214: {  	v62 =	vld [tilespmem:s31+$0x60];
	v6 =	vadd.f32 v22, v6;
	v5 =	vadd.f32 v9, v5  }
0x215: {  	v9 =	vld [tilespmem:s31+$0xE0];
	v7 =	vadd.f32 v19, v7;
	v8 =	vadd.f32 v20, v8  }
0x216: {  	v6 =	vadd.f32 v12, v6;
	v12 =	vld [tilespmem:s31+$0xF0];
	v5 =	vadd.f32 v10, v5  }
0x217: {  	v10 =	vld [tilespmem:s31+$0x160];
	v7 =	vadd.f32 v17, v7;
	v8 =	vadd.f32 v18, v8  }
0x218: {  	v17 =	vadd.f32 v60, v11;
	v18 =	vadd.f32 v61, v13;
	v13 =	vld [tilespmem:s31+$0x170]  }
0x219: {  	v6 =	vadd.f32 v15, v6;
	v15 =	vadd.f32 v62, v14;
	v11 =	vld [tilespmem:s31+$0x1E0]  }
0x21a: {  	s30 =	simm.s32 $0x10280;
	s29 =	simm.s32 $0x1;
	v14 =	vld [tilespmem:s31+$0x1F0];
	v17 =	vadd.f32 v29, v17;
	v18 =	vadd.f32 v59, v18  }
.LBB2_23:
0x21b: {  	v19 =	vld [tilespmem:s30+$0x180];
	v9 =	vadd.f32 v9, v15;
	v12 =	vadd.f32 v12, v16  }
0x21c: {  	v15 =	vld [tilespmem:s30+$0x190];
	v3 =	vadd.f32 v3, v17;
	v4 =	vadd.f32 v4, v18  }
0x21d: {  	v16 =	vld [tilespmem:s30+$0x1A0];
	v9 =	vadd.f32 v10, v9;
	v10 =	vadd.f32 v13, v12  }
0x21e: {  	v13 =	vld [tilespmem:s30+$0x1B0];
	v17 =	vadd.f32 v1, v3;
	v18 =	vadd.f32 v2, v4  }
0x21f: {  	v1 =	vld [tilespmem:s30+$0x1C0];
	v11 =	vadd.f32 v11, v9;
	v14 =	vadd.f32 v14, v10  }
0x220: {  	v2 =	vld [tilespmem:s30+$0x1D0]  }
0x221: {  	v9 =	vld [tilespmem:s30+$0x100]  }
0x222: {  	v10 =	vld [tilespmem:s30+$0x110]  }
0x223: {  	v12 =	vld [tilespmem:s30+$0x120]  }
0x224: {  	v20 =	vld [tilespmem:s30+$0x130]  }
0x225: {  	v3 =	vld [tilespmem:s30+$0x140]  }
0x226: {  	v4 =	vld [tilespmem:s30+$0x150]  }
0x227: {  	v21 =	vld [tilespmem:s30+$0x80]  }
0x228: {  	v22 =	vld [tilespmem:s30+$0x90]  }
0x229: {  	v23 =	vld [tilespmem:s30+$0x0]  }
0x22a: {  	v24 =	vld [tilespmem:s30+$0x10]  }
0x22b: {  	v25 =	vld [tilespmem:s30+$0x20]  }
0x22c: {  	v26 =	vld [tilespmem:s30+$0x30]  }
0x22d: {  	v27 =	vld [tilespmem:s30+$0xA0]  }
0x22e: {  	v28 =	vld [tilespmem:s30+$0xB0]  }
0x22f: {  	v29 =	vld [tilespmem:s30+$0xC0]  }
0x230: {  	v5 =	vadd.f32 v23, v5;
	v6 =	vadd.f32 v24, v6;
	v23 =	vld [tilespmem:s30+$0xD0]  }
0x231: {  	v7 =	vadd.f32 v25, v7;
	v8 =	vadd.f32 v26, v8;
	v24 =	vld [tilespmem:s30+$0x40]  }
0x232: {  	v5 =	vadd.f32 v21, v5;
	v6 =	vadd.f32 v22, v6;
	v25 =	vld [tilespmem:s30+$0x50]  }
0x233: {  	v7 =	vadd.f32 v27, v7;
	v21 =	vld [tilespmem:s30+$0x60];
	v8 =	vadd.f32 v28, v8  }
0x234: {  	s29 =	sadd.s32 $0x4, s29;
	v5 =	vadd.f32 v9, v5;
	v6 =	vadd.f32 v10, v6;
	v22 =	vld [tilespmem:s30+$0x70]  }
0x235: {  	p1 =	slt.u32 s29, $0x61;
	v7 =	vadd.f32 v12, v7;
	v9 =	vld [tilespmem:s30+$0xE0];
	v8 =	vadd.f32 v20, v8  }
.Ltmp12:
0x236: {  	v5 =	vadd.f32 v19, v5;
	v6 =	vadd.f32 v15, v6;
	v12 =	vld [tilespmem:s30+$0xF0];
	(pc) =	sbr.rel @p1 .LBB2_23-.Ltmp12, $4  }
0x237: {  	v7 =	vadd.f32 v16, v7;
	v10 =	vld [tilespmem:s30+$0x160];
	v8 =	vadd.f32 v13, v8  }
0x238: {  	v17 =	vadd.f32 v24, v17;
	v18 =	vadd.f32 v25, v18;
	v13 =	vld [tilespmem:s30+$0x170]  }
0x239: {  	v15 =	vadd.f32 v21, v11;
	v16 =	vadd.f32 v22, v14;
	v11 =	vld [tilespmem:s30+$0x1E0]  }
0x23a: {  	v17 =	vadd.f32 v29, v17;
	v18 =	vadd.f32 v23, v18;
	v14 =	vld [tilespmem:s30+$0x1F0];
	s30 =	sadd.s32 $0x200, s30  }
0x23b: {  	v19 =	vld [tilespmem:$0x13280]  }
0x23c: {  	v20 =	vld [tilespmem:$0x13290]  }
0x23d: {  	v21 =	vld [tilespmem:$0x132A0]  }
0x23e: {  	v22 =	vld [tilespmem:$0x132B0]  }
0x23f: {  	v23 =	vld [tilespmem:$0x132C0]  }
0x240: {  	v24 =	vld [tilespmem:$0x132D0]  }
0x241: {  	v25 =	vld [tilespmem:$0x132E0]  }
0x242: {  	v26 =	vld [tilespmem:$0x132F0]  }
0x243: {  	v27 =	vld [tilespmem:$0x13300]  }
0x244: {  	v28 =	vld [tilespmem:$0x13310]  }
0x245: {  	v29 =	vld [tilespmem:$0x13320]  }
0x246: {  	v9 =	vadd.f32 v9, v15;
	v12 =	vadd.f32 v12, v16;
	v45 =	vld [tilespmem:$0x13330]  }
0x247: {  	v46 =	vld [tilespmem:$0x13340];
	v3 =	vadd.f32 v3, v17;
	v4 =	vadd.f32 v4, v18  }
0x248: {  	v48 =	vld [tilespmem:$0x13350];
	v9 =	vadd.f32 v10, v9;
	v47 =	vadd.f32 v13, v12  }
0x249: {  	v51 =	vld [tilespmem:$0x13370];
	v1 =	vadd.f32 v1, v3;
	v2 =	vadd.f32 v2, v4  }
0x24a: {  	v52 =	vld [tilespmem:$0x13380];
	v49 =	vadd.f32 v11, v9;
	v50 =	vadd.f32 v14, v47  }
0x24b: {  	v53 =	vld [tilespmem:$0x13390];
	v5 =	vadd.f32 v19, v5;
	v6 =	vadd.f32 v20, v6  }
0x24c: {  	v54 =	vld [tilespmem:$0x133A0];
	v7 =	vadd.f32 v21, v7;
	v8 =	vadd.f32 v22, v8  }
0x24d: {  	v55 =	vld [tilespmem:$0x133B0];
	v1 =	vadd.f32 v23, v1;
	v2 =	vadd.f32 v24, v2  }
0x24e: {  	v56 =	vld [tilespmem:$0x133C0];
	v4 =	vadd.f32 v25, v49;
	v5 =	vadd.f32 v27, v5  }
0x24f: {  	v3 =	vld [tilespmem:$0x13360];
	v9 =	vadd.f32 v26, v50;
	v6 =	vadd.f32 v28, v6  }
0x250: {  	v57 =	vld [tilespmem:$0x133D0];
	v7 =	vadd.f32 v29, v7;
	v5 =	vadd.f32 v52, v5  }
0x251: {  	v58 =	vld [tilespmem:$0x133E0];
	v8 =	vadd.f32 v45, v8;
	v6 =	vadd.f32 v53, v6  }
0x252: {  	v59 =	vld [tilespmem:$0x133F0];
	v1 =	vadd.f32 v46, v1;
	v7 =	vadd.f32 v54, v7;
	v5 =	vmul.f32 $4.999999890e-03, v5  }
0x253: {  	v2 =	vadd.f32 v48, v2;
	v8 =	vadd.f32 v55, v8;
	v6 =	vmul.f32 $4.999999890e-03, v6  }
0x254: {  	v3 =	vadd.f32 v3, v4;
	v1 =	vadd.f32 v56, v1;
	v60 =	vmul.f32 $4.999999890e-03, v7;
	[tilespmem:s28+$0x13580] =	vst v5  }
0x255: {  	v61 =	vadd.f32 v51, v9;
	v2 =	vadd.f32 v57, v2;
	v62 =	vmul.f32 $4.999999890e-03, v8;
	[tilespmem:s28+$0x13590] =	vst v6  }
0x256: {  	v3 =	vadd.f32 v58, v3;
	v1 =	vmul.f32 $4.999999890e-03, v1;
	[tilespmem:s28+$0x135A0] =	vst v60  }
0x257: {  	v63 =	vadd.f32 v59, v61;
	v2 =	vmul.f32 $4.999999890e-03, v2;
	[tilespmem:s28+$0x135B0] =	vst v62  }
0x258: {  	[tilespmem:s28+$0x135C0] =	vst v1;
	v1 =	vmul.f32 $4.999999890e-03, v3  }
0x259: {  	[tilespmem:s28+$0x135D0] =	vst v2;
	v2 =	vmul.f32 $4.999999890e-03, v63  }
0x25a: {  	[tilespmem:s28+$0x135E0] =	vst v1  }
0x25b: {  	s29 =	simm.s32 $0x200;
	[tilespmem:s28+$0x135F0] =	vst v2;
	s28 =	simm.s32 $0x0  }
.LBB2_25:
0x25c: {  	p1 =	sne.s32 s29, $0xCE00;
	[tilespmem:s28+$0x10070] =	vst v0  }
0x25d: {  	[tilespmem:s28+$0x10000] =	vst v0  }
0x25e: {  	[tilespmem:s28+$0x10010] =	vst v0  }
.Ltmp13:
0x25f: {  	[tilespmem:s28+$0x10020] =	vst v0;
	(pc) =	sbr.rel @p1 .LBB2_25-.Ltmp13, $4  }
0x260: {  	[tilespmem:s28+$0x10030] =	vst v0  }
0x261: {  	[tilespmem:s28+$0x10040] =	vst v0  }
0x262: {  	[tilespmem:s28+$0x10050] =	vst v0  }
0x263: {  	[tilespmem:s28+$0x10060] =	vst v0;
	s28 =	sshra.s32 s29, $0x2;
	s29 =	sadd.s32 $0x200, s29  }
0x264: {  	[tilespmem:s28+$0x10070] =	vst v0  }
0x265: {  	[tilespmem:s28+$0x10000] =	vst v0  }
0x266: {  	[tilespmem:s28+$0x10010] =	vst v0  }
.Ltmp14:
0x267: {  	[tilespmem:s28+$0x10020] =	vst v0;
	(pc) =	sbr.rel @p0 .LBB2_28-.Ltmp14, $4  }
0x268: {  	[tilespmem:s28+$0x10030] =	vst v0  }
0x269: {  	[tilespmem:s28+$0x10040] =	vst v0  }
0x26a: {  	[tilespmem:s28+$0x10050] =	vst v0  }
0x26b: {  	[tilespmem:s28+$0x10060] =	vst v0  }
0x26c: {  	s2 =	smul.u32 $0xC80, s26;
	_ =	sdelay $0x1  }
.Ltmp15:
0x26d: {  	s2 =	sshra.s32 s2, $0x2;
	(pc) =	sbr.rel .LBB2_10-.Ltmp15, $4  }
0x26e: {  	s28 =	sadd.s32 $0x578, s2  }
0x26f: {  	[tilespmem:s18], [sflag:$0x4] =	stream.indirect.gather.add.f32 [hbm:s1], $0x80, s28, s8, $0xb8;
	[tilespmem:$0x17400] =	vst v63  }
0x270: {  	s26 =	sadd.s32 $0x1, s26;
	s2 =	sadd.s32 $0x5E0, s2  }
0x271: {  	[tilespmem:s18], [sflag:$0x4] =	stream.indirect.gather.add.f32 [hbm:s1], $0x80, s2, s10, $0xb8;
	[tilespmem:$0x17400] =	vst v63  }
.LBB2_29:
0x272: {  	_ =	sfence.sel $0x180000  }
0x273: {  	[bflag:$0x0] =	sbarrier.arrive $0xFFFF  }
0x274: {  	_ =	strace $0x90000047  }
0x275: {  	[bflag:$0x2] =	sbarrier.arrive $0xFFFF  }
0x276: {  	p0 =	sne.s32 s0, $0x0;
	s0 =	rddreg [dreg:$0x3]  }
0x277: {  	s0 =	sadd.s32 @!p0 $0x100000, s0  }
0x278: {  	[sflag:s0] =	ssyncadd.tile.s32 @!p0 $0x1;
	_ =	shalt  }
.Lfunc_end2:
_tile_overlayer_lowered:
.L_overlay_start_2:
0x279: {  	(tag) =	ssettag $0x2  }
0x27a: {  	s0 =	rddreg [dreg:$0x0];
	s2 =	stileid.u32  }
0x27b: {  	s1 =	rddreg [dreg:$0x1];
	p0 =	sne.s32 s2, $0x0  }
0x27c: {  	s3 =	rddreg [dreg:$0x2];
	[bflag:$0x3] =	sbarrier.arrive $0xFFFF;
	s2 =	simm.s32 @!p0 $0x1C05  }
0x27d: {  	[timem:s3], [sflag:s2] =	dma.local @!p0 [hbm:s0], s1  }
0x27e: {  	s0 =	simm.s32 @!p0 $0x5  }
0x27f: {  	_ =	swait.ge @!p0 [sflag:s0], s1  }
0x280: {  	s1 =	ssub.s32 @!p0 $0x0, s1;
	[sflag:s0] =	ssyncset.done @!p0 $0x0  }
0x281: {  	[sflag:s0] =	ssyncadd.s32 @!p0 s1  }
0x282: {  	[bflag:$0x3] =	sbarrier.arrive $0xFFFF  }
0x283: {  	_ =	shalt  }

</sc_bundles>
